<compile_context>
chip_gen: v7x
topology: tpu7x:2x2x1
jax: 0.10.2.dev20260603
libtpu: 0.0.44.dev20260713+nightly
codegen_flags: <defaults>
</compile_context>

<pallas_src>
import jax
import jax.numpy as jnp
from jax import lax
from jax.experimental import pallas as pl
from jax.experimental.pallas import tpu as pltpu
from jax.experimental.pallas import tpu_sc as plsc

BATCH = 4096
HIST = 200
LPAD = 208
NCH = LPAD // 16
EMBED = 64
TROW = 32
LANES = 16
NWORKERS = 32
ROWS_PER_W = BATCH // NWORKERS
NDC = EMBED // LANES

_BCAST_DNUMS = lax.GatherDimensionNumbers(
    offset_dims=(), collapsed_slice_dims=(0,), start_index_map=(0,))


def _bcast_lane(v, j):
    return lax.gather(v, jnp.full((LANES, 1), j, jnp.int32), _BCAST_DNUMS,
                      slice_sizes=(1,),
                      mode=lax.GatherScatterMode.PROMISE_IN_BOUNDS)


def _gelu(v):
    u = 0.7978845608028654 * (v + 0.044715 * v * v * v)
    e = jnp.exp(2.0 * u)
    t = 1.0 - 2.0 / (e + 1.0)
    return 0.5 * v * (1.0 + t)


def _sc_body(x_hbm, idx_hbm, tbl_hbm, out_hbm,
             x_v, idx_v, r0, r1, r2, r3, out_v, s0, s1, s2, s3):
    wid = lax.axis_index("s") * 2 + lax.axis_index("c")
    inbase = pl.multiple_of(wid * (ROWS_PER_W * LPAD), 128)
    obase = pl.multiple_of(wid * (ROWS_PER_W * EMBED), 128)
    pltpu.sync_copy(x_hbm.at[pl.ds(inbase, ROWS_PER_W * LPAD)], x_v)
    pltpu.sync_copy(idx_hbm.at[pl.ds(inbase, ROWS_PER_W * LPAD)], idx_v)

    def gather(row, dst, sem):
        start = pl.multiple_of(row * LPAD, 16)
        return pltpu.make_async_copy(tbl_hbm.at[idx_v.at[pl.ds(start, LPAD)]],
                                     dst, sem)

    slots = ((r0, s0), (r1, s1), (r2, s2), (r3, s3))
    for r in range(4):
        gather(r, *slots[r]).start()

    def accum_row(row, rows, accs):
        def chunk(k, accs):
            t0 = pl.multiple_of(row * LPAD + k * LANES, 16)
            w = x_v[pl.ds(t0, LANES)]
            iv = idx_v[pl.ds(t0, LANES)]
            w = jnp.where(iv != 0, w, 0.0)
            accs = list(accs)
            rbase = k * LANES
            for j in range(LANES):
                wb = _bcast_lane(w, j)
                r = rbase + j
                lo = plsc.bitcast(rows[r, pl.ds(0, 16)], jnp.bfloat16)
                hi = plsc.bitcast(rows[r, pl.ds(16, 16)], jnp.bfloat16)
                d0, d1 = plsc.unpack(lo, format=plsc.PackFormat.INTERLEAVED)
                d2, d3 = plsc.unpack(hi, format=plsc.PackFormat.INTERLEAVED)
                for dc, d in enumerate((d0, d1, d2, d3)):
                    accs[dc] = accs[dc] + wb * d
            return tuple(accs)
        return lax.fori_loop(0, NCH, chunk, tuple(accs))

    def finish_row(row, accs):
        for dc in range(NDC):
            o = pl.multiple_of(row * EMBED + dc * LANES, 16)
            out_v[pl.ds(o, LANES)] = _gelu(accs[dc])

    def zeros():
        return [jnp.zeros((LANES,), jnp.float32) for _ in range(NDC)]

    last = ROWS_PER_W - 1

    def body(i, carry):
        for k in range(4):
            row = 4 * i + k
            buf, sem = slots[k]
            gather(row, buf, sem).wait()
            accs = accum_row(row, buf, zeros())
            finish_row(row, accs)
            gather(jnp.minimum(row + 4, last), buf, sem).start()
        return carry

    lax.fori_loop(0, ROWS_PER_W // 4, body, 0)
    for k in range(4):
        gather(last, *slots[k]).wait()
    pltpu.sync_copy(out_v, out_hbm.at[pl.ds(obase, ROWS_PER_W * EMBED)])


def kernel(x, x_ind, table):
    xp = jnp.pad(x, ((0, 0), (0, LPAD - HIST))).reshape(-1)
    ip = jnp.pad(x_ind.astype(jnp.int32), ((0, 0), (0, LPAD - HIST))).reshape(-1)
    v = table.shape[0]
    tb = table.astype(jnp.bfloat16)
    tb = tb.reshape(v, 2, 2, LANES).transpose(0, 1, 3, 2).reshape(v, EMBED)
    t32 = jax.lax.bitcast_convert_type(tb.reshape(v, TROW, 2), jnp.int32)
    run = pl.kernel(
        _sc_body,
        out_type=jax.ShapeDtypeStruct((BATCH * EMBED,), jnp.float32),
        scratch_types=[
            pltpu.VMEM((ROWS_PER_W * LPAD,), jnp.float32),
            pltpu.VMEM((ROWS_PER_W * LPAD,), jnp.int32),
            pltpu.VMEM((LPAD, TROW), jnp.int32),
            pltpu.VMEM((LPAD, TROW), jnp.int32),
            pltpu.VMEM((LPAD, TROW), jnp.int32),
            pltpu.VMEM((LPAD, TROW), jnp.int32),
            pltpu.VMEM((ROWS_PER_W * EMBED,), jnp.float32),
            pltpu.SemaphoreType.DMA,
            pltpu.SemaphoreType.DMA,
            pltpu.SemaphoreType.DMA,
            pltpu.SemaphoreType.DMA,
        ],
        mesh=plsc.VectorSubcoreMesh(core_axis_name="c", subcore_axis_name="s"),
        compiler_params=pltpu.CompilerParams(use_tc_tiling_on_sc=False,
                                             needs_layout_passes=False),
    )
    return run(xp, ip, t32).reshape(BATCH, EMBED)

# --- scband reference (transcript-rebuilt; emitter-appended) ---
"""Pipeline reference for scband-astec-53970559041923 (READ-ONLY COPY).

The authoritative reference and input builder live on the scoring server;
editing this copy changes nothing except your own understanding.
"""

import jax, jax.numpy as jnp
import numpy as np

VOCAB = 1000000 + 1  # module adds 1 for padding row
EMBED_DIM = 64
BATCH = 4096
HIST = 200


def setup_inputs(seed: int = 0) -> dict:
    key = jax.random.key(seed)
    k1, k2, k3 = jax.random.split(key, 3)
    x = jax.random.uniform(k1, (BATCH, HIST), dtype=jnp.float32)
    x_ind = jax.random.randint(k2, (BATCH, HIST), 0, 1000000, dtype=jnp.int64 if jax.config.jax_enable_x64 else jnp.int32)
    table = jax.random.normal(k3, (VOCAB, EMBED_DIM), dtype=jnp.float32) * 0.02
    return {"x": x, "x_ind": x_ind, "table": table}


def reference(x, x_ind, table):
    # padding_idx=0: row 0 contributes zero embedding
    tbl = table.at[0].set(0.0)
    # weighted bag-of-embeddings with reduction='sum'
    emb = jnp.take(tbl, x_ind, axis=0)            # [B, L, D] gather
    bag = jnp.sum(emb * x[..., None], axis=1)      # weighted sum over tokens
    # nnl='gelu' (torch nn.GELU default is exact erf-based)
    out = jax.nn.gelu(bag, approximate=False)
    # dropout p=0.0 -> identity
    return out

if __name__ == "__main__":
    import jax
    _d = setup_inputs()
    print(jax.jit(kernel)(*tuple(_d.values())))

</pallas_src>

<mosaic_0001>
#map = affine_map<(d0, d1) -> (0)>
#map1 = affine_map<(d0, d1) -> (0, 0)>
module attributes {stable_mosaic.version = 14 : i64} {
  func.func @_sc_body(%arg0: i32, %arg1: i32, %arg2: memref<851968xf32, #tpu.memory_space<hbm>>, %arg3: memref<851968xi32, #tpu.memory_space<hbm>>, %arg4: memref<1000001x32xi32, #tpu.memory_space<hbm>>, %arg5: memref<262144xf32, #tpu.memory_space<hbm>>, %arg6: memref<26624xf32, #tpu.memory_space<vmem>>, %arg7: memref<26624xi32, #tpu.memory_space<vmem>>, %arg8: memref<208x32xi32, #tpu.memory_space<vmem>>, %arg9: memref<208x32xi32, #tpu.memory_space<vmem>>, %arg10: memref<208x32xi32, #tpu.memory_space<vmem>>, %arg11: memref<208x32xi32, #tpu.memory_space<vmem>>, %arg12: memref<8192xf32, #tpu.memory_space<vmem>>, %arg13: memref<!tpu.dma_semaphore, #tpu.memory_space<semaphore_mem>>, %arg14: memref<!tpu.dma_semaphore, #tpu.memory_space<semaphore_mem>>, %arg15: memref<!tpu.dma_semaphore, #tpu.memory_space<semaphore_mem>>, %arg16: memref<!tpu.dma_semaphore, #tpu.memory_space<semaphore_mem>>) attributes {dimension_semantics = [#tpu.dimension_semantics<core_parallel>, #tpu.dimension_semantics<subcore_parallel>], iteration_bounds = array<i64: 2, 16>, scalar_prefetch = 0 : i64, scratch_operands = 11 : i64, tpu.core_type = #tpu.core_type<sc_vector_subcore>, window_params = [{transform_indices = #map}, {transform_indices = #map}, {transform_indices = #map1}, {transform_indices = #map}]} {
    %mul3A = arith.constant 2 : i32
    %mul3A_0 = arith.muli %arg1, %mul3A : i32
    %add3A = arith.addi %mul3A_0, %arg0 : i32
    %mul3A_1 = arith.constant 26624 : i32
    %mul3A_2 = arith.muli %add3A, %mul3A_1 : i32
    %multiple_of3A = tpu.assume_multiple %mul3A_2, 128 : i32
    %mul3A_3 = arith.constant 8192 : i32
    %mul3A_4 = arith.muli %add3A, %mul3A_3 : i32
    %multiple_of3A_5 = tpu.assume_multiple %mul3A_4, 128 : i32
    "tpu.region"() ({
      %run_scoped3A = tpu.sem_alloc : memref<!tpu.dma_semaphore, #tpu.memory_space<semaphore_mem>>
      %dma_start3A_57 = tpu.memref_slice %arg2[%multiple_of3A] : memref<851968xf32, #tpu.memory_space<hbm>> -> memref<26624xf32, #tpu.memory_space<hbm>>
      %dma_start3A_58 = tpu.memref_slice %arg2[%multiple_of3A] : memref<851968xf32, #tpu.memory_space<hbm>> -> memref<26624xf32, #tpu.memory_space<hbm>>
      tpu.enqueue_dma source(%dma_start3A_58 : memref<26624xf32, #tpu.memory_space<hbm>>) target(%arg6 : memref<26624xf32, #tpu.memory_space<vmem>>) target_semaphore(%run_scoped3A : memref<!tpu.dma_semaphore, #tpu.memory_space<semaphore_mem>>)
      %dma_wait3A_59 = tpu.memref_slice %arg2[%multiple_of3A] : memref<851968xf32, #tpu.memory_space<hbm>> -> memref<26624xf32, #tpu.memory_space<hbm>>
      %dma_wait3A_60 = tpu.memref_slice %arg2[%multiple_of3A] : memref<851968xf32, #tpu.memory_space<hbm>> -> memref<26624xf32, #tpu.memory_space<hbm>>
      tpu.wait_dma2 semaphore(%run_scoped3A : memref<!tpu.dma_semaphore, #tpu.memory_space<semaphore_mem>>) src(%dma_wait3A_60 : memref<26624xf32, #tpu.memory_space<hbm>>) dst(%arg6 : memref<26624xf32, #tpu.memory_space<vmem>>)
      tpu.yield
    }) : () -> ()
    "tpu.region"() ({
      %run_scoped3A = tpu.sem_alloc : memref<!tpu.dma_semaphore, #tpu.memory_space<semaphore_mem>>
      %dma_start3A_57 = tpu.memref_slice %arg3[%multiple_of3A] : memref<851968xi32, #tpu.memory_space<hbm>> -> memref<26624xi32, #tpu.memory_space<hbm>>
      %dma_start3A_58 = tpu.memref_slice %arg3[%multiple_of3A] : memref<851968xi32, #tpu.memory_space<hbm>> -> memref<26624xi32, #tpu.memory_space<hbm>>
      tpu.enqueue_dma source(%dma_start3A_58 : memref<26624xi32, #tpu.memory_space<hbm>>) target(%arg7 : memref<26624xi32, #tpu.memory_space<vmem>>) target_semaphore(%run_scoped3A : memref<!tpu.dma_semaphore, #tpu.memory_space<semaphore_mem>>)
      %dma_wait3A_59 = tpu.memref_slice %arg3[%multiple_of3A] : memref<851968xi32, #tpu.memory_space<hbm>> -> memref<26624xi32, #tpu.memory_space<hbm>>
      %dma_wait3A_60 = tpu.memref_slice %arg3[%multiple_of3A] : memref<851968xi32, #tpu.memory_space<hbm>> -> memref<26624xi32, #tpu.memory_space<hbm>>
      tpu.wait_dma2 semaphore(%run_scoped3A : memref<!tpu.dma_semaphore, #tpu.memory_space<semaphore_mem>>) src(%dma_wait3A_60 : memref<26624xi32, #tpu.memory_space<hbm>>) dst(%arg7 : memref<26624xi32, #tpu.memory_space<vmem>>)
      tpu.yield
    }) : () -> ()
    %multiple_of3A_6 = arith.constant 0 : i32
    %multiple_of3A_7 = tpu.assume_multiple %multiple_of3A_6, 16 : i32
    %dma_start3A = tpu.memref_slice %arg7[%multiple_of3A_7] : memref<26624xi32, #tpu.memory_space<vmem>> -> memref<208xi32, #tpu.memory_space<vmem>>
    %dma_start3A_8 = arith.constant 0 : i32
    %dma_start3A_9 = arith.constant 0 : i32
    %dma_start3A_10 = tpu.memref_slice %arg4[%dma_start3A_8, %dma_start3A_9] : memref<1000001x32xi32, #tpu.memory_space<hbm>> -> memref<1000001x32xi32, #tpu.memory_space<hbm>>
    tpu.enqueue_indirect_dma source(%dma_start3A_10 : memref<1000001x32xi32, #tpu.memory_space<hbm>>) target(%arg8 : memref<208x32xi32, #tpu.memory_space<vmem>>) offsets(%dma_start3A : memref<208xi32, #tpu.memory_space<vmem>>) semaphore(%arg13 : memref<!tpu.dma_semaphore, #tpu.memory_space<semaphore_mem>>)
    %multiple_of3A_11 = arith.constant 208 : i32
    %multiple_of3A_12 = tpu.assume_multiple %multiple_of3A_11, 16 : i32
    %dma_start3A_13 = tpu.memref_slice %arg7[%multiple_of3A_12] : memref<26624xi32, #tpu.memory_space<vmem>> -> memref<208xi32, #tpu.memory_space<vmem>>
    %dma_start3A_14 = arith.constant 0 : i32
    %dma_start3A_15 = arith.constant 0 : i32
    %dma_start3A_16 = tpu.memref_slice %arg4[%dma_start3A_14, %dma_start3A_15] : memref<1000001x32xi32, #tpu.memory_space<hbm>> -> memref<1000001x32xi32, #tpu.memory_space<hbm>>
    tpu.enqueue_indirect_dma source(%dma_start3A_16 : memref<1000001x32xi32, #tpu.memory_space<hbm>>) target(%arg9 : memref<208x32xi32, #tpu.memory_space<vmem>>) offsets(%dma_start3A_13 : memref<208xi32, #tpu.memory_space<vmem>>) semaphore(%arg14 : memref<!tpu.dma_semaphore, #tpu.memory_space<semaphore_mem>>)
    %multiple_of3A_17 = arith.constant 416 : i32
    %multiple_of3A_18 = tpu.assume_multiple %multiple_of3A_17, 16 : i32
    %dma_start3A_19 = tpu.memref_slice %arg7[%multiple_of3A_18] : memref<26624xi32, #tpu.memory_space<vmem>> -> memref<208xi32, #tpu.memory_space<vmem>>
    %dma_start3A_20 = arith.constant 0 : i32
    %dma_start3A_21 = arith.constant 0 : i32
    %dma_start3A_22 = tpu.memref_slice %arg4[%dma_start3A_20, %dma_start3A_21] : memref<1000001x32xi32, #tpu.memory_space<hbm>> -> memref<1000001x32xi32, #tpu.memory_space<hbm>>
    tpu.enqueue_indirect_dma source(%dma_start3A_22 : memref<1000001x32xi32, #tpu.memory_space<hbm>>) target(%arg10 : memref<208x32xi32, #tpu.memory_space<vmem>>) offsets(%dma_start3A_19 : memref<208xi32, #tpu.memory_space<vmem>>) semaphore(%arg15 : memref<!tpu.dma_semaphore, #tpu.memory_space<semaphore_mem>>)
    %multiple_of3A_23 = arith.constant 624 : i32
    %multiple_of3A_24 = tpu.assume_multiple %multiple_of3A_23, 16 : i32
    %dma_start3A_25 = tpu.memref_slice %arg7[%multiple_of3A_24] : memref<26624xi32, #tpu.memory_space<vmem>> -> memref<208xi32, #tpu.memory_space<vmem>>
    %dma_start3A_26 = arith.constant 0 : i32
    %dma_start3A_27 = arith.constant 0 : i32
    %dma_start3A_28 = tpu.memref_slice %arg4[%dma_start3A_26, %dma_start3A_27] : memref<1000001x32xi32, #tpu.memory_space<hbm>> -> memref<1000001x32xi32, #tpu.memory_space<hbm>>
    tpu.enqueue_indirect_dma source(%dma_start3A_28 : memref<1000001x32xi32, #tpu.memory_space<hbm>>) target(%arg11 : memref<208x32xi32, #tpu.memory_space<vmem>>) offsets(%dma_start3A_25 : memref<208xi32, #tpu.memory_space<vmem>>) semaphore(%arg16 : memref<!tpu.dma_semaphore, #tpu.memory_space<semaphore_mem>>)
    %scan3A = arith.constant 0 : i32
    %scan3A_29 = arith.constant 0 : i32
    %scan3A_30 = arith.constant 32 : i32
    %scan3A_31 = arith.addi %scan3A_29, %scan3A_30 : i32
    %scan3A_32 = arith.constant 1 : i32
    scf.for %scan3A_57 = %scan3A_29 to %scan3A_31 step %scan3A_32  : i32 {
      %mul3A_58 = arith.constant 4 : i32
      %mul3A_59 = arith.muli %mul3A_58, %scan3A_57 : i32
      %add3A_60 = arith.constant 0 : i32
      %add3A_61 = arith.addi %mul3A_59, %add3A_60 : i32
      %mul3A_62 = arith.constant 208 : i32
      %mul3A_63 = arith.muli %add3A_61, %mul3A_62 : i32
      %multiple_of3A_64 = tpu.assume_multiple %mul3A_63, 16 : i32
      %dma_wait3A_65 = tpu.memref_slice %arg7[%multiple_of3A_64] : memref<26624xi32, #tpu.memory_space<vmem>> -> memref<208xi32, #tpu.memory_space<vmem>>
      %dma_wait3A_66 = arith.constant 0 : i32
      %dma_wait3A_67 = arith.constant 0 : i32
      %dma_wait3A_68 = tpu.memref_slice %arg4[%dma_wait3A_66, %dma_wait3A_67] : memref<1000001x32xi32, #tpu.memory_space<hbm>> -> memref<1000001x32xi32, #tpu.memory_space<hbm>>
      tpu.wait_indirect_dma semaphore(%arg13 : memref<!tpu.dma_semaphore, #tpu.memory_space<semaphore_mem>>) src(%dma_wait3A_68 : memref<1000001x32xi32, #tpu.memory_space<hbm>>) dst(%arg8 : memref<208x32xi32, #tpu.memory_space<vmem>>)
      %broadcast_in_dim3A = arith.constant 0.000000e+00 : f32
      %broadcast_in_dim3A_69 = vector.broadcast %broadcast_in_dim3A : f32 to vector<16xf32>
      %broadcast_in_dim3A_70 = arith.constant 0.000000e+00 : f32
      %broadcast_in_dim3A_71 = vector.broadcast %broadcast_in_dim3A_70 : f32 to vector<16xf32>
      %broadcast_in_dim3A_72 = arith.constant 0.000000e+00 : f32
      %broadcast_in_dim3A_73 = vector.broadcast %broadcast_in_dim3A_72 : f32 to vector<16xf32>
      %broadcast_in_dim3A_74 = arith.constant 0.000000e+00 : f32
      %broadcast_in_dim3A_75 = vector.broadcast %broadcast_in_dim3A_74 : f32 to vector<16xf32>
      %scan3A_76 = arith.constant 0 : i32
      %scan3A_77 = arith.constant 13 : i32
      %scan3A_78 = arith.addi %scan3A_76, %scan3A_77 : i32
      %scan3A_79 = arith.constant 1 : i32
      %scan3A_80:4 = scf.for %scan3A_772 = %scan3A_76 to %scan3A_78 step %scan3A_79 iter_args(%scan3A_773 = %broadcast_in_dim3A_69, %scan3A_774 = %broadcast_in_dim3A_71, %scan3A_775 = %broadcast_in_dim3A_73, %scan3A_776 = %broadcast_in_dim3A_75) -> (vector<16xf32>, vector<16xf32>, vector<16xf32>, vector<16xf32>)  : i32 {
        %mul3A_777 = arith.constant 208 : i32
        %mul3A_778 = arith.muli %add3A_61, %mul3A_777 : i32
        %mul3A_779 = arith.constant 16 : i32
        %mul3A_780 = arith.muli %scan3A_772, %mul3A_779 : i32
        %add3A_781 = arith.addi %mul3A_778, %mul3A_780 : i32
        %multiple_of3A_782 = tpu.assume_multiple %add3A_781, 16 : i32
        %get3A = arith.index_cast %multiple_of3A_782 : i32 to index
        %get3A_783 = tpu.vector_load %arg6[%get3A] {strides = array<i32>} : memref<26624xf32, #tpu.memory_space<vmem>>, vector<16xf32>,
        %get3A_784 = arith.index_cast %multiple_of3A_782 : i32 to index
        %get3A_785 = tpu.vector_load %arg7[%get3A_784] {strides = array<i32>} : memref<26624xi32, #tpu.memory_space<vmem>>, vector<16xi32>,
        %ne3A = arith.constant 0 : i32
        %ne3A_786 = vector.broadcast %ne3A : i32 to vector<16xi32>
        %ne3A_787 = arith.cmpi ne, %get3A_785, %ne3A_786 : vector<16xi32>
        %jit3A = arith.constant 0.000000e+00 : f32
        %broadcast_in_dim3A_788 = vector.broadcast %jit3A : f32 to vector<16xf32>
        %select_n3A = arith.select %ne3A_787, %get3A_783, %broadcast_in_dim3A_788 : vector<16xi1>, vector<16xf32>
        %mul3A_789 = arith.constant 16 : i32
        %mul3A_790 = arith.muli %scan3A_772, %mul3A_789 : i32
        %broadcast_in_dim3A_791 = arith.constant 0 : i32
        %broadcast_in_dim3A_792 = vector.broadcast %broadcast_in_dim3A_791 : i32 to vector<16x1xi32>
        %gather3A = vector.shape_cast %broadcast_in_dim3A_792 : vector<16x1xi32> to vector<16xi32>
        %gather3A_793 = tpu.dynamic_gather %select_n3A[%gather3A] in [0] : vector<16xf32>, vector<16xi32> -> vector<16xf32>
        %add3A_794 = arith.constant 0 : i32
        %add3A_795 = arith.addi %mul3A_790, %add3A_794 : i32
        %get3A_796 = arith.index_cast %add3A_795 : i32 to index
        %get3A_797 = arith.constant 0 : index
        %get3A_798 = tpu.vector_load %arg8[%get3A_796, %get3A_797] {strides = array<i32>} : memref<208x32xi32, #tpu.memory_space<vmem>>, vector<16xi32>,
        %bitcast3A = vector.bitcast %get3A_798 : vector<16xi32> to vector<32xbf16>
        %get3A_799 = arith.index_cast %add3A_795 : i32 to index
        %get3A_800 = arith.constant 16 : index
        %get3A_801 = tpu.vector_load %arg8[%get3A_799, %get3A_800] {strides = array<i32>} : memref<208x32xi32, #tpu.memory_space<vmem>>, vector<16xi32>,
        %bitcast3A_802 = vector.bitcast %get3A_801 : vector<16xi32> to vector<32xbf16>
        %unpack3A = tpu.unpack_subelements %bitcast3A, 0 {pack_format = #tpu.pack_format<interleaved>} : vector<32xbf16> -> vector<16xf32>
        %unpack3A_803 = tpu.unpack_subelements %bitcast3A, 1 {pack_format = #tpu.pack_format<interleaved>} : vector<32xbf16> -> vector<16xf32>
        %unpack3A_804 = tpu.unpack_subelements %bitcast3A_802, 0 {pack_format = #tpu.pack_format<interleaved>} : vector<32xbf16> -> vector<16xf32>
        %unpack3A_805 = tpu.unpack_subelements %bitcast3A_802, 1 {pack_format = #tpu.pack_format<interleaved>} : vector<32xbf16> -> vector<16xf32>
        %mul3A_806 = arith.mulf %gather3A_793, %unpack3A : vector<16xf32>
        %add3A_807 = arith.addf %scan3A_773, %mul3A_806 : vector<16xf32>
        %mul3A_808 = arith.mulf %gather3A_793, %unpack3A_803 : vector<16xf32>
        %add3A_809 = arith.addf %scan3A_774, %mul3A_808 : vector<16xf32>
        %mul3A_810 = arith.mulf %gather3A_793, %unpack3A_804 : vector<16xf32>
        %add3A_811 = arith.addf %scan3A_775, %mul3A_810 : vector<16xf32>
        %mul3A_812 = arith.mulf %gather3A_793, %unpack3A_805 : vector<16xf32>
        %add3A_813 = arith.addf %scan3A_776, %mul3A_812 : vector<16xf32>
        %broadcast_in_dim3A_814 = arith.constant 1 : i32
        %broadcast_in_dim3A_815 = vector.broadcast %broadcast_in_dim3A_814 : i32 to vector<16x1xi32>
        %gather3A_816 = vector.shape_cast %broadcast_in_dim3A_815 : vector<16x1xi32> to vector<16xi32>
        %gather3A_817 = tpu.dynamic_gather %select_n3A[%gather3A_816] in [0] : vector<16xf32>, vector<16xi32> -> vector<16xf32>
        %add3A_818 = arith.constant 1 : i32
        %add3A_819 = arith.addi %mul3A_790, %add3A_818 : i32
        %get3A_820 = arith.index_cast %add3A_819 : i32 to index
        %get3A_821 = arith.constant 0 : index
        %get3A_822 = tpu.vector_load %arg8[%get3A_820, %get3A_821] {strides = array<i32>} : memref<208x32xi32, #tpu.memory_space<vmem>>, vector<16xi32>,
        %bitcast3A_823 = vector.bitcast %get3A_822 : vector<16xi32> to vector<32xbf16>
        %get3A_824 = arith.index_cast %add3A_819 : i32 to index
        %get3A_825 = arith.constant 16 : index
        %get3A_826 = tpu.vector_load %arg8[%get3A_824, %get3A_825] {strides = array<i32>} : memref<208x32xi32, #tpu.memory_space<vmem>>, vector<16xi32>,
        %bitcast3A_827 = vector.bitcast %get3A_826 : vector<16xi32> to vector<32xbf16>
        %unpack3A_828 = tpu.unpack_subelements %bitcast3A_823, 0 {pack_format = #tpu.pack_format<interleaved>} : vector<32xbf16> -> vector<16xf32>
        %unpack3A_829 = tpu.unpack_subelements %bitcast3A_823, 1 {pack_format = #tpu.pack_format<interleaved>} : vector<32xbf16> -> vector<16xf32>
        %unpack3A_830 = tpu.unpack_subelements %bitcast3A_827, 0 {pack_format = #tpu.pack_format<interleaved>} : vector<32xbf16> -> vector<16xf32>
        %unpack3A_831 = tpu.unpack_subelements %bitcast3A_827, 1 {pack_format = #tpu.pack_format<interleaved>} : vector<32xbf16> -> vector<16xf32>
        %mul3A_832 = arith.mulf %gather3A_817, %unpack3A_828 : vector<16xf32>
        %add3A_833 = arith.addf %add3A_807, %mul3A_832 : vector<16xf32>
        %mul3A_834 = arith.mulf %gather3A_817, %unpack3A_829 : vector<16xf32>
        %add3A_835 = arith.addf %add3A_809, %mul3A_834 : vector<16xf32>
        %mul3A_836 = arith.mulf %gather3A_817, %unpack3A_830 : vector<16xf32>
        %add3A_837 = arith.addf %add3A_811, %mul3A_836 : vector<16xf32>
        %mul3A_838 = arith.mulf %gather3A_817, %unpack3A_831 : vector<16xf32>
        %add3A_839 = arith.addf %add3A_813, %mul3A_838 : vector<16xf32>
        %broadcast_in_dim3A_840 = arith.constant 2 : i32
        %broadcast_in_dim3A_841 = vector.broadcast %broadcast_in_dim3A_840 : i32 to vector<16x1xi32>
        %gather3A_842 = vector.shape_cast %broadcast_in_dim3A_841 : vector<16x1xi32> to vector<16xi32>
        %gather3A_843 = tpu.dynamic_gather %select_n3A[%gather3A_842] in [0] : vector<16xf32>, vector<16xi32> -> vector<16xf32>
        %add3A_844 = arith.constant 2 : i32
        %add3A_845 = arith.addi %mul3A_790, %add3A_844 : i32
        %get3A_846 = arith.index_cast %add3A_845 : i32 to index
        %get3A_847 = arith.constant 0 : index
        %get3A_848 = tpu.vector_load %arg8[%get3A_846, %get3A_847] {strides = array<i32>} : memref<208x32xi32, #tpu.memory_space<vmem>>, vector<16xi32>,
        %bitcast3A_849 = vector.bitcast %get3A_848 : vector<16xi32> to vector<32xbf16>
        %get3A_850 = arith.index_cast %add3A_845 : i32 to index
        %get3A_851 = arith.constant 16 : index
        %get3A_852 = tpu.vector_load %arg8[%get3A_850, %get3A_851] {strides = array<i32>} : memref<208x32xi32, #tpu.memory_space<vmem>>, vector<16xi32>,
        %bitcast3A_853 = vector.bitcast %get3A_852 : vector<16xi32> to vector<32xbf16>
        %unpack3A_854 = tpu.unpack_subelements %bitcast3A_849, 0 {pack_format = #tpu.pack_format<interleaved>} : vector<32xbf16> -> vector<16xf32>
        %unpack3A_855 = tpu.unpack_subelements %bitcast3A_849, 1 {pack_format = #tpu.pack_format<interleaved>} : vector<32xbf16> -> vector<16xf32>
        %unpack3A_856 = tpu.unpack_subelements %bitcast3A_853, 0 {pack_format = #tpu.pack_format<interleaved>} : vector<32xbf16> -> vector<16xf32>
        %unpack3A_857 = tpu.unpack_subelements %bitcast3A_853, 1 {pack_format = #tpu.pack_format<interleaved>} : vector<32xbf16> -> vector<16xf32>
        %mul3A_858 = arith.mulf %gather3A_843, %unpack3A_854 : vector<16xf32>
        %add3A_859 = arith.addf %add3A_833, %mul3A_858 : vector<16xf32>
        %mul3A_860 = arith.mulf %gather3A_843, %unpack3A_855 : vector<16xf32>
        %add3A_861 = arith.addf %add3A_835, %mul3A_860 : vector<16xf32>
        %mul3A_862 = arith.mulf %gather3A_843, %unpack3A_856 : vector<16xf32>
        %add3A_863 = arith.addf %add3A_837, %mul3A_862 : vector<16xf32>
        %mul3A_864 = arith.mulf %gather3A_843, %unpack3A_857 : vector<16xf32>
        %add3A_865 = arith.addf %add3A_839, %mul3A_864 : vector<16xf32>
        %broadcast_in_dim3A_866 = arith.constant 3 : i32
        %broadcast_in_dim3A_867 = vector.broadcast %broadcast_in_dim3A_866 : i32 to vector<16x1xi32>
        %gather3A_868 = vector.shape_cast %broadcast_in_dim3A_867 : vector<16x1xi32> to vector<16xi32>
        %gather3A_869 = tpu.dynamic_gather %select_n3A[%gather3A_868] in [0] : vector<16xf32>, vector<16xi32> -> vector<16xf32>
        %add3A_870 = arith.constant 3 : i32
        %add3A_871 = arith.addi %mul3A_790, %add3A_870 : i32
        %get3A_872 = arith.index_cast %add3A_871 : i32 to index
        %get3A_873 = arith.constant 0 : index
        %get3A_874 = tpu.vector_load %arg8[%get3A_872, %get3A_873] {strides = array<i32>} : memref<208x32xi32, #tpu.memory_space<vmem>>, vector<16xi32>,
        %bitcast3A_875 = vector.bitcast %get3A_874 : vector<16xi32> to vector<32xbf16>
        %get3A_876 = arith.index_cast %add3A_871 : i32 to index
        %get3A_877 = arith.constant 16 : index
        %get3A_878 = tpu.vector_load %arg8[%get3A_876, %get3A_877] {strides = array<i32>} : memref<208x32xi32, #tpu.memory_space<vmem>>, vector<16xi32>,
        %bitcast3A_879 = vector.bitcast %get3A_878 : vector<16xi32> to vector<32xbf16>
        %unpack3A_880 = tpu.unpack_subelements %bitcast3A_875, 0 {pack_format = #tpu.pack_format<interleaved>} : vector<32xbf16> -> vector<16xf32>
        %unpack3A_881 = tpu.unpack_subelements %bitcast3A_875, 1 {pack_format = #tpu.pack_format<interleaved>} : vector<32xbf16> -> vector<16xf32>
        %unpack3A_882 = tpu.unpack_subelements %bitcast3A_879, 0 {pack_format = #tpu.pack_format<interleaved>} : vector<32xbf16> -> vector<16xf32>
        %unpack3A_883 = tpu.unpack_subelements %bitcast3A_879, 1 {pack_format = #tpu.pack_format<interleaved>} : vector<32xbf16> -> vector<16xf32>
        %mul3A_884 = arith.mulf %gather3A_869, %unpack3A_880 : vector<16xf32>
        %add3A_885 = arith.addf %add3A_859, %mul3A_884 : vector<16xf32>
        %mul3A_886 = arith.mulf %gather3A_869, %unpack3A_881 : vector<16xf32>
        %add3A_887 = arith.addf %add3A_861, %mul3A_886 : vector<16xf32>
        %mul3A_888 = arith.mulf %gather3A_869, %unpack3A_882 : vector<16xf32>
        %add3A_889 = arith.addf %add3A_863, %mul3A_888 : vector<16xf32>
        %mul3A_890 = arith.mulf %gather3A_869, %unpack3A_883 : vector<16xf32>
        %add3A_891 = arith.addf %add3A_865, %mul3A_890 : vector<16xf32>
        %broadcast_in_dim3A_892 = arith.constant 4 : i32
        %broadcast_in_dim3A_893 = vector.broadcast %broadcast_in_dim3A_892 : i32 to vector<16x1xi32>
        %gather3A_894 = vector.shape_cast %broadcast_in_dim3A_893 : vector<16x1xi32> to vector<16xi32>
        %gather3A_895 = tpu.dynamic_gather %select_n3A[%gather3A_894] in [0] : vector<16xf32>, vector<16xi32> -> vector<16xf32>
        %add3A_896 = arith.constant 4 : i32
        %add3A_897 = arith.addi %mul3A_790, %add3A_896 : i32
        %get3A_898 = arith.index_cast %add3A_897 : i32 to index
        %get3A_899 = arith.constant 0 : index
        %get3A_900 = tpu.vector_load %arg8[%get3A_898, %get3A_899] {strides = array<i32>} : memref<208x32xi32, #tpu.memory_space<vmem>>, vector<16xi32>,
        %bitcast3A_901 = vector.bitcast %get3A_900 : vector<16xi32> to vector<32xbf16>
        %get3A_902 = arith.index_cast %add3A_897 : i32 to index
        %get3A_903 = arith.constant 16 : index
        %get3A_904 = tpu.vector_load %arg8[%get3A_902, %get3A_903] {strides = array<i32>} : memref<208x32xi32, #tpu.memory_space<vmem>>, vector<16xi32>,
        %bitcast3A_905 = vector.bitcast %get3A_904 : vector<16xi32> to vector<32xbf16>
        %unpack3A_906 = tpu.unpack_subelements %bitcast3A_901, 0 {pack_format = #tpu.pack_format<interleaved>} : vector<32xbf16> -> vector<16xf32>
        %unpack3A_907 = tpu.unpack_subelements %bitcast3A_901, 1 {pack_format = #tpu.pack_format<interleaved>} : vector<32xbf16> -> vector<16xf32>
        %unpack3A_908 = tpu.unpack_subelements %bitcast3A_905, 0 {pack_format = #tpu.pack_format<interleaved>} : vector<32xbf16> -> vector<16xf32>
        %unpack3A_909 = tpu.unpack_subelements %bitcast3A_905, 1 {pack_format = #tpu.pack_format<interleaved>} : vector<32xbf16> -> vector<16xf32>
        %mul3A_910 = arith.mulf %gather3A_895, %unpack3A_906 : vector<16xf32>
        %add3A_911 = arith.addf %add3A_885, %mul3A_910 : vector<16xf32>
        %mul3A_912 = arith.mulf %gather3A_895, %unpack3A_907 : vector<16xf32>
        %add3A_913 = arith.addf %add3A_887, %mul3A_912 : vector<16xf32>
        %mul3A_914 = arith.mulf %gather3A_895, %unpack3A_908 : vector<16xf32>
        %add3A_915 = arith.addf %add3A_889, %mul3A_914 : vector<16xf32>
        %mul3A_916 = arith.mulf %gather3A_895, %unpack3A_909 : vector<16xf32>
        %add3A_917 = arith.addf %add3A_891, %mul3A_916 : vector<16xf32>
        %broadcast_in_dim3A_918 = arith.constant 5 : i32
        %broadcast_in_dim3A_919 = vector.broadcast %broadcast_in_dim3A_918 : i32 to vector<16x1xi32>
        %gather3A_920 = vector.shape_cast %broadcast_in_dim3A_919 : vector<16x1xi32> to vector<16xi32>
        %gather3A_921 = tpu.dynamic_gather %select_n3A[%gather3A_920] in [0] : vector<16xf32>, vector<16xi32> -> vector<16xf32>
        %add3A_922 = arith.constant 5 : i32
        %add3A_923 = arith.addi %mul3A_790, %add3A_922 : i32
        %get3A_924 = arith.index_cast %add3A_923 : i32 to index
        %get3A_925 = arith.constant 0 : index
        %get3A_926 = tpu.vector_load %arg8[%get3A_924, %get3A_925] {strides = array<i32>} : memref<208x32xi32, #tpu.memory_space<vmem>>, vector<16xi32>,
        %bitcast3A_927 = vector.bitcast %get3A_926 : vector<16xi32> to vector<32xbf16>
        %get3A_928 = arith.index_cast %add3A_923 : i32 to index
        %get3A_929 = arith.constant 16 : index
        %get3A_930 = tpu.vector_load %arg8[%get3A_928, %get3A_929] {strides = array<i32>} : memref<208x32xi32, #tpu.memory_space<vmem>>, vector<16xi32>,
        %bitcast3A_931 = vector.bitcast %get3A_930 : vector<16xi32> to vector<32xbf16>
        %unpack3A_932 = tpu.unpack_subelements %bitcast3A_927, 0 {pack_format = #tpu.pack_format<interleaved>} : vector<32xbf16> -> vector<16xf32>
        %unpack3A_933 = tpu.unpack_subelements %bitcast3A_927, 1 {pack_format = #tpu.pack_format<interleaved>} : vector<32xbf16> -> vector<16xf32>
        %unpack3A_934 = tpu.unpack_subelements %bitcast3A_931, 0 {pack_format = #tpu.pack_format<interleaved>} : vector<32xbf16> -> vector<16xf32>
        %unpack3A_935 = tpu.unpack_subelements %bitcast3A_931, 1 {pack_format = #tpu.pack_format<interleaved>} : vector<32xbf16> -> vector<16xf32>
        %mul3A_936 = arith.mulf %gather3A_921, %unpack3A_932 : vector<16xf32>
        %add3A_937 = arith.addf %add3A_911, %mul3A_936 : vector<16xf32>
        %mul3A_938 = arith.mulf %gather3A_921, %unpack3A_933 : vector<16xf32>
        %add3A_939 = arith.addf %add3A_913, %mul3A_938 : vector<16xf32>
        %mul3A_940 = arith.mulf %gather3A_921, %unpack3A_934 : vector<16xf32>
        %add3A_941 = arith.addf %add3A_915, %mul3A_940 : vector<16xf32>
        %mul3A_942 = arith.mulf %gather3A_921, %unpack3A_935 : vector<16xf32>
        %add3A_943 = arith.addf %add3A_917, %mul3A_942 : vector<16xf32>
        %broadcast_in_dim3A_944 = arith.constant 6 : i32
        %broadcast_in_dim3A_945 = vector.broadcast %broadcast_in_dim3A_944 : i32 to vector<16x1xi32>
        %gather3A_946 = vector.shape_cast %broadcast_in_dim3A_945 : vector<16x1xi32> to vector<16xi32>
        %gather3A_947 = tpu.dynamic_gather %select_n3A[%gather3A_946] in [0] : vector<16xf32>, vector<16xi32> -> vector<16xf32>
        %add3A_948 = arith.constant 6 : i32
        %add3A_949 = arith.addi %mul3A_790, %add3A_948 : i32
        %get3A_950 = arith.index_cast %add3A_949 : i32 to index
        %get3A_951 = arith.constant 0 : index
        %get3A_952 = tpu.vector_load %arg8[%get3A_950, %get3A_951] {strides = array<i32>} : memref<208x32xi32, #tpu.memory_space<vmem>>, vector<16xi32>,
        %bitcast3A_953 = vector.bitcast %get3A_952 : vector<16xi32> to vector<32xbf16>
        %get3A_954 = arith.index_cast %add3A_949 : i32 to index
        %get3A_955 = arith.constant 16 : index
        %get3A_956 = tpu.vector_load %arg8[%get3A_954, %get3A_955] {strides = array<i32>} : memref<208x32xi32, #tpu.memory_space<vmem>>, vector<16xi32>,
        %bitcast3A_957 = vector.bitcast %get3A_956 : vector<16xi32> to vector<32xbf16>
        %unpack3A_958 = tpu.unpack_subelements %bitcast3A_953, 0 {pack_format = #tpu.pack_format<interleaved>} : vector<32xbf16> -> vector<16xf32>
        %unpack3A_959 = tpu.unpack_subelements %bitcast3A_953, 1 {pack_format = #tpu.pack_format<interleaved>} : vector<32xbf16> -> vector<16xf32>
        %unpack3A_960 = tpu.unpack_subelements %bitcast3A_957, 0 {pack_format = #tpu.pack_format<interleaved>} : vector<32xbf16> -> vector<16xf32>
        %unpack3A_961 = tpu.unpack_subelements %bitcast3A_957, 1 {pack_format = #tpu.pack_format<interleaved>} : vector<32xbf16> -> vector<16xf32>
        %mul3A_962 = arith.mulf %gather3A_947, %unpack3A_958 : vector<16xf32>
        %add3A_963 = arith.addf %add3A_937, %mul3A_962 : vector<16xf32>
        %mul3A_964 = arith.mulf %gather3A_947, %unpack3A_959 : vector<16xf32>
        %add3A_965 = arith.addf %add3A_939, %mul3A_964 : vector<16xf32>
        %mul3A_966 = arith.mulf %gather3A_947, %unpack3A_960 : vector<16xf32>
        %add3A_967 = arith.addf %add3A_941, %mul3A_966 : vector<16xf32>
        %mul3A_968 = arith.mulf %gather3A_947, %unpack3A_961 : vector<16xf32>
        %add3A_969 = arith.addf %add3A_943, %mul3A_968 : vector<16xf32>
        %broadcast_in_dim3A_970 = arith.constant 7 : i32
        %broadcast_in_dim3A_971 = vector.broadcast %broadcast_in_dim3A_970 : i32 to vector<16x1xi32>
        %gather3A_972 = vector.shape_cast %broadcast_in_dim3A_971 : vector<16x1xi32> to vector<16xi32>
        %gather3A_973 = tpu.dynamic_gather %select_n3A[%gather3A_972] in [0] : vector<16xf32>, vector<16xi32> -> vector<16xf32>
        %add3A_974 = arith.constant 7 : i32
        %add3A_975 = arith.addi %mul3A_790, %add3A_974 : i32
        %get3A_976 = arith.index_cast %add3A_975 : i32 to index
        %get3A_977 = arith.constant 0 : index
        %get3A_978 = tpu.vector_load %arg8[%get3A_976, %get3A_977] {strides = array<i32>} : memref<208x32xi32, #tpu.memory_space<vmem>>, vector<16xi32>,
        %bitcast3A_979 = vector.bitcast %get3A_978 : vector<16xi32> to vector<32xbf16>
        %get3A_980 = arith.index_cast %add3A_975 : i32 to index
        %get3A_981 = arith.constant 16 : index
        %get3A_982 = tpu.vector_load %arg8[%get3A_980, %get3A_981] {strides = array<i32>} : memref<208x32xi32, #tpu.memory_space<vmem>>, vector<16xi32>,
        %bitcast3A_983 = vector.bitcast %get3A_982 : vector<16xi32> to vector<32xbf16>
        %unpack3A_984 = tpu.unpack_subelements %bitcast3A_979, 0 {pack_format = #tpu.pack_format<interleaved>} : vector<32xbf16> -> vector<16xf32>
        %unpack3A_985 = tpu.unpack_subelements %bitcast3A_979, 1 {pack_format = #tpu.pack_format<interleaved>} : vector<32xbf16> -> vector<16xf32>
        %unpack3A_986 = tpu.unpack_subelements %bitcast3A_983, 0 {pack_format = #tpu.pack_format<interleaved>} : vector<32xbf16> -> vector<16xf32>
        %unpack3A_987 = tpu.unpack_subelements %bitcast3A_983, 1 {pack_format = #tpu.pack_format<interleaved>} : vector<32xbf16> -> vector<16xf32>
        %mul3A_988 = arith.mulf %gather3A_973, %unpack3A_984 : vector<16xf32>
        %add3A_989 = arith.addf %add3A_963, %mul3A_988 : vector<16xf32>
        %mul3A_990 = arith.mulf %gather3A_973, %unpack3A_985 : vector<16xf32>
        %add3A_991 = arith.addf %add3A_965, %mul3A_990 : vector<16xf32>
        %mul3A_992 = arith.mulf %gather3A_973, %unpack3A_986 : vector<16xf32>
        %add3A_993 = arith.addf %add3A_967, %mul3A_992 : vector<16xf32>
        %mul3A_994 = arith.mulf %gather3A_973, %unpack3A_987 : vector<16xf32>
        %add3A_995 = arith.addf %add3A_969, %mul3A_994 : vector<16xf32>
        %broadcast_in_dim3A_996 = arith.constant 8 : i32
        %broadcast_in_dim3A_997 = vector.broadcast %broadcast_in_dim3A_996 : i32 to vector<16x1xi32>
        %gather3A_998 = vector.shape_cast %broadcast_in_dim3A_997 : vector<16x1xi32> to vector<16xi32>
        %gather3A_999 = tpu.dynamic_gather %select_n3A[%gather3A_998] in [0] : vector<16xf32>, vector<16xi32> -> vector<16xf32>
        %add3A_1000 = arith.constant 8 : i32
        %add3A_1001 = arith.addi %mul3A_790, %add3A_1000 : i32
        %get3A_1002 = arith.index_cast %add3A_1001 : i32 to index
        %get3A_1003 = arith.constant 0 : index
        %get3A_1004 = tpu.vector_load %arg8[%get3A_1002, %get3A_1003] {strides = array<i32>} : memref<208x32xi32, #tpu.memory_space<vmem>>, vector<16xi32>,
        %bitcast3A_1005 = vector.bitcast %get3A_1004 : vector<16xi32> to vector<32xbf16>
        %get3A_1006 = arith.index_cast %add3A_1001 : i32 to index
        %get3A_1007 = arith.constant 16 : index
        %get3A_1008 = tpu.vector_load %arg8[%get3A_1006, %get3A_1007] {strides = array<i32>} : memref<208x32xi32, #tpu.memory_space<vmem>>, vector<16xi32>,
        %bitcast3A_1009 = vector.bitcast %get3A_1008 : vector<16xi32> to vector<32xbf16>
        %unpack3A_1010 = tpu.unpack_subelements %bitcast3A_1005, 0 {pack_format = #tpu.pack_format<interleaved>} : vector<32xbf16> -> vector<16xf32>
        %unpack3A_1011 = tpu.unpack_subelements %bitcast3A_1005, 1 {pack_format = #tpu.pack_format<interleaved>} : vector<32xbf16> -> vector<16xf32>
        %unpack3A_1012 = tpu.unpack_subelements %bitcast3A_1009, 0 {pack_format = #tpu.pack_format<interleaved>} : vector<32xbf16> -> vector<16xf32>
        %unpack3A_1013 = tpu.unpack_subelements %bitcast3A_1009, 1 {pack_format = #tpu.pack_format<interleaved>} : vector<32xbf16> -> vector<16xf32>
        %mul3A_1014 = arith.mulf %gather3A_999, %unpack3A_1010 : vector<16xf32>
        %add3A_1015 = arith.addf %add3A_989, %mul3A_1014 : vector<16xf32>
        %mul3A_1016 = arith.mulf %gather3A_999, %unpack3A_1011 : vector<16xf32>
        %add3A_1017 = arith.addf %add3A_991, %mul3A_1016 : vector<16xf32>
        %mul3A_1018 = arith.mulf %gather3A_999, %unpack3A_1012 : vector<16xf32>
        %add3A_1019 = arith.addf %add3A_993, %mul3A_1018 : vector<16xf32>
        %mul3A_1020 = arith.mulf %gather3A_999, %unpack3A_1013 : vector<16xf32>
        %add3A_1021 = arith.addf %add3A_995, %mul3A_1020 : vector<16xf32>
        %broadcast_in_dim3A_1022 = arith.constant 9 : i32
        %broadcast_in_dim3A_1023 = vector.broadcast %broadcast_in_dim3A_1022 : i32 to vector<16x1xi32>
        %gather3A_1024 = vector.shape_cast %broadcast_in_dim3A_1023 : vector<16x1xi32> to vector<16xi32>
        %gather3A_1025 = tpu.dynamic_gather %select_n3A[%gather3A_1024] in [0] : vector<16xf32>, vector<16xi32> -> vector<16xf32>
        %add3A_1026 = arith.constant 9 : i32
        %add3A_1027 = arith.addi %mul3A_790, %add3A_1026 : i32
        %get3A_1028 = arith.index_cast %add3A_1027 : i32 to index
        %get3A_1029 = arith.constant 0 : index
        %get3A_1030 = tpu.vector_load %arg8[%get3A_1028, %get3A_1029] {strides = array<i32>} : memref<208x32xi32, #tpu.memory_space<vmem>>, vector<16xi32>,
        %bitcast3A_1031 = vector.bitcast %get3A_1030 : vector<16xi32> to vector<32xbf16>
        %get3A_1032 = arith.index_cast %add3A_1027 : i32 to index
        %get3A_1033 = arith.constant 16 : index
        %get3A_1034 = tpu.vector_load %arg8[%get3A_1032, %get3A_1033] {strides = array<i32>} : memref<208x32xi32, #tpu.memory_space<vmem>>, vector<16xi32>,
        %bitcast3A_1035 = vector.bitcast %get3A_1034 : vector<16xi32> to vector<32xbf16>
        %unpack3A_1036 = tpu.unpack_subelements %bitcast3A_1031, 0 {pack_format = #tpu.pack_format<interleaved>} : vector<32xbf16> -> vector<16xf32>
        %unpack3A_1037 = tpu.unpack_subelements %bitcast3A_1031, 1 {pack_format = #tpu.pack_format<interleaved>} : vector<32xbf16> -> vector<16xf32>
        %unpack3A_1038 = tpu.unpack_subelements %bitcast3A_1035, 0 {pack_format = #tpu.pack_format<interleaved>} : vector<32xbf16> -> vector<16xf32>
        %unpack3A_1039 = tpu.unpack_subelements %bitcast3A_1035, 1 {pack_format = #tpu.pack_format<interleaved>} : vector<32xbf16> -> vector<16xf32>
        %mul3A_1040 = arith.mulf %gather3A_1025, %unpack3A_1036 : vector<16xf32>
        %add3A_1041 = arith.addf %add3A_1015, %mul3A_1040 : vector<16xf32>
        %mul3A_1042 = arith.mulf %gather3A_1025, %unpack3A_1037 : vector<16xf32>
        %add3A_1043 = arith.addf %add3A_1017, %mul3A_1042 : vector<16xf32>
        %mul3A_1044 = arith.mulf %gather3A_1025, %unpack3A_1038 : vector<16xf32>
        %add3A_1045 = arith.addf %add3A_1019, %mul3A_1044 : vector<16xf32>
        %mul3A_1046 = arith.mulf %gather3A_1025, %unpack3A_1039 : vector<16xf32>
        %add3A_1047 = arith.addf %add3A_1021, %mul3A_1046 : vector<16xf32>
        %broadcast_in_dim3A_1048 = arith.constant 10 : i32
        %broadcast_in_dim3A_1049 = vector.broadcast %broadcast_in_dim3A_1048 : i32 to vector<16x1xi32>
        %gather3A_1050 = vector.shape_cast %broadcast_in_dim3A_1049 : vector<16x1xi32> to vector<16xi32>
        %gather3A_1051 = tpu.dynamic_gather %select_n3A[%gather3A_1050] in [0] : vector<16xf32>, vector<16xi32> -> vector<16xf32>
        %add3A_1052 = arith.constant 10 : i32
        %add3A_1053 = arith.addi %mul3A_790, %add3A_1052 : i32
        %get3A_1054 = arith.index_cast %add3A_1053 : i32 to index
        %get3A_1055 = arith.constant 0 : index
        %get3A_1056 = tpu.vector_load %arg8[%get3A_1054, %get3A_1055] {strides = array<i32>} : memref<208x32xi32, #tpu.memory_space<vmem>>, vector<16xi32>,
        %bitcast3A_1057 = vector.bitcast %get3A_1056 : vector<16xi32> to vector<32xbf16>
        %get3A_1058 = arith.index_cast %add3A_1053 : i32 to index
        %get3A_1059 = arith.constant 16 : index
        %get3A_1060 = tpu.vector_load %arg8[%get3A_1058, %get3A_1059] {strides = array<i32>} : memref<208x32xi32, #tpu.memory_space<vmem>>, vector<16xi32>,
        %bitcast3A_1061 = vector.bitcast %get3A_1060 : vector<16xi32> to vector<32xbf16>
        %unpack3A_1062 = tpu.unpack_subelements %bitcast3A_1057, 0 {pack_format = #tpu.pack_format<interleaved>} : vector<32xbf16> -> vector<16xf32>
        %unpack3A_1063 = tpu.unpack_subelements %bitcast3A_1057, 1 {pack_format = #tpu.pack_format<interleaved>} : vector<32xbf16> -> vector<16xf32>
        %unpack3A_1064 = tpu.unpack_subelements %bitcast3A_1061, 0 {pack_format = #tpu.pack_format<interleaved>} : vector<32xbf16> -> vector<16xf32>
        %unpack3A_1065 = tpu.unpack_subelements %bitcast3A_1061, 1 {pack_format = #tpu.pack_format<interleaved>} : vector<32xbf16> -> vector<16xf32>
        %mul3A_1066 = arith.mulf %gather3A_1051, %unpack3A_1062 : vector<16xf32>
        %add3A_1067 = arith.addf %add3A_1041, %mul3A_1066 : vector<16xf32>
        %mul3A_1068 = arith.mulf %gather3A_1051, %unpack3A_1063 : vector<16xf32>
        %add3A_1069 = arith.addf %add3A_1043, %mul3A_1068 : vector<16xf32>
        %mul3A_1070 = arith.mulf %gather3A_1051, %unpack3A_1064 : vector<16xf32>
        %add3A_1071 = arith.addf %add3A_1045, %mul3A_1070 : vector<16xf32>
        %mul3A_1072 = arith.mulf %gather3A_1051, %unpack3A_1065 : vector<16xf32>
        %add3A_1073 = arith.addf %add3A_1047, %mul3A_1072 : vector<16xf32>
        %broadcast_in_dim3A_1074 = arith.constant 11 : i32
        %broadcast_in_dim3A_1075 = vector.broadcast %broadcast_in_dim3A_1074 : i32 to vector<16x1xi32>
        %gather3A_1076 = vector.shape_cast %broadcast_in_dim3A_1075 : vector<16x1xi32> to vector<16xi32>
        %gather3A_1077 = tpu.dynamic_gather %select_n3A[%gather3A_1076] in [0] : vector<16xf32>, vector<16xi32> -> vector<16xf32>
        %add3A_1078 = arith.constant 11 : i32
        %add3A_1079 = arith.addi %mul3A_790, %add3A_1078 : i32
        %get3A_1080 = arith.index_cast %add3A_1079 : i32 to index
        %get3A_1081 = arith.constant 0 : index
        %get3A_1082 = tpu.vector_load %arg8[%get3A_1080, %get3A_1081] {strides = array<i32>} : memref<208x32xi32, #tpu.memory_space<vmem>>, vector<16xi32>,
        %bitcast3A_1083 = vector.bitcast %get3A_1082 : vector<16xi32> to vector<32xbf16>
        %get3A_1084 = arith.index_cast %add3A_1079 : i32 to index
        %get3A_1085 = arith.constant 16 : index
        %get3A_1086 = tpu.vector_load %arg8[%get3A_1084, %get3A_1085] {strides = array<i32>} : memref<208x32xi32, #tpu.memory_space<vmem>>, vector<16xi32>,
        %bitcast3A_1087 = vector.bitcast %get3A_1086 : vector<16xi32> to vector<32xbf16>
        %unpack3A_1088 = tpu.unpack_subelements %bitcast3A_1083, 0 {pack_format = #tpu.pack_format<interleaved>} : vector<32xbf16> -> vector<16xf32>
        %unpack3A_1089 = tpu.unpack_subelements %bitcast3A_1083, 1 {pack_format = #tpu.pack_format<interleaved>} : vector<32xbf16> -> vector<16xf32>
        %unpack3A_1090 = tpu.unpack_subelements %bitcast3A_1087, 0 {pack_format = #tpu.pack_format<interleaved>} : vector<32xbf16> -> vector<16xf32>
        %unpack3A_1091 = tpu.unpack_subelements %bitcast3A_1087, 1 {pack_format = #tpu.pack_format<interleaved>} : vector<32xbf16> -> vector<16xf32>
        %mul3A_1092 = arith.mulf %gather3A_1077, %unpack3A_1088 : vector<16xf32>
        %add3A_1093 = arith.addf %add3A_1067, %mul3A_1092 : vector<16xf32>
        %mul3A_1094 = arith.mulf %gather3A_1077, %unpack3A_1089 : vector<16xf32>
        %add3A_1095 = arith.addf %add3A_1069, %mul3A_1094 : vector<16xf32>
        %mul3A_1096 = arith.mulf %gather3A_1077, %unpack3A_1090 : vector<16xf32>
        %add3A_1097 = arith.addf %add3A_1071, %mul3A_1096 : vector<16xf32>
        %mul3A_1098 = arith.mulf %gather3A_1077, %unpack3A_1091 : vector<16xf32>
        %add3A_1099 = arith.addf %add3A_1073, %mul3A_1098 : vector<16xf32>
        %broadcast_in_dim3A_1100 = arith.constant 12 : i32
        %broadcast_in_dim3A_1101 = vector.broadcast %broadcast_in_dim3A_1100 : i32 to vector<16x1xi32>
        %gather3A_1102 = vector.shape_cast %broadcast_in_dim3A_1101 : vector<16x1xi32> to vector<16xi32>
        %gather3A_1103 = tpu.dynamic_gather %select_n3A[%gather3A_1102] in [0] : vector<16xf32>, vector<16xi32> -> vector<16xf32>
        %add3A_1104 = arith.constant 12 : i32
        %add3A_1105 = arith.addi %mul3A_790, %add3A_1104 : i32
        %get3A_1106 = arith.index_cast %add3A_1105 : i32 to index
        %get3A_1107 = arith.constant 0 : index
        %get3A_1108 = tpu.vector_load %arg8[%get3A_1106, %get3A_1107] {strides = array<i32>} : memref<208x32xi32, #tpu.memory_space<vmem>>, vector<16xi32>,
        %bitcast3A_1109 = vector.bitcast %get3A_1108 : vector<16xi32> to vector<32xbf16>
        %get3A_1110 = arith.index_cast %add3A_1105 : i32 to index
        %get3A_1111 = arith.constant 16 : index
        %get3A_1112 = tpu.vector_load %arg8[%get3A_1110, %get3A_1111] {strides = array<i32>} : memref<208x32xi32, #tpu.memory_space<vmem>>, vector<16xi32>,
        %bitcast3A_1113 = vector.bitcast %get3A_1112 : vector<16xi32> to vector<32xbf16>
        %unpack3A_1114 = tpu.unpack_subelements %bitcast3A_1109, 0 {pack_format = #tpu.pack_format<interleaved>} : vector<32xbf16> -> vector<16xf32>
        %unpack3A_1115 = tpu.unpack_subelements %bitcast3A_1109, 1 {pack_format = #tpu.pack_format<interleaved>} : vector<32xbf16> -> vector<16xf32>
        %unpack3A_1116 = tpu.unpack_subelements %bitcast3A_1113, 0 {pack_format = #tpu.pack_format<interleaved>} : vector<32xbf16> -> vector<16xf32>
        %unpack3A_1117 = tpu.unpack_subelements %bitcast3A_1113, 1 {pack_format = #tpu.pack_format<interleaved>} : vector<32xbf16> -> vector<16xf32>
        %mul3A_1118 = arith.mulf %gather3A_1103, %unpack3A_1114 : vector<16xf32>
        %add3A_1119 = arith.addf %add3A_1093, %mul3A_1118 : vector<16xf32>
        %mul3A_1120 = arith.mulf %gather3A_1103, %unpack3A_1115 : vector<16xf32>
        %add3A_1121 = arith.addf %add3A_1095, %mul3A_1120 : vector<16xf32>
        %mul3A_1122 = arith.mulf %gather3A_1103, %unpack3A_1116 : vector<16xf32>
        %add3A_1123 = arith.addf %add3A_1097, %mul3A_1122 : vector<16xf32>
        %mul3A_1124 = arith.mulf %gather3A_1103, %unpack3A_1117 : vector<16xf32>
        %add3A_1125 = arith.addf %add3A_1099, %mul3A_1124 : vector<16xf32>
        %broadcast_in_dim3A_1126 = arith.constant 13 : i32
        %broadcast_in_dim3A_1127 = vector.broadcast %broadcast_in_dim3A_1126 : i32 to vector<16x1xi32>
        %gather3A_1128 = vector.shape_cast %broadcast_in_dim3A_1127 : vector<16x1xi32> to vector<16xi32>
        %gather3A_1129 = tpu.dynamic_gather %select_n3A[%gather3A_1128] in [0] : vector<16xf32>, vector<16xi32> -> vector<16xf32>
        %add3A_1130 = arith.constant 13 : i32
        %add3A_1131 = arith.addi %mul3A_790, %add3A_1130 : i32
        %get3A_1132 = arith.index_cast %add3A_1131 : i32 to index
        %get3A_1133 = arith.constant 0 : index
        %get3A_1134 = tpu.vector_load %arg8[%get3A_1132, %get3A_1133] {strides = array<i32>} : memref<208x32xi32, #tpu.memory_space<vmem>>, vector<16xi32>,
        %bitcast3A_1135 = vector.bitcast %get3A_1134 : vector<16xi32> to vector<32xbf16>
        %get3A_1136 = arith.index_cast %add3A_1131 : i32 to index
        %get3A_1137 = arith.constant 16 : index
        %get3A_1138 = tpu.vector_load %arg8[%get3A_1136, %get3A_1137] {strides = array<i32>} : memref<208x32xi32, #tpu.memory_space<vmem>>, vector<16xi32>,
        %bitcast3A_1139 = vector.bitcast %get3A_1138 : vector<16xi32> to vector<32xbf16>
        %unpack3A_1140 = tpu.unpack_subelements %bitcast3A_1135, 0 {pack_format = #tpu.pack_format<interleaved>} : vector<32xbf16> -> vector<16xf32>
        %unpack3A_1141 = tpu.unpack_subelements %bitcast3A_1135, 1 {pack_format = #tpu.pack_format<interleaved>} : vector<32xbf16> -> vector<16xf32>
        %unpack3A_1142 = tpu.unpack_subelements %bitcast3A_1139, 0 {pack_format = #tpu.pack_format<interleaved>} : vector<32xbf16> -> vector<16xf32>
        %unpack3A_1143 = tpu.unpack_subelements %bitcast3A_1139, 1 {pack_format = #tpu.pack_format<interleaved>} : vector<32xbf16> -> vector<16xf32>
        %mul3A_1144 = arith.mulf %gather3A_1129, %unpack3A_1140 : vector<16xf32>
        %add3A_1145 = arith.addf %add3A_1119, %mul3A_1144 : vector<16xf32>
        %mul3A_1146 = arith.mulf %gather3A_1129, %unpack3A_1141 : vector<16xf32>
        %add3A_1147 = arith.addf %add3A_1121, %mul3A_1146 : vector<16xf32>
        %mul3A_1148 = arith.mulf %gather3A_1129, %unpack3A_1142 : vector<16xf32>
        %add3A_1149 = arith.addf %add3A_1123, %mul3A_1148 : vector<16xf32>
        %mul3A_1150 = arith.mulf %gather3A_1129, %unpack3A_1143 : vector<16xf32>
        %add3A_1151 = arith.addf %add3A_1125, %mul3A_1150 : vector<16xf32>
        %broadcast_in_dim3A_1152 = arith.constant 14 : i32
        %broadcast_in_dim3A_1153 = vector.broadcast %broadcast_in_dim3A_1152 : i32 to vector<16x1xi32>
        %gather3A_1154 = vector.shape_cast %broadcast_in_dim3A_1153 : vector<16x1xi32> to vector<16xi32>
        %gather3A_1155 = tpu.dynamic_gather %select_n3A[%gather3A_1154] in [0] : vector<16xf32>, vector<16xi32> -> vector<16xf32>
        %add3A_1156 = arith.constant 14 : i32
        %add3A_1157 = arith.addi %mul3A_790, %add3A_1156 : i32
        %get3A_1158 = arith.index_cast %add3A_1157 : i32 to index
        %get3A_1159 = arith.constant 0 : index
        %get3A_1160 = tpu.vector_load %arg8[%get3A_1158, %get3A_1159] {strides = array<i32>} : memref<208x32xi32, #tpu.memory_space<vmem>>, vector<16xi32>,
        %bitcast3A_1161 = vector.bitcast %get3A_1160 : vector<16xi32> to vector<32xbf16>
        %get3A_1162 = arith.index_cast %add3A_1157 : i32 to index
        %get3A_1163 = arith.constant 16 : index
        %get3A_1164 = tpu.vector_load %arg8[%get3A_1162, %get3A_1163] {strides = array<i32>} : memref<208x32xi32, #tpu.memory_space<vmem>>, vector<16xi32>,
        %bitcast3A_1165 = vector.bitcast %get3A_1164 : vector<16xi32> to vector<32xbf16>
        %unpack3A_1166 = tpu.unpack_subelements %bitcast3A_1161, 0 {pack_format = #tpu.pack_format<interleaved>} : vector<32xbf16> -> vector<16xf32>
        %unpack3A_1167 = tpu.unpack_subelements %bitcast3A_1161, 1 {pack_format = #tpu.pack_format<interleaved>} : vector<32xbf16> -> vector<16xf32>
        %unpack3A_1168 = tpu.unpack_subelements %bitcast3A_1165, 0 {pack_format = #tpu.pack_format<interleaved>} : vector<32xbf16> -> vector<16xf32>
        %unpack3A_1169 = tpu.unpack_subelements %bitcast3A_1165, 1 {pack_format = #tpu.pack_format<interleaved>} : vector<32xbf16> -> vector<16xf32>
        %mul3A_1170 = arith.mulf %gather3A_1155, %unpack3A_1166 : vector<16xf32>
        %add3A_1171 = arith.addf %add3A_1145, %mul3A_1170 : vector<16xf32>
        %mul3A_1172 = arith.mulf %gather3A_1155, %unpack3A_1167 : vector<16xf32>
        %add3A_1173 = arith.addf %add3A_1147, %mul3A_1172 : vector<16xf32>
        %mul3A_1174 = arith.mulf %gather3A_1155, %unpack3A_1168 : vector<16xf32>
        %add3A_1175 = arith.addf %add3A_1149, %mul3A_1174 : vector<16xf32>
        %mul3A_1176 = arith.mulf %gather3A_1155, %unpack3A_1169 : vector<16xf32>
        %add3A_1177 = arith.addf %add3A_1151, %mul3A_1176 : vector<16xf32>
        %broadcast_in_dim3A_1178 = arith.constant 15 : i32
        %broadcast_in_dim3A_1179 = vector.broadcast %broadcast_in_dim3A_1178 : i32 to vector<16x1xi32>
        %gather3A_1180 = vector.shape_cast %broadcast_in_dim3A_1179 : vector<16x1xi32> to vector<16xi32>
        %gather3A_1181 = tpu.dynamic_gather %select_n3A[%gather3A_1180] in [0] : vector<16xf32>, vector<16xi32> -> vector<16xf32>
        %add3A_1182 = arith.constant 15 : i32
        %add3A_1183 = arith.addi %mul3A_790, %add3A_1182 : i32
        %get3A_1184 = arith.index_cast %add3A_1183 : i32 to index
        %get3A_1185 = arith.constant 0 : index
        %get3A_1186 = tpu.vector_load %arg8[%get3A_1184, %get3A_1185] {strides = array<i32>} : memref<208x32xi32, #tpu.memory_space<vmem>>, vector<16xi32>,
        %bitcast3A_1187 = vector.bitcast %get3A_1186 : vector<16xi32> to vector<32xbf16>
        %get3A_1188 = arith.index_cast %add3A_1183 : i32 to index
        %get3A_1189 = arith.constant 16 : index
        %get3A_1190 = tpu.vector_load %arg8[%get3A_1188, %get3A_1189] {strides = array<i32>} : memref<208x32xi32, #tpu.memory_space<vmem>>, vector<16xi32>,
        %bitcast3A_1191 = vector.bitcast %get3A_1190 : vector<16xi32> to vector<32xbf16>
        %unpack3A_1192 = tpu.unpack_subelements %bitcast3A_1187, 0 {pack_format = #tpu.pack_format<interleaved>} : vector<32xbf16> -> vector<16xf32>
        %unpack3A_1193 = tpu.unpack_subelements %bitcast3A_1187, 1 {pack_format = #tpu.pack_format<interleaved>} : vector<32xbf16> -> vector<16xf32>
        %unpack3A_1194 = tpu.unpack_subelements %bitcast3A_1191, 0 {pack_format = #tpu.pack_format<interleaved>} : vector<32xbf16> -> vector<16xf32>
        %unpack3A_1195 = tpu.unpack_subelements %bitcast3A_1191, 1 {pack_format = #tpu.pack_format<interleaved>} : vector<32xbf16> -> vector<16xf32>
        %mul3A_1196 = arith.mulf %gather3A_1181, %unpack3A_1192 : vector<16xf32>
        %add3A_1197 = arith.addf %add3A_1171, %mul3A_1196 : vector<16xf32>
        %mul3A_1198 = arith.mulf %gather3A_1181, %unpack3A_1193 : vector<16xf32>
        %add3A_1199 = arith.addf %add3A_1173, %mul3A_1198 : vector<16xf32>
        %mul3A_1200 = arith.mulf %gather3A_1181, %unpack3A_1194 : vector<16xf32>
        %add3A_1201 = arith.addf %add3A_1175, %mul3A_1200 : vector<16xf32>
        %mul3A_1202 = arith.mulf %gather3A_1181, %unpack3A_1195 : vector<16xf32>
        %add3A_1203 = arith.addf %add3A_1177, %mul3A_1202 : vector<16xf32>
        scf.yield %add3A_1197, %add3A_1199, %add3A_1201, %add3A_1203 : vector<16xf32>, vector<16xf32>, vector<16xf32>, vector<16xf32>
      }
      %scan3A_81 = arith.constant 13 : i32
      %mul3A_82 = arith.constant 64 : i32
      %mul3A_83 = arith.muli %add3A_61, %mul3A_82 : i32
      %add3A_84 = arith.constant 0 : i32
      %add3A_85 = arith.addi %mul3A_83, %add3A_84 : i32
      %multiple_of3A_86 = tpu.assume_multiple %add3A_85, 16 : i32
      %mul3A_87 = arith.constant 4.471500e-02 : f32
      %mul3A_88 = vector.broadcast %mul3A_87 : f32 to vector<16xf32>
      %mul3A_89 = arith.mulf %mul3A_88, %scan3A_80#0 : vector<16xf32>
      %mul3A_90 = arith.mulf %mul3A_89, %scan3A_80#0 : vector<16xf32>
      %mul3A_91 = arith.mulf %mul3A_90, %scan3A_80#0 : vector<16xf32>
      %add3A_92 = arith.addf %scan3A_80#0, %mul3A_91 : vector<16xf32>
      %mul3A_93 = arith.constant 0.797884583 : f32
      %mul3A_94 = vector.broadcast %mul3A_93 : f32 to vector<16xf32>
      %mul3A_95 = arith.mulf %mul3A_94, %add3A_92 : vector<16xf32>
      %mul3A_96 = arith.constant 2.000000e+00 : f32
      %mul3A_97 = vector.broadcast %mul3A_96 : f32 to vector<16xf32>
      %mul3A_98 = arith.mulf %mul3A_97, %mul3A_95 : vector<16xf32>
      %exp3A = math.exp %mul3A_98 : vector<16xf32>
      %add3A_99 = arith.constant 1.000000e+00 : f32
      %add3A_100 = vector.broadcast %add3A_99 : f32 to vector<16xf32>
      %add3A_101 = arith.addf %exp3A, %add3A_100 : vector<16xf32>
      %div3A = arith.constant 2.000000e+00 : f32
      %div3A_102 = vector.broadcast %div3A : f32 to vector<16xf32>
      %div3A_103 = arith.divf %div3A_102, %add3A_101 : vector<16xf32>
      %sub3A = arith.constant 1.000000e+00 : f32
      %sub3A_104 = vector.broadcast %sub3A : f32 to vector<16xf32>
      %sub3A_105 = arith.subf %sub3A_104, %div3A_103 : vector<16xf32>
      %mul3A_106 = arith.constant 5.000000e-01 : f32
      %mul3A_107 = vector.broadcast %mul3A_106 : f32 to vector<16xf32>
      %mul3A_108 = arith.mulf %mul3A_107, %scan3A_80#0 : vector<16xf32>
      %add3A_109 = arith.constant 1.000000e+00 : f32
      %add3A_110 = vector.broadcast %add3A_109 : f32 to vector<16xf32>
      %add3A_111 = arith.addf %add3A_110, %sub3A_105 : vector<16xf32>
      %mul3A_112 = arith.mulf %mul3A_108, %add3A_111 : vector<16xf32>
      %swap3A = arith.index_cast %multiple_of3A_86 : i32 to index
      %swap3A_113 = tpu.vector_load %arg12[%swap3A] {strides = array<i32>} : memref<8192xf32, #tpu.memory_space<vmem>>, vector<16xf32>,
      tpu.vector_store %arg12[%swap3A], %mul3A_112 {strides = array<i32>} : memref<8192xf32, #tpu.memory_space<vmem>>, vector<16xf32>,
      %mul3A_114 = arith.constant 64 : i32
      %mul3A_115 = arith.muli %add3A_61, %mul3A_114 : i32
      %add3A_116 = arith.constant 16 : i32
      %add3A_117 = arith.addi %mul3A_115, %add3A_116 : i32
      %multiple_of3A_118 = tpu.assume_multiple %add3A_117, 16 : i32
      %mul3A_119 = arith.constant 4.471500e-02 : f32
      %mul3A_120 = vector.broadcast %mul3A_119 : f32 to vector<16xf32>
      %mul3A_121 = arith.mulf %mul3A_120, %scan3A_80#1 : vector<16xf32>
      %mul3A_122 = arith.mulf %mul3A_121, %scan3A_80#1 : vector<16xf32>
      %mul3A_123 = arith.mulf %mul3A_122, %scan3A_80#1 : vector<16xf32>
      %add3A_124 = arith.addf %scan3A_80#1, %mul3A_123 : vector<16xf32>
      %mul3A_125 = arith.constant 0.797884583 : f32
      %mul3A_126 = vector.broadcast %mul3A_125 : f32 to vector<16xf32>
      %mul3A_127 = arith.mulf %mul3A_126, %add3A_124 : vector<16xf32>
      %mul3A_128 = arith.constant 2.000000e+00 : f32
      %mul3A_129 = vector.broadcast %mul3A_128 : f32 to vector<16xf32>
      %mul3A_130 = arith.mulf %mul3A_129, %mul3A_127 : vector<16xf32>
      %exp3A_131 = math.exp %mul3A_130 : vector<16xf32>
      %add3A_132 = arith.constant 1.000000e+00 : f32
      %add3A_133 = vector.broadcast %add3A_132 : f32 to vector<16xf32>
      %add3A_134 = arith.addf %exp3A_131, %add3A_133 : vector<16xf32>
      %div3A_135 = arith.constant 2.000000e+00 : f32
      %div3A_136 = vector.broadcast %div3A_135 : f32 to vector<16xf32>
      %div3A_137 = arith.divf %div3A_136, %add3A_134 : vector<16xf32>
      %sub3A_138 = arith.constant 1.000000e+00 : f32
      %sub3A_139 = vector.broadcast %sub3A_138 : f32 to vector<16xf32>
      %sub3A_140 = arith.subf %sub3A_139, %div3A_137 : vector<16xf32>
      %mul3A_141 = arith.constant 5.000000e-01 : f32
      %mul3A_142 = vector.broadcast %mul3A_141 : f32 to vector<16xf32>
      %mul3A_143 = arith.mulf %mul3A_142, %scan3A_80#1 : vector<16xf32>
      %add3A_144 = arith.constant 1.000000e+00 : f32
      %add3A_145 = vector.broadcast %add3A_144 : f32 to vector<16xf32>
      %add3A_146 = arith.addf %add3A_145, %sub3A_140 : vector<16xf32>
      %mul3A_147 = arith.mulf %mul3A_143, %add3A_146 : vector<16xf32>
      %swap3A_148 = arith.index_cast %multiple_of3A_118 : i32 to index
      %swap3A_149 = tpu.vector_load %arg12[%swap3A_148] {strides = array<i32>} : memref<8192xf32, #tpu.memory_space<vmem>>, vector<16xf32>,
      tpu.vector_store %arg12[%swap3A_148], %mul3A_147 {strides = array<i32>} : memref<8192xf32, #tpu.memory_space<vmem>>, vector<16xf32>,
      %mul3A_150 = arith.constant 64 : i32
      %mul3A_151 = arith.muli %add3A_61, %mul3A_150 : i32
      %add3A_152 = arith.constant 32 : i32
      %add3A_153 = arith.addi %mul3A_151, %add3A_152 : i32
      %multiple_of3A_154 = tpu.assume_multiple %add3A_153, 16 : i32
      %mul3A_155 = arith.constant 4.471500e-02 : f32
      %mul3A_156 = vector.broadcast %mul3A_155 : f32 to vector<16xf32>
      %mul3A_157 = arith.mulf %mul3A_156, %scan3A_80#2 : vector<16xf32>
      %mul3A_158 = arith.mulf %mul3A_157, %scan3A_80#2 : vector<16xf32>
      %mul3A_159 = arith.mulf %mul3A_158, %scan3A_80#2 : vector<16xf32>
      %add3A_160 = arith.addf %scan3A_80#2, %mul3A_159 : vector<16xf32>
      %mul3A_161 = arith.constant 0.797884583 : f32
      %mul3A_162 = vector.broadcast %mul3A_161 : f32 to vector<16xf32>
      %mul3A_163 = arith.mulf %mul3A_162, %add3A_160 : vector<16xf32>
      %mul3A_164 = arith.constant 2.000000e+00 : f32
      %mul3A_165 = vector.broadcast %mul3A_164 : f32 to vector<16xf32>
      %mul3A_166 = arith.mulf %mul3A_165, %mul3A_163 : vector<16xf32>
      %exp3A_167 = math.exp %mul3A_166 : vector<16xf32>
      %add3A_168 = arith.constant 1.000000e+00 : f32
      %add3A_169 = vector.broadcast %add3A_168 : f32 to vector<16xf32>
      %add3A_170 = arith.addf %exp3A_167, %add3A_169 : vector<16xf32>
      %div3A_171 = arith.constant 2.000000e+00 : f32
      %div3A_172 = vector.broadcast %div3A_171 : f32 to vector<16xf32>
      %div3A_173 = arith.divf %div3A_172, %add3A_170 : vector<16xf32>
      %sub3A_174 = arith.constant 1.000000e+00 : f32
      %sub3A_175 = vector.broadcast %sub3A_174 : f32 to vector<16xf32>
      %sub3A_176 = arith.subf %sub3A_175, %div3A_173 : vector<16xf32>
      %mul3A_177 = arith.constant 5.000000e-01 : f32
      %mul3A_178 = vector.broadcast %mul3A_177 : f32 to vector<16xf32>
      %mul3A_179 = arith.mulf %mul3A_178, %scan3A_80#2 : vector<16xf32>
      %add3A_180 = arith.constant 1.000000e+00 : f32
      %add3A_181 = vector.broadcast %add3A_180 : f32 to vector<16xf32>
      %add3A_182 = arith.addf %add3A_181, %sub3A_176 : vector<16xf32>
      %mul3A_183 = arith.mulf %mul3A_179, %add3A_182 : vector<16xf32>
      %swap3A_184 = arith.index_cast %multiple_of3A_154 : i32 to index
      %swap3A_185 = tpu.vector_load %arg12[%swap3A_184] {strides = array<i32>} : memref<8192xf32, #tpu.memory_space<vmem>>, vector<16xf32>,
      tpu.vector_store %arg12[%swap3A_184], %mul3A_183 {strides = array<i32>} : memref<8192xf32, #tpu.memory_space<vmem>>, vector<16xf32>,
      %mul3A_186 = arith.constant 64 : i32
      %mul3A_187 = arith.muli %add3A_61, %mul3A_186 : i32
      %add3A_188 = arith.constant 48 : i32
      %add3A_189 = arith.addi %mul3A_187, %add3A_188 : i32
      %multiple_of3A_190 = tpu.assume_multiple %add3A_189, 16 : i32
      %mul3A_191 = arith.constant 4.471500e-02 : f32
      %mul3A_192 = vector.broadcast %mul3A_191 : f32 to vector<16xf32>
      %mul3A_193 = arith.mulf %mul3A_192, %scan3A_80#3 : vector<16xf32>
      %mul3A_194 = arith.mulf %mul3A_193, %scan3A_80#3 : vector<16xf32>
      %mul3A_195 = arith.mulf %mul3A_194, %scan3A_80#3 : vector<16xf32>
      %add3A_196 = arith.addf %scan3A_80#3, %mul3A_195 : vector<16xf32>
      %mul3A_197 = arith.constant 0.797884583 : f32
      %mul3A_198 = vector.broadcast %mul3A_197 : f32 to vector<16xf32>
      %mul3A_199 = arith.mulf %mul3A_198, %add3A_196 : vector<16xf32>
      %mul3A_200 = arith.constant 2.000000e+00 : f32
      %mul3A_201 = vector.broadcast %mul3A_200 : f32 to vector<16xf32>
      %mul3A_202 = arith.mulf %mul3A_201, %mul3A_199 : vector<16xf32>
      %exp3A_203 = math.exp %mul3A_202 : vector<16xf32>
      %add3A_204 = arith.constant 1.000000e+00 : f32
      %add3A_205 = vector.broadcast %add3A_204 : f32 to vector<16xf32>
      %add3A_206 = arith.addf %exp3A_203, %add3A_205 : vector<16xf32>
      %div3A_207 = arith.constant 2.000000e+00 : f32
      %div3A_208 = vector.broadcast %div3A_207 : f32 to vector<16xf32>
      %div3A_209 = arith.divf %div3A_208, %add3A_206 : vector<16xf32>
      %sub3A_210 = arith.constant 1.000000e+00 : f32
      %sub3A_211 = vector.broadcast %sub3A_210 : f32 to vector<16xf32>
      %sub3A_212 = arith.subf %sub3A_211, %div3A_209 : vector<16xf32>
      %mul3A_213 = arith.constant 5.000000e-01 : f32
      %mul3A_214 = vector.broadcast %mul3A_213 : f32 to vector<16xf32>
      %mul3A_215 = arith.mulf %mul3A_214, %scan3A_80#3 : vector<16xf32>
      %add3A_216 = arith.constant 1.000000e+00 : f32
      %add3A_217 = vector.broadcast %add3A_216 : f32 to vector<16xf32>
      %add3A_218 = arith.addf %add3A_217, %sub3A_212 : vector<16xf32>
      %mul3A_219 = arith.mulf %mul3A_215, %add3A_218 : vector<16xf32>
      %swap3A_220 = arith.index_cast %multiple_of3A_190 : i32 to index
      %swap3A_221 = tpu.vector_load %arg12[%swap3A_220] {strides = array<i32>} : memref<8192xf32, #tpu.memory_space<vmem>>, vector<16xf32>,
      tpu.vector_store %arg12[%swap3A_220], %mul3A_219 {strides = array<i32>} : memref<8192xf32, #tpu.memory_space<vmem>>, vector<16xf32>,
      %add3A_222 = arith.constant 4 : i32
      %add3A_223 = arith.addi %add3A_61, %add3A_222 : i32
      %min3A = arith.constant 127 : i32
      %min3A_224 = arith.minsi %add3A_223, %min3A : i32
      %mul3A_225 = arith.constant 208 : i32
      %mul3A_226 = arith.muli %min3A_224, %mul3A_225 : i32
      %multiple_of3A_227 = tpu.assume_multiple %mul3A_226, 16 : i32
      %dma_start3A_228 = tpu.memref_slice %arg7[%multiple_of3A_227] : memref<26624xi32, #tpu.memory_space<vmem>> -> memref<208xi32, #tpu.memory_space<vmem>>
      %dma_start3A_229 = arith.constant 0 : i32
      %dma_start3A_230 = arith.constant 0 : i32
      %dma_start3A_231 = tpu.memref_slice %arg4[%dma_start3A_229, %dma_start3A_230] : memref<1000001x32xi32, #tpu.memory_space<hbm>> -> memref<1000001x32xi32, #tpu.memory_space<hbm>>
      tpu.enqueue_indirect_dma source(%dma_start3A_231 : memref<1000001x32xi32, #tpu.memory_space<hbm>>) target(%arg8 : memref<208x32xi32, #tpu.memory_space<vmem>>) offsets(%dma_start3A_228 : memref<208xi32, #tpu.memory_space<vmem>>) semaphore(%arg13 : memref<!tpu.dma_semaphore, #tpu.memory_space<semaphore_mem>>)
      %mul3A_232 = arith.constant 4 : i32
      %mul3A_233 = arith.muli %mul3A_232, %scan3A_57 : i32
      %add3A_234 = arith.constant 1 : i32
      %add3A_235 = arith.addi %mul3A_233, %add3A_234 : i32
      %mul3A_236 = arith.constant 208 : i32
      %mul3A_237 = arith.muli %add3A_235, %mul3A_236 : i32
      %multiple_of3A_238 = tpu.assume_multiple %mul3A_237, 16 : i32
      %dma_wait3A_239 = tpu.memref_slice %arg7[%multiple_of3A_238] : memref<26624xi32, #tpu.memory_space<vmem>> -> memref<208xi32, #tpu.memory_space<vmem>>
      %dma_wait3A_240 = arith.constant 0 : i32
      %dma_wait3A_241 = arith.constant 0 : i32
      %dma_wait3A_242 = tpu.memref_slice %arg4[%dma_wait3A_240, %dma_wait3A_241] : memref<1000001x32xi32, #tpu.memory_space<hbm>> -> memref<1000001x32xi32, #tpu.memory_space<hbm>>
      tpu.wait_indirect_dma semaphore(%arg14 : memref<!tpu.dma_semaphore, #tpu.memory_space<semaphore_mem>>) src(%dma_wait3A_242 : memref<1000001x32xi32, #tpu.memory_space<hbm>>) dst(%arg9 : memref<208x32xi32, #tpu.memory_space<vmem>>)
      %broadcast_in_dim3A_243 = arith.constant 0.000000e+00 : f32
      %broadcast_in_dim3A_244 = vector.broadcast %broadcast_in_dim3A_243 : f32 to vector<16xf32>
      %broadcast_in_dim3A_245 = arith.constant 0.000000e+00 : f32
      %broadcast_in_dim3A_246 = vector.broadcast %broadcast_in_dim3A_245 : f32 to vector<16xf32>
      %broadcast_in_dim3A_247 = arith.constant 0.000000e+00 : f32
      %broadcast_in_dim3A_248 = vector.broadcast %broadcast_in_dim3A_247 : f32 to vector<16xf32>
      %broadcast_in_dim3A_249 = arith.constant 0.000000e+00 : f32
      %broadcast_in_dim3A_250 = vector.broadcast %broadcast_in_dim3A_249 : f32 to vector<16xf32>
      %scan3A_251 = arith.constant 0 : i32
      %scan3A_252 = arith.constant 13 : i32
      %scan3A_253 = arith.addi %scan3A_251, %scan3A_252 : i32
      %scan3A_254 = arith.constant 1 : i32
      %scan3A_255:4 = scf.for %scan3A_772 = %scan3A_251 to %scan3A_253 step %scan3A_254 iter_args(%scan3A_773 = %broadcast_in_dim3A_244, %scan3A_774 = %broadcast_in_dim3A_246, %scan3A_775 = %broadcast_in_dim3A_248, %scan3A_776 = %broadcast_in_dim3A_250) -> (vector<16xf32>, vector<16xf32>, vector<16xf32>, vector<16xf32>)  : i32 {
        %mul3A_777 = arith.constant 208 : i32
        %mul3A_778 = arith.muli %add3A_235, %mul3A_777 : i32
        %mul3A_779 = arith.constant 16 : i32
        %mul3A_780 = arith.muli %scan3A_772, %mul3A_779 : i32
        %add3A_781 = arith.addi %mul3A_778, %mul3A_780 : i32
        %multiple_of3A_782 = tpu.assume_multiple %add3A_781, 16 : i32
        %get3A = arith.index_cast %multiple_of3A_782 : i32 to index
        %get3A_783 = tpu.vector_load %arg6[%get3A] {strides = array<i32>} : memref<26624xf32, #tpu.memory_space<vmem>>, vector<16xf32>,
        %get3A_784 = arith.index_cast %multiple_of3A_782 : i32 to index
        %get3A_785 = tpu.vector_load %arg7[%get3A_784] {strides = array<i32>} : memref<26624xi32, #tpu.memory_space<vmem>>, vector<16xi32>,
        %ne3A = arith.constant 0 : i32
        %ne3A_786 = vector.broadcast %ne3A : i32 to vector<16xi32>
        %ne3A_787 = arith.cmpi ne, %get3A_785, %ne3A_786 : vector<16xi32>
        %jit3A = arith.constant 0.000000e+00 : f32
        %broadcast_in_dim3A_788 = vector.broadcast %jit3A : f32 to vector<16xf32>
        %select_n3A = arith.select %ne3A_787, %get3A_783, %broadcast_in_dim3A_788 : vector<16xi1>, vector<16xf32>
        %mul3A_789 = arith.constant 16 : i32
        %mul3A_790 = arith.muli %scan3A_772, %mul3A_789 : i32
        %broadcast_in_dim3A_791 = arith.constant 0 : i32
        %broadcast_in_dim3A_792 = vector.broadcast %broadcast_in_dim3A_791 : i32 to vector<16x1xi32>
        %gather3A = vector.shape_cast %broadcast_in_dim3A_792 : vector<16x1xi32> to vector<16xi32>
        %gather3A_793 = tpu.dynamic_gather %select_n3A[%gather3A] in [0] : vector<16xf32>, vector<16xi32> -> vector<16xf32>
        %add3A_794 = arith.constant 0 : i32
        %add3A_795 = arith.addi %mul3A_790, %add3A_794 : i32
        %get3A_796 = arith.index_cast %add3A_795 : i32 to index
        %get3A_797 = arith.constant 0 : index
        %get3A_798 = tpu.vector_load %arg9[%get3A_796, %get3A_797] {strides = array<i32>} : memref<208x32xi32, #tpu.memory_space<vmem>>, vector<16xi32>,
        %bitcast3A = vector.bitcast %get3A_798 : vector<16xi32> to vector<32xbf16>
        %get3A_799 = arith.index_cast %add3A_795 : i32 to index
        %get3A_800 = arith.constant 16 : index
        %get3A_801 = tpu.vector_load %arg9[%get3A_799, %get3A_800] {strides = array<i32>} : memref<208x32xi32, #tpu.memory_space<vmem>>, vector<16xi32>,
        %bitcast3A_802 = vector.bitcast %get3A_801 : vector<16xi32> to vector<32xbf16>
        %unpack3A = tpu.unpack_subelements %bitcast3A, 0 {pack_format = #tpu.pack_format<interleaved>} : vector<32xbf16> -> vector<16xf32>
        %unpack3A_803 = tpu.unpack_subelements %bitcast3A, 1 {pack_format = #tpu.pack_format<interleaved>} : vector<32xbf16> -> vector<16xf32>
        %unpack3A_804 = tpu.unpack_subelements %bitcast3A_802, 0 {pack_format = #tpu.pack_format<interleaved>} : vector<32xbf16> -> vector<16xf32>
        %unpack3A_805 = tpu.unpack_subelements %bitcast3A_802, 1 {pack_format = #tpu.pack_format<interleaved>} : vector<32xbf16> -> vector<16xf32>
        %mul3A_806 = arith.mulf %gather3A_793, %unpack3A : vector<16xf32>
        %add3A_807 = arith.addf %scan3A_773, %mul3A_806 : vector<16xf32>
        %mul3A_808 = arith.mulf %gather3A_793, %unpack3A_803 : vector<16xf32>
        %add3A_809 = arith.addf %scan3A_774, %mul3A_808 : vector<16xf32>
        %mul3A_810 = arith.mulf %gather3A_793, %unpack3A_804 : vector<16xf32>
        %add3A_811 = arith.addf %scan3A_775, %mul3A_810 : vector<16xf32>
        %mul3A_812 = arith.mulf %gather3A_793, %unpack3A_805 : vector<16xf32>
        %add3A_813 = arith.addf %scan3A_776, %mul3A_812 : vector<16xf32>
        %broadcast_in_dim3A_814 = arith.constant 1 : i32
        %broadcast_in_dim3A_815 = vector.broadcast %broadcast_in_dim3A_814 : i32 to vector<16x1xi32>
        %gather3A_816 = vector.shape_cast %broadcast_in_dim3A_815 : vector<16x1xi32> to vector<16xi32>
        %gather3A_817 = tpu.dynamic_gather %select_n3A[%gather3A_816] in [0] : vector<16xf32>, vector<16xi32> -> vector<16xf32>
        %add3A_818 = arith.constant 1 : i32
        %add3A_819 = arith.addi %mul3A_790, %add3A_818 : i32
        %get3A_820 = arith.index_cast %add3A_819 : i32 to index
        %get3A_821 = arith.constant 0 : index
        %get3A_822 = tpu.vector_load %arg9[%get3A_820, %get3A_821] {strides = array<i32>} : memref<208x32xi32, #tpu.memory_space<vmem>>, vector<16xi32>,
        %bitcast3A_823 = vector.bitcast %get3A_822 : vector<16xi32> to vector<32xbf16>
        %get3A_824 = arith.index_cast %add3A_819 : i32 to index
        %get3A_825 = arith.constant 16 : index
        %get3A_826 = tpu.vector_load %arg9[%get3A_824, %get3A_825] {strides = array<i32>} : memref<208x32xi32, #tpu.memory_space<vmem>>, vector<16xi32>,
        %bitcast3A_827 = vector.bitcast %get3A_826 : vector<16xi32> to vector<32xbf16>
        %unpack3A_828 = tpu.unpack_subelements %bitcast3A_823, 0 {pack_format = #tpu.pack_format<interleaved>} : vector<32xbf16> -> vector<16xf32>
        %unpack3A_829 = tpu.unpack_subelements %bitcast3A_823, 1 {pack_format = #tpu.pack_format<interleaved>} : vector<32xbf16> -> vector<16xf32>
        %unpack3A_830 = tpu.unpack_subelements %bitcast3A_827, 0 {pack_format = #tpu.pack_format<interleaved>} : vector<32xbf16> -> vector<16xf32>
        %unpack3A_831 = tpu.unpack_subelements %bitcast3A_827, 1 {pack_format = #tpu.pack_format<interleaved>} : vector<32xbf16> -> vector<16xf32>
        %mul3A_832 = arith.mulf %gather3A_817, %unpack3A_828 : vector<16xf32>
        %add3A_833 = arith.addf %add3A_807, %mul3A_832 : vector<16xf32>
        %mul3A_834 = arith.mulf %gather3A_817, %unpack3A_829 : vector<16xf32>
        %add3A_835 = arith.addf %add3A_809, %mul3A_834 : vector<16xf32>
        %mul3A_836 = arith.mulf %gather3A_817, %unpack3A_830 : vector<16xf32>
        %add3A_837 = arith.addf %add3A_811, %mul3A_836 : vector<16xf32>
        %mul3A_838 = arith.mulf %gather3A_817, %unpack3A_831 : vector<16xf32>
        %add3A_839 = arith.addf %add3A_813, %mul3A_838 : vector<16xf32>
        %broadcast_in_dim3A_840 = arith.constant 2 : i32
        %broadcast_in_dim3A_841 = vector.broadcast %broadcast_in_dim3A_840 : i32 to vector<16x1xi32>
        %gather3A_842 = vector.shape_cast %broadcast_in_dim3A_841 : vector<16x1xi32> to vector<16xi32>
        %gather3A_843 = tpu.dynamic_gather %select_n3A[%gather3A_842] in [0] : vector<16xf32>, vector<16xi32> -> vector<16xf32>
        %add3A_844 = arith.constant 2 : i32
        %add3A_845 = arith.addi %mul3A_790, %add3A_844 : i32
        %get3A_846 = arith.index_cast %add3A_845 : i32 to index
        %get3A_847 = arith.constant 0 : index
        %get3A_848 = tpu.vector_load %arg9[%get3A_846, %get3A_847] {strides = array<i32>} : memref<208x32xi32, #tpu.memory_space<vmem>>, vector<16xi32>,
        %bitcast3A_849 = vector.bitcast %get3A_848 : vector<16xi32> to vector<32xbf16>
        %get3A_850 = arith.index_cast %add3A_845 : i32 to index
        %get3A_851 = arith.constant 16 : index
        %get3A_852 = tpu.vector_load %arg9[%get3A_850, %get3A_851] {strides = array<i32>} : memref<208x32xi32, #tpu.memory_space<vmem>>, vector<16xi32>,
        %bitcast3A_853 = vector.bitcast %get3A_852 : vector<16xi32> to vector<32xbf16>
        %unpack3A_854 = tpu.unpack_subelements %bitcast3A_849, 0 {pack_format = #tpu.pack_format<interleaved>} : vector<32xbf16> -> vector<16xf32>
        %unpack3A_855 = tpu.unpack_subelements %bitcast3A_849, 1 {pack_format = #tpu.pack_format<interleaved>} : vector<32xbf16> -> vector<16xf32>
        %unpack3A_856 = tpu.unpack_subelements %bitcast3A_853, 0 {pack_format = #tpu.pack_format<interleaved>} : vector<32xbf16> -> vector<16xf32>
        %unpack3A_857 = tpu.unpack_subelements %bitcast3A_853, 1 {pack_format = #tpu.pack_format<interleaved>} : vector<32xbf16> -> vector<16xf32>
        %mul3A_858 = arith.mulf %gather3A_843, %unpack3A_854 : vector<16xf32>
        %add3A_859 = arith.addf %add3A_833, %mul3A_858 : vector<16xf32>
        %mul3A_860 = arith.mulf %gather3A_843, %unpack3A_855 : vector<16xf32>
        %add3A_861 = arith.addf %add3A_835, %mul3A_860 : vector<16xf32>
        %mul3A_862 = arith.mulf %gather3A_843, %unpack3A_856 : vector<16xf32>
        %add3A_863 = arith.addf %add3A_837, %mul3A_862 : vector<16xf32>
        %mul3A_864 = arith.mulf %gather3A_843, %unpack3A_857 : vector<16xf32>
        %add3A_865 = arith.addf %add3A_839, %mul3A_864 : vector<16xf32>
        %broadcast_in_dim3A_866 = arith.constant 3 : i32
        %broadcast_in_dim3A_867 = vector.broadcast %broadcast_in_dim3A_866 : i32 to vector<16x1xi32>
        %gather3A_868 = vector.shape_cast %broadcast_in_dim3A_867 : vector<16x1xi32> to vector<16xi32>
        %gather3A_869 = tpu.dynamic_gather %select_n3A[%gather3A_868] in [0] : vector<16xf32>, vector<16xi32> -> vector<16xf32>
        %add3A_870 = arith.constant 3 : i32
        %add3A_871 = arith.addi %mul3A_790, %add3A_870 : i32
        %get3A_872 = arith.index_cast %add3A_871 : i32 to index
        %get3A_873 = arith.constant 0 : index
        %get3A_874 = tpu.vector_load %arg9[%get3A_872, %get3A_873] {strides = array<i32>} : memref<208x32xi32, #tpu.memory_space<vmem>>, vector<16xi32>,
        %bitcast3A_875 = vector.bitcast %get3A_874 : vector<16xi32> to vector<32xbf16>
        %get3A_876 = arith.index_cast %add3A_871 : i32 to index
        %get3A_877 = arith.constant 16 : index
        %get3A_878 = tpu.vector_load %arg9[%get3A_876, %get3A_877] {strides = array<i32>} : memref<208x32xi32, #tpu.memory_space<vmem>>, vector<16xi32>,
        %bitcast3A_879 = vector.bitcast %get3A_878 : vector<16xi32> to vector<32xbf16>
        %unpack3A_880 = tpu.unpack_subelements %bitcast3A_875, 0 {pack_format = #tpu.pack_format<interleaved>} : vector<32xbf16> -> vector<16xf32>
        %unpack3A_881 = tpu.unpack_subelements %bitcast3A_875, 1 {pack_format = #tpu.pack_format<interleaved>} : vector<32xbf16> -> vector<16xf32>
        %unpack3A_882 = tpu.unpack_subelements %bitcast3A_879, 0 {pack_format = #tpu.pack_format<interleaved>} : vector<32xbf16> -> vector<16xf32>
        %unpack3A_883 = tpu.unpack_subelements %bitcast3A_879, 1 {pack_format = #tpu.pack_format<interleaved>} : vector<32xbf16> -> vector<16xf32>
        %mul3A_884 = arith.mulf %gather3A_869, %unpack3A_880 : vector<16xf32>
        %add3A_885 = arith.addf %add3A_859, %mul3A_884 : vector<16xf32>
        %mul3A_886 = arith.mulf %gather3A_869, %unpack3A_881 : vector<16xf32>
        %add3A_887 = arith.addf %add3A_861, %mul3A_886 : vector<16xf32>
        %mul3A_888 = arith.mulf %gather3A_869, %unpack3A_882 : vector<16xf32>
        %add3A_889 = arith.addf %add3A_863, %mul3A_888 : vector<16xf32>
        %mul3A_890 = arith.mulf %gather3A_869, %unpack3A_883 : vector<16xf32>
        %add3A_891 = arith.addf %add3A_865, %mul3A_890 : vector<16xf32>
        %broadcast_in_dim3A_892 = arith.constant 4 : i32
        %broadcast_in_dim3A_893 = vector.broadcast %broadcast_in_dim3A_892 : i32 to vector<16x1xi32>
        %gather3A_894 = vector.shape_cast %broadcast_in_dim3A_893 : vector<16x1xi32> to vector<16xi32>
        %gather3A_895 = tpu.dynamic_gather %select_n3A[%gather3A_894] in [0] : vector<16xf32>, vector<16xi32> -> vector<16xf32>
        %add3A_896 = arith.constant 4 : i32
        %add3A_897 = arith.addi %mul3A_790, %add3A_896 : i32
        %get3A_898 = arith.index_cast %add3A_897 : i32 to index
        %get3A_899 = arith.constant 0 : index
        %get3A_900 = tpu.vector_load %arg9[%get3A_898, %get3A_899] {strides = array<i32>} : memref<208x32xi32, #tpu.memory_space<vmem>>, vector<16xi32>,
        %bitcast3A_901 = vector.bitcast %get3A_900 : vector<16xi32> to vector<32xbf16>
        %get3A_902 = arith.index_cast %add3A_897 : i32 to index
        %get3A_903 = arith.constant 16 : index
        %get3A_904 = tpu.vector_load %arg9[%get3A_902, %get3A_903] {strides = array<i32>} : memref<208x32xi32, #tpu.memory_space<vmem>>, vector<16xi32>,
        %bitcast3A_905 = vector.bitcast %get3A_904 : vector<16xi32> to vector<32xbf16>
        %unpack3A_906 = tpu.unpack_subelements %bitcast3A_901, 0 {pack_format = #tpu.pack_format<interleaved>} : vector<32xbf16> -> vector<16xf32>
        %unpack3A_907 = tpu.unpack_subelements %bitcast3A_901, 1 {pack_format = #tpu.pack_format<interleaved>} : vector<32xbf16> -> vector<16xf32>
        %unpack3A_908 = tpu.unpack_subelements %bitcast3A_905, 0 {pack_format = #tpu.pack_format<interleaved>} : vector<32xbf16> -> vector<16xf32>
        %unpack3A_909 = tpu.unpack_subelements %bitcast3A_905, 1 {pack_format = #tpu.pack_format<interleaved>} : vector<32xbf16> -> vector<16xf32>
        %mul3A_910 = arith.mulf %gather3A_895, %unpack3A_906 : vector<16xf32>
        %add3A_911 = arith.addf %add3A_885, %mul3A_910 : vector<16xf32>
        %mul3A_912 = arith.mulf %gather3A_895, %unpack3A_907 : vector<16xf32>
        %add3A_913 = arith.addf %add3A_887, %mul3A_912 : vector<16xf32>
        %mul3A_914 = arith.mulf %gather3A_895, %unpack3A_908 : vector<16xf32>
        %add3A_915 = arith.addf %add3A_889, %mul3A_914 : vector<16xf32>
        %mul3A_916 = arith.mulf %gather3A_895, %unpack3A_909 : vector<16xf32>
        %add3A_917 = arith.addf %add3A_891, %mul3A_916 : vector<16xf32>
        %broadcast_in_dim3A_918 = arith.constant 5 : i32
        %broadcast_in_dim3A_919 = vector.broadcast %broadcast_in_dim3A_918 : i32 to vector<16x1xi32>
        %gather3A_920 = vector.shape_cast %broadcast_in_dim3A_919 : vector<16x1xi32> to vector<16xi32>
        %gather3A_921 = tpu.dynamic_gather %select_n3A[%gather3A_920] in [0] : vector<16xf32>, vector<16xi32> -> vector<16xf32>
        %add3A_922 = arith.constant 5 : i32
        %add3A_923 = arith.addi %mul3A_790, %add3A_922 : i32
        %get3A_924 = arith.index_cast %add3A_923 : i32 to index
        %get3A_925 = arith.constant 0 : index
        %get3A_926 = tpu.vector_load %arg9[%get3A_924, %get3A_925] {strides = array<i32>} : memref<208x32xi32, #tpu.memory_space<vmem>>, vector<16xi32>,
        %bitcast3A_927 = vector.bitcast %get3A_926 : vector<16xi32> to vector<32xbf16>
        %get3A_928 = arith.index_cast %add3A_923 : i32 to index
        %get3A_929 = arith.constant 16 : index
        %get3A_930 = tpu.vector_load %arg9[%get3A_928, %get3A_929] {strides = array<i32>} : memref<208x32xi32, #tpu.memory_space<vmem>>, vector<16xi32>,
        %bitcast3A_931 = vector.bitcast %get3A_930 : vector<16xi32> to vector<32xbf16>
        %unpack3A_932 = tpu.unpack_subelements %bitcast3A_927, 0 {pack_format = #tpu.pack_format<interleaved>} : vector<32xbf16> -> vector<16xf32>
        %unpack3A_933 = tpu.unpack_subelements %bitcast3A_927, 1 {pack_format = #tpu.pack_format<interleaved>} : vector<32xbf16> -> vector<16xf32>
        %unpack3A_934 = tpu.unpack_subelements %bitcast3A_931, 0 {pack_format = #tpu.pack_format<interleaved>} : vector<32xbf16> -> vector<16xf32>
        %unpack3A_935 = tpu.unpack_subelements %bitcast3A_931, 1 {pack_format = #tpu.pack_format<interleaved>} : vector<32xbf16> -> vector<16xf32>
        %mul3A_936 = arith.mulf %gather3A_921, %unpack3A_932 : vector<16xf32>
        %add3A_937 = arith.addf %add3A_911, %mul3A_936 : vector<16xf32>
        %mul3A_938 = arith.mulf %gather3A_921, %unpack3A_933 : vector<16xf32>
        %add3A_939 = arith.addf %add3A_913, %mul3A_938 : vector<16xf32>
        %mul3A_940 = arith.mulf %gather3A_921, %unpack3A_934 : vector<16xf32>
        %add3A_941 = arith.addf %add3A_915, %mul3A_940 : vector<16xf32>
        %mul3A_942 = arith.mulf %gather3A_921, %unpack3A_935 : vector<16xf32>
        %add3A_943 = arith.addf %add3A_917, %mul3A_942 : vector<16xf32>
        %broadcast_in_dim3A_944 = arith.constant 6 : i32
        %broadcast_in_dim3A_945 = vector.broadcast %broadcast_in_dim3A_944 : i32 to vector<16x1xi32>
        %gather3A_946 = vector.shape_cast %broadcast_in_dim3A_945 : vector<16x1xi32> to vector<16xi32>
        %gather3A_947 = tpu.dynamic_gather %select_n3A[%gather3A_946] in [0] : vector<16xf32>, vector<16xi32> -> vector<16xf32>
        %add3A_948 = arith.constant 6 : i32
        %add3A_949 = arith.addi %mul3A_790, %add3A_948 : i32
        %get3A_950 = arith.index_cast %add3A_949 : i32 to index
        %get3A_951 = arith.constant 0 : index
        %get3A_952 = tpu.vector_load %arg9[%get3A_950, %get3A_951] {strides = array<i32>} : memref<208x32xi32, #tpu.memory_space<vmem>>, vector<16xi32>,
        %bitcast3A_953 = vector.bitcast %get3A_952 : vector<16xi32> to vector<32xbf16>
        %get3A_954 = arith.index_cast %add3A_949 : i32 to index
        %get3A_955 = arith.constant 16 : index
        %get3A_956 = tpu.vector_load %arg9[%get3A_954, %get3A_955] {strides = array<i32>} : memref<208x32xi32, #tpu.memory_space<vmem>>, vector<16xi32>,
        %bitcast3A_957 = vector.bitcast %get3A_956 : vector<16xi32> to vector<32xbf16>
        %unpack3A_958 = tpu.unpack_subelements %bitcast3A_953, 0 {pack_format = #tpu.pack_format<interleaved>} : vector<32xbf16> -> vector<16xf32>
        %unpack3A_959 = tpu.unpack_subelements %bitcast3A_953, 1 {pack_format = #tpu.pack_format<interleaved>} : vector<32xbf16> -> vector<16xf32>
        %unpack3A_960 = tpu.unpack_subelements %bitcast3A_957, 0 {pack_format = #tpu.pack_format<interleaved>} : vector<32xbf16> -> vector<16xf32>
        %unpack3A_961 = tpu.unpack_subelements %bitcast3A_957, 1 {pack_format = #tpu.pack_format<interleaved>} : vector<32xbf16> -> vector<16xf32>
        %mul3A_962 = arith.mulf %gather3A_947, %unpack3A_958 : vector<16xf32>
        %add3A_963 = arith.addf %add3A_937, %mul3A_962 : vector<16xf32>
        %mul3A_964 = arith.mulf %gather3A_947, %unpack3A_959 : vector<16xf32>
        %add3A_965 = arith.addf %add3A_939, %mul3A_964 : vector<16xf32>
        %mul3A_966 = arith.mulf %gather3A_947, %unpack3A_960 : vector<16xf32>
        %add3A_967 = arith.addf %add3A_941, %mul3A_966 : vector<16xf32>
        %mul3A_968 = arith.mulf %gather3A_947, %unpack3A_961 : vector<16xf32>
        %add3A_969 = arith.addf %add3A_943, %mul3A_968 : vector<16xf32>
        %broadcast_in_dim3A_970 = arith.constant 7 : i32
        %broadcast_in_dim3A_971 = vector.broadcast %broadcast_in_dim3A_970 : i32 to vector<16x1xi32>
        %gather3A_972 = vector.shape_cast %broadcast_in_dim3A_971 : vector<16x1xi32> to vector<16xi32>
        %gather3A_973 = tpu.dynamic_gather %select_n3A[%gather3A_972] in [0] : vector<16xf32>, vector<16xi32> -> vector<16xf32>
        %add3A_974 = arith.constant 7 : i32
        %add3A_975 = arith.addi %mul3A_790, %add3A_974 : i32
        %get3A_976 = arith.index_cast %add3A_975 : i32 to index
        %get3A_977 = arith.constant 0 : index
        %get3A_978 = tpu.vector_load %arg9[%get3A_976, %get3A_977] {strides = array<i32>} : memref<208x32xi32, #tpu.memory_space<vmem>>, vector<16xi32>,
        %bitcast3A_979 = vector.bitcast %get3A_978 : vector<16xi32> to vector<32xbf16>
        %get3A_980 = arith.index_cast %add3A_975 : i32 to index
        %get3A_981 = arith.constant 16 : index
        %get3A_982 = tpu.vector_load %arg9[%get3A_980, %get3A_981] {strides = array<i32>} : memref<208x32xi32, #tpu.memory_space<vmem>>, vector<16xi32>,
        %bitcast3A_983 = vector.bitcast %get3A_982 : vector<16xi32> to vector<32xbf16>
        %unpack3A_984 = tpu.unpack_subelements %bitcast3A_979, 0 {pack_format = #tpu.pack_format<interleaved>} : vector<32xbf16> -> vector<16xf32>
        %unpack3A_985 = tpu.unpack_subelements %bitcast3A_979, 1 {pack_format = #tpu.pack_format<interleaved>} : vector<32xbf16> -> vector<16xf32>
        %unpack3A_986 = tpu.unpack_subelements %bitcast3A_983, 0 {pack_format = #tpu.pack_format<interleaved>} : vector<32xbf16> -> vector<16xf32>
        %unpack3A_987 = tpu.unpack_subelements %bitcast3A_983, 1 {pack_format = #tpu.pack_format<interleaved>} : vector<32xbf16> -> vector<16xf32>
        %mul3A_988 = arith.mulf %gather3A_973, %unpack3A_984 : vector<16xf32>
        %add3A_989 = arith.addf %add3A_963, %mul3A_988 : vector<16xf32>
        %mul3A_990 = arith.mulf %gather3A_973, %unpack3A_985 : vector<16xf32>
        %add3A_991 = arith.addf %add3A_965, %mul3A_990 : vector<16xf32>
        %mul3A_992 = arith.mulf %gather3A_973, %unpack3A_986 : vector<16xf32>
        %add3A_993 = arith.addf %add3A_967, %mul3A_992 : vector<16xf32>
        %mul3A_994 = arith.mulf %gather3A_973, %unpack3A_987 : vector<16xf32>
        %add3A_995 = arith.addf %add3A_969, %mul3A_994 : vector<16xf32>
        %broadcast_in_dim3A_996 = arith.constant 8 : i32
        %broadcast_in_dim3A_997 = vector.broadcast %broadcast_in_dim3A_996 : i32 to vector<16x1xi32>
        %gather3A_998 = vector.shape_cast %broadcast_in_dim3A_997 : vector<16x1xi32> to vector<16xi32>
        %gather3A_999 = tpu.dynamic_gather %select_n3A[%gather3A_998] in [0] : vector<16xf32>, vector<16xi32> -> vector<16xf32>
        %add3A_1000 = arith.constant 8 : i32
        %add3A_1001 = arith.addi %mul3A_790, %add3A_1000 : i32
        %get3A_1002 = arith.index_cast %add3A_1001 : i32 to index
        %get3A_1003 = arith.constant 0 : index
        %get3A_1004 = tpu.vector_load %arg9[%get3A_1002, %get3A_1003] {strides = array<i32>} : memref<208x32xi32, #tpu.memory_space<vmem>>, vector<16xi32>,
        %bitcast3A_1005 = vector.bitcast %get3A_1004 : vector<16xi32> to vector<32xbf16>
        %get3A_1006 = arith.index_cast %add3A_1001 : i32 to index
        %get3A_1007 = arith.constant 16 : index
        %get3A_1008 = tpu.vector_load %arg9[%get3A_1006, %get3A_1007] {strides = array<i32>} : memref<208x32xi32, #tpu.memory_space<vmem>>, vector<16xi32>,
        %bitcast3A_1009 = vector.bitcast %get3A_1008 : vector<16xi32> to vector<32xbf16>
        %unpack3A_1010 = tpu.unpack_subelements %bitcast3A_1005, 0 {pack_format = #tpu.pack_format<interleaved>} : vector<32xbf16> -> vector<16xf32>
        %unpack3A_1011 = tpu.unpack_subelements %bitcast3A_1005, 1 {pack_format = #tpu.pack_format<interleaved>} : vector<32xbf16> -> vector<16xf32>
        %unpack3A_1012 = tpu.unpack_subelements %bitcast3A_1009, 0 {pack_format = #tpu.pack_format<interleaved>} : vector<32xbf16> -> vector<16xf32>
        %unpack3A_1013 = tpu.unpack_subelements %bitcast3A_1009, 1 {pack_format = #tpu.pack_format<interleaved>} : vector<32xbf16> -> vector<16xf32>
        %mul3A_1014 = arith.mulf %gather3A_999, %unpack3A_1010 : vector<16xf32>
        %add3A_1015 = arith.addf %add3A_989, %mul3A_1014 : vector<16xf32>
        %mul3A_1016 = arith.mulf %gather3A_999, %unpack3A_1011 : vector<16xf32>
        %add3A_1017 = arith.addf %add3A_991, %mul3A_1016 : vector<16xf32>
        %mul3A_1018 = arith.mulf %gather3A_999, %unpack3A_1012 : vector<16xf32>
        %add3A_1019 = arith.addf %add3A_993, %mul3A_1018 : vector<16xf32>
        %mul3A_1020 = arith.mulf %gather3A_999, %unpack3A_1013 : vector<16xf32>
        %add3A_1021 = arith.addf %add3A_995, %mul3A_1020 : vector<16xf32>
        %broadcast_in_dim3A_1022 = arith.constant 9 : i32
        %broadcast_in_dim3A_1023 = vector.broadcast %broadcast_in_dim3A_1022 : i32 to vector<16x1xi32>
        %gather3A_1024 = vector.shape_cast %broadcast_in_dim3A_1023 : vector<16x1xi32> to vector<16xi32>
        %gather3A_1025 = tpu.dynamic_gather %select_n3A[%gather3A_1024] in [0] : vector<16xf32>, vector<16xi32> -> vector<16xf32>
        %add3A_1026 = arith.constant 9 : i32
        %add3A_1027 = arith.addi %mul3A_790, %add3A_1026 : i32
        %get3A_1028 = arith.index_cast %add3A_1027 : i32 to index
        %get3A_1029 = arith.constant 0 : index
        %get3A_1030 = tpu.vector_load %arg9[%get3A_1028, %get3A_1029] {strides = array<i32>} : memref<208x32xi32, #tpu.memory_space<vmem>>, vector<16xi32>,
        %bitcast3A_1031 = vector.bitcast %get3A_1030 : vector<16xi32> to vector<32xbf16>
        %get3A_1032 = arith.index_cast %add3A_1027 : i32 to index
        %get3A_1033 = arith.constant 16 : index
        %get3A_1034 = tpu.vector_load %arg9[%get3A_1032, %get3A_1033] {strides = array<i32>} : memref<208x32xi32, #tpu.memory_space<vmem>>, vector<16xi32>,
        %bitcast3A_1035 = vector.bitcast %get3A_1034 : vector<16xi32> to vector<32xbf16>
        %unpack3A_1036 = tpu.unpack_subelements %bitcast3A_1031, 0 {pack_format = #tpu.pack_format<interleaved>} : vector<32xbf16> -> vector<16xf32>
        %unpack3A_1037 = tpu.unpack_subelements %bitcast3A_1031, 1 {pack_format = #tpu.pack_format<interleaved>} : vector<32xbf16> -> vector<16xf32>
        %unpack3A_1038 = tpu.unpack_subelements %bitcast3A_1035, 0 {pack_format = #tpu.pack_format<interleaved>} : vector<32xbf16> -> vector<16xf32>
        %unpack3A_1039 = tpu.unpack_subelements %bitcast3A_1035, 1 {pack_format = #tpu.pack_format<interleaved>} : vector<32xbf16> -> vector<16xf32>
        %mul3A_1040 = arith.mulf %gather3A_1025, %unpack3A_1036 : vector<16xf32>
        %add3A_1041 = arith.addf %add3A_1015, %mul3A_1040 : vector<16xf32>
        %mul3A_1042 = arith.mulf %gather3A_1025, %unpack3A_1037 : vector<16xf32>
        %add3A_1043 = arith.addf %add3A_1017, %mul3A_1042 : vector<16xf32>
        %mul3A_1044 = arith.mulf %gather3A_1025, %unpack3A_1038 : vector<16xf32>
        %add3A_1045 = arith.addf %add3A_1019, %mul3A_1044 : vector<16xf32>
        %mul3A_1046 = arith.mulf %gather3A_1025, %unpack3A_1039 : vector<16xf32>
        %add3A_1047 = arith.addf %add3A_1021, %mul3A_1046 : vector<16xf32>
        %broadcast_in_dim3A_1048 = arith.constant 10 : i32
        %broadcast_in_dim3A_1049 = vector.broadcast %broadcast_in_dim3A_1048 : i32 to vector<16x1xi32>
        %gather3A_1050 = vector.shape_cast %broadcast_in_dim3A_1049 : vector<16x1xi32> to vector<16xi32>
        %gather3A_1051 = tpu.dynamic_gather %select_n3A[%gather3A_1050] in [0] : vector<16xf32>, vector<16xi32> -> vector<16xf32>
        %add3A_1052 = arith.constant 10 : i32
        %add3A_1053 = arith.addi %mul3A_790, %add3A_1052 : i32
        %get3A_1054 = arith.index_cast %add3A_1053 : i32 to index
        %get3A_1055 = arith.constant 0 : index
        %get3A_1056 = tpu.vector_load %arg9[%get3A_1054, %get3A_1055] {strides = array<i32>} : memref<208x32xi32, #tpu.memory_space<vmem>>, vector<16xi32>,
        %bitcast3A_1057 = vector.bitcast %get3A_1056 : vector<16xi32> to vector<32xbf16>
        %get3A_1058 = arith.index_cast %add3A_1053 : i32 to index
        %get3A_1059 = arith.constant 16 : index
        %get3A_1060 = tpu.vector_load %arg9[%get3A_1058, %get3A_1059] {strides = array<i32>} : memref<208x32xi32, #tpu.memory_space<vmem>>, vector<16xi32>,
        %bitcast3A_1061 = vector.bitcast %get3A_1060 : vector<16xi32> to vector<32xbf16>
        %unpack3A_1062 = tpu.unpack_subelements %bitcast3A_1057, 0 {pack_format = #tpu.pack_format<interleaved>} : vector<32xbf16> -> vector<16xf32>
        %unpack3A_1063 = tpu.unpack_subelements %bitcast3A_1057, 1 {pack_format = #tpu.pack_format<interleaved>} : vector<32xbf16> -> vector<16xf32>
        %unpack3A_1064 = tpu.unpack_subelements %bitcast3A_1061, 0 {pack_format = #tpu.pack_format<interleaved>} : vector<32xbf16> -> vector<16xf32>
        %unpack3A_1065 = tpu.unpack_subelements %bitcast3A_1061, 1 {pack_format = #tpu.pack_format<interleaved>} : vector<32xbf16> -> vector<16xf32>
        %mul3A_1066 = arith.mulf %gather3A_1051, %unpack3A_1062 : vector<16xf32>
        %add3A_1067 = arith.addf %add3A_1041, %mul3A_1066 : vector<16xf32>
        %mul3A_1068 = arith.mulf %gather3A_1051, %unpack3A_1063 : vector<16xf32>
        %add3A_1069 = arith.addf %add3A_1043, %mul3A_1068 : vector<16xf32>
        %mul3A_1070 = arith.mulf %gather3A_1051, %unpack3A_1064 : vector<16xf32>
        %add3A_1071 = arith.addf %add3A_1045, %mul3A_1070 : vector<16xf32>
        %mul3A_1072 = arith.mulf %gather3A_1051, %unpack3A_1065 : vector<16xf32>
        %add3A_1073 = arith.addf %add3A_1047, %mul3A_1072 : vector<16xf32>
        %broadcast_in_dim3A_1074 = arith.constant 11 : i32
        %broadcast_in_dim3A_1075 = vector.broadcast %broadcast_in_dim3A_1074 : i32 to vector<16x1xi32>
        %gather3A_1076 = vector.shape_cast %broadcast_in_dim3A_1075 : vector<16x1xi32> to vector<16xi32>
        %gather3A_1077 = tpu.dynamic_gather %select_n3A[%gather3A_1076] in [0] : vector<16xf32>, vector<16xi32> -> vector<16xf32>
        %add3A_1078 = arith.constant 11 : i32
        %add3A_1079 = arith.addi %mul3A_790, %add3A_1078 : i32
        %get3A_1080 = arith.index_cast %add3A_1079 : i32 to index
        %get3A_1081 = arith.constant 0 : index
        %get3A_1082 = tpu.vector_load %arg9[%get3A_1080, %get3A_1081] {strides = array<i32>} : memref<208x32xi32, #tpu.memory_space<vmem>>, vector<16xi32>,
        %bitcast3A_1083 = vector.bitcast %get3A_1082 : vector<16xi32> to vector<32xbf16>
        %get3A_1084 = arith.index_cast %add3A_1079 : i32 to index
        %get3A_1085 = arith.constant 16 : index
        %get3A_1086 = tpu.vector_load %arg9[%get3A_1084, %get3A_1085] {strides = array<i32>} : memref<208x32xi32, #tpu.memory_space<vmem>>, vector<16xi32>,
        %bitcast3A_1087 = vector.bitcast %get3A_1086 : vector<16xi32> to vector<32xbf16>
        %unpack3A_1088 = tpu.unpack_subelements %bitcast3A_1083, 0 {pack_format = #tpu.pack_format<interleaved>} : vector<32xbf16> -> vector<16xf32>
        %unpack3A_1089 = tpu.unpack_subelements %bitcast3A_1083, 1 {pack_format = #tpu.pack_format<interleaved>} : vector<32xbf16> -> vector<16xf32>
        %unpack3A_1090 = tpu.unpack_subelements %bitcast3A_1087, 0 {pack_format = #tpu.pack_format<interleaved>} : vector<32xbf16> -> vector<16xf32>
        %unpack3A_1091 = tpu.unpack_subelements %bitcast3A_1087, 1 {pack_format = #tpu.pack_format<interleaved>} : vector<32xbf16> -> vector<16xf32>
        %mul3A_1092 = arith.mulf %gather3A_1077, %unpack3A_1088 : vector<16xf32>
        %add3A_1093 = arith.addf %add3A_1067, %mul3A_1092 : vector<16xf32>
        %mul3A_1094 = arith.mulf %gather3A_1077, %unpack3A_1089 : vector<16xf32>
        %add3A_1095 = arith.addf %add3A_1069, %mul3A_1094 : vector<16xf32>
        %mul3A_1096 = arith.mulf %gather3A_1077, %unpack3A_1090 : vector<16xf32>
        %add3A_1097 = arith.addf %add3A_1071, %mul3A_1096 : vector<16xf32>
        %mul3A_1098 = arith.mulf %gather3A_1077, %unpack3A_1091 : vector<16xf32>
        %add3A_1099 = arith.addf %add3A_1073, %mul3A_1098 : vector<16xf32>
        %broadcast_in_dim3A_1100 = arith.constant 12 : i32
        %broadcast_in_dim3A_1101 = vector.broadcast %broadcast_in_dim3A_1100 : i32 to vector<16x1xi32>
        %gather3A_1102 = vector.shape_cast %broadcast_in_dim3A_1101 : vector<16x1xi32> to vector<16xi32>
        %gather3A_1103 = tpu.dynamic_gather %select_n3A[%gather3A_1102] in [0] : vector<16xf32>, vector<16xi32> -> vector<16xf32>
        %add3A_1104 = arith.constant 12 : i32
        %add3A_1105 = arith.addi %mul3A_790, %add3A_1104 : i32
        %get3A_1106 = arith.index_cast %add3A_1105 : i32 to index
        %get3A_1107 = arith.constant 0 : index
        %get3A_1108 = tpu.vector_load %arg9[%get3A_1106, %get3A_1107] {strides = array<i32>} : memref<208x32xi32, #tpu.memory_space<vmem>>, vector<16xi32>,
        %bitcast3A_1109 = vector.bitcast %get3A_1108 : vector<16xi32> to vector<32xbf16>
        %get3A_1110 = arith.index_cast %add3A_1105 : i32 to index
        %get3A_1111 = arith.constant 16 : index
        %get3A_1112 = tpu.vector_load %arg9[%get3A_1110, %get3A_1111] {strides = array<i32>} : memref<208x32xi32, #tpu.memory_space<vmem>>, vector<16xi32>,
        %bitcast3A_1113 = vector.bitcast %get3A_1112 : vector<16xi32> to vector<32xbf16>
        %unpack3A_1114 = tpu.unpack_subelements %bitcast3A_1109, 0 {pack_format = #tpu.pack_format<interleaved>} : vector<32xbf16> -> vector<16xf32>
        %unpack3A_1115 = tpu.unpack_subelements %bitcast3A_1109, 1 {pack_format = #tpu.pack_format<interleaved>} : vector<32xbf16> -> vector<16xf32>
        %unpack3A_1116 = tpu.unpack_subelements %bitcast3A_1113, 0 {pack_format = #tpu.pack_format<interleaved>} : vector<32xbf16> -> vector<16xf32>
        %unpack3A_1117 = tpu.unpack_subelements %bitcast3A_1113, 1 {pack_format = #tpu.pack_format<interleaved>} : vector<32xbf16> -> vector<16xf32>
        %mul3A_1118 = arith.mulf %gather3A_1103, %unpack3A_1114 : vector<16xf32>
        %add3A_1119 = arith.addf %add3A_1093, %mul3A_1118 : vector<16xf32>
        %mul3A_1120 = arith.mulf %gather3A_1103, %unpack3A_1115 : vector<16xf32>
        %add3A_1121 = arith.addf %add3A_1095, %mul3A_1120 : vector<16xf32>
        %mul3A_1122 = arith.mulf %gather3A_1103, %unpack3A_1116 : vector<16xf32>
        %add3A_1123 = arith.addf %add3A_1097, %mul3A_1122 : vector<16xf32>
        %mul3A_1124 = arith.mulf %gather3A_1103, %unpack3A_1117 : vector<16xf32>
        %add3A_1125 = arith.addf %add3A_1099, %mul3A_1124 : vector<16xf32>
        %broadcast_in_dim3A_1126 = arith.constant 13 : i32
        %broadcast_in_dim3A_1127 = vector.broadcast %broadcast_in_dim3A_1126 : i32 to vector<16x1xi32>
        %gather3A_1128 = vector.shape_cast %broadcast_in_dim3A_1127 : vector<16x1xi32> to vector<16xi32>
        %gather3A_1129 = tpu.dynamic_gather %select_n3A[%gather3A_1128] in [0] : vector<16xf32>, vector<16xi32> -> vector<16xf32>
        %add3A_1130 = arith.constant 13 : i32
        %add3A_1131 = arith.addi %mul3A_790, %add3A_1130 : i32
        %get3A_1132 = arith.index_cast %add3A_1131 : i32 to index
        %get3A_1133 = arith.constant 0 : index
        %get3A_1134 = tpu.vector_load %arg9[%get3A_1132, %get3A_1133] {strides = array<i32>} : memref<208x32xi32, #tpu.memory_space<vmem>>, vector<16xi32>,
        %bitcast3A_1135 = vector.bitcast %get3A_1134 : vector<16xi32> to vector<32xbf16>
        %get3A_1136 = arith.index_cast %add3A_1131 : i32 to index
        %get3A_1137 = arith.constant 16 : index
        %get3A_1138 = tpu.vector_load %arg9[%get3A_1136, %get3A_1137] {strides = array<i32>} : memref<208x32xi32, #tpu.memory_space<vmem>>, vector<16xi32>,
        %bitcast3A_1139 = vector.bitcast %get3A_1138 : vector<16xi32> to vector<32xbf16>
        %unpack3A_1140 = tpu.unpack_subelements %bitcast3A_1135, 0 {pack_format = #tpu.pack_format<interleaved>} : vector<32xbf16> -> vector<16xf32>
        %unpack3A_1141 = tpu.unpack_subelements %bitcast3A_1135, 1 {pack_format = #tpu.pack_format<interleaved>} : vector<32xbf16> -> vector<16xf32>
        %unpack3A_1142 = tpu.unpack_subelements %bitcast3A_1139, 0 {pack_format = #tpu.pack_format<interleaved>} : vector<32xbf16> -> vector<16xf32>
        %unpack3A_1143 = tpu.unpack_subelements %bitcast3A_1139, 1 {pack_format = #tpu.pack_format<interleaved>} : vector<32xbf16> -> vector<16xf32>
        %mul3A_1144 = arith.mulf %gather3A_1129, %unpack3A_1140 : vector<16xf32>
        %add3A_1145 = arith.addf %add3A_1119, %mul3A_1144 : vector<16xf32>
        %mul3A_1146 = arith.mulf %gather3A_1129, %unpack3A_1141 : vector<16xf32>
        %add3A_1147 = arith.addf %add3A_1121, %mul3A_1146 : vector<16xf32>
        %mul3A_1148 = arith.mulf %gather3A_1129, %unpack3A_1142 : vector<16xf32>
        %add3A_1149 = arith.addf %add3A_1123, %mul3A_1148 : vector<16xf32>
        %mul3A_1150 = arith.mulf %gather3A_1129, %unpack3A_1143 : vector<16xf32>
        %add3A_1151 = arith.addf %add3A_1125, %mul3A_1150 : vector<16xf32>
        %broadcast_in_dim3A_1152 = arith.constant 14 : i32
        %broadcast_in_dim3A_1153 = vector.broadcast %broadcast_in_dim3A_1152 : i32 to vector<16x1xi32>
        %gather3A_1154 = vector.shape_cast %broadcast_in_dim3A_1153 : vector<16x1xi32> to vector<16xi32>
        %gather3A_1155 = tpu.dynamic_gather %select_n3A[%gather3A_1154] in [0] : vector<16xf32>, vector<16xi32> -> vector<16xf32>
        %add3A_1156 = arith.constant 14 : i32
        %add3A_1157 = arith.addi %mul3A_790, %add3A_1156 : i32
        %get3A_1158 = arith.index_cast %add3A_1157 : i32 to index
        %get3A_1159 = arith.constant 0 : index
        %get3A_1160 = tpu.vector_load %arg9[%get3A_1158, %get3A_1159] {strides = array<i32>} : memref<208x32xi32, #tpu.memory_space<vmem>>, vector<16xi32>,
        %bitcast3A_1161 = vector.bitcast %get3A_1160 : vector<16xi32> to vector<32xbf16>
        %get3A_1162 = arith.index_cast %add3A_1157 : i32 to index
        %get3A_1163 = arith.constant 16 : index
        %get3A_1164 = tpu.vector_load %arg9[%get3A_1162, %get3A_1163] {strides = array<i32>} : memref<208x32xi32, #tpu.memory_space<vmem>>, vector<16xi32>,
        %bitcast3A_1165 = vector.bitcast %get3A_1164 : vector<16xi32> to vector<32xbf16>
        %unpack3A_1166 = tpu.unpack_subelements %bitcast3A_1161, 0 {pack_format = #tpu.pack_format<interleaved>} : vector<32xbf16> -> vector<16xf32>
        %unpack3A_1167 = tpu.unpack_subelements %bitcast3A_1161, 1 {pack_format = #tpu.pack_format<interleaved>} : vector<32xbf16> -> vector<16xf32>
        %unpack3A_1168 = tpu.unpack_subelements %bitcast3A_1165, 0 {pack_format = #tpu.pack_format<interleaved>} : vector<32xbf16> -> vector<16xf32>
        %unpack3A_1169 = tpu.unpack_subelements %bitcast3A_1165, 1 {pack_format = #tpu.pack_format<interleaved>} : vector<32xbf16> -> vector<16xf32>
        %mul3A_1170 = arith.mulf %gather3A_1155, %unpack3A_1166 : vector<16xf32>
        %add3A_1171 = arith.addf %add3A_1145, %mul3A_1170 : vector<16xf32>
        %mul3A_1172 = arith.mulf %gather3A_1155, %unpack3A_1167 : vector<16xf32>
        %add3A_1173 = arith.addf %add3A_1147, %mul3A_1172 : vector<16xf32>
        %mul3A_1174 = arith.mulf %gather3A_1155, %unpack3A_1168 : vector<16xf32>
        %add3A_1175 = arith.addf %add3A_1149, %mul3A_1174 : vector<16xf32>
        %mul3A_1176 = arith.mulf %gather3A_1155, %unpack3A_1169 : vector<16xf32>
        %add3A_1177 = arith.addf %add3A_1151, %mul3A_1176 : vector<16xf32>
        %broadcast_in_dim3A_1178 = arith.constant 15 : i32
        %broadcast_in_dim3A_1179 = vector.broadcast %broadcast_in_dim3A_1178 : i32 to vector<16x1xi32>
        %gather3A_1180 = vector.shape_cast %broadcast_in_dim3A_1179 : vector<16x1xi32> to vector<16xi32>
        %gather3A_1181 = tpu.dynamic_gather %select_n3A[%gather3A_1180] in [0] : vector<16xf32>, vector<16xi32> -> vector<16xf32>
        %add3A_1182 = arith.constant 15 : i32
        %add3A_1183 = arith.addi %mul3A_790, %add3A_1182 : i32
        %get3A_1184 = arith.index_cast %add3A_1183 : i32 to index
        %get3A_1185 = arith.constant 0 : index
        %get3A_1186 = tpu.vector_load %arg9[%get3A_1184, %get3A_1185] {strides = array<i32>} : memref<208x32xi32, #tpu.memory_space<vmem>>, vector<16xi32>,
        %bitcast3A_1187 = vector.bitcast %get3A_1186 : vector<16xi32> to vector<32xbf16>
        %get3A_1188 = arith.index_cast %add3A_1183 : i32 to index
        %get3A_1189 = arith.constant 16 : index
        %get3A_1190 = tpu.vector_load %arg9[%get3A_1188, %get3A_1189] {strides = array<i32>} : memref<208x32xi32, #tpu.memory_space<vmem>>, vector<16xi32>,
        %bitcast3A_1191 = vector.bitcast %get3A_1190 : vector<16xi32> to vector<32xbf16>
        %unpack3A_1192 = tpu.unpack_subelements %bitcast3A_1187, 0 {pack_format = #tpu.pack_format<interleaved>} : vector<32xbf16> -> vector<16xf32>
        %unpack3A_1193 = tpu.unpack_subelements %bitcast3A_1187, 1 {pack_format = #tpu.pack_format<interleaved>} : vector<32xbf16> -> vector<16xf32>
        %unpack3A_1194 = tpu.unpack_subelements %bitcast3A_1191, 0 {pack_format = #tpu.pack_format<interleaved>} : vector<32xbf16> -> vector<16xf32>
        %unpack3A_1195 = tpu.unpack_subelements %bitcast3A_1191, 1 {pack_format = #tpu.pack_format<interleaved>} : vector<32xbf16> -> vector<16xf32>
        %mul3A_1196 = arith.mulf %gather3A_1181, %unpack3A_1192 : vector<16xf32>
        %add3A_1197 = arith.addf %add3A_1171, %mul3A_1196 : vector<16xf32>
        %mul3A_1198 = arith.mulf %gather3A_1181, %unpack3A_1193 : vector<16xf32>
        %add3A_1199 = arith.addf %add3A_1173, %mul3A_1198 : vector<16xf32>
        %mul3A_1200 = arith.mulf %gather3A_1181, %unpack3A_1194 : vector<16xf32>
        %add3A_1201 = arith.addf %add3A_1175, %mul3A_1200 : vector<16xf32>
        %mul3A_1202 = arith.mulf %gather3A_1181, %unpack3A_1195 : vector<16xf32>
        %add3A_1203 = arith.addf %add3A_1177, %mul3A_1202 : vector<16xf32>
        scf.yield %add3A_1197, %add3A_1199, %add3A_1201, %add3A_1203 : vector<16xf32>, vector<16xf32>, vector<16xf32>, vector<16xf32>
      }
      %scan3A_256 = arith.constant 13 : i32
      %mul3A_257 = arith.constant 64 : i32
      %mul3A_258 = arith.muli %add3A_235, %mul3A_257 : i32
      %add3A_259 = arith.constant 0 : i32
      %add3A_260 = arith.addi %mul3A_258, %add3A_259 : i32
      %multiple_of3A_261 = tpu.assume_multiple %add3A_260, 16 : i32
      %mul3A_262 = arith.constant 4.471500e-02 : f32
      %mul3A_263 = vector.broadcast %mul3A_262 : f32 to vector<16xf32>
      %mul3A_264 = arith.mulf %mul3A_263, %scan3A_255#0 : vector<16xf32>
      %mul3A_265 = arith.mulf %mul3A_264, %scan3A_255#0 : vector<16xf32>
      %mul3A_266 = arith.mulf %mul3A_265, %scan3A_255#0 : vector<16xf32>
      %add3A_267 = arith.addf %scan3A_255#0, %mul3A_266 : vector<16xf32>
      %mul3A_268 = arith.constant 0.797884583 : f32
      %mul3A_269 = vector.broadcast %mul3A_268 : f32 to vector<16xf32>
      %mul3A_270 = arith.mulf %mul3A_269, %add3A_267 : vector<16xf32>
      %mul3A_271 = arith.constant 2.000000e+00 : f32
      %mul3A_272 = vector.broadcast %mul3A_271 : f32 to vector<16xf32>
      %mul3A_273 = arith.mulf %mul3A_272, %mul3A_270 : vector<16xf32>
      %exp3A_274 = math.exp %mul3A_273 : vector<16xf32>
      %add3A_275 = arith.constant 1.000000e+00 : f32
      %add3A_276 = vector.broadcast %add3A_275 : f32 to vector<16xf32>
      %add3A_277 = arith.addf %exp3A_274, %add3A_276 : vector<16xf32>
      %div3A_278 = arith.constant 2.000000e+00 : f32
      %div3A_279 = vector.broadcast %div3A_278 : f32 to vector<16xf32>
      %div3A_280 = arith.divf %div3A_279, %add3A_277 : vector<16xf32>
      %sub3A_281 = arith.constant 1.000000e+00 : f32
      %sub3A_282 = vector.broadcast %sub3A_281 : f32 to vector<16xf32>
      %sub3A_283 = arith.subf %sub3A_282, %div3A_280 : vector<16xf32>
      %mul3A_284 = arith.constant 5.000000e-01 : f32
      %mul3A_285 = vector.broadcast %mul3A_284 : f32 to vector<16xf32>
      %mul3A_286 = arith.mulf %mul3A_285, %scan3A_255#0 : vector<16xf32>
      %add3A_287 = arith.constant 1.000000e+00 : f32
      %add3A_288 = vector.broadcast %add3A_287 : f32 to vector<16xf32>
      %add3A_289 = arith.addf %add3A_288, %sub3A_283 : vector<16xf32>
      %mul3A_290 = arith.mulf %mul3A_286, %add3A_289 : vector<16xf32>
      %swap3A_291 = arith.index_cast %multiple_of3A_261 : i32 to index
      %swap3A_292 = tpu.vector_load %arg12[%swap3A_291] {strides = array<i32>} : memref<8192xf32, #tpu.memory_space<vmem>>, vector<16xf32>,
      tpu.vector_store %arg12[%swap3A_291], %mul3A_290 {strides = array<i32>} : memref<8192xf32, #tpu.memory_space<vmem>>, vector<16xf32>,
      %mul3A_293 = arith.constant 64 : i32
      %mul3A_294 = arith.muli %add3A_235, %mul3A_293 : i32
      %add3A_295 = arith.constant 16 : i32
      %add3A_296 = arith.addi %mul3A_294, %add3A_295 : i32
      %multiple_of3A_297 = tpu.assume_multiple %add3A_296, 16 : i32
      %mul3A_298 = arith.constant 4.471500e-02 : f32
      %mul3A_299 = vector.broadcast %mul3A_298 : f32 to vector<16xf32>
      %mul3A_300 = arith.mulf %mul3A_299, %scan3A_255#1 : vector<16xf32>
      %mul3A_301 = arith.mulf %mul3A_300, %scan3A_255#1 : vector<16xf32>
      %mul3A_302 = arith.mulf %mul3A_301, %scan3A_255#1 : vector<16xf32>
      %add3A_303 = arith.addf %scan3A_255#1, %mul3A_302 : vector<16xf32>
      %mul3A_304 = arith.constant 0.797884583 : f32
      %mul3A_305 = vector.broadcast %mul3A_304 : f32 to vector<16xf32>
      %mul3A_306 = arith.mulf %mul3A_305, %add3A_303 : vector<16xf32>
      %mul3A_307 = arith.constant 2.000000e+00 : f32
      %mul3A_308 = vector.broadcast %mul3A_307 : f32 to vector<16xf32>
      %mul3A_309 = arith.mulf %mul3A_308, %mul3A_306 : vector<16xf32>
      %exp3A_310 = math.exp %mul3A_309 : vector<16xf32>
      %add3A_311 = arith.constant 1.000000e+00 : f32
      %add3A_312 = vector.broadcast %add3A_311 : f32 to vector<16xf32>
      %add3A_313 = arith.addf %exp3A_310, %add3A_312 : vector<16xf32>
      %div3A_314 = arith.constant 2.000000e+00 : f32
      %div3A_315 = vector.broadcast %div3A_314 : f32 to vector<16xf32>
      %div3A_316 = arith.divf %div3A_315, %add3A_313 : vector<16xf32>
      %sub3A_317 = arith.constant 1.000000e+00 : f32
      %sub3A_318 = vector.broadcast %sub3A_317 : f32 to vector<16xf32>
      %sub3A_319 = arith.subf %sub3A_318, %div3A_316 : vector<16xf32>
      %mul3A_320 = arith.constant 5.000000e-01 : f32
      %mul3A_321 = vector.broadcast %mul3A_320 : f32 to vector<16xf32>
      %mul3A_322 = arith.mulf %mul3A_321, %scan3A_255#1 : vector<16xf32>
      %add3A_323 = arith.constant 1.000000e+00 : f32
      %add3A_324 = vector.broadcast %add3A_323 : f32 to vector<16xf32>
      %add3A_325 = arith.addf %add3A_324, %sub3A_319 : vector<16xf32>
      %mul3A_326 = arith.mulf %mul3A_322, %add3A_325 : vector<16xf32>
      %swap3A_327 = arith.index_cast %multiple_of3A_297 : i32 to index
      %swap3A_328 = tpu.vector_load %arg12[%swap3A_327] {strides = array<i32>} : memref<8192xf32, #tpu.memory_space<vmem>>, vector<16xf32>,
      tpu.vector_store %arg12[%swap3A_327], %mul3A_326 {strides = array<i32>} : memref<8192xf32, #tpu.memory_space<vmem>>, vector<16xf32>,
      %mul3A_329 = arith.constant 64 : i32
      %mul3A_330 = arith.muli %add3A_235, %mul3A_329 : i32
      %add3A_331 = arith.constant 32 : i32
      %add3A_332 = arith.addi %mul3A_330, %add3A_331 : i32
      %multiple_of3A_333 = tpu.assume_multiple %add3A_332, 16 : i32
      %mul3A_334 = arith.constant 4.471500e-02 : f32
      %mul3A_335 = vector.broadcast %mul3A_334 : f32 to vector<16xf32>
      %mul3A_336 = arith.mulf %mul3A_335, %scan3A_255#2 : vector<16xf32>
      %mul3A_337 = arith.mulf %mul3A_336, %scan3A_255#2 : vector<16xf32>
      %mul3A_338 = arith.mulf %mul3A_337, %scan3A_255#2 : vector<16xf32>
      %add3A_339 = arith.addf %scan3A_255#2, %mul3A_338 : vector<16xf32>
      %mul3A_340 = arith.constant 0.797884583 : f32
      %mul3A_341 = vector.broadcast %mul3A_340 : f32 to vector<16xf32>
      %mul3A_342 = arith.mulf %mul3A_341, %add3A_339 : vector<16xf32>
      %mul3A_343 = arith.constant 2.000000e+00 : f32
      %mul3A_344 = vector.broadcast %mul3A_343 : f32 to vector<16xf32>
      %mul3A_345 = arith.mulf %mul3A_344, %mul3A_342 : vector<16xf32>
      %exp3A_346 = math.exp %mul3A_345 : vector<16xf32>
      %add3A_347 = arith.constant 1.000000e+00 : f32
      %add3A_348 = vector.broadcast %add3A_347 : f32 to vector<16xf32>
      %add3A_349 = arith.addf %exp3A_346, %add3A_348 : vector<16xf32>
      %div3A_350 = arith.constant 2.000000e+00 : f32
      %div3A_351 = vector.broadcast %div3A_350 : f32 to vector<16xf32>
      %div3A_352 = arith.divf %div3A_351, %add3A_349 : vector<16xf32>
      %sub3A_353 = arith.constant 1.000000e+00 : f32
      %sub3A_354 = vector.broadcast %sub3A_353 : f32 to vector<16xf32>
      %sub3A_355 = arith.subf %sub3A_354, %div3A_352 : vector<16xf32>
      %mul3A_356 = arith.constant 5.000000e-01 : f32
      %mul3A_357 = vector.broadcast %mul3A_356 : f32 to vector<16xf32>
      %mul3A_358 = arith.mulf %mul3A_357, %scan3A_255#2 : vector<16xf32>
      %add3A_359 = arith.constant 1.000000e+00 : f32
      %add3A_360 = vector.broadcast %add3A_359 : f32 to vector<16xf32>
      %add3A_361 = arith.addf %add3A_360, %sub3A_355 : vector<16xf32>
      %mul3A_362 = arith.mulf %mul3A_358, %add3A_361 : vector<16xf32>
      %swap3A_363 = arith.index_cast %multiple_of3A_333 : i32 to index
      %swap3A_364 = tpu.vector_load %arg12[%swap3A_363] {strides = array<i32>} : memref<8192xf32, #tpu.memory_space<vmem>>, vector<16xf32>,
      tpu.vector_store %arg12[%swap3A_363], %mul3A_362 {strides = array<i32>} : memref<8192xf32, #tpu.memory_space<vmem>>, vector<16xf32>,
      %mul3A_365 = arith.constant 64 : i32
      %mul3A_366 = arith.muli %add3A_235, %mul3A_365 : i32
      %add3A_367 = arith.constant 48 : i32
      %add3A_368 = arith.addi %mul3A_366, %add3A_367 : i32
      %multiple_of3A_369 = tpu.assume_multiple %add3A_368, 16 : i32
      %mul3A_370 = arith.constant 4.471500e-02 : f32
      %mul3A_371 = vector.broadcast %mul3A_370 : f32 to vector<16xf32>
      %mul3A_372 = arith.mulf %mul3A_371, %scan3A_255#3 : vector<16xf32>
      %mul3A_373 = arith.mulf %mul3A_372, %scan3A_255#3 : vector<16xf32>
      %mul3A_374 = arith.mulf %mul3A_373, %scan3A_255#3 : vector<16xf32>
      %add3A_375 = arith.addf %scan3A_255#3, %mul3A_374 : vector<16xf32>
      %mul3A_376 = arith.constant 0.797884583 : f32
      %mul3A_377 = vector.broadcast %mul3A_376 : f32 to vector<16xf32>
      %mul3A_378 = arith.mulf %mul3A_377, %add3A_375 : vector<16xf32>
      %mul3A_379 = arith.constant 2.000000e+00 : f32
      %mul3A_380 = vector.broadcast %mul3A_379 : f32 to vector<16xf32>
      %mul3A_381 = arith.mulf %mul3A_380, %mul3A_378 : vector<16xf32>
      %exp3A_382 = math.exp %mul3A_381 : vector<16xf32>
      %add3A_383 = arith.constant 1.000000e+00 : f32
      %add3A_384 = vector.broadcast %add3A_383 : f32 to vector<16xf32>
      %add3A_385 = arith.addf %exp3A_382, %add3A_384 : vector<16xf32>
      %div3A_386 = arith.constant 2.000000e+00 : f32
      %div3A_387 = vector.broadcast %div3A_386 : f32 to vector<16xf32>
      %div3A_388 = arith.divf %div3A_387, %add3A_385 : vector<16xf32>
      %sub3A_389 = arith.constant 1.000000e+00 : f32
      %sub3A_390 = vector.broadcast %sub3A_389 : f32 to vector<16xf32>
      %sub3A_391 = arith.subf %sub3A_390, %div3A_388 : vector<16xf32>
      %mul3A_392 = arith.constant 5.000000e-01 : f32
      %mul3A_393 = vector.broadcast %mul3A_392 : f32 to vector<16xf32>
      %mul3A_394 = arith.mulf %mul3A_393, %scan3A_255#3 : vector<16xf32>
      %add3A_395 = arith.constant 1.000000e+00 : f32
      %add3A_396 = vector.broadcast %add3A_395 : f32 to vector<16xf32>
      %add3A_397 = arith.addf %add3A_396, %sub3A_391 : vector<16xf32>
      %mul3A_398 = arith.mulf %mul3A_394, %add3A_397 : vector<16xf32>
      %swap3A_399 = arith.index_cast %multiple_of3A_369 : i32 to index
      %swap3A_400 = tpu.vector_load %arg12[%swap3A_399] {strides = array<i32>} : memref<8192xf32, #tpu.memory_space<vmem>>, vector<16xf32>,
      tpu.vector_store %arg12[%swap3A_399], %mul3A_398 {strides = array<i32>} : memref<8192xf32, #tpu.memory_space<vmem>>, vector<16xf32>,
      %add3A_401 = arith.constant 4 : i32
      %add3A_402 = arith.addi %add3A_235, %add3A_401 : i32
      %min3A_403 = arith.constant 127 : i32
      %min3A_404 = arith.minsi %add3A_402, %min3A_403 : i32
      %mul3A_405 = arith.constant 208 : i32
      %mul3A_406 = arith.muli %min3A_404, %mul3A_405 : i32
      %multiple_of3A_407 = tpu.assume_multiple %mul3A_406, 16 : i32
      %dma_start3A_408 = tpu.memref_slice %arg7[%multiple_of3A_407] : memref<26624xi32, #tpu.memory_space<vmem>> -> memref<208xi32, #tpu.memory_space<vmem>>
      %dma_start3A_409 = arith.constant 0 : i32
      %dma_start3A_410 = arith.constant 0 : i32
      %dma_start3A_411 = tpu.memref_slice %arg4[%dma_start3A_409, %dma_start3A_410] : memref<1000001x32xi32, #tpu.memory_space<hbm>> -> memref<1000001x32xi32, #tpu.memory_space<hbm>>
      tpu.enqueue_indirect_dma source(%dma_start3A_411 : memref<1000001x32xi32, #tpu.memory_space<hbm>>) target(%arg9 : memref<208x32xi32, #tpu.memory_space<vmem>>) offsets(%dma_start3A_408 : memref<208xi32, #tpu.memory_space<vmem>>) semaphore(%arg14 : memref<!tpu.dma_semaphore, #tpu.memory_space<semaphore_mem>>)
      %mul3A_412 = arith.constant 4 : i32
      %mul3A_413 = arith.muli %mul3A_412, %scan3A_57 : i32
      %add3A_414 = arith.constant 2 : i32
      %add3A_415 = arith.addi %mul3A_413, %add3A_414 : i32
      %mul3A_416 = arith.constant 208 : i32
      %mul3A_417 = arith.muli %add3A_415, %mul3A_416 : i32
      %multiple_of3A_418 = tpu.assume_multiple %mul3A_417, 16 : i32
      %dma_wait3A_419 = tpu.memref_slice %arg7[%multiple_of3A_418] : memref<26624xi32, #tpu.memory_space<vmem>> -> memref<208xi32, #tpu.memory_space<vmem>>
      %dma_wait3A_420 = arith.constant 0 : i32
      %dma_wait3A_421 = arith.constant 0 : i32
      %dma_wait3A_422 = tpu.memref_slice %arg4[%dma_wait3A_420, %dma_wait3A_421] : memref<1000001x32xi32, #tpu.memory_space<hbm>> -> memref<1000001x32xi32, #tpu.memory_space<hbm>>
      tpu.wait_indirect_dma semaphore(%arg15 : memref<!tpu.dma_semaphore, #tpu.memory_space<semaphore_mem>>) src(%dma_wait3A_422 : memref<1000001x32xi32, #tpu.memory_space<hbm>>) dst(%arg10 : memref<208x32xi32, #tpu.memory_space<vmem>>)
      %broadcast_in_dim3A_423 = arith.constant 0.000000e+00 : f32
      %broadcast_in_dim3A_424 = vector.broadcast %broadcast_in_dim3A_423 : f32 to vector<16xf32>
      %broadcast_in_dim3A_425 = arith.constant 0.000000e+00 : f32
      %broadcast_in_dim3A_426 = vector.broadcast %broadcast_in_dim3A_425 : f32 to vector<16xf32>
      %broadcast_in_dim3A_427 = arith.constant 0.000000e+00 : f32
      %broadcast_in_dim3A_428 = vector.broadcast %broadcast_in_dim3A_427 : f32 to vector<16xf32>
      %broadcast_in_dim3A_429 = arith.constant 0.000000e+00 : f32
      %broadcast_in_dim3A_430 = vector.broadcast %broadcast_in_dim3A_429 : f32 to vector<16xf32>
      %scan3A_431 = arith.constant 0 : i32
      %scan3A_432 = arith.constant 13 : i32
      %scan3A_433 = arith.addi %scan3A_431, %scan3A_432 : i32
      %scan3A_434 = arith.constant 1 : i32
      %scan3A_435:4 = scf.for %scan3A_772 = %scan3A_431 to %scan3A_433 step %scan3A_434 iter_args(%scan3A_773 = %broadcast_in_dim3A_424, %scan3A_774 = %broadcast_in_dim3A_426, %scan3A_775 = %broadcast_in_dim3A_428, %scan3A_776 = %broadcast_in_dim3A_430) -> (vector<16xf32>, vector<16xf32>, vector<16xf32>, vector<16xf32>)  : i32 {
        %mul3A_777 = arith.constant 208 : i32
        %mul3A_778 = arith.muli %add3A_415, %mul3A_777 : i32
        %mul3A_779 = arith.constant 16 : i32
        %mul3A_780 = arith.muli %scan3A_772, %mul3A_779 : i32
        %add3A_781 = arith.addi %mul3A_778, %mul3A_780 : i32
        %multiple_of3A_782 = tpu.assume_multiple %add3A_781, 16 : i32
        %get3A = arith.index_cast %multiple_of3A_782 : i32 to index
        %get3A_783 = tpu.vector_load %arg6[%get3A] {strides = array<i32>} : memref<26624xf32, #tpu.memory_space<vmem>>, vector<16xf32>,
        %get3A_784 = arith.index_cast %multiple_of3A_782 : i32 to index
        %get3A_785 = tpu.vector_load %arg7[%get3A_784] {strides = array<i32>} : memref<26624xi32, #tpu.memory_space<vmem>>, vector<16xi32>,
        %ne3A = arith.constant 0 : i32
        %ne3A_786 = vector.broadcast %ne3A : i32 to vector<16xi32>
        %ne3A_787 = arith.cmpi ne, %get3A_785, %ne3A_786 : vector<16xi32>
        %jit3A = arith.constant 0.000000e+00 : f32
        %broadcast_in_dim3A_788 = vector.broadcast %jit3A : f32 to vector<16xf32>
        %select_n3A = arith.select %ne3A_787, %get3A_783, %broadcast_in_dim3A_788 : vector<16xi1>, vector<16xf32>
        %mul3A_789 = arith.constant 16 : i32
        %mul3A_790 = arith.muli %scan3A_772, %mul3A_789 : i32
        %broadcast_in_dim3A_791 = arith.constant 0 : i32
        %broadcast_in_dim3A_792 = vector.broadcast %broadcast_in_dim3A_791 : i32 to vector<16x1xi32>
        %gather3A = vector.shape_cast %broadcast_in_dim3A_792 : vector<16x1xi32> to vector<16xi32>
        %gather3A_793 = tpu.dynamic_gather %select_n3A[%gather3A] in [0] : vector<16xf32>, vector<16xi32> -> vector<16xf32>
        %add3A_794 = arith.constant 0 : i32
        %add3A_795 = arith.addi %mul3A_790, %add3A_794 : i32
        %get3A_796 = arith.index_cast %add3A_795 : i32 to index
        %get3A_797 = arith.constant 0 : index
        %get3A_798 = tpu.vector_load %arg10[%get3A_796, %get3A_797] {strides = array<i32>} : memref<208x32xi32, #tpu.memory_space<vmem>>, vector<16xi32>,
        %bitcast3A = vector.bitcast %get3A_798 : vector<16xi32> to vector<32xbf16>
        %get3A_799 = arith.index_cast %add3A_795 : i32 to index
        %get3A_800 = arith.constant 16 : index
        %get3A_801 = tpu.vector_load %arg10[%get3A_799, %get3A_800] {strides = array<i32>} : memref<208x32xi32, #tpu.memory_space<vmem>>, vector<16xi32>,
        %bitcast3A_802 = vector.bitcast %get3A_801 : vector<16xi32> to vector<32xbf16>
        %unpack3A = tpu.unpack_subelements %bitcast3A, 0 {pack_format = #tpu.pack_format<interleaved>} : vector<32xbf16> -> vector<16xf32>
        %unpack3A_803 = tpu.unpack_subelements %bitcast3A, 1 {pack_format = #tpu.pack_format<interleaved>} : vector<32xbf16> -> vector<16xf32>
        %unpack3A_804 = tpu.unpack_subelements %bitcast3A_802, 0 {pack_format = #tpu.pack_format<interleaved>} : vector<32xbf16> -> vector<16xf32>
        %unpack3A_805 = tpu.unpack_subelements %bitcast3A_802, 1 {pack_format = #tpu.pack_format<interleaved>} : vector<32xbf16> -> vector<16xf32>
        %mul3A_806 = arith.mulf %gather3A_793, %unpack3A : vector<16xf32>
        %add3A_807 = arith.addf %scan3A_773, %mul3A_806 : vector<16xf32>
        %mul3A_808 = arith.mulf %gather3A_793, %unpack3A_803 : vector<16xf32>
        %add3A_809 = arith.addf %scan3A_774, %mul3A_808 : vector<16xf32>
        %mul3A_810 = arith.mulf %gather3A_793, %unpack3A_804 : vector<16xf32>
        %add3A_811 = arith.addf %scan3A_775, %mul3A_810 : vector<16xf32>
        %mul3A_812 = arith.mulf %gather3A_793, %unpack3A_805 : vector<16xf32>
        %add3A_813 = arith.addf %scan3A_776, %mul3A_812 : vector<16xf32>
        %broadcast_in_dim3A_814 = arith.constant 1 : i32
        %broadcast_in_dim3A_815 = vector.broadcast %broadcast_in_dim3A_814 : i32 to vector<16x1xi32>
        %gather3A_816 = vector.shape_cast %broadcast_in_dim3A_815 : vector<16x1xi32> to vector<16xi32>
        %gather3A_817 = tpu.dynamic_gather %select_n3A[%gather3A_816] in [0] : vector<16xf32>, vector<16xi32> -> vector<16xf32>
        %add3A_818 = arith.constant 1 : i32
        %add3A_819 = arith.addi %mul3A_790, %add3A_818 : i32
        %get3A_820 = arith.index_cast %add3A_819 : i32 to index
        %get3A_821 = arith.constant 0 : index
        %get3A_822 = tpu.vector_load %arg10[%get3A_820, %get3A_821] {strides = array<i32>} : memref<208x32xi32, #tpu.memory_space<vmem>>, vector<16xi32>,
        %bitcast3A_823 = vector.bitcast %get3A_822 : vector<16xi32> to vector<32xbf16>
        %get3A_824 = arith.index_cast %add3A_819 : i32 to index
        %get3A_825 = arith.constant 16 : index
        %get3A_826 = tpu.vector_load %arg10[%get3A_824, %get3A_825] {strides = array<i32>} : memref<208x32xi32, #tpu.memory_space<vmem>>, vector<16xi32>,
        %bitcast3A_827 = vector.bitcast %get3A_826 : vector<16xi32> to vector<32xbf16>
        %unpack3A_828 = tpu.unpack_subelements %bitcast3A_823, 0 {pack_format = #tpu.pack_format<interleaved>} : vector<32xbf16> -> vector<16xf32>
        %unpack3A_829 = tpu.unpack_subelements %bitcast3A_823, 1 {pack_format = #tpu.pack_format<interleaved>} : vector<32xbf16> -> vector<16xf32>
        %unpack3A_830 = tpu.unpack_subelements %bitcast3A_827, 0 {pack_format = #tpu.pack_format<interleaved>} : vector<32xbf16> -> vector<16xf32>
        %unpack3A_831 = tpu.unpack_subelements %bitcast3A_827, 1 {pack_format = #tpu.pack_format<interleaved>} : vector<32xbf16> -> vector<16xf32>
        %mul3A_832 = arith.mulf %gather3A_817, %unpack3A_828 : vector<16xf32>
        %add3A_833 = arith.addf %add3A_807, %mul3A_832 : vector<16xf32>
        %mul3A_834 = arith.mulf %gather3A_817, %unpack3A_829 : vector<16xf32>
        %add3A_835 = arith.addf %add3A_809, %mul3A_834 : vector<16xf32>
        %mul3A_836 = arith.mulf %gather3A_817, %unpack3A_830 : vector<16xf32>
        %add3A_837 = arith.addf %add3A_811, %mul3A_836 : vector<16xf32>
        %mul3A_838 = arith.mulf %gather3A_817, %unpack3A_831 : vector<16xf32>
        %add3A_839 = arith.addf %add3A_813, %mul3A_838 : vector<16xf32>
        %broadcast_in_dim3A_840 = arith.constant 2 : i32
        %broadcast_in_dim3A_841 = vector.broadcast %broadcast_in_dim3A_840 : i32 to vector<16x1xi32>
        %gather3A_842 = vector.shape_cast %broadcast_in_dim3A_841 : vector<16x1xi32> to vector<16xi32>
        %gather3A_843 = tpu.dynamic_gather %select_n3A[%gather3A_842] in [0] : vector<16xf32>, vector<16xi32> -> vector<16xf32>
        %add3A_844 = arith.constant 2 : i32
        %add3A_845 = arith.addi %mul3A_790, %add3A_844 : i32
        %get3A_846 = arith.index_cast %add3A_845 : i32 to index
        %get3A_847 = arith.constant 0 : index
        %get3A_848 = tpu.vector_load %arg10[%get3A_846, %get3A_847] {strides = array<i32>} : memref<208x32xi32, #tpu.memory_space<vmem>>, vector<16xi32>,
        %bitcast3A_849 = vector.bitcast %get3A_848 : vector<16xi32> to vector<32xbf16>
        %get3A_850 = arith.index_cast %add3A_845 : i32 to index
        %get3A_851 = arith.constant 16 : index
        %get3A_852 = tpu.vector_load %arg10[%get3A_850, %get3A_851] {strides = array<i32>} : memref<208x32xi32, #tpu.memory_space<vmem>>, vector<16xi32>,
        %bitcast3A_853 = vector.bitcast %get3A_852 : vector<16xi32> to vector<32xbf16>
        %unpack3A_854 = tpu.unpack_subelements %bitcast3A_849, 0 {pack_format = #tpu.pack_format<interleaved>} : vector<32xbf16> -> vector<16xf32>
        %unpack3A_855 = tpu.unpack_subelements %bitcast3A_849, 1 {pack_format = #tpu.pack_format<interleaved>} : vector<32xbf16> -> vector<16xf32>
        %unpack3A_856 = tpu.unpack_subelements %bitcast3A_853, 0 {pack_format = #tpu.pack_format<interleaved>} : vector<32xbf16> -> vector<16xf32>
        %unpack3A_857 = tpu.unpack_subelements %bitcast3A_853, 1 {pack_format = #tpu.pack_format<interleaved>} : vector<32xbf16> -> vector<16xf32>
        %mul3A_858 = arith.mulf %gather3A_843, %unpack3A_854 : vector<16xf32>
        %add3A_859 = arith.addf %add3A_833, %mul3A_858 : vector<16xf32>
        %mul3A_860 = arith.mulf %gather3A_843, %unpack3A_855 : vector<16xf32>
        %add3A_861 = arith.addf %add3A_835, %mul3A_860 : vector<16xf32>
        %mul3A_862 = arith.mulf %gather3A_843, %unpack3A_856 : vector<16xf32>
        %add3A_863 = arith.addf %add3A_837, %mul3A_862 : vector<16xf32>
        %mul3A_864 = arith.mulf %gather3A_843, %unpack3A_857 : vector<16xf32>
        %add3A_865 = arith.addf %add3A_839, %mul3A_864 : vector<16xf32>
        %broadcast_in_dim3A_866 = arith.constant 3 : i32
        %broadcast_in_dim3A_867 = vector.broadcast %broadcast_in_dim3A_866 : i32 to vector<16x1xi32>
        %gather3A_868 = vector.shape_cast %broadcast_in_dim3A_867 : vector<16x1xi32> to vector<16xi32>
        %gather3A_869 = tpu.dynamic_gather %select_n3A[%gather3A_868] in [0] : vector<16xf32>, vector<16xi32> -> vector<16xf32>
        %add3A_870 = arith.constant 3 : i32
        %add3A_871 = arith.addi %mul3A_790, %add3A_870 : i32
        %get3A_872 = arith.index_cast %add3A_871 : i32 to index
        %get3A_873 = arith.constant 0 : index
        %get3A_874 = tpu.vector_load %arg10[%get3A_872, %get3A_873] {strides = array<i32>} : memref<208x32xi32, #tpu.memory_space<vmem>>, vector<16xi32>,
        %bitcast3A_875 = vector.bitcast %get3A_874 : vector<16xi32> to vector<32xbf16>
        %get3A_876 = arith.index_cast %add3A_871 : i32 to index
        %get3A_877 = arith.constant 16 : index
        %get3A_878 = tpu.vector_load %arg10[%get3A_876, %get3A_877] {strides = array<i32>} : memref<208x32xi32, #tpu.memory_space<vmem>>, vector<16xi32>,
        %bitcast3A_879 = vector.bitcast %get3A_878 : vector<16xi32> to vector<32xbf16>
        %unpack3A_880 = tpu.unpack_subelements %bitcast3A_875, 0 {pack_format = #tpu.pack_format<interleaved>} : vector<32xbf16> -> vector<16xf32>
        %unpack3A_881 = tpu.unpack_subelements %bitcast3A_875, 1 {pack_format = #tpu.pack_format<interleaved>} : vector<32xbf16> -> vector<16xf32>
        %unpack3A_882 = tpu.unpack_subelements %bitcast3A_879, 0 {pack_format = #tpu.pack_format<interleaved>} : vector<32xbf16> -> vector<16xf32>
        %unpack3A_883 = tpu.unpack_subelements %bitcast3A_879, 1 {pack_format = #tpu.pack_format<interleaved>} : vector<32xbf16> -> vector<16xf32>
        %mul3A_884 = arith.mulf %gather3A_869, %unpack3A_880 : vector<16xf32>
        %add3A_885 = arith.addf %add3A_859, %mul3A_884 : vector<16xf32>
        %mul3A_886 = arith.mulf %gather3A_869, %unpack3A_881 : vector<16xf32>
        %add3A_887 = arith.addf %add3A_861, %mul3A_886 : vector<16xf32>
        %mul3A_888 = arith.mulf %gather3A_869, %unpack3A_882 : vector<16xf32>
        %add3A_889 = arith.addf %add3A_863, %mul3A_888 : vector<16xf32>
        %mul3A_890 = arith.mulf %gather3A_869, %unpack3A_883 : vector<16xf32>
        %add3A_891 = arith.addf %add3A_865, %mul3A_890 : vector<16xf32>
        %broadcast_in_dim3A_892 = arith.constant 4 : i32
        %broadcast_in_dim3A_893 = vector.broadcast %broadcast_in_dim3A_892 : i32 to vector<16x1xi32>
        %gather3A_894 = vector.shape_cast %broadcast_in_dim3A_893 : vector<16x1xi32> to vector<16xi32>
        %gather3A_895 = tpu.dynamic_gather %select_n3A[%gather3A_894] in [0] : vector<16xf32>, vector<16xi32> -> vector<16xf32>
        %add3A_896 = arith.constant 4 : i32
        %add3A_897 = arith.addi %mul3A_790, %add3A_896 : i32
        %get3A_898 = arith.index_cast %add3A_897 : i32 to index
        %get3A_899 = arith.constant 0 : index
        %get3A_900 = tpu.vector_load %arg10[%get3A_898, %get3A_899] {strides = array<i32>} : memref<208x32xi32, #tpu.memory_space<vmem>>, vector<16xi32>,
        %bitcast3A_901 = vector.bitcast %get3A_900 : vector<16xi32> to vector<32xbf16>
        %get3A_902 = arith.index_cast %add3A_897 : i32 to index
        %get3A_903 = arith.constant 16 : index
        %get3A_904 = tpu.vector_load %arg10[%get3A_902, %get3A_903] {strides = array<i32>} : memref<208x32xi32, #tpu.memory_space<vmem>>, vector<16xi32>,
        %bitcast3A_905 = vector.bitcast %get3A_904 : vector<16xi32> to vector<32xbf16>
        %unpack3A_906 = tpu.unpack_subelements %bitcast3A_901, 0 {pack_format = #tpu.pack_format<interleaved>} : vector<32xbf16> -> vector<16xf32>
        %unpack3A_907 = tpu.unpack_subelements %bitcast3A_901, 1 {pack_format = #tpu.pack_format<interleaved>} : vector<32xbf16> -> vector<16xf32>
        %unpack3A_908 = tpu.unpack_subelements %bitcast3A_905, 0 {pack_format = #tpu.pack_format<interleaved>} : vector<32xbf16> -> vector<16xf32>
        %unpack3A_909 = tpu.unpack_subelements %bitcast3A_905, 1 {pack_format = #tpu.pack_format<interleaved>} : vector<32xbf16> -> vector<16xf32>
        %mul3A_910 = arith.mulf %gather3A_895, %unpack3A_906 : vector<16xf32>
        %add3A_911 = arith.addf %add3A_885, %mul3A_910 : vector<16xf32>
        %mul3A_912 = arith.mulf %gather3A_895, %unpack3A_907 : vector<16xf32>
        %add3A_913 = arith.addf %add3A_887, %mul3A_912 : vector<16xf32>
        %mul3A_914 = arith.mulf %gather3A_895, %unpack3A_908 : vector<16xf32>
        %add3A_915 = arith.addf %add3A_889, %mul3A_914 : vector<16xf32>
        %mul3A_916 = arith.mulf %gather3A_895, %unpack3A_909 : vector<16xf32>
        %add3A_917 = arith.addf %add3A_891, %mul3A_916 : vector<16xf32>
        %broadcast_in_dim3A_918 = arith.constant 5 : i32
        %broadcast_in_dim3A_919 = vector.broadcast %broadcast_in_dim3A_918 : i32 to vector<16x1xi32>
        %gather3A_920 = vector.shape_cast %broadcast_in_dim3A_919 : vector<16x1xi32> to vector<16xi32>
        %gather3A_921 = tpu.dynamic_gather %select_n3A[%gather3A_920] in [0] : vector<16xf32>, vector<16xi32> -> vector<16xf32>
        %add3A_922 = arith.constant 5 : i32
        %add3A_923 = arith.addi %mul3A_790, %add3A_922 : i32
        %get3A_924 = arith.index_cast %add3A_923 : i32 to index
        %get3A_925 = arith.constant 0 : index
        %get3A_926 = tpu.vector_load %arg10[%get3A_924, %get3A_925] {strides = array<i32>} : memref<208x32xi32, #tpu.memory_space<vmem>>, vector<16xi32>,
        %bitcast3A_927 = vector.bitcast %get3A_926 : vector<16xi32> to vector<32xbf16>
        %get3A_928 = arith.index_cast %add3A_923 : i32 to index
        %get3A_929 = arith.constant 16 : index
        %get3A_930 = tpu.vector_load %arg10[%get3A_928, %get3A_929] {strides = array<i32>} : memref<208x32xi32, #tpu.memory_space<vmem>>, vector<16xi32>,
        %bitcast3A_931 = vector.bitcast %get3A_930 : vector<16xi32> to vector<32xbf16>
        %unpack3A_932 = tpu.unpack_subelements %bitcast3A_927, 0 {pack_format = #tpu.pack_format<interleaved>} : vector<32xbf16> -> vector<16xf32>
        %unpack3A_933 = tpu.unpack_subelements %bitcast3A_927, 1 {pack_format = #tpu.pack_format<interleaved>} : vector<32xbf16> -> vector<16xf32>
        %unpack3A_934 = tpu.unpack_subelements %bitcast3A_931, 0 {pack_format = #tpu.pack_format<interleaved>} : vector<32xbf16> -> vector<16xf32>
        %unpack3A_935 = tpu.unpack_subelements %bitcast3A_931, 1 {pack_format = #tpu.pack_format<interleaved>} : vector<32xbf16> -> vector<16xf32>
        %mul3A_936 = arith.mulf %gather3A_921, %unpack3A_932 : vector<16xf32>
        %add3A_937 = arith.addf %add3A_911, %mul3A_936 : vector<16xf32>
        %mul3A_938 = arith.mulf %gather3A_921, %unpack3A_933 : vector<16xf32>
        %add3A_939 = arith.addf %add3A_913, %mul3A_938 : vector<16xf32>
        %mul3A_940 = arith.mulf %gather3A_921, %unpack3A_934 : vector<16xf32>
        %add3A_941 = arith.addf %add3A_915, %mul3A_940 : vector<16xf32>
        %mul3A_942 = arith.mulf %gather3A_921, %unpack3A_935 : vector<16xf32>
        %add3A_943 = arith.addf %add3A_917, %mul3A_942 : vector<16xf32>
        %broadcast_in_dim3A_944 = arith.constant 6 : i32
        %broadcast_in_dim3A_945 = vector.broadcast %broadcast_in_dim3A_944 : i32 to vector<16x1xi32>
        %gather3A_946 = vector.shape_cast %broadcast_in_dim3A_945 : vector<16x1xi32> to vector<16xi32>
        %gather3A_947 = tpu.dynamic_gather %select_n3A[%gather3A_946] in [0] : vector<16xf32>, vector<16xi32> -> vector<16xf32>
        %add3A_948 = arith.constant 6 : i32
        %add3A_949 = arith.addi %mul3A_790, %add3A_948 : i32
        %get3A_950 = arith.index_cast %add3A_949 : i32 to index
        %get3A_951 = arith.constant 0 : index
        %get3A_952 = tpu.vector_load %arg10[%get3A_950, %get3A_951] {strides = array<i32>} : memref<208x32xi32, #tpu.memory_space<vmem>>, vector<16xi32>,
        %bitcast3A_953 = vector.bitcast %get3A_952 : vector<16xi32> to vector<32xbf16>
        %get3A_954 = arith.index_cast %add3A_949 : i32 to index
        %get3A_955 = arith.constant 16 : index
        %get3A_956 = tpu.vector_load %arg10[%get3A_954, %get3A_955] {strides = array<i32>} : memref<208x32xi32, #tpu.memory_space<vmem>>, vector<16xi32>,
        %bitcast3A_957 = vector.bitcast %get3A_956 : vector<16xi32> to vector<32xbf16>
        %unpack3A_958 = tpu.unpack_subelements %bitcast3A_953, 0 {pack_format = #tpu.pack_format<interleaved>} : vector<32xbf16> -> vector<16xf32>
        %unpack3A_959 = tpu.unpack_subelements %bitcast3A_953, 1 {pack_format = #tpu.pack_format<interleaved>} : vector<32xbf16> -> vector<16xf32>
        %unpack3A_960 = tpu.unpack_subelements %bitcast3A_957, 0 {pack_format = #tpu.pack_format<interleaved>} : vector<32xbf16> -> vector<16xf32>
        %unpack3A_961 = tpu.unpack_subelements %bitcast3A_957, 1 {pack_format = #tpu.pack_format<interleaved>} : vector<32xbf16> -> vector<16xf32>
        %mul3A_962 = arith.mulf %gather3A_947, %unpack3A_958 : vector<16xf32>
        %add3A_963 = arith.addf %add3A_937, %mul3A_962 : vector<16xf32>
        %mul3A_964 = arith.mulf %gather3A_947, %unpack3A_959 : vector<16xf32>
        %add3A_965 = arith.addf %add3A_939, %mul3A_964 : vector<16xf32>
        %mul3A_966 = arith.mulf %gather3A_947, %unpack3A_960 : vector<16xf32>
        %add3A_967 = arith.addf %add3A_941, %mul3A_966 : vector<16xf32>
        %mul3A_968 = arith.mulf %gather3A_947, %unpack3A_961 : vector<16xf32>
        %add3A_969 = arith.addf %add3A_943, %mul3A_968 : vector<16xf32>
        %broadcast_in_dim3A_970 = arith.constant 7 : i32
        %broadcast_in_dim3A_971 = vector.broadcast %broadcast_in_dim3A_970 : i32 to vector<16x1xi32>
        %gather3A_972 = vector.shape_cast %broadcast_in_dim3A_971 : vector<16x1xi32> to vector<16xi32>
        %gather3A_973 = tpu.dynamic_gather %select_n3A[%gather3A_972] in [0] : vector<16xf32>, vector<16xi32> -> vector<16xf32>
        %add3A_974 = arith.constant 7 : i32
        %add3A_975 = arith.addi %mul3A_790, %add3A_974 : i32
        %get3A_976 = arith.index_cast %add3A_975 : i32 to index
        %get3A_977 = arith.constant 0 : index
        %get3A_978 = tpu.vector_load %arg10[%get3A_976, %get3A_977] {strides = array<i32>} : memref<208x32xi32, #tpu.memory_space<vmem>>, vector<16xi32>,
        %bitcast3A_979 = vector.bitcast %get3A_978 : vector<16xi32> to vector<32xbf16>
        %get3A_980 = arith.index_cast %add3A_975 : i32 to index
        %get3A_981 = arith.constant 16 : index
        %get3A_982 = tpu.vector_load %arg10[%get3A_980, %get3A_981] {strides = array<i32>} : memref<208x32xi32, #tpu.memory_space<vmem>>, vector<16xi32>,
        %bitcast3A_983 = vector.bitcast %get3A_982 : vector<16xi32> to vector<32xbf16>
        %unpack3A_984 = tpu.unpack_subelements %bitcast3A_979, 0 {pack_format = #tpu.pack_format<interleaved>} : vector<32xbf16> -> vector<16xf32>
        %unpack3A_985 = tpu.unpack_subelements %bitcast3A_979, 1 {pack_format = #tpu.pack_format<interleaved>} : vector<32xbf16> -> vector<16xf32>
        %unpack3A_986 = tpu.unpack_subelements %bitcast3A_983, 0 {pack_format = #tpu.pack_format<interleaved>} : vector<32xbf16> -> vector<16xf32>
        %unpack3A_987 = tpu.unpack_subelements %bitcast3A_983, 1 {pack_format = #tpu.pack_format<interleaved>} : vector<32xbf16> -> vector<16xf32>
        %mul3A_988 = arith.mulf %gather3A_973, %unpack3A_984 : vector<16xf32>
        %add3A_989 = arith.addf %add3A_963, %mul3A_988 : vector<16xf32>
        %mul3A_990 = arith.mulf %gather3A_973, %unpack3A_985 : vector<16xf32>
        %add3A_991 = arith.addf %add3A_965, %mul3A_990 : vector<16xf32>
        %mul3A_992 = arith.mulf %gather3A_973, %unpack3A_986 : vector<16xf32>
        %add3A_993 = arith.addf %add3A_967, %mul3A_992 : vector<16xf32>
        %mul3A_994 = arith.mulf %gather3A_973, %unpack3A_987 : vector<16xf32>
        %add3A_995 = arith.addf %add3A_969, %mul3A_994 : vector<16xf32>
        %broadcast_in_dim3A_996 = arith.constant 8 : i32
        %broadcast_in_dim3A_997 = vector.broadcast %broadcast_in_dim3A_996 : i32 to vector<16x1xi32>
        %gather3A_998 = vector.shape_cast %broadcast_in_dim3A_997 : vector<16x1xi32> to vector<16xi32>
        %gather3A_999 = tpu.dynamic_gather %select_n3A[%gather3A_998] in [0] : vector<16xf32>, vector<16xi32> -> vector<16xf32>
        %add3A_1000 = arith.constant 8 : i32
        %add3A_1001 = arith.addi %mul3A_790, %add3A_1000 : i32
        %get3A_1002 = arith.index_cast %add3A_1001 : i32 to index
        %get3A_1003 = arith.constant 0 : index
        %get3A_1004 = tpu.vector_load %arg10[%get3A_1002, %get3A_1003] {strides = array<i32>} : memref<208x32xi32, #tpu.memory_space<vmem>>, vector<16xi32>,
        %bitcast3A_1005 = vector.bitcast %get3A_1004 : vector<16xi32> to vector<32xbf16>
        %get3A_1006 = arith.index_cast %add3A_1001 : i32 to index
        %get3A_1007 = arith.constant 16 : index
        %get3A_1008 = tpu.vector_load %arg10[%get3A_1006, %get3A_1007] {strides = array<i32>} : memref<208x32xi32, #tpu.memory_space<vmem>>, vector<16xi32>,
        %bitcast3A_1009 = vector.bitcast %get3A_1008 : vector<16xi32> to vector<32xbf16>
        %unpack3A_1010 = tpu.unpack_subelements %bitcast3A_1005, 0 {pack_format = #tpu.pack_format<interleaved>} : vector<32xbf16> -> vector<16xf32>
        %unpack3A_1011 = tpu.unpack_subelements %bitcast3A_1005, 1 {pack_format = #tpu.pack_format<interleaved>} : vector<32xbf16> -> vector<16xf32>
        %unpack3A_1012 = tpu.unpack_subelements %bitcast3A_1009, 0 {pack_format = #tpu.pack_format<interleaved>} : vector<32xbf16> -> vector<16xf32>
        %unpack3A_1013 = tpu.unpack_subelements %bitcast3A_1009, 1 {pack_format = #tpu.pack_format<interleaved>} : vector<32xbf16> -> vector<16xf32>
        %mul3A_1014 = arith.mulf %gather3A_999, %unpack3A_1010 : vector<16xf32>
        %add3A_1015 = arith.addf %add3A_989, %mul3A_1014 : vector<16xf32>
        %mul3A_1016 = arith.mulf %gather3A_999, %unpack3A_1011 : vector<16xf32>
        %add3A_1017 = arith.addf %add3A_991, %mul3A_1016 : vector<16xf32>
        %mul3A_1018 = arith.mulf %gather3A_999, %unpack3A_1012 : vector<16xf32>
        %add3A_1019 = arith.addf %add3A_993, %mul3A_1018 : vector<16xf32>
        %mul3A_1020 = arith.mulf %gather3A_999, %unpack3A_1013 : vector<16xf32>
        %add3A_1021 = arith.addf %add3A_995, %mul3A_1020 : vector<16xf32>
        %broadcast_in_dim3A_1022 = arith.constant 9 : i32
        %broadcast_in_dim3A_1023 = vector.broadcast %broadcast_in_dim3A_1022 : i32 to vector<16x1xi32>
        %gather3A_1024 = vector.shape_cast %broadcast_in_dim3A_1023 : vector<16x1xi32> to vector<16xi32>
        %gather3A_1025 = tpu.dynamic_gather %select_n3A[%gather3A_1024] in [0] : vector<16xf32>, vector<16xi32> -> vector<16xf32>
        %add3A_1026 = arith.constant 9 : i32
        %add3A_1027 = arith.addi %mul3A_790, %add3A_1026 : i32
        %get3A_1028 = arith.index_cast %add3A_1027 : i32 to index
        %get3A_1029 = arith.constant 0 : index
        %get3A_1030 = tpu.vector_load %arg10[%get3A_1028, %get3A_1029] {strides = array<i32>} : memref<208x32xi32, #tpu.memory_space<vmem>>, vector<16xi32>,
        %bitcast3A_1031 = vector.bitcast %get3A_1030 : vector<16xi32> to vector<32xbf16>
        %get3A_1032 = arith.index_cast %add3A_1027 : i32 to index
        %get3A_1033 = arith.constant 16 : index
        %get3A_1034 = tpu.vector_load %arg10[%get3A_1032, %get3A_1033] {strides = array<i32>} : memref<208x32xi32, #tpu.memory_space<vmem>>, vector<16xi32>,
        %bitcast3A_1035 = vector.bitcast %get3A_1034 : vector<16xi32> to vector<32xbf16>
        %unpack3A_1036 = tpu.unpack_subelements %bitcast3A_1031, 0 {pack_format = #tpu.pack_format<interleaved>} : vector<32xbf16> -> vector<16xf32>
        %unpack3A_1037 = tpu.unpack_subelements %bitcast3A_1031, 1 {pack_format = #tpu.pack_format<interleaved>} : vector<32xbf16> -> vector<16xf32>
        %unpack3A_1038 = tpu.unpack_subelements %bitcast3A_1035, 0 {pack_format = #tpu.pack_format<interleaved>} : vector<32xbf16> -> vector<16xf32>
        %unpack3A_1039 = tpu.unpack_subelements %bitcast3A_1035, 1 {pack_format = #tpu.pack_format<interleaved>} : vector<32xbf16> -> vector<16xf32>
        %mul3A_1040 = arith.mulf %gather3A_1025, %unpack3A_1036 : vector<16xf32>
        %add3A_1041 = arith.addf %add3A_1015, %mul3A_1040 : vector<16xf32>
        %mul3A_1042 = arith.mulf %gather3A_1025, %unpack3A_1037 : vector<16xf32>
        %add3A_1043 = arith.addf %add3A_1017, %mul3A_1042 : vector<16xf32>
        %mul3A_1044 = arith.mulf %gather3A_1025, %unpack3A_1038 : vector<16xf32>
        %add3A_1045 = arith.addf %add3A_1019, %mul3A_1044 : vector<16xf32>
        %mul3A_1046 = arith.mulf %gather3A_1025, %unpack3A_1039 : vector<16xf32>
        %add3A_1047 = arith.addf %add3A_1021, %mul3A_1046 : vector<16xf32>
        %broadcast_in_dim3A_1048 = arith.constant 10 : i32
        %broadcast_in_dim3A_1049 = vector.broadcast %broadcast_in_dim3A_1048 : i32 to vector<16x1xi32>
        %gather3A_1050 = vector.shape_cast %broadcast_in_dim3A_1049 : vector<16x1xi32> to vector<16xi32>
        %gather3A_1051 = tpu.dynamic_gather %select_n3A[%gather3A_1050] in [0] : vector<16xf32>, vector<16xi32> -> vector<16xf32>
        %add3A_1052 = arith.constant 10 : i32
        %add3A_1053 = arith.addi %mul3A_790, %add3A_1052 : i32
        %get3A_1054 = arith.index_cast %add3A_1053 : i32 to index
        %get3A_1055 = arith.constant 0 : index
        %get3A_1056 = tpu.vector_load %arg10[%get3A_1054, %get3A_1055] {strides = array<i32>} : memref<208x32xi32, #tpu.memory_space<vmem>>, vector<16xi32>,
        %bitcast3A_1057 = vector.bitcast %get3A_1056 : vector<16xi32> to vector<32xbf16>
        %get3A_1058 = arith.index_cast %add3A_1053 : i32 to index
        %get3A_1059 = arith.constant 16 : index
        %get3A_1060 = tpu.vector_load %arg10[%get3A_1058, %get3A_1059] {strides = array<i32>} : memref<208x32xi32, #tpu.memory_space<vmem>>, vector<16xi32>,
        %bitcast3A_1061 = vector.bitcast %get3A_1060 : vector<16xi32> to vector<32xbf16>
        %unpack3A_1062 = tpu.unpack_subelements %bitcast3A_1057, 0 {pack_format = #tpu.pack_format<interleaved>} : vector<32xbf16> -> vector<16xf32>
        %unpack3A_1063 = tpu.unpack_subelements %bitcast3A_1057, 1 {pack_format = #tpu.pack_format<interleaved>} : vector<32xbf16> -> vector<16xf32>
        %unpack3A_1064 = tpu.unpack_subelements %bitcast3A_1061, 0 {pack_format = #tpu.pack_format<interleaved>} : vector<32xbf16> -> vector<16xf32>
        %unpack3A_1065 = tpu.unpack_subelements %bitcast3A_1061, 1 {pack_format = #tpu.pack_format<interleaved>} : vector<32xbf16> -> vector<16xf32>
        %mul3A_1066 = arith.mulf %gather3A_1051, %unpack3A_1062 : vector<16xf32>
        %add3A_1067 = arith.addf %add3A_1041, %mul3A_1066 : vector<16xf32>
        %mul3A_1068 = arith.mulf %gather3A_1051, %unpack3A_1063 : vector<16xf32>
        %add3A_1069 = arith.addf %add3A_1043, %mul3A_1068 : vector<16xf32>
        %mul3A_1070 = arith.mulf %gather3A_1051, %unpack3A_1064 : vector<16xf32>
        %add3A_1071 = arith.addf %add3A_1045, %mul3A_1070 : vector<16xf32>
        %mul3A_1072 = arith.mulf %gather3A_1051, %unpack3A_1065 : vector<16xf32>
        %add3A_1073 = arith.addf %add3A_1047, %mul3A_1072 : vector<16xf32>
        %broadcast_in_dim3A_1074 = arith.constant 11 : i32
        %broadcast_in_dim3A_1075 = vector.broadcast %broadcast_in_dim3A_1074 : i32 to vector<16x1xi32>
        %gather3A_1076 = vector.shape_cast %broadcast_in_dim3A_1075 : vector<16x1xi32> to vector<16xi32>
        %gather3A_1077 = tpu.dynamic_gather %select_n3A[%gather3A_1076] in [0] : vector<16xf32>, vector<16xi32> -> vector<16xf32>
        %add3A_1078 = arith.constant 11 : i32
        %add3A_1079 = arith.addi %mul3A_790, %add3A_1078 : i32
        %get3A_1080 = arith.index_cast %add3A_1079 : i32 to index
        %get3A_1081 = arith.constant 0 : index
        %get3A_1082 = tpu.vector_load %arg10[%get3A_1080, %get3A_1081] {strides = array<i32>} : memref<208x32xi32, #tpu.memory_space<vmem>>, vector<16xi32>,
        %bitcast3A_1083 = vector.bitcast %get3A_1082 : vector<16xi32> to vector<32xbf16>
        %get3A_1084 = arith.index_cast %add3A_1079 : i32 to index
        %get3A_1085 = arith.constant 16 : index
        %get3A_1086 = tpu.vector_load %arg10[%get3A_1084, %get3A_1085] {strides = array<i32>} : memref<208x32xi32, #tpu.memory_space<vmem>>, vector<16xi32>,
        %bitcast3A_1087 = vector.bitcast %get3A_1086 : vector<16xi32> to vector<32xbf16>
        %unpack3A_1088 = tpu.unpack_subelements %bitcast3A_1083, 0 {pack_format = #tpu.pack_format<interleaved>} : vector<32xbf16> -> vector<16xf32>
        %unpack3A_1089 = tpu.unpack_subelements %bitcast3A_1083, 1 {pack_format = #tpu.pack_format<interleaved>} : vector<32xbf16> -> vector<16xf32>
        %unpack3A_1090 = tpu.unpack_subelements %bitcast3A_1087, 0 {pack_format = #tpu.pack_format<interleaved>} : vector<32xbf16> -> vector<16xf32>
        %unpack3A_1091 = tpu.unpack_subelements %bitcast3A_1087, 1 {pack_format = #tpu.pack_format<interleaved>} : vector<32xbf16> -> vector<16xf32>
        %mul3A_1092 = arith.mulf %gather3A_1077, %unpack3A_1088 : vector<16xf32>
        %add3A_1093 = arith.addf %add3A_1067, %mul3A_1092 : vector<16xf32>
        %mul3A_1094 = arith.mulf %gather3A_1077, %unpack3A_1089 : vector<16xf32>
        %add3A_1095 = arith.addf %add3A_1069, %mul3A_1094 : vector<16xf32>
        %mul3A_1096 = arith.mulf %gather3A_1077, %unpack3A_1090 : vector<16xf32>
        %add3A_1097 = arith.addf %add3A_1071, %mul3A_1096 : vector<16xf32>
        %mul3A_1098 = arith.mulf %gather3A_1077, %unpack3A_1091 : vector<16xf32>
        %add3A_1099 = arith.addf %add3A_1073, %mul3A_1098 : vector<16xf32>
        %broadcast_in_dim3A_1100 = arith.constant 12 : i32
        %broadcast_in_dim3A_1101 = vector.broadcast %broadcast_in_dim3A_1100 : i32 to vector<16x1xi32>
        %gather3A_1102 = vector.shape_cast %broadcast_in_dim3A_1101 : vector<16x1xi32> to vector<16xi32>
        %gather3A_1103 = tpu.dynamic_gather %select_n3A[%gather3A_1102] in [0] : vector<16xf32>, vector<16xi32> -> vector<16xf32>
        %add3A_1104 = arith.constant 12 : i32
        %add3A_1105 = arith.addi %mul3A_790, %add3A_1104 : i32
        %get3A_1106 = arith.index_cast %add3A_1105 : i32 to index
        %get3A_1107 = arith.constant 0 : index
        %get3A_1108 = tpu.vector_load %arg10[%get3A_1106, %get3A_1107] {strides = array<i32>} : memref<208x32xi32, #tpu.memory_space<vmem>>, vector<16xi32>,
        %bitcast3A_1109 = vector.bitcast %get3A_1108 : vector<16xi32> to vector<32xbf16>
        %get3A_1110 = arith.index_cast %add3A_1105 : i32 to index
        %get3A_1111 = arith.constant 16 : index
        %get3A_1112 = tpu.vector_load %arg10[%get3A_1110, %get3A_1111] {strides = array<i32>} : memref<208x32xi32, #tpu.memory_space<vmem>>, vector<16xi32>,
        %bitcast3A_1113 = vector.bitcast %get3A_1112 : vector<16xi32> to vector<32xbf16>
        %unpack3A_1114 = tpu.unpack_subelements %bitcast3A_1109, 0 {pack_format = #tpu.pack_format<interleaved>} : vector<32xbf16> -> vector<16xf32>
        %unpack3A_1115 = tpu.unpack_subelements %bitcast3A_1109, 1 {pack_format = #tpu.pack_format<interleaved>} : vector<32xbf16> -> vector<16xf32>
        %unpack3A_1116 = tpu.unpack_subelements %bitcast3A_1113, 0 {pack_format = #tpu.pack_format<interleaved>} : vector<32xbf16> -> vector<16xf32>
        %unpack3A_1117 = tpu.unpack_subelements %bitcast3A_1113, 1 {pack_format = #tpu.pack_format<interleaved>} : vector<32xbf16> -> vector<16xf32>
        %mul3A_1118 = arith.mulf %gather3A_1103, %unpack3A_1114 : vector<16xf32>
        %add3A_1119 = arith.addf %add3A_1093, %mul3A_1118 : vector<16xf32>
        %mul3A_1120 = arith.mulf %gather3A_1103, %unpack3A_1115 : vector<16xf32>
        %add3A_1121 = arith.addf %add3A_1095, %mul3A_1120 : vector<16xf32>
        %mul3A_1122 = arith.mulf %gather3A_1103, %unpack3A_1116 : vector<16xf32>
        %add3A_1123 = arith.addf %add3A_1097, %mul3A_1122 : vector<16xf32>
        %mul3A_1124 = arith.mulf %gather3A_1103, %unpack3A_1117 : vector<16xf32>
        %add3A_1125 = arith.addf %add3A_1099, %mul3A_1124 : vector<16xf32>
        %broadcast_in_dim3A_1126 = arith.constant 13 : i32
        %broadcast_in_dim3A_1127 = vector.broadcast %broadcast_in_dim3A_1126 : i32 to vector<16x1xi32>
        %gather3A_1128 = vector.shape_cast %broadcast_in_dim3A_1127 : vector<16x1xi32> to vector<16xi32>
        %gather3A_1129 = tpu.dynamic_gather %select_n3A[%gather3A_1128] in [0] : vector<16xf32>, vector<16xi32> -> vector<16xf32>
        %add3A_1130 = arith.constant 13 : i32
        %add3A_1131 = arith.addi %mul3A_790, %add3A_1130 : i32
        %get3A_1132 = arith.index_cast %add3A_1131 : i32 to index
        %get3A_1133 = arith.constant 0 : index
        %get3A_1134 = tpu.vector_load %arg10[%get3A_1132, %get3A_1133] {strides = array<i32>} : memref<208x32xi32, #tpu.memory_space<vmem>>, vector<16xi32>,
        %bitcast3A_1135 = vector.bitcast %get3A_1134 : vector<16xi32> to vector<32xbf16>
        %get3A_1136 = arith.index_cast %add3A_1131 : i32 to index
        %get3A_1137 = arith.constant 16 : index
        %get3A_1138 = tpu.vector_load %arg10[%get3A_1136, %get3A_1137] {strides = array<i32>} : memref<208x32xi32, #tpu.memory_space<vmem>>, vector<16xi32>,
        %bitcast3A_1139 = vector.bitcast %get3A_1138 : vector<16xi32> to vector<32xbf16>
        %unpack3A_1140 = tpu.unpack_subelements %bitcast3A_1135, 0 {pack_format = #tpu.pack_format<interleaved>} : vector<32xbf16> -> vector<16xf32>
        %unpack3A_1141 = tpu.unpack_subelements %bitcast3A_1135, 1 {pack_format = #tpu.pack_format<interleaved>} : vector<32xbf16> -> vector<16xf32>
        %unpack3A_1142 = tpu.unpack_subelements %bitcast3A_1139, 0 {pack_format = #tpu.pack_format<interleaved>} : vector<32xbf16> -> vector<16xf32>
        %unpack3A_1143 = tpu.unpack_subelements %bitcast3A_1139, 1 {pack_format = #tpu.pack_format<interleaved>} : vector<32xbf16> -> vector<16xf32>
        %mul3A_1144 = arith.mulf %gather3A_1129, %unpack3A_1140 : vector<16xf32>
        %add3A_1145 = arith.addf %add3A_1119, %mul3A_1144 : vector<16xf32>
        %mul3A_1146 = arith.mulf %gather3A_1129, %unpack3A_1141 : vector<16xf32>
        %add3A_1147 = arith.addf %add3A_1121, %mul3A_1146 : vector<16xf32>
        %mul3A_1148 = arith.mulf %gather3A_1129, %unpack3A_1142 : vector<16xf32>
        %add3A_1149 = arith.addf %add3A_1123, %mul3A_1148 : vector<16xf32>
        %mul3A_1150 = arith.mulf %gather3A_1129, %unpack3A_1143 : vector<16xf32>
        %add3A_1151 = arith.addf %add3A_1125, %mul3A_1150 : vector<16xf32>
        %broadcast_in_dim3A_1152 = arith.constant 14 : i32
        %broadcast_in_dim3A_1153 = vector.broadcast %broadcast_in_dim3A_1152 : i32 to vector<16x1xi32>
        %gather3A_1154 = vector.shape_cast %broadcast_in_dim3A_1153 : vector<16x1xi32> to vector<16xi32>
        %gather3A_1155 = tpu.dynamic_gather %select_n3A[%gather3A_1154] in [0] : vector<16xf32>, vector<16xi32> -> vector<16xf32>
        %add3A_1156 = arith.constant 14 : i32
        %add3A_1157 = arith.addi %mul3A_790, %add3A_1156 : i32
        %get3A_1158 = arith.index_cast %add3A_1157 : i32 to index
        %get3A_1159 = arith.constant 0 : index
        %get3A_1160 = tpu.vector_load %arg10[%get3A_1158, %get3A_1159] {strides = array<i32>} : memref<208x32xi32, #tpu.memory_space<vmem>>, vector<16xi32>,
        %bitcast3A_1161 = vector.bitcast %get3A_1160 : vector<16xi32> to vector<32xbf16>
        %get3A_1162 = arith.index_cast %add3A_1157 : i32 to index
        %get3A_1163 = arith.constant 16 : index
        %get3A_1164 = tpu.vector_load %arg10[%get3A_1162, %get3A_1163] {strides = array<i32>} : memref<208x32xi32, #tpu.memory_space<vmem>>, vector<16xi32>,
        %bitcast3A_1165 = vector.bitcast %get3A_1164 : vector<16xi32> to vector<32xbf16>
        %unpack3A_1166 = tpu.unpack_subelements %bitcast3A_1161, 0 {pack_format = #tpu.pack_format<interleaved>} : vector<32xbf16> -> vector<16xf32>
        %unpack3A_1167 = tpu.unpack_subelements %bitcast3A_1161, 1 {pack_format = #tpu.pack_format<interleaved>} : vector<32xbf16> -> vector<16xf32>
        %unpack3A_1168 = tpu.unpack_subelements %bitcast3A_1165, 0 {pack_format = #tpu.pack_format<interleaved>} : vector<32xbf16> -> vector<16xf32>
        %unpack3A_1169 = tpu.unpack_subelements %bitcast3A_1165, 1 {pack_format = #tpu.pack_format<interleaved>} : vector<32xbf16> -> vector<16xf32>
        %mul3A_1170 = arith.mulf %gather3A_1155, %unpack3A_1166 : vector<16xf32>
        %add3A_1171 = arith.addf %add3A_1145, %mul3A_1170 : vector<16xf32>
        %mul3A_1172 = arith.mulf %gather3A_1155, %unpack3A_1167 : vector<16xf32>
        %add3A_1173 = arith.addf %add3A_1147, %mul3A_1172 : vector<16xf32>
        %mul3A_1174 = arith.mulf %gather3A_1155, %unpack3A_1168 : vector<16xf32>
        %add3A_1175 = arith.addf %add3A_1149, %mul3A_1174 : vector<16xf32>
        %mul3A_1176 = arith.mulf %gather3A_1155, %unpack3A_1169 : vector<16xf32>
        %add3A_1177 = arith.addf %add3A_1151, %mul3A_1176 : vector<16xf32>
        %broadcast_in_dim3A_1178 = arith.constant 15 : i32
        %broadcast_in_dim3A_1179 = vector.broadcast %broadcast_in_dim3A_1178 : i32 to vector<16x1xi32>
        %gather3A_1180 = vector.shape_cast %broadcast_in_dim3A_1179 : vector<16x1xi32> to vector<16xi32>
        %gather3A_1181 = tpu.dynamic_gather %select_n3A[%gather3A_1180] in [0] : vector<16xf32>, vector<16xi32> -> vector<16xf32>
        %add3A_1182 = arith.constant 15 : i32
        %add3A_1183 = arith.addi %mul3A_790, %add3A_1182 : i32
        %get3A_1184 = arith.index_cast %add3A_1183 : i32 to index
        %get3A_1185 = arith.constant 0 : index
        %get3A_1186 = tpu.vector_load %arg10[%get3A_1184, %get3A_1185] {strides = array<i32>} : memref<208x32xi32, #tpu.memory_space<vmem>>, vector<16xi32>,
        %bitcast3A_1187 = vector.bitcast %get3A_1186 : vector<16xi32> to vector<32xbf16>
        %get3A_1188 = arith.index_cast %add3A_1183 : i32 to index
        %get3A_1189 = arith.constant 16 : index
        %get3A_1190 = tpu.vector_load %arg10[%get3A_1188, %get3A_1189] {strides = array<i32>} : memref<208x32xi32, #tpu.memory_space<vmem>>, vector<16xi32>,
        %bitcast3A_1191 = vector.bitcast %get3A_1190 : vector<16xi32> to vector<32xbf16>
        %unpack3A_1192 = tpu.unpack_subelements %bitcast3A_1187, 0 {pack_format = #tpu.pack_format<interleaved>} : vector<32xbf16> -> vector<16xf32>
        %unpack3A_1193 = tpu.unpack_subelements %bitcast3A_1187, 1 {pack_format = #tpu.pack_format<interleaved>} : vector<32xbf16> -> vector<16xf32>
        %unpack3A_1194 = tpu.unpack_subelements %bitcast3A_1191, 0 {pack_format = #tpu.pack_format<interleaved>} : vector<32xbf16> -> vector<16xf32>
        %unpack3A_1195 = tpu.unpack_subelements %bitcast3A_1191, 1 {pack_format = #tpu.pack_format<interleaved>} : vector<32xbf16> -> vector<16xf32>
        %mul3A_1196 = arith.mulf %gather3A_1181, %unpack3A_1192 : vector<16xf32>
        %add3A_1197 = arith.addf %add3A_1171, %mul3A_1196 : vector<16xf32>
        %mul3A_1198 = arith.mulf %gather3A_1181, %unpack3A_1193 : vector<16xf32>
        %add3A_1199 = arith.addf %add3A_1173, %mul3A_1198 : vector<16xf32>
        %mul3A_1200 = arith.mulf %gather3A_1181, %unpack3A_1194 : vector<16xf32>
        %add3A_1201 = arith.addf %add3A_1175, %mul3A_1200 : vector<16xf32>
        %mul3A_1202 = arith.mulf %gather3A_1181, %unpack3A_1195 : vector<16xf32>
        %add3A_1203 = arith.addf %add3A_1177, %mul3A_1202 : vector<16xf32>
        scf.yield %add3A_1197, %add3A_1199, %add3A_1201, %add3A_1203 : vector<16xf32>, vector<16xf32>, vector<16xf32>, vector<16xf32>
      }
      %scan3A_436 = arith.constant 13 : i32
      %mul3A_437 = arith.constant 64 : i32
      %mul3A_438 = arith.muli %add3A_415, %mul3A_437 : i32
      %add3A_439 = arith.constant 0 : i32
      %add3A_440 = arith.addi %mul3A_438, %add3A_439 : i32
      %multiple_of3A_441 = tpu.assume_multiple %add3A_440, 16 : i32
      %mul3A_442 = arith.constant 4.471500e-02 : f32
      %mul3A_443 = vector.broadcast %mul3A_442 : f32 to vector<16xf32>
      %mul3A_444 = arith.mulf %mul3A_443, %scan3A_435#0 : vector<16xf32>
      %mul3A_445 = arith.mulf %mul3A_444, %scan3A_435#0 : vector<16xf32>
      %mul3A_446 = arith.mulf %mul3A_445, %scan3A_435#0 : vector<16xf32>
      %add3A_447 = arith.addf %scan3A_435#0, %mul3A_446 : vector<16xf32>
      %mul3A_448 = arith.constant 0.797884583 : f32
      %mul3A_449 = vector.broadcast %mul3A_448 : f32 to vector<16xf32>
      %mul3A_450 = arith.mulf %mul3A_449, %add3A_447 : vector<16xf32>
      %mul3A_451 = arith.constant 2.000000e+00 : f32
      %mul3A_452 = vector.broadcast %mul3A_451 : f32 to vector<16xf32>
      %mul3A_453 = arith.mulf %mul3A_452, %mul3A_450 : vector<16xf32>
      %exp3A_454 = math.exp %mul3A_453 : vector<16xf32>
      %add3A_455 = arith.constant 1.000000e+00 : f32
      %add3A_456 = vector.broadcast %add3A_455 : f32 to vector<16xf32>
      %add3A_457 = arith.addf %exp3A_454, %add3A_456 : vector<16xf32>
      %div3A_458 = arith.constant 2.000000e+00 : f32
      %div3A_459 = vector.broadcast %div3A_458 : f32 to vector<16xf32>
      %div3A_460 = arith.divf %div3A_459, %add3A_457 : vector<16xf32>
      %sub3A_461 = arith.constant 1.000000e+00 : f32
      %sub3A_462 = vector.broadcast %sub3A_461 : f32 to vector<16xf32>
      %sub3A_463 = arith.subf %sub3A_462, %div3A_460 : vector<16xf32>
      %mul3A_464 = arith.constant 5.000000e-01 : f32
      %mul3A_465 = vector.broadcast %mul3A_464 : f32 to vector<16xf32>
      %mul3A_466 = arith.mulf %mul3A_465, %scan3A_435#0 : vector<16xf32>
      %add3A_467 = arith.constant 1.000000e+00 : f32
      %add3A_468 = vector.broadcast %add3A_467 : f32 to vector<16xf32>
      %add3A_469 = arith.addf %add3A_468, %sub3A_463 : vector<16xf32>
      %mul3A_470 = arith.mulf %mul3A_466, %add3A_469 : vector<16xf32>
      %swap3A_471 = arith.index_cast %multiple_of3A_441 : i32 to index
      %swap3A_472 = tpu.vector_load %arg12[%swap3A_471] {strides = array<i32>} : memref<8192xf32, #tpu.memory_space<vmem>>, vector<16xf32>,
      tpu.vector_store %arg12[%swap3A_471], %mul3A_470 {strides = array<i32>} : memref<8192xf32, #tpu.memory_space<vmem>>, vector<16xf32>,
      %mul3A_473 = arith.constant 64 : i32
      %mul3A_474 = arith.muli %add3A_415, %mul3A_473 : i32
      %add3A_475 = arith.constant 16 : i32
      %add3A_476 = arith.addi %mul3A_474, %add3A_475 : i32
      %multiple_of3A_477 = tpu.assume_multiple %add3A_476, 16 : i32
      %mul3A_478 = arith.constant 4.471500e-02 : f32
      %mul3A_479 = vector.broadcast %mul3A_478 : f32 to vector<16xf32>
      %mul3A_480 = arith.mulf %mul3A_479, %scan3A_435#1 : vector<16xf32>
      %mul3A_481 = arith.mulf %mul3A_480, %scan3A_435#1 : vector<16xf32>
      %mul3A_482 = arith.mulf %mul3A_481, %scan3A_435#1 : vector<16xf32>
      %add3A_483 = arith.addf %scan3A_435#1, %mul3A_482 : vector<16xf32>
      %mul3A_484 = arith.constant 0.797884583 : f32
      %mul3A_485 = vector.broadcast %mul3A_484 : f32 to vector<16xf32>
      %mul3A_486 = arith.mulf %mul3A_485, %add3A_483 : vector<16xf32>
      %mul3A_487 = arith.constant 2.000000e+00 : f32
      %mul3A_488 = vector.broadcast %mul3A_487 : f32 to vector<16xf32>
      %mul3A_489 = arith.mulf %mul3A_488, %mul3A_486 : vector<16xf32>
      %exp3A_490 = math.exp %mul3A_489 : vector<16xf32>
      %add3A_491 = arith.constant 1.000000e+00 : f32
      %add3A_492 = vector.broadcast %add3A_491 : f32 to vector<16xf32>
      %add3A_493 = arith.addf %exp3A_490, %add3A_492 : vector<16xf32>
      %div3A_494 = arith.constant 2.000000e+00 : f32
      %div3A_495 = vector.broadcast %div3A_494 : f32 to vector<16xf32>
      %div3A_496 = arith.divf %div3A_495, %add3A_493 : vector<16xf32>
      %sub3A_497 = arith.constant 1.000000e+00 : f32
      %sub3A_498 = vector.broadcast %sub3A_497 : f32 to vector<16xf32>
      %sub3A_499 = arith.subf %sub3A_498, %div3A_496 : vector<16xf32>
      %mul3A_500 = arith.constant 5.000000e-01 : f32
      %mul3A_501 = vector.broadcast %mul3A_500 : f32 to vector<16xf32>
      %mul3A_502 = arith.mulf %mul3A_501, %scan3A_435#1 : vector<16xf32>
      %add3A_503 = arith.constant 1.000000e+00 : f32
      %add3A_504 = vector.broadcast %add3A_503 : f32 to vector<16xf32>
      %add3A_505 = arith.addf %add3A_504, %sub3A_499 : vector<16xf32>
      %mul3A_506 = arith.mulf %mul3A_502, %add3A_505 : vector<16xf32>
      %swap3A_507 = arith.index_cast %multiple_of3A_477 : i32 to index
      %swap3A_508 = tpu.vector_load %arg12[%swap3A_507] {strides = array<i32>} : memref<8192xf32, #tpu.memory_space<vmem>>, vector<16xf32>,
      tpu.vector_store %arg12[%swap3A_507], %mul3A_506 {strides = array<i32>} : memref<8192xf32, #tpu.memory_space<vmem>>, vector<16xf32>,
      %mul3A_509 = arith.constant 64 : i32
      %mul3A_510 = arith.muli %add3A_415, %mul3A_509 : i32
      %add3A_511 = arith.constant 32 : i32
      %add3A_512 = arith.addi %mul3A_510, %add3A_511 : i32
      %multiple_of3A_513 = tpu.assume_multiple %add3A_512, 16 : i32
      %mul3A_514 = arith.constant 4.471500e-02 : f32
      %mul3A_515 = vector.broadcast %mul3A_514 : f32 to vector<16xf32>
      %mul3A_516 = arith.mulf %mul3A_515, %scan3A_435#2 : vector<16xf32>
      %mul3A_517 = arith.mulf %mul3A_516, %scan3A_435#2 : vector<16xf32>
      %mul3A_518 = arith.mulf %mul3A_517, %scan3A_435#2 : vector<16xf32>
      %add3A_519 = arith.addf %scan3A_435#2, %mul3A_518 : vector<16xf32>
      %mul3A_520 = arith.constant 0.797884583 : f32
      %mul3A_521 = vector.broadcast %mul3A_520 : f32 to vector<16xf32>
      %mul3A_522 = arith.mulf %mul3A_521, %add3A_519 : vector<16xf32>
      %mul3A_523 = arith.constant 2.000000e+00 : f32
      %mul3A_524 = vector.broadcast %mul3A_523 : f32 to vector<16xf32>
      %mul3A_525 = arith.mulf %mul3A_524, %mul3A_522 : vector<16xf32>
      %exp3A_526 = math.exp %mul3A_525 : vector<16xf32>
      %add3A_527 = arith.constant 1.000000e+00 : f32
      %add3A_528 = vector.broadcast %add3A_527 : f32 to vector<16xf32>
      %add3A_529 = arith.addf %exp3A_526, %add3A_528 : vector<16xf32>
      %div3A_530 = arith.constant 2.000000e+00 : f32
      %div3A_531 = vector.broadcast %div3A_530 : f32 to vector<16xf32>
      %div3A_532 = arith.divf %div3A_531, %add3A_529 : vector<16xf32>
      %sub3A_533 = arith.constant 1.000000e+00 : f32
      %sub3A_534 = vector.broadcast %sub3A_533 : f32 to vector<16xf32>
      %sub3A_535 = arith.subf %sub3A_534, %div3A_532 : vector<16xf32>
      %mul3A_536 = arith.constant 5.000000e-01 : f32
      %mul3A_537 = vector.broadcast %mul3A_536 : f32 to vector<16xf32>
      %mul3A_538 = arith.mulf %mul3A_537, %scan3A_435#2 : vector<16xf32>
      %add3A_539 = arith.constant 1.000000e+00 : f32
      %add3A_540 = vector.broadcast %add3A_539 : f32 to vector<16xf32>
      %add3A_541 = arith.addf %add3A_540, %sub3A_535 : vector<16xf32>
      %mul3A_542 = arith.mulf %mul3A_538, %add3A_541 : vector<16xf32>
      %swap3A_543 = arith.index_cast %multiple_of3A_513 : i32 to index
      %swap3A_544 = tpu.vector_load %arg12[%swap3A_543] {strides = array<i32>} : memref<8192xf32, #tpu.memory_space<vmem>>, vector<16xf32>,
      tpu.vector_store %arg12[%swap3A_543], %mul3A_542 {strides = array<i32>} : memref<8192xf32, #tpu.memory_space<vmem>>, vector<16xf32>,
      %mul3A_545 = arith.constant 64 : i32
      %mul3A_546 = arith.muli %add3A_415, %mul3A_545 : i32
      %add3A_547 = arith.constant 48 : i32
      %add3A_548 = arith.addi %mul3A_546, %add3A_547 : i32
      %multiple_of3A_549 = tpu.assume_multiple %add3A_548, 16 : i32
      %mul3A_550 = arith.constant 4.471500e-02 : f32
      %mul3A_551 = vector.broadcast %mul3A_550 : f32 to vector<16xf32>
      %mul3A_552 = arith.mulf %mul3A_551, %scan3A_435#3 : vector<16xf32>
      %mul3A_553 = arith.mulf %mul3A_552, %scan3A_435#3 : vector<16xf32>
      %mul3A_554 = arith.mulf %mul3A_553, %scan3A_435#3 : vector<16xf32>
      %add3A_555 = arith.addf %scan3A_435#3, %mul3A_554 : vector<16xf32>
      %mul3A_556 = arith.constant 0.797884583 : f32
      %mul3A_557 = vector.broadcast %mul3A_556 : f32 to vector<16xf32>
      %mul3A_558 = arith.mulf %mul3A_557, %add3A_555 : vector<16xf32>
      %mul3A_559 = arith.constant 2.000000e+00 : f32
      %mul3A_560 = vector.broadcast %mul3A_559 : f32 to vector<16xf32>
      %mul3A_561 = arith.mulf %mul3A_560, %mul3A_558 : vector<16xf32>
      %exp3A_562 = math.exp %mul3A_561 : vector<16xf32>
      %add3A_563 = arith.constant 1.000000e+00 : f32
      %add3A_564 = vector.broadcast %add3A_563 : f32 to vector<16xf32>
      %add3A_565 = arith.addf %exp3A_562, %add3A_564 : vector<16xf32>
      %div3A_566 = arith.constant 2.000000e+00 : f32
      %div3A_567 = vector.broadcast %div3A_566 : f32 to vector<16xf32>
      %div3A_568 = arith.divf %div3A_567, %add3A_565 : vector<16xf32>
      %sub3A_569 = arith.constant 1.000000e+00 : f32
      %sub3A_570 = vector.broadcast %sub3A_569 : f32 to vector<16xf32>
      %sub3A_571 = arith.subf %sub3A_570, %div3A_568 : vector<16xf32>
      %mul3A_572 = arith.constant 5.000000e-01 : f32
      %mul3A_573 = vector.broadcast %mul3A_572 : f32 to vector<16xf32>
      %mul3A_574 = arith.mulf %mul3A_573, %scan3A_435#3 : vector<16xf32>
      %add3A_575 = arith.constant 1.000000e+00 : f32
      %add3A_576 = vector.broadcast %add3A_575 : f32 to vector<16xf32>
      %add3A_577 = arith.addf %add3A_576, %sub3A_571 : vector<16xf32>
      %mul3A_578 = arith.mulf %mul3A_574, %add3A_577 : vector<16xf32>
      %swap3A_579 = arith.index_cast %multiple_of3A_549 : i32 to index
      %swap3A_580 = tpu.vector_load %arg12[%swap3A_579] {strides = array<i32>} : memref<8192xf32, #tpu.memory_space<vmem>>, vector<16xf32>,
      tpu.vector_store %arg12[%swap3A_579], %mul3A_578 {strides = array<i32>} : memref<8192xf32, #tpu.memory_space<vmem>>, vector<16xf32>,
      %add3A_581 = arith.constant 4 : i32
      %add3A_582 = arith.addi %add3A_415, %add3A_581 : i32
      %min3A_583 = arith.constant 127 : i32
      %min3A_584 = arith.minsi %add3A_582, %min3A_583 : i32
      %mul3A_585 = arith.constant 208 : i32
      %mul3A_586 = arith.muli %min3A_584, %mul3A_585 : i32
      %multiple_of3A_587 = tpu.assume_multiple %mul3A_586, 16 : i32
      %dma_start3A_588 = tpu.memref_slice %arg7[%multiple_of3A_587] : memref<26624xi32, #tpu.memory_space<vmem>> -> memref<208xi32, #tpu.memory_space<vmem>>
      %dma_start3A_589 = arith.constant 0 : i32
      %dma_start3A_590 = arith.constant 0 : i32
      %dma_start3A_591 = tpu.memref_slice %arg4[%dma_start3A_589, %dma_start3A_590] : memref<1000001x32xi32, #tpu.memory_space<hbm>> -> memref<1000001x32xi32, #tpu.memory_space<hbm>>
      tpu.enqueue_indirect_dma source(%dma_start3A_591 : memref<1000001x32xi32, #tpu.memory_space<hbm>>) target(%arg10 : memref<208x32xi32, #tpu.memory_space<vmem>>) offsets(%dma_start3A_588 : memref<208xi32, #tpu.memory_space<vmem>>) semaphore(%arg15 : memref<!tpu.dma_semaphore, #tpu.memory_space<semaphore_mem>>)
      %mul3A_592 = arith.constant 4 : i32
      %mul3A_593 = arith.muli %mul3A_592, %scan3A_57 : i32
      %add3A_594 = arith.constant 3 : i32
      %add3A_595 = arith.addi %mul3A_593, %add3A_594 : i32
      %mul3A_596 = arith.constant 208 : i32
      %mul3A_597 = arith.muli %add3A_595, %mul3A_596 : i32
      %multiple_of3A_598 = tpu.assume_multiple %mul3A_597, 16 : i32
      %dma_wait3A_599 = tpu.memref_slice %arg7[%multiple_of3A_598] : memref<26624xi32, #tpu.memory_space<vmem>> -> memref<208xi32, #tpu.memory_space<vmem>>
      %dma_wait3A_600 = arith.constant 0 : i32
      %dma_wait3A_601 = arith.constant 0 : i32
      %dma_wait3A_602 = tpu.memref_slice %arg4[%dma_wait3A_600, %dma_wait3A_601] : memref<1000001x32xi32, #tpu.memory_space<hbm>> -> memref<1000001x32xi32, #tpu.memory_space<hbm>>
      tpu.wait_indirect_dma semaphore(%arg16 : memref<!tpu.dma_semaphore, #tpu.memory_space<semaphore_mem>>) src(%dma_wait3A_602 : memref<1000001x32xi32, #tpu.memory_space<hbm>>) dst(%arg11 : memref<208x32xi32, #tpu.memory_space<vmem>>)
      %broadcast_in_dim3A_603 = arith.constant 0.000000e+00 : f32
      %broadcast_in_dim3A_604 = vector.broadcast %broadcast_in_dim3A_603 : f32 to vector<16xf32>
      %broadcast_in_dim3A_605 = arith.constant 0.000000e+00 : f32
      %broadcast_in_dim3A_606 = vector.broadcast %broadcast_in_dim3A_605 : f32 to vector<16xf32>
      %broadcast_in_dim3A_607 = arith.constant 0.000000e+00 : f32
      %broadcast_in_dim3A_608 = vector.broadcast %broadcast_in_dim3A_607 : f32 to vector<16xf32>
      %broadcast_in_dim3A_609 = arith.constant 0.000000e+00 : f32
      %broadcast_in_dim3A_610 = vector.broadcast %broadcast_in_dim3A_609 : f32 to vector<16xf32>
      %scan3A_611 = arith.constant 0 : i32
      %scan3A_612 = arith.constant 13 : i32
      %scan3A_613 = arith.addi %scan3A_611, %scan3A_612 : i32
      %scan3A_614 = arith.constant 1 : i32
      %scan3A_615:4 = scf.for %scan3A_772 = %scan3A_611 to %scan3A_613 step %scan3A_614 iter_args(%scan3A_773 = %broadcast_in_dim3A_604, %scan3A_774 = %broadcast_in_dim3A_606, %scan3A_775 = %broadcast_in_dim3A_608, %scan3A_776 = %broadcast_in_dim3A_610) -> (vector<16xf32>, vector<16xf32>, vector<16xf32>, vector<16xf32>)  : i32 {
        %mul3A_777 = arith.constant 208 : i32
        %mul3A_778 = arith.muli %add3A_595, %mul3A_777 : i32
        %mul3A_779 = arith.constant 16 : i32
        %mul3A_780 = arith.muli %scan3A_772, %mul3A_779 : i32
        %add3A_781 = arith.addi %mul3A_778, %mul3A_780 : i32
        %multiple_of3A_782 = tpu.assume_multiple %add3A_781, 16 : i32
        %get3A = arith.index_cast %multiple_of3A_782 : i32 to index
        %get3A_783 = tpu.vector_load %arg6[%get3A] {strides = array<i32>} : memref<26624xf32, #tpu.memory_space<vmem>>, vector<16xf32>,
        %get3A_784 = arith.index_cast %multiple_of3A_782 : i32 to index
        %get3A_785 = tpu.vector_load %arg7[%get3A_784] {strides = array<i32>} : memref<26624xi32, #tpu.memory_space<vmem>>, vector<16xi32>,
        %ne3A = arith.constant 0 : i32
        %ne3A_786 = vector.broadcast %ne3A : i32 to vector<16xi32>
        %ne3A_787 = arith.cmpi ne, %get3A_785, %ne3A_786 : vector<16xi32>
        %jit3A = arith.constant 0.000000e+00 : f32
        %broadcast_in_dim3A_788 = vector.broadcast %jit3A : f32 to vector<16xf32>
        %select_n3A = arith.select %ne3A_787, %get3A_783, %broadcast_in_dim3A_788 : vector<16xi1>, vector<16xf32>
        %mul3A_789 = arith.constant 16 : i32
        %mul3A_790 = arith.muli %scan3A_772, %mul3A_789 : i32
        %broadcast_in_dim3A_791 = arith.constant 0 : i32
        %broadcast_in_dim3A_792 = vector.broadcast %broadcast_in_dim3A_791 : i32 to vector<16x1xi32>
        %gather3A = vector.shape_cast %broadcast_in_dim3A_792 : vector<16x1xi32> to vector<16xi32>
        %gather3A_793 = tpu.dynamic_gather %select_n3A[%gather3A] in [0] : vector<16xf32>, vector<16xi32> -> vector<16xf32>
        %add3A_794 = arith.constant 0 : i32
        %add3A_795 = arith.addi %mul3A_790, %add3A_794 : i32
        %get3A_796 = arith.index_cast %add3A_795 : i32 to index
        %get3A_797 = arith.constant 0 : index
        %get3A_798 = tpu.vector_load %arg11[%get3A_796, %get3A_797] {strides = array<i32>} : memref<208x32xi32, #tpu.memory_space<vmem>>, vector<16xi32>,
        %bitcast3A = vector.bitcast %get3A_798 : vector<16xi32> to vector<32xbf16>
        %get3A_799 = arith.index_cast %add3A_795 : i32 to index
        %get3A_800 = arith.constant 16 : index
        %get3A_801 = tpu.vector_load %arg11[%get3A_799, %get3A_800] {strides = array<i32>} : memref<208x32xi32, #tpu.memory_space<vmem>>, vector<16xi32>,
        %bitcast3A_802 = vector.bitcast %get3A_801 : vector<16xi32> to vector<32xbf16>
        %unpack3A = tpu.unpack_subelements %bitcast3A, 0 {pack_format = #tpu.pack_format<interleaved>} : vector<32xbf16> -> vector<16xf32>
        %unpack3A_803 = tpu.unpack_subelements %bitcast3A, 1 {pack_format = #tpu.pack_format<interleaved>} : vector<32xbf16> -> vector<16xf32>
        %unpack3A_804 = tpu.unpack_subelements %bitcast3A_802, 0 {pack_format = #tpu.pack_format<interleaved>} : vector<32xbf16> -> vector<16xf32>
        %unpack3A_805 = tpu.unpack_subelements %bitcast3A_802, 1 {pack_format = #tpu.pack_format<interleaved>} : vector<32xbf16> -> vector<16xf32>
        %mul3A_806 = arith.mulf %gather3A_793, %unpack3A : vector<16xf32>
        %add3A_807 = arith.addf %scan3A_773, %mul3A_806 : vector<16xf32>
        %mul3A_808 = arith.mulf %gather3A_793, %unpack3A_803 : vector<16xf32>
        %add3A_809 = arith.addf %scan3A_774, %mul3A_808 : vector<16xf32>
        %mul3A_810 = arith.mulf %gather3A_793, %unpack3A_804 : vector<16xf32>
        %add3A_811 = arith.addf %scan3A_775, %mul3A_810 : vector<16xf32>
        %mul3A_812 = arith.mulf %gather3A_793, %unpack3A_805 : vector<16xf32>
        %add3A_813 = arith.addf %scan3A_776, %mul3A_812 : vector<16xf32>
        %broadcast_in_dim3A_814 = arith.constant 1 : i32
        %broadcast_in_dim3A_815 = vector.broadcast %broadcast_in_dim3A_814 : i32 to vector<16x1xi32>
        %gather3A_816 = vector.shape_cast %broadcast_in_dim3A_815 : vector<16x1xi32> to vector<16xi32>
        %gather3A_817 = tpu.dynamic_gather %select_n3A[%gather3A_816] in [0] : vector<16xf32>, vector<16xi32> -> vector<16xf32>
        %add3A_818 = arith.constant 1 : i32
        %add3A_819 = arith.addi %mul3A_790, %add3A_818 : i32
        %get3A_820 = arith.index_cast %add3A_819 : i32 to index
        %get3A_821 = arith.constant 0 : index
        %get3A_822 = tpu.vector_load %arg11[%get3A_820, %get3A_821] {strides = array<i32>} : memref<208x32xi32, #tpu.memory_space<vmem>>, vector<16xi32>,
        %bitcast3A_823 = vector.bitcast %get3A_822 : vector<16xi32> to vector<32xbf16>
        %get3A_824 = arith.index_cast %add3A_819 : i32 to index
        %get3A_825 = arith.constant 16 : index
        %get3A_826 = tpu.vector_load %arg11[%get3A_824, %get3A_825] {strides = array<i32>} : memref<208x32xi32, #tpu.memory_space<vmem>>, vector<16xi32>,
        %bitcast3A_827 = vector.bitcast %get3A_826 : vector<16xi32> to vector<32xbf16>
        %unpack3A_828 = tpu.unpack_subelements %bitcast3A_823, 0 {pack_format = #tpu.pack_format<interleaved>} : vector<32xbf16> -> vector<16xf32>
        %unpack3A_829 = tpu.unpack_subelements %bitcast3A_823, 1 {pack_format = #tpu.pack_format<interleaved>} : vector<32xbf16> -> vector<16xf32>
        %unpack3A_830 = tpu.unpack_subelements %bitcast3A_827, 0 {pack_format = #tpu.pack_format<interleaved>} : vector<32xbf16> -> vector<16xf32>
        %unpack3A_831 = tpu.unpack_subelements %bitcast3A_827, 1 {pack_format = #tpu.pack_format<interleaved>} : vector<32xbf16> -> vector<16xf32>
        %mul3A_832 = arith.mulf %gather3A_817, %unpack3A_828 : vector<16xf32>
        %add3A_833 = arith.addf %add3A_807, %mul3A_832 : vector<16xf32>
        %mul3A_834 = arith.mulf %gather3A_817, %unpack3A_829 : vector<16xf32>
        %add3A_835 = arith.addf %add3A_809, %mul3A_834 : vector<16xf32>
        %mul3A_836 = arith.mulf %gather3A_817, %unpack3A_830 : vector<16xf32>
        %add3A_837 = arith.addf %add3A_811, %mul3A_836 : vector<16xf32>
        %mul3A_838 = arith.mulf %gather3A_817, %unpack3A_831 : vector<16xf32>
        %add3A_839 = arith.addf %add3A_813, %mul3A_838 : vector<16xf32>
        %broadcast_in_dim3A_840 = arith.constant 2 : i32
        %broadcast_in_dim3A_841 = vector.broadcast %broadcast_in_dim3A_840 : i32 to vector<16x1xi32>
        %gather3A_842 = vector.shape_cast %broadcast_in_dim3A_841 : vector<16x1xi32> to vector<16xi32>
        %gather3A_843 = tpu.dynamic_gather %select_n3A[%gather3A_842] in [0] : vector<16xf32>, vector<16xi32> -> vector<16xf32>
        %add3A_844 = arith.constant 2 : i32
        %add3A_845 = arith.addi %mul3A_790, %add3A_844 : i32
        %get3A_846 = arith.index_cast %add3A_845 : i32 to index
        %get3A_847 = arith.constant 0 : index
        %get3A_848 = tpu.vector_load %arg11[%get3A_846, %get3A_847] {strides = array<i32>} : memref<208x32xi32, #tpu.memory_space<vmem>>, vector<16xi32>,
        %bitcast3A_849 = vector.bitcast %get3A_848 : vector<16xi32> to vector<32xbf16>
        %get3A_850 = arith.index_cast %add3A_845 : i32 to index
        %get3A_851 = arith.constant 16 : index
        %get3A_852 = tpu.vector_load %arg11[%get3A_850, %get3A_851] {strides = array<i32>} : memref<208x32xi32, #tpu.memory_space<vmem>>, vector<16xi32>,
        %bitcast3A_853 = vector.bitcast %get3A_852 : vector<16xi32> to vector<32xbf16>
        %unpack3A_854 = tpu.unpack_subelements %bitcast3A_849, 0 {pack_format = #tpu.pack_format<interleaved>} : vector<32xbf16> -> vector<16xf32>
        %unpack3A_855 = tpu.unpack_subelements %bitcast3A_849, 1 {pack_format = #tpu.pack_format<interleaved>} : vector<32xbf16> -> vector<16xf32>
        %unpack3A_856 = tpu.unpack_subelements %bitcast3A_853, 0 {pack_format = #tpu.pack_format<interleaved>} : vector<32xbf16> -> vector<16xf32>
        %unpack3A_857 = tpu.unpack_subelements %bitcast3A_853, 1 {pack_format = #tpu.pack_format<interleaved>} : vector<32xbf16> -> vector<16xf32>
        %mul3A_858 = arith.mulf %gather3A_843, %unpack3A_854 : vector<16xf32>
        %add3A_859 = arith.addf %add3A_833, %mul3A_858 : vector<16xf32>
        %mul3A_860 = arith.mulf %gather3A_843, %unpack3A_855 : vector<16xf32>
        %add3A_861 = arith.addf %add3A_835, %mul3A_860 : vector<16xf32>
        %mul3A_862 = arith.mulf %gather3A_843, %unpack3A_856 : vector<16xf32>
        %add3A_863 = arith.addf %add3A_837, %mul3A_862 : vector<16xf32>
        %mul3A_864 = arith.mulf %gather3A_843, %unpack3A_857 : vector<16xf32>
        %add3A_865 = arith.addf %add3A_839, %mul3A_864 : vector<16xf32>
        %broadcast_in_dim3A_866 = arith.constant 3 : i32
        %broadcast_in_dim3A_867 = vector.broadcast %broadcast_in_dim3A_866 : i32 to vector<16x1xi32>
        %gather3A_868 = vector.shape_cast %broadcast_in_dim3A_867 : vector<16x1xi32> to vector<16xi32>
        %gather3A_869 = tpu.dynamic_gather %select_n3A[%gather3A_868] in [0] : vector<16xf32>, vector<16xi32> -> vector<16xf32>
        %add3A_870 = arith.constant 3 : i32
        %add3A_871 = arith.addi %mul3A_790, %add3A_870 : i32
        %get3A_872 = arith.index_cast %add3A_871 : i32 to index
        %get3A_873 = arith.constant 0 : index
        %get3A_874 = tpu.vector_load %arg11[%get3A_872, %get3A_873] {strides = array<i32>} : memref<208x32xi32, #tpu.memory_space<vmem>>, vector<16xi32>,
        %bitcast3A_875 = vector.bitcast %get3A_874 : vector<16xi32> to vector<32xbf16>
        %get3A_876 = arith.index_cast %add3A_871 : i32 to index
        %get3A_877 = arith.constant 16 : index
        %get3A_878 = tpu.vector_load %arg11[%get3A_876, %get3A_877] {strides = array<i32>} : memref<208x32xi32, #tpu.memory_space<vmem>>, vector<16xi32>,
        %bitcast3A_879 = vector.bitcast %get3A_878 : vector<16xi32> to vector<32xbf16>
        %unpack3A_880 = tpu.unpack_subelements %bitcast3A_875, 0 {pack_format = #tpu.pack_format<interleaved>} : vector<32xbf16> -> vector<16xf32>
        %unpack3A_881 = tpu.unpack_subelements %bitcast3A_875, 1 {pack_format = #tpu.pack_format<interleaved>} : vector<32xbf16> -> vector<16xf32>
        %unpack3A_882 = tpu.unpack_subelements %bitcast3A_879, 0 {pack_format = #tpu.pack_format<interleaved>} : vector<32xbf16> -> vector<16xf32>
        %unpack3A_883 = tpu.unpack_subelements %bitcast3A_879, 1 {pack_format = #tpu.pack_format<interleaved>} : vector<32xbf16> -> vector<16xf32>
        %mul3A_884 = arith.mulf %gather3A_869, %unpack3A_880 : vector<16xf32>
        %add3A_885 = arith.addf %add3A_859, %mul3A_884 : vector<16xf32>
        %mul3A_886 = arith.mulf %gather3A_869, %unpack3A_881 : vector<16xf32>
        %add3A_887 = arith.addf %add3A_861, %mul3A_886 : vector<16xf32>
        %mul3A_888 = arith.mulf %gather3A_869, %unpack3A_882 : vector<16xf32>
        %add3A_889 = arith.addf %add3A_863, %mul3A_888 : vector<16xf32>
        %mul3A_890 = arith.mulf %gather3A_869, %unpack3A_883 : vector<16xf32>
        %add3A_891 = arith.addf %add3A_865, %mul3A_890 : vector<16xf32>
        %broadcast_in_dim3A_892 = arith.constant 4 : i32
        %broadcast_in_dim3A_893 = vector.broadcast %broadcast_in_dim3A_892 : i32 to vector<16x1xi32>
        %gather3A_894 = vector.shape_cast %broadcast_in_dim3A_893 : vector<16x1xi32> to vector<16xi32>
        %gather3A_895 = tpu.dynamic_gather %select_n3A[%gather3A_894] in [0] : vector<16xf32>, vector<16xi32> -> vector<16xf32>
        %add3A_896 = arith.constant 4 : i32
        %add3A_897 = arith.addi %mul3A_790, %add3A_896 : i32
        %get3A_898 = arith.index_cast %add3A_897 : i32 to index
        %get3A_899 = arith.constant 0 : index
        %get3A_900 = tpu.vector_load %arg11[%get3A_898, %get3A_899] {strides = array<i32>} : memref<208x32xi32, #tpu.memory_space<vmem>>, vector<16xi32>,
        %bitcast3A_901 = vector.bitcast %get3A_900 : vector<16xi32> to vector<32xbf16>
        %get3A_902 = arith.index_cast %add3A_897 : i32 to index
        %get3A_903 = arith.constant 16 : index
        %get3A_904 = tpu.vector_load %arg11[%get3A_902, %get3A_903] {strides = array<i32>} : memref<208x32xi32, #tpu.memory_space<vmem>>, vector<16xi32>,
        %bitcast3A_905 = vector.bitcast %get3A_904 : vector<16xi32> to vector<32xbf16>
        %unpack3A_906 = tpu.unpack_subelements %bitcast3A_901, 0 {pack_format = #tpu.pack_format<interleaved>} : vector<32xbf16> -> vector<16xf32>
        %unpack3A_907 = tpu.unpack_subelements %bitcast3A_901, 1 {pack_format = #tpu.pack_format<interleaved>} : vector<32xbf16> -> vector<16xf32>
        %unpack3A_908 = tpu.unpack_subelements %bitcast3A_905, 0 {pack_format = #tpu.pack_format<interleaved>} : vector<32xbf16> -> vector<16xf32>
        %unpack3A_909 = tpu.unpack_subelements %bitcast3A_905, 1 {pack_format = #tpu.pack_format<interleaved>} : vector<32xbf16> -> vector<16xf32>
        %mul3A_910 = arith.mulf %gather3A_895, %unpack3A_906 : vector<16xf32>
        %add3A_911 = arith.addf %add3A_885, %mul3A_910 : vector<16xf32>
        %mul3A_912 = arith.mulf %gather3A_895, %unpack3A_907 : vector<16xf32>
        %add3A_913 = arith.addf %add3A_887, %mul3A_912 : vector<16xf32>
        %mul3A_914 = arith.mulf %gather3A_895, %unpack3A_908 : vector<16xf32>
        %add3A_915 = arith.addf %add3A_889, %mul3A_914 : vector<16xf32>
        %mul3A_916 = arith.mulf %gather3A_895, %unpack3A_909 : vector<16xf32>
        %add3A_917 = arith.addf %add3A_891, %mul3A_916 : vector<16xf32>
        %broadcast_in_dim3A_918 = arith.constant 5 : i32
        %broadcast_in_dim3A_919 = vector.broadcast %broadcast_in_dim3A_918 : i32 to vector<16x1xi32>
        %gather3A_920 = vector.shape_cast %broadcast_in_dim3A_919 : vector<16x1xi32> to vector<16xi32>
        %gather3A_921 = tpu.dynamic_gather %select_n3A[%gather3A_920] in [0] : vector<16xf32>, vector<16xi32> -> vector<16xf32>
        %add3A_922 = arith.constant 5 : i32
        %add3A_923 = arith.addi %mul3A_790, %add3A_922 : i32
        %get3A_924 = arith.index_cast %add3A_923 : i32 to index
        %get3A_925 = arith.constant 0 : index
        %get3A_926 = tpu.vector_load %arg11[%get3A_924, %get3A_925] {strides = array<i32>} : memref<208x32xi32, #tpu.memory_space<vmem>>, vector<16xi32>,
        %bitcast3A_927 = vector.bitcast %get3A_926 : vector<16xi32> to vector<32xbf16>
        %get3A_928 = arith.index_cast %add3A_923 : i32 to index
        %get3A_929 = arith.constant 16 : index
        %get3A_930 = tpu.vector_load %arg11[%get3A_928, %get3A_929] {strides = array<i32>} : memref<208x32xi32, #tpu.memory_space<vmem>>, vector<16xi32>,
        %bitcast3A_931 = vector.bitcast %get3A_930 : vector<16xi32> to vector<32xbf16>
        %unpack3A_932 = tpu.unpack_subelements %bitcast3A_927, 0 {pack_format = #tpu.pack_format<interleaved>} : vector<32xbf16> -> vector<16xf32>
        %unpack3A_933 = tpu.unpack_subelements %bitcast3A_927, 1 {pack_format = #tpu.pack_format<interleaved>} : vector<32xbf16> -> vector<16xf32>
        %unpack3A_934 = tpu.unpack_subelements %bitcast3A_931, 0 {pack_format = #tpu.pack_format<interleaved>} : vector<32xbf16> -> vector<16xf32>
        %unpack3A_935 = tpu.unpack_subelements %bitcast3A_931, 1 {pack_format = #tpu.pack_format<interleaved>} : vector<32xbf16> -> vector<16xf32>
        %mul3A_936 = arith.mulf %gather3A_921, %unpack3A_932 : vector<16xf32>
        %add3A_937 = arith.addf %add3A_911, %mul3A_936 : vector<16xf32>
        %mul3A_938 = arith.mulf %gather3A_921, %unpack3A_933 : vector<16xf32>
        %add3A_939 = arith.addf %add3A_913, %mul3A_938 : vector<16xf32>
        %mul3A_940 = arith.mulf %gather3A_921, %unpack3A_934 : vector<16xf32>
        %add3A_941 = arith.addf %add3A_915, %mul3A_940 : vector<16xf32>
        %mul3A_942 = arith.mulf %gather3A_921, %unpack3A_935 : vector<16xf32>
        %add3A_943 = arith.addf %add3A_917, %mul3A_942 : vector<16xf32>
        %broadcast_in_dim3A_944 = arith.constant 6 : i32
        %broadcast_in_dim3A_945 = vector.broadcast %broadcast_in_dim3A_944 : i32 to vector<16x1xi32>
        %gather3A_946 = vector.shape_cast %broadcast_in_dim3A_945 : vector<16x1xi32> to vector<16xi32>
        %gather3A_947 = tpu.dynamic_gather %select_n3A[%gather3A_946] in [0] : vector<16xf32>, vector<16xi32> -> vector<16xf32>
        %add3A_948 = arith.constant 6 : i32
        %add3A_949 = arith.addi %mul3A_790, %add3A_948 : i32
        %get3A_950 = arith.index_cast %add3A_949 : i32 to index
        %get3A_951 = arith.constant 0 : index
        %get3A_952 = tpu.vector_load %arg11[%get3A_950, %get3A_951] {strides = array<i32>} : memref<208x32xi32, #tpu.memory_space<vmem>>, vector<16xi32>,
        %bitcast3A_953 = vector.bitcast %get3A_952 : vector<16xi32> to vector<32xbf16>
        %get3A_954 = arith.index_cast %add3A_949 : i32 to index
        %get3A_955 = arith.constant 16 : index
        %get3A_956 = tpu.vector_load %arg11[%get3A_954, %get3A_955] {strides = array<i32>} : memref<208x32xi32, #tpu.memory_space<vmem>>, vector<16xi32>,
        %bitcast3A_957 = vector.bitcast %get3A_956 : vector<16xi32> to vector<32xbf16>
        %unpack3A_958 = tpu.unpack_subelements %bitcast3A_953, 0 {pack_format = #tpu.pack_format<interleaved>} : vector<32xbf16> -> vector<16xf32>
        %unpack3A_959 = tpu.unpack_subelements %bitcast3A_953, 1 {pack_format = #tpu.pack_format<interleaved>} : vector<32xbf16> -> vector<16xf32>
        %unpack3A_960 = tpu.unpack_subelements %bitcast3A_957, 0 {pack_format = #tpu.pack_format<interleaved>} : vector<32xbf16> -> vector<16xf32>
        %unpack3A_961 = tpu.unpack_subelements %bitcast3A_957, 1 {pack_format = #tpu.pack_format<interleaved>} : vector<32xbf16> -> vector<16xf32>
        %mul3A_962 = arith.mulf %gather3A_947, %unpack3A_958 : vector<16xf32>
        %add3A_963 = arith.addf %add3A_937, %mul3A_962 : vector<16xf32>
        %mul3A_964 = arith.mulf %gather3A_947, %unpack3A_959 : vector<16xf32>
        %add3A_965 = arith.addf %add3A_939, %mul3A_964 : vector<16xf32>
        %mul3A_966 = arith.mulf %gather3A_947, %unpack3A_960 : vector<16xf32>
        %add3A_967 = arith.addf %add3A_941, %mul3A_966 : vector<16xf32>
        %mul3A_968 = arith.mulf %gather3A_947, %unpack3A_961 : vector<16xf32>
        %add3A_969 = arith.addf %add3A_943, %mul3A_968 : vector<16xf32>
        %broadcast_in_dim3A_970 = arith.constant 7 : i32
        %broadcast_in_dim3A_971 = vector.broadcast %broadcast_in_dim3A_970 : i32 to vector<16x1xi32>
        %gather3A_972 = vector.shape_cast %broadcast_in_dim3A_971 : vector<16x1xi32> to vector<16xi32>
        %gather3A_973 = tpu.dynamic_gather %select_n3A[%gather3A_972] in [0] : vector<16xf32>, vector<16xi32> -> vector<16xf32>
        %add3A_974 = arith.constant 7 : i32
        %add3A_975 = arith.addi %mul3A_790, %add3A_974 : i32
        %get3A_976 = arith.index_cast %add3A_975 : i32 to index
        %get3A_977 = arith.constant 0 : index
        %get3A_978 = tpu.vector_load %arg11[%get3A_976, %get3A_977] {strides = array<i32>} : memref<208x32xi32, #tpu.memory_space<vmem>>, vector<16xi32>,
        %bitcast3A_979 = vector.bitcast %get3A_978 : vector<16xi32> to vector<32xbf16>
        %get3A_980 = arith.index_cast %add3A_975 : i32 to index
        %get3A_981 = arith.constant 16 : index
        %get3A_982 = tpu.vector_load %arg11[%get3A_980, %get3A_981] {strides = array<i32>} : memref<208x32xi32, #tpu.memory_space<vmem>>, vector<16xi32>,
        %bitcast3A_983 = vector.bitcast %get3A_982 : vector<16xi32> to vector<32xbf16>
        %unpack3A_984 = tpu.unpack_subelements %bitcast3A_979, 0 {pack_format = #tpu.pack_format<interleaved>} : vector<32xbf16> -> vector<16xf32>
        %unpack3A_985 = tpu.unpack_subelements %bitcast3A_979, 1 {pack_format = #tpu.pack_format<interleaved>} : vector<32xbf16> -> vector<16xf32>
        %unpack3A_986 = tpu.unpack_subelements %bitcast3A_983, 0 {pack_format = #tpu.pack_format<interleaved>} : vector<32xbf16> -> vector<16xf32>
        %unpack3A_987 = tpu.unpack_subelements %bitcast3A_983, 1 {pack_format = #tpu.pack_format<interleaved>} : vector<32xbf16> -> vector<16xf32>
        %mul3A_988 = arith.mulf %gather3A_973, %unpack3A_984 : vector<16xf32>
        %add3A_989 = arith.addf %add3A_963, %mul3A_988 : vector<16xf32>
        %mul3A_990 = arith.mulf %gather3A_973, %unpack3A_985 : vector<16xf32>
        %add3A_991 = arith.addf %add3A_965, %mul3A_990 : vector<16xf32>
        %mul3A_992 = arith.mulf %gather3A_973, %unpack3A_986 : vector<16xf32>
        %add3A_993 = arith.addf %add3A_967, %mul3A_992 : vector<16xf32>
        %mul3A_994 = arith.mulf %gather3A_973, %unpack3A_987 : vector<16xf32>
        %add3A_995 = arith.addf %add3A_969, %mul3A_994 : vector<16xf32>
        %broadcast_in_dim3A_996 = arith.constant 8 : i32
        %broadcast_in_dim3A_997 = vector.broadcast %broadcast_in_dim3A_996 : i32 to vector<16x1xi32>
        %gather3A_998 = vector.shape_cast %broadcast_in_dim3A_997 : vector<16x1xi32> to vector<16xi32>
        %gather3A_999 = tpu.dynamic_gather %select_n3A[%gather3A_998] in [0] : vector<16xf32>, vector<16xi32> -> vector<16xf32>
        %add3A_1000 = arith.constant 8 : i32
        %add3A_1001 = arith.addi %mul3A_790, %add3A_1000 : i32
        %get3A_1002 = arith.index_cast %add3A_1001 : i32 to index
        %get3A_1003 = arith.constant 0 : index
        %get3A_1004 = tpu.vector_load %arg11[%get3A_1002, %get3A_1003] {strides = array<i32>} : memref<208x32xi32, #tpu.memory_space<vmem>>, vector<16xi32>,
        %bitcast3A_1005 = vector.bitcast %get3A_1004 : vector<16xi32> to vector<32xbf16>
        %get3A_1006 = arith.index_cast %add3A_1001 : i32 to index
        %get3A_1007 = arith.constant 16 : index
        %get3A_1008 = tpu.vector_load %arg11[%get3A_1006, %get3A_1007] {strides = array<i32>} : memref<208x32xi32, #tpu.memory_space<vmem>>, vector<16xi32>,
        %bitcast3A_1009 = vector.bitcast %get3A_1008 : vector<16xi32> to vector<32xbf16>
        %unpack3A_1010 = tpu.unpack_subelements %bitcast3A_1005, 0 {pack_format = #tpu.pack_format<interleaved>} : vector<32xbf16> -> vector<16xf32>
        %unpack3A_1011 = tpu.unpack_subelements %bitcast3A_1005, 1 {pack_format = #tpu.pack_format<interleaved>} : vector<32xbf16> -> vector<16xf32>
        %unpack3A_1012 = tpu.unpack_subelements %bitcast3A_1009, 0 {pack_format = #tpu.pack_format<interleaved>} : vector<32xbf16> -> vector<16xf32>
        %unpack3A_1013 = tpu.unpack_subelements %bitcast3A_1009, 1 {pack_format = #tpu.pack_format<interleaved>} : vector<32xbf16> -> vector<16xf32>
        %mul3A_1014 = arith.mulf %gather3A_999, %unpack3A_1010 : vector<16xf32>
        %add3A_1015 = arith.addf %add3A_989, %mul3A_1014 : vector<16xf32>
        %mul3A_1016 = arith.mulf %gather3A_999, %unpack3A_1011 : vector<16xf32>
        %add3A_1017 = arith.addf %add3A_991, %mul3A_1016 : vector<16xf32>
        %mul3A_1018 = arith.mulf %gather3A_999, %unpack3A_1012 : vector<16xf32>
        %add3A_1019 = arith.addf %add3A_993, %mul3A_1018 : vector<16xf32>
        %mul3A_1020 = arith.mulf %gather3A_999, %unpack3A_1013 : vector<16xf32>
        %add3A_1021 = arith.addf %add3A_995, %mul3A_1020 : vector<16xf32>
        %broadcast_in_dim3A_1022 = arith.constant 9 : i32
        %broadcast_in_dim3A_1023 = vector.broadcast %broadcast_in_dim3A_1022 : i32 to vector<16x1xi32>
        %gather3A_1024 = vector.shape_cast %broadcast_in_dim3A_1023 : vector<16x1xi32> to vector<16xi32>
        %gather3A_1025 = tpu.dynamic_gather %select_n3A[%gather3A_1024] in [0] : vector<16xf32>, vector<16xi32> -> vector<16xf32>
        %add3A_1026 = arith.constant 9 : i32
        %add3A_1027 = arith.addi %mul3A_790, %add3A_1026 : i32
        %get3A_1028 = arith.index_cast %add3A_1027 : i32 to index
        %get3A_1029 = arith.constant 0 : index
        %get3A_1030 = tpu.vector_load %arg11[%get3A_1028, %get3A_1029] {strides = array<i32>} : memref<208x32xi32, #tpu.memory_space<vmem>>, vector<16xi32>,
        %bitcast3A_1031 = vector.bitcast %get3A_1030 : vector<16xi32> to vector<32xbf16>
        %get3A_1032 = arith.index_cast %add3A_1027 : i32 to index
        %get3A_1033 = arith.constant 16 : index
        %get3A_1034 = tpu.vector_load %arg11[%get3A_1032, %get3A_1033] {strides = array<i32>} : memref<208x32xi32, #tpu.memory_space<vmem>>, vector<16xi32>,
        %bitcast3A_1035 = vector.bitcast %get3A_1034 : vector<16xi32> to vector<32xbf16>
        %unpack3A_1036 = tpu.unpack_subelements %bitcast3A_1031, 0 {pack_format = #tpu.pack_format<interleaved>} : vector<32xbf16> -> vector<16xf32>
        %unpack3A_1037 = tpu.unpack_subelements %bitcast3A_1031, 1 {pack_format = #tpu.pack_format<interleaved>} : vector<32xbf16> -> vector<16xf32>
        %unpack3A_1038 = tpu.unpack_subelements %bitcast3A_1035, 0 {pack_format = #tpu.pack_format<interleaved>} : vector<32xbf16> -> vector<16xf32>
        %unpack3A_1039 = tpu.unpack_subelements %bitcast3A_1035, 1 {pack_format = #tpu.pack_format<interleaved>} : vector<32xbf16> -> vector<16xf32>
        %mul3A_1040 = arith.mulf %gather3A_1025, %unpack3A_1036 : vector<16xf32>
        %add3A_1041 = arith.addf %add3A_1015, %mul3A_1040 : vector<16xf32>
        %mul3A_1042 = arith.mulf %gather3A_1025, %unpack3A_1037 : vector<16xf32>
        %add3A_1043 = arith.addf %add3A_1017, %mul3A_1042 : vector<16xf32>
        %mul3A_1044 = arith.mulf %gather3A_1025, %unpack3A_1038 : vector<16xf32>
        %add3A_1045 = arith.addf %add3A_1019, %mul3A_1044 : vector<16xf32>
        %mul3A_1046 = arith.mulf %gather3A_1025, %unpack3A_1039 : vector<16xf32>
        %add3A_1047 = arith.addf %add3A_1021, %mul3A_1046 : vector<16xf32>
        %broadcast_in_dim3A_1048 = arith.constant 10 : i32
        %broadcast_in_dim3A_1049 = vector.broadcast %broadcast_in_dim3A_1048 : i32 to vector<16x1xi32>
        %gather3A_1050 = vector.shape_cast %broadcast_in_dim3A_1049 : vector<16x1xi32> to vector<16xi32>
        %gather3A_1051 = tpu.dynamic_gather %select_n3A[%gather3A_1050] in [0] : vector<16xf32>, vector<16xi32> -> vector<16xf32>
        %add3A_1052 = arith.constant 10 : i32
        %add3A_1053 = arith.addi %mul3A_790, %add3A_1052 : i32
        %get3A_1054 = arith.index_cast %add3A_1053 : i32 to index
        %get3A_1055 = arith.constant 0 : index
        %get3A_1056 = tpu.vector_load %arg11[%get3A_1054, %get3A_1055] {strides = array<i32>} : memref<208x32xi32, #tpu.memory_space<vmem>>, vector<16xi32>,
        %bitcast3A_1057 = vector.bitcast %get3A_1056 : vector<16xi32> to vector<32xbf16>
        %get3A_1058 = arith.index_cast %add3A_1053 : i32 to index
        %get3A_1059 = arith.constant 16 : index
        %get3A_1060 = tpu.vector_load %arg11[%get3A_1058, %get3A_1059] {strides = array<i32>} : memref<208x32xi32, #tpu.memory_space<vmem>>, vector<16xi32>,
        %bitcast3A_1061 = vector.bitcast %get3A_1060 : vector<16xi32> to vector<32xbf16>
        %unpack3A_1062 = tpu.unpack_subelements %bitcast3A_1057, 0 {pack_format = #tpu.pack_format<interleaved>} : vector<32xbf16> -> vector<16xf32>
        %unpack3A_1063 = tpu.unpack_subelements %bitcast3A_1057, 1 {pack_format = #tpu.pack_format<interleaved>} : vector<32xbf16> -> vector<16xf32>
        %unpack3A_1064 = tpu.unpack_subelements %bitcast3A_1061, 0 {pack_format = #tpu.pack_format<interleaved>} : vector<32xbf16> -> vector<16xf32>
        %unpack3A_1065 = tpu.unpack_subelements %bitcast3A_1061, 1 {pack_format = #tpu.pack_format<interleaved>} : vector<32xbf16> -> vector<16xf32>
        %mul3A_1066 = arith.mulf %gather3A_1051, %unpack3A_1062 : vector<16xf32>
        %add3A_1067 = arith.addf %add3A_1041, %mul3A_1066 : vector<16xf32>
        %mul3A_1068 = arith.mulf %gather3A_1051, %unpack3A_1063 : vector<16xf32>
        %add3A_1069 = arith.addf %add3A_1043, %mul3A_1068 : vector<16xf32>
        %mul3A_1070 = arith.mulf %gather3A_1051, %unpack3A_1064 : vector<16xf32>
        %add3A_1071 = arith.addf %add3A_1045, %mul3A_1070 : vector<16xf32>
        %mul3A_1072 = arith.mulf %gather3A_1051, %unpack3A_1065 : vector<16xf32>
        %add3A_1073 = arith.addf %add3A_1047, %mul3A_1072 : vector<16xf32>
        %broadcast_in_dim3A_1074 = arith.constant 11 : i32
        %broadcast_in_dim3A_1075 = vector.broadcast %broadcast_in_dim3A_1074 : i32 to vector<16x1xi32>
        %gather3A_1076 = vector.shape_cast %broadcast_in_dim3A_1075 : vector<16x1xi32> to vector<16xi32>
        %gather3A_1077 = tpu.dynamic_gather %select_n3A[%gather3A_1076] in [0] : vector<16xf32>, vector<16xi32> -> vector<16xf32>
        %add3A_1078 = arith.constant 11 : i32
        %add3A_1079 = arith.addi %mul3A_790, %add3A_1078 : i32
        %get3A_1080 = arith.index_cast %add3A_1079 : i32 to index
        %get3A_1081 = arith.constant 0 : index
        %get3A_1082 = tpu.vector_load %arg11[%get3A_1080, %get3A_1081] {strides = array<i32>} : memref<208x32xi32, #tpu.memory_space<vmem>>, vector<16xi32>,
        %bitcast3A_1083 = vector.bitcast %get3A_1082 : vector<16xi32> to vector<32xbf16>
        %get3A_1084 = arith.index_cast %add3A_1079 : i32 to index
        %get3A_1085 = arith.constant 16 : index
        %get3A_1086 = tpu.vector_load %arg11[%get3A_1084, %get3A_1085] {strides = array<i32>} : memref<208x32xi32, #tpu.memory_space<vmem>>, vector<16xi32>,
        %bitcast3A_1087 = vector.bitcast %get3A_1086 : vector<16xi32> to vector<32xbf16>
        %unpack3A_1088 = tpu.unpack_subelements %bitcast3A_1083, 0 {pack_format = #tpu.pack_format<interleaved>} : vector<32xbf16> -> vector<16xf32>
        %unpack3A_1089 = tpu.unpack_subelements %bitcast3A_1083, 1 {pack_format = #tpu.pack_format<interleaved>} : vector<32xbf16> -> vector<16xf32>
        %unpack3A_1090 = tpu.unpack_subelements %bitcast3A_1087, 0 {pack_format = #tpu.pack_format<interleaved>} : vector<32xbf16> -> vector<16xf32>
        %unpack3A_1091 = tpu.unpack_subelements %bitcast3A_1087, 1 {pack_format = #tpu.pack_format<interleaved>} : vector<32xbf16> -> vector<16xf32>
        %mul3A_1092 = arith.mulf %gather3A_1077, %unpack3A_1088 : vector<16xf32>
        %add3A_1093 = arith.addf %add3A_1067, %mul3A_1092 : vector<16xf32>
        %mul3A_1094 = arith.mulf %gather3A_1077, %unpack3A_1089 : vector<16xf32>
        %add3A_1095 = arith.addf %add3A_1069, %mul3A_1094 : vector<16xf32>
        %mul3A_1096 = arith.mulf %gather3A_1077, %unpack3A_1090 : vector<16xf32>
        %add3A_1097 = arith.addf %add3A_1071, %mul3A_1096 : vector<16xf32>
        %mul3A_1098 = arith.mulf %gather3A_1077, %unpack3A_1091 : vector<16xf32>
        %add3A_1099 = arith.addf %add3A_1073, %mul3A_1098 : vector<16xf32>
        %broadcast_in_dim3A_1100 = arith.constant 12 : i32
        %broadcast_in_dim3A_1101 = vector.broadcast %broadcast_in_dim3A_1100 : i32 to vector<16x1xi32>
        %gather3A_1102 = vector.shape_cast %broadcast_in_dim3A_1101 : vector<16x1xi32> to vector<16xi32>
        %gather3A_1103 = tpu.dynamic_gather %select_n3A[%gather3A_1102] in [0] : vector<16xf32>, vector<16xi32> -> vector<16xf32>
        %add3A_1104 = arith.constant 12 : i32
        %add3A_1105 = arith.addi %mul3A_790, %add3A_1104 : i32
        %get3A_1106 = arith.index_cast %add3A_1105 : i32 to index
        %get3A_1107 = arith.constant 0 : index
        %get3A_1108 = tpu.vector_load %arg11[%get3A_1106, %get3A_1107] {strides = array<i32>} : memref<208x32xi32, #tpu.memory_space<vmem>>, vector<16xi32>,
        %bitcast3A_1109 = vector.bitcast %get3A_1108 : vector<16xi32> to vector<32xbf16>
        %get3A_1110 = arith.index_cast %add3A_1105 : i32 to index
        %get3A_1111 = arith.constant 16 : index
        %get3A_1112 = tpu.vector_load %arg11[%get3A_1110, %get3A_1111] {strides = array<i32>} : memref<208x32xi32, #tpu.memory_space<vmem>>, vector<16xi32>,
        %bitcast3A_1113 = vector.bitcast %get3A_1112 : vector<16xi32> to vector<32xbf16>
        %unpack3A_1114 = tpu.unpack_subelements %bitcast3A_1109, 0 {pack_format = #tpu.pack_format<interleaved>} : vector<32xbf16> -> vector<16xf32>
        %unpack3A_1115 = tpu.unpack_subelements %bitcast3A_1109, 1 {pack_format = #tpu.pack_format<interleaved>} : vector<32xbf16> -> vector<16xf32>
        %unpack3A_1116 = tpu.unpack_subelements %bitcast3A_1113, 0 {pack_format = #tpu.pack_format<interleaved>} : vector<32xbf16> -> vector<16xf32>
        %unpack3A_1117 = tpu.unpack_subelements %bitcast3A_1113, 1 {pack_format = #tpu.pack_format<interleaved>} : vector<32xbf16> -> vector<16xf32>
        %mul3A_1118 = arith.mulf %gather3A_1103, %unpack3A_1114 : vector<16xf32>
        %add3A_1119 = arith.addf %add3A_1093, %mul3A_1118 : vector<16xf32>
        %mul3A_1120 = arith.mulf %gather3A_1103, %unpack3A_1115 : vector<16xf32>
        %add3A_1121 = arith.addf %add3A_1095, %mul3A_1120 : vector<16xf32>
        %mul3A_1122 = arith.mulf %gather3A_1103, %unpack3A_1116 : vector<16xf32>
        %add3A_1123 = arith.addf %add3A_1097, %mul3A_1122 : vector<16xf32>
        %mul3A_1124 = arith.mulf %gather3A_1103, %unpack3A_1117 : vector<16xf32>
        %add3A_1125 = arith.addf %add3A_1099, %mul3A_1124 : vector<16xf32>
        %broadcast_in_dim3A_1126 = arith.constant 13 : i32
        %broadcast_in_dim3A_1127 = vector.broadcast %broadcast_in_dim3A_1126 : i32 to vector<16x1xi32>
        %gather3A_1128 = vector.shape_cast %broadcast_in_dim3A_1127 : vector<16x1xi32> to vector<16xi32>
        %gather3A_1129 = tpu.dynamic_gather %select_n3A[%gather3A_1128] in [0] : vector<16xf32>, vector<16xi32> -> vector<16xf32>
        %add3A_1130 = arith.constant 13 : i32
        %add3A_1131 = arith.addi %mul3A_790, %add3A_1130 : i32
        %get3A_1132 = arith.index_cast %add3A_1131 : i32 to index
        %get3A_1133 = arith.constant 0 : index
        %get3A_1134 = tpu.vector_load %arg11[%get3A_1132, %get3A_1133] {strides = array<i32>} : memref<208x32xi32, #tpu.memory_space<vmem>>, vector<16xi32>,
        %bitcast3A_1135 = vector.bitcast %get3A_1134 : vector<16xi32> to vector<32xbf16>
        %get3A_1136 = arith.index_cast %add3A_1131 : i32 to index
        %get3A_1137 = arith.constant 16 : index
        %get3A_1138 = tpu.vector_load %arg11[%get3A_1136, %get3A_1137] {strides = array<i32>} : memref<208x32xi32, #tpu.memory_space<vmem>>, vector<16xi32>,
        %bitcast3A_1139 = vector.bitcast %get3A_1138 : vector<16xi32> to vector<32xbf16>
        %unpack3A_1140 = tpu.unpack_subelements %bitcast3A_1135, 0 {pack_format = #tpu.pack_format<interleaved>} : vector<32xbf16> -> vector<16xf32>
        %unpack3A_1141 = tpu.unpack_subelements %bitcast3A_1135, 1 {pack_format = #tpu.pack_format<interleaved>} : vector<32xbf16> -> vector<16xf32>
        %unpack3A_1142 = tpu.unpack_subelements %bitcast3A_1139, 0 {pack_format = #tpu.pack_format<interleaved>} : vector<32xbf16> -> vector<16xf32>
        %unpack3A_1143 = tpu.unpack_subelements %bitcast3A_1139, 1 {pack_format = #tpu.pack_format<interleaved>} : vector<32xbf16> -> vector<16xf32>
        %mul3A_1144 = arith.mulf %gather3A_1129, %unpack3A_1140 : vector<16xf32>
        %add3A_1145 = arith.addf %add3A_1119, %mul3A_1144 : vector<16xf32>
        %mul3A_1146 = arith.mulf %gather3A_1129, %unpack3A_1141 : vector<16xf32>
        %add3A_1147 = arith.addf %add3A_1121, %mul3A_1146 : vector<16xf32>
        %mul3A_1148 = arith.mulf %gather3A_1129, %unpack3A_1142 : vector<16xf32>
        %add3A_1149 = arith.addf %add3A_1123, %mul3A_1148 : vector<16xf32>
        %mul3A_1150 = arith.mulf %gather3A_1129, %unpack3A_1143 : vector<16xf32>
        %add3A_1151 = arith.addf %add3A_1125, %mul3A_1150 : vector<16xf32>
        %broadcast_in_dim3A_1152 = arith.constant 14 : i32
        %broadcast_in_dim3A_1153 = vector.broadcast %broadcast_in_dim3A_1152 : i32 to vector<16x1xi32>
        %gather3A_1154 = vector.shape_cast %broadcast_in_dim3A_1153 : vector<16x1xi32> to vector<16xi32>
        %gather3A_1155 = tpu.dynamic_gather %select_n3A[%gather3A_1154] in [0] : vector<16xf32>, vector<16xi32> -> vector<16xf32>
        %add3A_1156 = arith.constant 14 : i32
        %add3A_1157 = arith.addi %mul3A_790, %add3A_1156 : i32
        %get3A_1158 = arith.index_cast %add3A_1157 : i32 to index
        %get3A_1159 = arith.constant 0 : index
        %get3A_1160 = tpu.vector_load %arg11[%get3A_1158, %get3A_1159] {strides = array<i32>} : memref<208x32xi32, #tpu.memory_space<vmem>>, vector<16xi32>,
        %bitcast3A_1161 = vector.bitcast %get3A_1160 : vector<16xi32> to vector<32xbf16>
        %get3A_1162 = arith.index_cast %add3A_1157 : i32 to index
        %get3A_1163 = arith.constant 16 : index
        %get3A_1164 = tpu.vector_load %arg11[%get3A_1162, %get3A_1163] {strides = array<i32>} : memref<208x32xi32, #tpu.memory_space<vmem>>, vector<16xi32>,
        %bitcast3A_1165 = vector.bitcast %get3A_1164 : vector<16xi32> to vector<32xbf16>
        %unpack3A_1166 = tpu.unpack_subelements %bitcast3A_1161, 0 {pack_format = #tpu.pack_format<interleaved>} : vector<32xbf16> -> vector<16xf32>
        %unpack3A_1167 = tpu.unpack_subelements %bitcast3A_1161, 1 {pack_format = #tpu.pack_format<interleaved>} : vector<32xbf16> -> vector<16xf32>
        %unpack3A_1168 = tpu.unpack_subelements %bitcast3A_1165, 0 {pack_format = #tpu.pack_format<interleaved>} : vector<32xbf16> -> vector<16xf32>
        %unpack3A_1169 = tpu.unpack_subelements %bitcast3A_1165, 1 {pack_format = #tpu.pack_format<interleaved>} : vector<32xbf16> -> vector<16xf32>
        %mul3A_1170 = arith.mulf %gather3A_1155, %unpack3A_1166 : vector<16xf32>
        %add3A_1171 = arith.addf %add3A_1145, %mul3A_1170 : vector<16xf32>
        %mul3A_1172 = arith.mulf %gather3A_1155, %unpack3A_1167 : vector<16xf32>
        %add3A_1173 = arith.addf %add3A_1147, %mul3A_1172 : vector<16xf32>
        %mul3A_1174 = arith.mulf %gather3A_1155, %unpack3A_1168 : vector<16xf32>
        %add3A_1175 = arith.addf %add3A_1149, %mul3A_1174 : vector<16xf32>
        %mul3A_1176 = arith.mulf %gather3A_1155, %unpack3A_1169 : vector<16xf32>
        %add3A_1177 = arith.addf %add3A_1151, %mul3A_1176 : vector<16xf32>
        %broadcast_in_dim3A_1178 = arith.constant 15 : i32
        %broadcast_in_dim3A_1179 = vector.broadcast %broadcast_in_dim3A_1178 : i32 to vector<16x1xi32>
        %gather3A_1180 = vector.shape_cast %broadcast_in_dim3A_1179 : vector<16x1xi32> to vector<16xi32>
        %gather3A_1181 = tpu.dynamic_gather %select_n3A[%gather3A_1180] in [0] : vector<16xf32>, vector<16xi32> -> vector<16xf32>
        %add3A_1182 = arith.constant 15 : i32
        %add3A_1183 = arith.addi %mul3A_790, %add3A_1182 : i32
        %get3A_1184 = arith.index_cast %add3A_1183 : i32 to index
        %get3A_1185 = arith.constant 0 : index
        %get3A_1186 = tpu.vector_load %arg11[%get3A_1184, %get3A_1185] {strides = array<i32>} : memref<208x32xi32, #tpu.memory_space<vmem>>, vector<16xi32>,
        %bitcast3A_1187 = vector.bitcast %get3A_1186 : vector<16xi32> to vector<32xbf16>
        %get3A_1188 = arith.index_cast %add3A_1183 : i32 to index
        %get3A_1189 = arith.constant 16 : index
        %get3A_1190 = tpu.vector_load %arg11[%get3A_1188, %get3A_1189] {strides = array<i32>} : memref<208x32xi32, #tpu.memory_space<vmem>>, vector<16xi32>,
        %bitcast3A_1191 = vector.bitcast %get3A_1190 : vector<16xi32> to vector<32xbf16>
        %unpack3A_1192 = tpu.unpack_subelements %bitcast3A_1187, 0 {pack_format = #tpu.pack_format<interleaved>} : vector<32xbf16> -> vector<16xf32>
        %unpack3A_1193 = tpu.unpack_subelements %bitcast3A_1187, 1 {pack_format = #tpu.pack_format<interleaved>} : vector<32xbf16> -> vector<16xf32>
        %unpack3A_1194 = tpu.unpack_subelements %bitcast3A_1191, 0 {pack_format = #tpu.pack_format<interleaved>} : vector<32xbf16> -> vector<16xf32>
        %unpack3A_1195 = tpu.unpack_subelements %bitcast3A_1191, 1 {pack_format = #tpu.pack_format<interleaved>} : vector<32xbf16> -> vector<16xf32>
        %mul3A_1196 = arith.mulf %gather3A_1181, %unpack3A_1192 : vector<16xf32>
        %add3A_1197 = arith.addf %add3A_1171, %mul3A_1196 : vector<16xf32>
        %mul3A_1198 = arith.mulf %gather3A_1181, %unpack3A_1193 : vector<16xf32>
        %add3A_1199 = arith.addf %add3A_1173, %mul3A_1198 : vector<16xf32>
        %mul3A_1200 = arith.mulf %gather3A_1181, %unpack3A_1194 : vector<16xf32>
        %add3A_1201 = arith.addf %add3A_1175, %mul3A_1200 : vector<16xf32>
        %mul3A_1202 = arith.mulf %gather3A_1181, %unpack3A_1195 : vector<16xf32>
        %add3A_1203 = arith.addf %add3A_1177, %mul3A_1202 : vector<16xf32>
        scf.yield %add3A_1197, %add3A_1199, %add3A_1201, %add3A_1203 : vector<16xf32>, vector<16xf32>, vector<16xf32>, vector<16xf32>
      }
      %scan3A_616 = arith.constant 13 : i32
      %mul3A_617 = arith.constant 64 : i32
      %mul3A_618 = arith.muli %add3A_595, %mul3A_617 : i32
      %add3A_619 = arith.constant 0 : i32
      %add3A_620 = arith.addi %mul3A_618, %add3A_619 : i32
      %multiple_of3A_621 = tpu.assume_multiple %add3A_620, 16 : i32
      %mul3A_622 = arith.constant 4.471500e-02 : f32
      %mul3A_623 = vector.broadcast %mul3A_622 : f32 to vector<16xf32>
      %mul3A_624 = arith.mulf %mul3A_623, %scan3A_615#0 : vector<16xf32>
      %mul3A_625 = arith.mulf %mul3A_624, %scan3A_615#0 : vector<16xf32>
      %mul3A_626 = arith.mulf %mul3A_625, %scan3A_615#0 : vector<16xf32>
      %add3A_627 = arith.addf %scan3A_615#0, %mul3A_626 : vector<16xf32>
      %mul3A_628 = arith.constant 0.797884583 : f32
      %mul3A_629 = vector.broadcast %mul3A_628 : f32 to vector<16xf32>
      %mul3A_630 = arith.mulf %mul3A_629, %add3A_627 : vector<16xf32>
      %mul3A_631 = arith.constant 2.000000e+00 : f32
      %mul3A_632 = vector.broadcast %mul3A_631 : f32 to vector<16xf32>
      %mul3A_633 = arith.mulf %mul3A_632, %mul3A_630 : vector<16xf32>
      %exp3A_634 = math.exp %mul3A_633 : vector<16xf32>
      %add3A_635 = arith.constant 1.000000e+00 : f32
      %add3A_636 = vector.broadcast %add3A_635 : f32 to vector<16xf32>
      %add3A_637 = arith.addf %exp3A_634, %add3A_636 : vector<16xf32>
      %div3A_638 = arith.constant 2.000000e+00 : f32
      %div3A_639 = vector.broadcast %div3A_638 : f32 to vector<16xf32>
      %div3A_640 = arith.divf %div3A_639, %add3A_637 : vector<16xf32>
      %sub3A_641 = arith.constant 1.000000e+00 : f32
      %sub3A_642 = vector.broadcast %sub3A_641 : f32 to vector<16xf32>
      %sub3A_643 = arith.subf %sub3A_642, %div3A_640 : vector<16xf32>
      %mul3A_644 = arith.constant 5.000000e-01 : f32
      %mul3A_645 = vector.broadcast %mul3A_644 : f32 to vector<16xf32>
      %mul3A_646 = arith.mulf %mul3A_645, %scan3A_615#0 : vector<16xf32>
      %add3A_647 = arith.constant 1.000000e+00 : f32
      %add3A_648 = vector.broadcast %add3A_647 : f32 to vector<16xf32>
      %add3A_649 = arith.addf %add3A_648, %sub3A_643 : vector<16xf32>
      %mul3A_650 = arith.mulf %mul3A_646, %add3A_649 : vector<16xf32>
      %swap3A_651 = arith.index_cast %multiple_of3A_621 : i32 to index
      %swap3A_652 = tpu.vector_load %arg12[%swap3A_651] {strides = array<i32>} : memref<8192xf32, #tpu.memory_space<vmem>>, vector<16xf32>,
      tpu.vector_store %arg12[%swap3A_651], %mul3A_650 {strides = array<i32>} : memref<8192xf32, #tpu.memory_space<vmem>>, vector<16xf32>,
      %mul3A_653 = arith.constant 64 : i32
      %mul3A_654 = arith.muli %add3A_595, %mul3A_653 : i32
      %add3A_655 = arith.constant 16 : i32
      %add3A_656 = arith.addi %mul3A_654, %add3A_655 : i32
      %multiple_of3A_657 = tpu.assume_multiple %add3A_656, 16 : i32
      %mul3A_658 = arith.constant 4.471500e-02 : f32
      %mul3A_659 = vector.broadcast %mul3A_658 : f32 to vector<16xf32>
      %mul3A_660 = arith.mulf %mul3A_659, %scan3A_615#1 : vector<16xf32>
      %mul3A_661 = arith.mulf %mul3A_660, %scan3A_615#1 : vector<16xf32>
      %mul3A_662 = arith.mulf %mul3A_661, %scan3A_615#1 : vector<16xf32>
      %add3A_663 = arith.addf %scan3A_615#1, %mul3A_662 : vector<16xf32>
      %mul3A_664 = arith.constant 0.797884583 : f32
      %mul3A_665 = vector.broadcast %mul3A_664 : f32 to vector<16xf32>
      %mul3A_666 = arith.mulf %mul3A_665, %add3A_663 : vector<16xf32>
      %mul3A_667 = arith.constant 2.000000e+00 : f32
      %mul3A_668 = vector.broadcast %mul3A_667 : f32 to vector<16xf32>
      %mul3A_669 = arith.mulf %mul3A_668, %mul3A_666 : vector<16xf32>
      %exp3A_670 = math.exp %mul3A_669 : vector<16xf32>
      %add3A_671 = arith.constant 1.000000e+00 : f32
      %add3A_672 = vector.broadcast %add3A_671 : f32 to vector<16xf32>
      %add3A_673 = arith.addf %exp3A_670, %add3A_672 : vector<16xf32>
      %div3A_674 = arith.constant 2.000000e+00 : f32
      %div3A_675 = vector.broadcast %div3A_674 : f32 to vector<16xf32>
      %div3A_676 = arith.divf %div3A_675, %add3A_673 : vector<16xf32>
      %sub3A_677 = arith.constant 1.000000e+00 : f32
      %sub3A_678 = vector.broadcast %sub3A_677 : f32 to vector<16xf32>
      %sub3A_679 = arith.subf %sub3A_678, %div3A_676 : vector<16xf32>
      %mul3A_680 = arith.constant 5.000000e-01 : f32
      %mul3A_681 = vector.broadcast %mul3A_680 : f32 to vector<16xf32>
      %mul3A_682 = arith.mulf %mul3A_681, %scan3A_615#1 : vector<16xf32>
      %add3A_683 = arith.constant 1.000000e+00 : f32
      %add3A_684 = vector.broadcast %add3A_683 : f32 to vector<16xf32>
      %add3A_685 = arith.addf %add3A_684, %sub3A_679 : vector<16xf32>
      %mul3A_686 = arith.mulf %mul3A_682, %add3A_685 : vector<16xf32>
      %swap3A_687 = arith.index_cast %multiple_of3A_657 : i32 to index
      %swap3A_688 = tpu.vector_load %arg12[%swap3A_687] {strides = array<i32>} : memref<8192xf32, #tpu.memory_space<vmem>>, vector<16xf32>,
      tpu.vector_store %arg12[%swap3A_687], %mul3A_686 {strides = array<i32>} : memref<8192xf32, #tpu.memory_space<vmem>>, vector<16xf32>,
      %mul3A_689 = arith.constant 64 : i32
      %mul3A_690 = arith.muli %add3A_595, %mul3A_689 : i32
      %add3A_691 = arith.constant 32 : i32
      %add3A_692 = arith.addi %mul3A_690, %add3A_691 : i32
      %multiple_of3A_693 = tpu.assume_multiple %add3A_692, 16 : i32
      %mul3A_694 = arith.constant 4.471500e-02 : f32
      %mul3A_695 = vector.broadcast %mul3A_694 : f32 to vector<16xf32>
      %mul3A_696 = arith.mulf %mul3A_695, %scan3A_615#2 : vector<16xf32>
      %mul3A_697 = arith.mulf %mul3A_696, %scan3A_615#2 : vector<16xf32>
      %mul3A_698 = arith.mulf %mul3A_697, %scan3A_615#2 : vector<16xf32>
      %add3A_699 = arith.addf %scan3A_615#2, %mul3A_698 : vector<16xf32>
      %mul3A_700 = arith.constant 0.797884583 : f32
      %mul3A_701 = vector.broadcast %mul3A_700 : f32 to vector<16xf32>
      %mul3A_702 = arith.mulf %mul3A_701, %add3A_699 : vector<16xf32>
      %mul3A_703 = arith.constant 2.000000e+00 : f32
      %mul3A_704 = vector.broadcast %mul3A_703 : f32 to vector<16xf32>
      %mul3A_705 = arith.mulf %mul3A_704, %mul3A_702 : vector<16xf32>
      %exp3A_706 = math.exp %mul3A_705 : vector<16xf32>
      %add3A_707 = arith.constant 1.000000e+00 : f32
      %add3A_708 = vector.broadcast %add3A_707 : f32 to vector<16xf32>
      %add3A_709 = arith.addf %exp3A_706, %add3A_708 : vector<16xf32>
      %div3A_710 = arith.constant 2.000000e+00 : f32
      %div3A_711 = vector.broadcast %div3A_710 : f32 to vector<16xf32>
      %div3A_712 = arith.divf %div3A_711, %add3A_709 : vector<16xf32>
      %sub3A_713 = arith.constant 1.000000e+00 : f32
      %sub3A_714 = vector.broadcast %sub3A_713 : f32 to vector<16xf32>
      %sub3A_715 = arith.subf %sub3A_714, %div3A_712 : vector<16xf32>
      %mul3A_716 = arith.constant 5.000000e-01 : f32
      %mul3A_717 = vector.broadcast %mul3A_716 : f32 to vector<16xf32>
      %mul3A_718 = arith.mulf %mul3A_717, %scan3A_615#2 : vector<16xf32>
      %add3A_719 = arith.constant 1.000000e+00 : f32
      %add3A_720 = vector.broadcast %add3A_719 : f32 to vector<16xf32>
      %add3A_721 = arith.addf %add3A_720, %sub3A_715 : vector<16xf32>
      %mul3A_722 = arith.mulf %mul3A_718, %add3A_721 : vector<16xf32>
      %swap3A_723 = arith.index_cast %multiple_of3A_693 : i32 to index
      %swap3A_724 = tpu.vector_load %arg12[%swap3A_723] {strides = array<i32>} : memref<8192xf32, #tpu.memory_space<vmem>>, vector<16xf32>,
      tpu.vector_store %arg12[%swap3A_723], %mul3A_722 {strides = array<i32>} : memref<8192xf32, #tpu.memory_space<vmem>>, vector<16xf32>,
      %mul3A_725 = arith.constant 64 : i32
      %mul3A_726 = arith.muli %add3A_595, %mul3A_725 : i32
      %add3A_727 = arith.constant 48 : i32
      %add3A_728 = arith.addi %mul3A_726, %add3A_727 : i32
      %multiple_of3A_729 = tpu.assume_multiple %add3A_728, 16 : i32
      %mul3A_730 = arith.constant 4.471500e-02 : f32
      %mul3A_731 = vector.broadcast %mul3A_730 : f32 to vector<16xf32>
      %mul3A_732 = arith.mulf %mul3A_731, %scan3A_615#3 : vector<16xf32>
      %mul3A_733 = arith.mulf %mul3A_732, %scan3A_615#3 : vector<16xf32>
      %mul3A_734 = arith.mulf %mul3A_733, %scan3A_615#3 : vector<16xf32>
      %add3A_735 = arith.addf %scan3A_615#3, %mul3A_734 : vector<16xf32>
      %mul3A_736 = arith.constant 0.797884583 : f32
      %mul3A_737 = vector.broadcast %mul3A_736 : f32 to vector<16xf32>
      %mul3A_738 = arith.mulf %mul3A_737, %add3A_735 : vector<16xf32>
      %mul3A_739 = arith.constant 2.000000e+00 : f32
      %mul3A_740 = vector.broadcast %mul3A_739 : f32 to vector<16xf32>
      %mul3A_741 = arith.mulf %mul3A_740, %mul3A_738 : vector<16xf32>
      %exp3A_742 = math.exp %mul3A_741 : vector<16xf32>
      %add3A_743 = arith.constant 1.000000e+00 : f32
      %add3A_744 = vector.broadcast %add3A_743 : f32 to vector<16xf32>
      %add3A_745 = arith.addf %exp3A_742, %add3A_744 : vector<16xf32>
      %div3A_746 = arith.constant 2.000000e+00 : f32
      %div3A_747 = vector.broadcast %div3A_746 : f32 to vector<16xf32>
      %div3A_748 = arith.divf %div3A_747, %add3A_745 : vector<16xf32>
      %sub3A_749 = arith.constant 1.000000e+00 : f32
      %sub3A_750 = vector.broadcast %sub3A_749 : f32 to vector<16xf32>
      %sub3A_751 = arith.subf %sub3A_750, %div3A_748 : vector<16xf32>
      %mul3A_752 = arith.constant 5.000000e-01 : f32
      %mul3A_753 = vector.broadcast %mul3A_752 : f32 to vector<16xf32>
      %mul3A_754 = arith.mulf %mul3A_753, %scan3A_615#3 : vector<16xf32>
      %add3A_755 = arith.constant 1.000000e+00 : f32
      %add3A_756 = vector.broadcast %add3A_755 : f32 to vector<16xf32>
      %add3A_757 = arith.addf %add3A_756, %sub3A_751 : vector<16xf32>
      %mul3A_758 = arith.mulf %mul3A_754, %add3A_757 : vector<16xf32>
      %swap3A_759 = arith.index_cast %multiple_of3A_729 : i32 to index
      %swap3A_760 = tpu.vector_load %arg12[%swap3A_759] {strides = array<i32>} : memref<8192xf32, #tpu.memory_space<vmem>>, vector<16xf32>,
      tpu.vector_store %arg12[%swap3A_759], %mul3A_758 {strides = array<i32>} : memref<8192xf32, #tpu.memory_space<vmem>>, vector<16xf32>,
      %add3A_761 = arith.constant 4 : i32
      %add3A_762 = arith.addi %add3A_595, %add3A_761 : i32
      %min3A_763 = arith.constant 127 : i32
      %min3A_764 = arith.minsi %add3A_762, %min3A_763 : i32
      %mul3A_765 = arith.constant 208 : i32
      %mul3A_766 = arith.muli %min3A_764, %mul3A_765 : i32
      %multiple_of3A_767 = tpu.assume_multiple %mul3A_766, 16 : i32
      %dma_start3A_768 = tpu.memref_slice %arg7[%multiple_of3A_767] : memref<26624xi32, #tpu.memory_space<vmem>> -> memref<208xi32, #tpu.memory_space<vmem>>
      %dma_start3A_769 = arith.constant 0 : i32
      %dma_start3A_770 = arith.constant 0 : i32
      %dma_start3A_771 = tpu.memref_slice %arg4[%dma_start3A_769, %dma_start3A_770] : memref<1000001x32xi32, #tpu.memory_space<hbm>> -> memref<1000001x32xi32, #tpu.memory_space<hbm>>
      tpu.enqueue_indirect_dma source(%dma_start3A_771 : memref<1000001x32xi32, #tpu.memory_space<hbm>>) target(%arg11 : memref<208x32xi32, #tpu.memory_space<vmem>>) offsets(%dma_start3A_768 : memref<208xi32, #tpu.memory_space<vmem>>) semaphore(%arg16 : memref<!tpu.dma_semaphore, #tpu.memory_space<semaphore_mem>>)
    }
    %scan3A_33 = arith.constant 32 : i32
    %multiple_of3A_34 = arith.constant 26416 : i32
    %multiple_of3A_35 = tpu.assume_multiple %multiple_of3A_34, 16 : i32
    %dma_wait3A = tpu.memref_slice %arg7[%multiple_of3A_35] : memref<26624xi32, #tpu.memory_space<vmem>> -> memref<208xi32, #tpu.memory_space<vmem>>
    %dma_wait3A_36 = arith.constant 0 : i32
    %dma_wait3A_37 = arith.constant 0 : i32
    %dma_wait3A_38 = tpu.memref_slice %arg4[%dma_wait3A_36, %dma_wait3A_37] : memref<1000001x32xi32, #tpu.memory_space<hbm>> -> memref<1000001x32xi32, #tpu.memory_space<hbm>>
    tpu.wait_indirect_dma semaphore(%arg13 : memref<!tpu.dma_semaphore, #tpu.memory_space<semaphore_mem>>) src(%dma_wait3A_38 : memref<1000001x32xi32, #tpu.memory_space<hbm>>) dst(%arg8 : memref<208x32xi32, #tpu.memory_space<vmem>>)
    %multiple_of3A_39 = arith.constant 26416 : i32
    %multiple_of3A_40 = tpu.assume_multiple %multiple_of3A_39, 16 : i32
    %dma_wait3A_41 = tpu.memref_slice %arg7[%multiple_of3A_40] : memref<26624xi32, #tpu.memory_space<vmem>> -> memref<208xi32, #tpu.memory_space<vmem>>
    %dma_wait3A_42 = arith.constant 0 : i32
    %dma_wait3A_43 = arith.constant 0 : i32
    %dma_wait3A_44 = tpu.memref_slice %arg4[%dma_wait3A_42, %dma_wait3A_43] : memref<1000001x32xi32, #tpu.memory_space<hbm>> -> memref<1000001x32xi32, #tpu.memory_space<hbm>>
    tpu.wait_indirect_dma semaphore(%arg14 : memref<!tpu.dma_semaphore, #tpu.memory_space<semaphore_mem>>) src(%dma_wait3A_44 : memref<1000001x32xi32, #tpu.memory_space<hbm>>) dst(%arg9 : memref<208x32xi32, #tpu.memory_space<vmem>>)
    %multiple_of3A_45 = arith.constant 26416 : i32
    %multiple_of3A_46 = tpu.assume_multiple %multiple_of3A_45, 16 : i32
    %dma_wait3A_47 = tpu.memref_slice %arg7[%multiple_of3A_46] : memref<26624xi32, #tpu.memory_space<vmem>> -> memref<208xi32, #tpu.memory_space<vmem>>
    %dma_wait3A_48 = arith.constant 0 : i32
    %dma_wait3A_49 = arith.constant 0 : i32
    %dma_wait3A_50 = tpu.memref_slice %arg4[%dma_wait3A_48, %dma_wait3A_49] : memref<1000001x32xi32, #tpu.memory_space<hbm>> -> memref<1000001x32xi32, #tpu.memory_space<hbm>>
    tpu.wait_indirect_dma semaphore(%arg15 : memref<!tpu.dma_semaphore, #tpu.memory_space<semaphore_mem>>) src(%dma_wait3A_50 : memref<1000001x32xi32, #tpu.memory_space<hbm>>) dst(%arg10 : memref<208x32xi32, #tpu.memory_space<vmem>>)
    %multiple_of3A_51 = arith.constant 26416 : i32
    %multiple_of3A_52 = tpu.assume_multiple %multiple_of3A_51, 16 : i32
    %dma_wait3A_53 = tpu.memref_slice %arg7[%multiple_of3A_52] : memref<26624xi32, #tpu.memory_space<vmem>> -> memref<208xi32, #tpu.memory_space<vmem>>
    %dma_wait3A_54 = arith.constant 0 : i32
    %dma_wait3A_55 = arith.constant 0 : i32
    %dma_wait3A_56 = tpu.memref_slice %arg4[%dma_wait3A_54, %dma_wait3A_55] : memref<1000001x32xi32, #tpu.memory_space<hbm>> -> memref<1000001x32xi32, #tpu.memory_space<hbm>>
    tpu.wait_indirect_dma semaphore(%arg16 : memref<!tpu.dma_semaphore, #tpu.memory_space<semaphore_mem>>) src(%dma_wait3A_56 : memref<1000001x32xi32, #tpu.memory_space<hbm>>) dst(%arg11 : memref<208x32xi32, #tpu.memory_space<vmem>>)
    "tpu.region"() ({
      %run_scoped3A = tpu.sem_alloc : memref<!tpu.dma_semaphore, #tpu.memory_space<semaphore_mem>>
      %dma_start3A_57 = tpu.memref_slice %arg5[%multiple_of3A_5] : memref<262144xf32, #tpu.memory_space<hbm>> -> memref<8192xf32, #tpu.memory_space<hbm>>
      %dma_start3A_58 = tpu.memref_slice %arg5[%multiple_of3A_5] : memref<262144xf32, #tpu.memory_space<hbm>> -> memref<8192xf32, #tpu.memory_space<hbm>>
      tpu.enqueue_dma source(%arg12 : memref<8192xf32, #tpu.memory_space<vmem>>) target(%dma_start3A_58 : memref<8192xf32, #tpu.memory_space<hbm>>) target_semaphore(%run_scoped3A : memref<!tpu.dma_semaphore, #tpu.memory_space<semaphore_mem>>)
      %dma_wait3A_59 = tpu.memref_slice %arg5[%multiple_of3A_5] : memref<262144xf32, #tpu.memory_space<hbm>> -> memref<8192xf32, #tpu.memory_space<hbm>>
      %dma_wait3A_60 = tpu.memref_slice %arg5[%multiple_of3A_5] : memref<262144xf32, #tpu.memory_space<hbm>> -> memref<8192xf32, #tpu.memory_space<hbm>>
      tpu.wait_dma2 semaphore(%run_scoped3A : memref<!tpu.dma_semaphore, #tpu.memory_space<semaphore_mem>>) src(%arg12 : memref<8192xf32, #tpu.memory_space<vmem>>) dst(%dma_wait3A_60 : memref<8192xf32, #tpu.memory_space<hbm>>)
      tpu.yield
    }) : () -> ()
    return
  }
}

</mosaic_0001>

<sc_bundles>
// kernel: kernel.3.cloned.1.call-start
scs
__scs_entry_jumppad:
0x0: {  	(pc) =	sbr.rel $0x88, $3  }
0x1: {  	(tag) =	ssettag $0x0;
	lr =	simm.s32 $0x1  }
0x2: {  	[smem:$0x3F9E] =	sst lr;
	_ =	strace $0xD0000000  }
0x3: {  	_ = 	snop  }
0x4: {  	_ = 	snop  }
0x5: {  	_ = 	snop  }
0x6: {  	_ = 	snop  }
0x7: {  	_ = 	snop  }
__scs_overlays_trampoline_lowered:
0x8: {  	[smem:$0x3FAD] =	sst s0  }
0x9: {  	[smem:$0x3FAE] =	sst s1  }
0xa: {  	[smem:$0x3FAF] =	sst s2  }
0xb: {  	[smem:$0x3FB0] =	sst s3  }
0xc: {  	[smem:$0x3FB1] =	sst s4  }
0xd: {  	[smem:$0x3FB2] =	sst s5  }
0xe: {  	[smem:$0x3FB3] =	sst s6  }
0xf: {  	[smem:$0x3FB4] =	sst s7  }
0x10: {  	[smem:$0x3FB5] =	sst s8  }
0x11: {  	[smem:$0x3FB6] =	sst s9;
	s0 =	simm.s32 @!p0 $0x0  }
0x12: {  	s1 =	sld [smem:$0x3F9C];
	s0 =	simm.s32 @p0 $0x1  }
0x13: {  	[smem:$0x3FB7] =	sst s0;
	s0 =	simm.s32 @!p1 $0x0  }
0x14: {  	s2 =	sld [smem:$0x3F9B];
	s0 =	simm.s32 @p1 $0x1  }
0x15: {  	[smem:$0x3FB8] =	sst s0;
	s0 =	simm.s32 @!p2 $0x0  }
0x16: {  	s3 =	sld [smem:$0x3FDB];
	s0 =	simm.s32 @p2 $0x1  }
0x17: {  	s4 =	simm.s32 $0x1BF5;
	[smem:$0x3FBA] =	sst s0  }
0x18: {  	s0 =	sld [smem:$0x3F9D];
	_ =	swait.ge [sflag:s4], $0x0  }
0x19: {  	s7 =	sld [smem:$0x3F9E]  }
0x1a: {  	s8 =	sadd.s32 $0xFFFFE003, lr  }
0x1b: {  	s9 =	sadd.s32 $0xFFFFFEF7, lr;
	s5 =	simm.s32 $0xFFFFFFFF;
	p2 =	slt.u32 s8, $0xFFFFF086  }
0x1c: {  	p1 =	slt.u32 s9, $0xF7A;
	s5 =	simm.s32 @!p2 $0x0  }
0x1d: {  	s5 =	simm.s32 @p1 $0x1;
	p0 =	seq.s32 s7, s2  }
0x1e: {  	s7 =	smul.u32 @!p0 $0xF7A, s2;
	p2 =	seq.s32 @!p0 s5, $0x0  }
0x1f: {  	s9 =	smul.u32 $0xF7A, s1;
	s8 =	simm.s32 @!p0 $0x1BF5;
	p2 =	por !p2, p0  }
0x20: {  	[sflag:s8] =	ssyncset.s32 @!p0 $0xFFFFF086;
	s6 =	sadd.s32 @!p0 s3, s7;
	s7 =	simm.s32 @!p0 $0x108  }
0x21: {  	s3 =	sadd.s32 s3, s9;
	s6 =	sadd.s32 @!p0 $0x88, s6;
	s7 =	simm.s32 @p2 $0x1082  }
0x22: {  	[simem:s7], [sflag:s8] =	dma.local @!p0 [hbm:s6], $0xF7A  }
0x23: {  	s9 =	sor.u32 $0xD0000000, s2;
	s6 =	simm.s32 $0x108;
	_ =	swait.ge @!p0 [sflag:s8], $0x0  }
0x24: {  	s3 =	sadd.s32 $0x88, s3;
	s6 =	simm.s32 @!p1 $0x1082;
	[sflag:s4] =	ssyncset.s32 $0xFFFFF086  }
0x25: {  	[simem:s6], [sflag:s4] =	dma.local [hbm:s3], $0xF7A  }
0x26: {  	[smem:$0x3F9E] =	sst s1;
	(tag) =	ssettag s2;
	_ =	strace s9  }
0x27: {  	s1 =	sld [smem:$0x3FAE]  }
0x28: {  	s2 =	sld [smem:$0x3FAF]  }
0x29: {  	s4 =	sld [smem:$0x3FB1]  }
0x2a: {  	p0 =	seq.s32 s5, $0x0;
	s5 =	sld [smem:$0x3FB2]  }
0x2b: {  	s6 =	sld [smem:$0x3FB3]  }
0x2c: {  	s7 =	sld [smem:$0x3FB4]  }
0x2d: {  	s3 =	simm.s32 $0x108;
	s8 =	sld [smem:$0x3FB5]  }
0x2e: {  	s3 =	simm.s32 @!p0 $0x1082;
	s9 =	sld [smem:$0x3FB6]  }
0x2f: {  	lr =	sadd.s32 s0, s3;
	s0 =	sld [smem:$0x3FAD]  }
0x30: {  	s3 =	sld [smem:$0x3FB0]  }
0x31: {  	[smem:$0x3FB9] =	sst s10  }
0x32: {  	s10 =	sld [smem:$0x3FB7];
	_ =	sdelay $0x3  }
0x33: {  	p0 =	seq.s32 s10, $0x1;
	s10 =	sld [smem:$0x3FB9];
	_ =	sdelay $0x3  }
0x34: {  	[smem:$0x3FB9] =	sst s10  }
0x35: {  	s10 =	sld [smem:$0x3FB8];
	_ =	sdelay $0x3  }
0x36: {  	p1 =	seq.s32 s10, $0x1;
	s10 =	sld [smem:$0x3FB9];
	_ =	sdelay $0x3  }
0x37: {  	[smem:$0x3FB9] =	sst s10  }
0x38: {  	s10 =	sld [smem:$0x3FBA]  }
0x39: {  	_ = 	snop;
	(pc) =	sbr.ind lr, $3  }
0x3a: {  	_ = 	snop  }
0x3b: {  	_ = 	snop  }
0x3c: {  	p2 =	seq.s32 s10, $0x1;
	s10 =	sld [smem:$0x3FB9]  }
0x3d: {  	_ =	shalt  }
0x3e: {  	_ =	shalt  }
0x3f: {  	_ =	shalt  }
0x40: {  	_ =	shalt  }
0x41: {  	_ =	shalt  }
0x42: {  	_ =	shalt  }
0x43: {  	_ =	shalt  }
0x44: {  	_ =	shalt  }
0x45: {  	_ =	shalt  }
0x46: {  	_ =	shalt  }
0x47: {  	_ =	shalt  }
0x48: {  	_ =	shalt  }
0x49: {  	_ =	shalt  }
0x4a: {  	_ =	shalt  }
0x4b: {  	_ =	shalt  }
0x4c: {  	_ =	shalt  }
0x4d: {  	_ =	shalt  }
0x4e: {  	_ =	shalt  }
0x4f: {  	_ =	shalt  }
0x50: {  	_ =	shalt  }
0x51: {  	_ =	shalt  }
0x52: {  	_ =	shalt  }
0x53: {  	_ =	shalt  }
0x54: {  	_ =	shalt  }
0x55: {  	_ =	shalt  }
0x56: {  	_ =	shalt  }
0x57: {  	_ =	shalt  }
0x58: {  	_ =	shalt  }
0x59: {  	_ =	shalt  }
0x5a: {  	_ =	shalt  }
0x5b: {  	_ =	shalt  }
0x5c: {  	_ =	shalt  }
0x5d: {  	_ =	shalt  }
0x5e: {  	_ =	shalt  }
0x5f: {  	_ =	shalt  }
0x60: {  	_ =	shalt  }
0x61: {  	_ =	shalt  }
0x62: {  	_ =	shalt  }
0x63: {  	_ =	shalt  }
0x64: {  	_ =	shalt  }
0x65: {  	_ =	shalt  }
0x66: {  	_ =	shalt  }
0x67: {  	_ =	shalt  }
0x68: {  	_ =	shalt  }
0x69: {  	_ =	shalt  }
0x6a: {  	_ =	shalt  }
0x6b: {  	_ =	shalt  }
0x6c: {  	_ =	shalt  }
0x6d: {  	_ =	shalt  }
0x6e: {  	_ =	shalt  }
0x6f: {  	_ =	shalt  }
0x70: {  	_ =	shalt  }
0x71: {  	_ =	shalt  }
0x72: {  	_ =	shalt  }
0x73: {  	_ =	shalt  }
0x74: {  	_ =	shalt  }
0x75: {  	_ =	shalt  }
0x76: {  	_ =	shalt  }
0x77: {  	_ =	shalt  }
0x78: {  	_ =	shalt  }
0x79: {  	_ =	shalt  }
0x7a: {  	_ =	shalt  }
0x7b: {  	_ =	shalt  }
0x7c: {  	_ =	shalt  }
0x7d: {  	_ =	shalt  }
0x7e: {  	_ =	shalt  }
0x7f: {  	_ =	shalt  }
0x80: {  	_ =	shalt  }
0x81: {  	_ =	shalt  }
0x82: {  	_ =	shalt  }
0x83: {  	_ =	shalt  }
0x84: {  	_ =	shalt  }
0x85: {  	_ =	shalt  }
0x86: {  	_ =	shalt  }
0x87: {  	_ =	shalt  }
.Lfunc_end0:
.L_simem_size_0:
called_computation.1_lowered:
.L_overlay_start_0:
0x88: {  	s2 =	sld [smem:$0x3FD9]  }
0x89: {  	s3 =	sld [smem:$0x3FFE];
	_ =	sdelay $0x1  }
0x8a: {  	s1 =	srdreg.scid  }
0x8b: {  	s0 =	sand.u32 $0x1, s1  }
0x8c: {  	s17 =	sshll.u32 s0, $0xA;
	s2 =	sadd.s32 s3, s2  }
0x8d: {  	s2 =	sadd.s32 s2, s17  }
0x8e: {  	[smem:$0x3FC5] =	sst s2  }
0x8f: {  	_ = 	snop  }
0x90: {  	s2 =	sld [smem:$0x3FD0];
	(tm) =	ssettm $0x1  }
0x91: {  	s18 =	sld [smem:$0x3FFB];
	_ =	sdelay $0x3  }
0x92: {  	_ =	strace s18  }
0x93: {  	s3 =	sld [smem:$0x3FFC];
	_ =	sdelay $0x3  }
0x94: {  	_ =	strace s3  }
0x95: {  	s3 =	sld [smem:$0x3FFD];
	_ =	sdelay $0x3  }
0x96: {  	_ =	strace s3  }
0x97: {  	_ =	strace $0x8FFFFFFF  }
0x98: {  	s19 =	sld [smem:$0x3FDB];
	_ =	sdelay $0x1  }
0x99: {  	s4 =	simm.s32 $_scs_section_size  }
0x9a: {  	s5 =	simm.s32 $_size__tile_overlayer_lowered;
	s6 =	simm.s32 $_tile_overlayer_lowered  }
0x9b: {  	s22 =	simm.s32 $0x1BFF;
	s21 =	sshll.u32 s6, $0x1;
	s3 =	sadd.s32 s4, s19  }
0x9c: {  	s7 =	simm.s32 $0x0;
	s20 =	sshll.u32 s5, $0x1;
	s5 =	sadd.s32 s21, s3  }
0x9d: {  	[timem:s7], [sflag:s22] =	dma.local [hbm:s5], s20  }
0x9e: {  	_ =	swait.ge [sflag:s22], s20  }
0x9f: {  	s4 =	ssub.s32 $0x0, s20;
	[sflag:s22] =	ssyncset.done $0x0  }
0xa0: {  	[sflag:s22] =	ssyncadd.s32 s4;
	_ =	sdelay $0x1  }
0xa1: {  	s23 =	simm.s32 $0x1B8B  }
0xa2: {  	_ =	swait.ge [sflag:s23], $0x1  }
0xa3: {  	[sflag:s23] =	ssyncset.done $0x0  }
0xa4: {  	s25 =	simm.s32 $0x1B8E;
	s24 =	sld [smem:$0x3FFE];
	[sflag:s23] =	ssyncadd.s32 $0xFFFFFFFF  }
0xa5: {  	s26 =	simm.s32 $execute0_lowered;
	[smem:$0x3FD2] =	sst s25  }
0xa6: {  	s5 =	sshll.u32 s26, $0x1;
	_ =	strace $0x80000049;
	[dreg:$0x1] =	wrdreg $0xFFFFFFFF  }
0xa7: {  	s28 =	simm.s32 $_size_execute0_lowered;
	s3 =	sadd.s32 s3, s5;
	[dreg:$0x0] =	wrdreg $0x0  }
0xa8: {  	s5 =	sshll.u32 s28, $0x1;
	[dreg:$0x2] =	wrdreg s3  }
0xa9: {  	[dreg:$0x3] =	wrdreg s5  }
0xaa: {  	[dreg:$0x4] =	wrdreg $0xC0  }
0xab: {  	_ =	task [dreg:s7], $0x5FFFF  }
0xac: {  	[dreg:$0x1] =	wrdreg $0xFFFFFFFF  }
0xad: {  	[dreg:$0x0] =	wrdreg $0x60  }
0xae: {  	[dreg:$0x2] =	wrdreg s24  }
0xaf: {  	[dreg:$0x3] =	wrdreg s2  }
0xb0: {  	[dreg:$0x4] =	wrdreg $0x9  }
0xb1: {  	_ =	task.clear_ibuf [dreg:s7], $0x5FFFF;
	_ =	strace $0x90000049  }
0xb2: {  	s29 =	simm.s32 $0x9;
	_ =	strace $0x8000004B  }
0xb3: {  	_ =	swait.ge [sflag:s29], $0x1  }
0xb4: {  	[sflag:s29] =	ssyncadd.s32 $0xFFFFFFFF  }
0xb5: {  	_ =	strace $0x9000004B  }
0xb6: {  	_ =	sfence  }
0xb7: {  	s30 =	sld [smem:$0x0];
	_ =	sdelay $0x2  }
0xb8: {  	s31 =	sshll.u32 s1, $0xD;
	s1 =	sshrl.u32 s1, $0x2  }
0xb9: {  	s3 =	sand.u32 $0x4000, s31;
	s1 =	sadd.s32 s1, s30  }
0xba: {  	s0 =	sor.u32 s3, s0;
	s1 =	sshll.u32 s1, $0x11  }
0xbb: {  	s0 =	sor.u32 s1, s0  }
0xbc: {  	s0 =	sadd.s32 $0x8F2B, s0  }
0xbd: {  	[sflag:s0] =	ssyncadd.remote.s32 $0x1  }
0xbe: {  	_ =	sfence.sel $0xFFFF  }
0xbf: {  	[dreg:$0x0] =	wrdreg $0xFFFFFFFF;
	(pc) =	sbr.abs _section_cstart, $3  }
0xc0: {  	[dreg:$0x1] =	wrdreg $0xFFFFFFFF  }
0xc1: {  	_ =	task.clear_ibuf [dreg:s7], $0x2FFFF;
	_ =	strace $0x9FFFFFFF  }
0xc2: {  	(tm) =	ssettm $0x7FFFFFFF  }
0xc3: {  	_ =	shalt  }
tec
execute0_lowered:
.L_overlay_start_1:
0x0: {  	(tag) =	ssettag $0x1  }
0x1: {  	s0 =	rddreg [dreg:$0x0];
	s1 =	srdreg.scid  }
0x2: {  	s2 =	stileid.u32;
	s6 =	rddreg [dreg:$0x1];
	s8 =	simm.s32 $0x5  }
0x3: {  	s9 =	simm.s32 $0xD000;
	s10 =	simm.s32 $0xEA00;
	s11 =	simm.s32 $0x10400  }
0x4: {  	s12 =	simm.s32 $0x11E00;
	s13 =	simm.s32 $0x1;
	s14 =	simm.s32 $0xD0  }
0x5: {  	s15 =	simm.s32 $0x2;
	s16 =	simm.s32 $0x3;
	s17 =	simm.s32 $0x4  }
0x6: {  	s1 =	sand.u32 $0x1, s1;
	s3 =	sshll.u32 s2, $0x1;
	s2 =	simm.s32 $0x0  }
0x7: {  	v42 =	vimm.s32 $0x0;
	v43 =	vimm.s32 $0x1;
	s19 =	simm.s32 $0x0;
	s5 =	sor.u32 s1, s3;
	[smem:$0x7FF] =	sst s2  }
0x8: {  	v45 =	vimm.s32 $0x2;
	v30 =	vimm.s32 $0x3;
	v34 =	vimm.s32 $0x4;
	s1 =	ssub.s32 $0x2, s1;
	s3 =	smul.u32 $0xD00, s5;
	s31 =	sshll.u32 s5, $0xA  }
0x9: {  	v35 =	vimm.s32 $0x5;
	v38 =	vimm.s32 $0x6;
	v39 =	vimm.s32 $0x7;
	_ =	strace $0x8000004A;
	s30 =	sshrl.u32 s1, $0x1;
	s6 =	sadd.s32 s6, s31  }
0xa: {  	v25 =	vimm.s32 $0xA;
	v31 =	vimm.s32 $0xC;
	v36 =	vimm.s32 $0xD;
	s7 =	sadd.s32 s3, s0;
	s3 =	sadd.s32 $0x800, s0;
	s0 =	ssub.s32 s1, s30  }
0xb: {  	v40 =	vimm.s32 $0x8;
	v24 =	vimm.s32 $0xE;
	v33 =	vimm.s32 $0xF;
	s4 =	sadd.s32 $0x132D800, s7;
	s5 =	sadd.s32 $0x1313800, s7;
	s7 =	smax.u32 s0, $0x1  }
.LBB2_1:
0xc: {  	[tilespmem:s2], [sflag:$0x5] =	stream.linear.gather [hbm4b:s4+s2], $0x6800, $0x38;
	[tilespmem:$0x15800] =	vst v63  }
0xd: {  	_ =	swait.ge [sflag:s8], $0x6800  }
0xe: {  	[sflag:s8] =	ssyncset.done $0x0  }
0xf: {  	s20 =	simm.s32 $0x6800;
	[sflag:s8] =	ssyncadd.s32 $0xFFFF9800  }
0x10: {  	[tilespmem:s20], [sflag:$0x5] =	stream.linear.gather [hbm4b:s5+s2], $0x6800, $0x38;
	[tilespmem:$0x15800] =	vst v63  }
0x11: {  	_ =	swait.ge [sflag:s8], $0x6800  }
0x12: {  	[sflag:s8] =	ssyncset.done $0x0  }
0x13: {  	[sflag:s8] =	ssyncadd.s32 $0xFFFF9800  }
0x14: {  	[tilespmem:s9], [sflag:$0x1] =	stream.indirect.gather [hbm4b:s3+s14], $0x20, s20, s14, $0xb8;
	[tilespmem:$0x15800] =	vst v63  }
0x15: {  	s21 =	simm.s32 $0x68D0;
	s22 =	simm.s32 $0x69A0  }
0x16: {  	[tilespmem:s10], [sflag:$0x2] =	stream.indirect.gather [hbm4b:s3+s14], $0x20, s21, s14, $0xb8;
	[tilespmem:$0x15800] =	vst v63  }
0x17: {  	s23 =	simm.s32 $0x6A70;
	s24 =	simm.s32 $0x1A0;
	s25 =	simm.s32 $0x270  }
0x18: {  	[tilespmem:s11], [sflag:$0x3] =	stream.indirect.gather [hbm4b:s3+s14], $0x20, s22, s14, $0xb8;
	[tilespmem:$0x15800] =	vst v63  }
0x19: {  	s26 =	simm.s32 $0xD0;
	s28 =	simm.s32 $0x0;
	s29 =	simm.s32 $0x0  }
0x1a: {  	[tilespmem:s12], [sflag:$0x4] =	stream.indirect.gather [hbm4b:s3+s14], $0x20, s23, s14, $0xb8;
	[tilespmem:$0x15800] =	vst v63  }
.LBB2_2:
0x1b: {  	_ =	swait.ge [sflag:s13], $0x1A00  }
0x1c: {  	[sflag:s13] =	ssyncset.done $0x0  }
0x1d: {  	s1 =	simm.s32 $0xD100;
	[sflag:s13] =	ssyncadd.s32 $0xFFFFE600  }
0x1e: {  	v0 =	vld [tilespmem:s1+$0xE0]  }
0x1f: {  	v1 =	vld [tilespmem:s1+$0xF0]  }
0x20: {  	v2 =	vld [tilespmem:s1+$0xC0]  }
0x21: {  	v3 =	vld [tilespmem:s1+$0xD0]  }
0x22: {  	v4 =	vld [tilespmem:s1+$0xA0]  }
0x23: {  	v5 =	vld [tilespmem:s1+$0xB0]  }
0x24: {  	v6 =	vld [tilespmem:s1+$0x80]  }
0x25: {  	v7 =	vld [tilespmem:s1+$0x90]  }
0x26: {  	v8 =	vld [tilespmem:s1+$0x60]  }
0x27: {  	v9 =	vld [tilespmem:s1+$0x70]  }
0x28: {  	v20 =	vmov s20;
	v10 =	vld [tilespmem:s1+$0x40]  }
0x29: {  	v15 =	vmov s28;
	[tilespmem:$0x1FF20] =	vst v20;
	v11 =	vld [tilespmem:s1+$0x50]  }
0x2a: {  	[tilespmem:$0x1FF50] =	vst v15;
	v13 =	vld [tilespmem:s1+$0x30];
	v18 =	vunpack.i.u.bf16.f32 v0;
	v21 =	vunpack.i.l.bf16.f32 v0;
	v0 =	vunpack.i.u.bf16.f32 v1  }
0x2b: {  	v14 =	vld [tilespmem:s1+$0x0];
	[tilespmem:$0x1FEA0] =	vst v0;
	v0 =	vunpack.i.l.bf16.f32 v1  }
0x2c: {  	v16 =	vld [tilespmem:s1+$0xFFFFFFE0];
	[tilespmem:$0x1FEB0] =	vst v0;
	v0 =	vunpack.i.u.bf16.f32 v3  }
0x2d: {  	v17 =	vld [tilespmem:s1+$0xFFFFFFF0];
	[tilespmem:$0x1FEC0] =	vst v0;
	v0 =	vunpack.i.l.bf16.f32 v3  }
0x2e: {  	v22 =	vld [tilespmem:s1+$0xFFFFFFD0];
	v23 =	vunpack.i.u.bf16.f32 v2;
	v3 =	vunpack.i.l.bf16.f32 v11;
	[tilespmem:$0x1FED0] =	vst v0  }
0x2f: {  	s0 =	simm.s32 $0x0;
	v19 =	vld [tilespmem:s1+$0xFFFFFFC0];
	v27 =	vunpack.i.u.bf16.f32 v4;
	v4 =	vunpack.i.l.bf16.f32 v4;
	v0 =	vunpack.i.u.bf16.f32 v5;
	[tilespmem:$0x1FF70] =	vst v3  }
0x30: {  	v32 =	vunpack.i.l.bf16.f32 v8;
	[tilespmem:$0x1FEE0] =	vst v0;
	v0 =	vunpack.i.l.bf16.f32 v5;
	v5 =	vunpack.i.u.bf16.f32 v8;
	v8 =	vld.idx.msk [tilespmem:v20+s0+$0x0 ss:$0x1], $0xffff  }
0x31: {  	v28 =	vunpack.i.u.bf16.f32 v6;
	v6 =	vunpack.i.l.bf16.f32 v6;
	v20 =	vld.idx.msk [tilespmem:v15+s0+$0x0 ss:$0x1], $0xffff;
	[tilespmem:$0x1FEF0] =	vst v0;
	v0 =	vunpack.i.u.bf16.f32 v7  }
0x32: {  	v55 =	vunpack.i.l.bf16.f32 v10;
	v29 =	vunpack.i.l.bf16.f32 v16;
	[tilespmem:$0x1FF00] =	vst v0;
	v0 =	vunpack.i.l.bf16.f32 v7  }
0x33: {  	v12 =	vld [tilespmem:s1+$0x20];
	v52 =	vunpack.i.l.bf16.f32 v22;
	v1 =	vunpack.i.l.bf16.f32 v2;
	v7 =	vunpack.i.u.bf16.f32 v13;
	[tilespmem:$0x1FF10] =	vst v0  }
0x34: {  	v2 =	vld [tilespmem:s1+$0x10];
	v3 =	vunpack.i.u.bf16.f32 v14;
	v15 =	vunpack.i.l.bf16.f32 v14;
	v0 =	vunpack.i.u.bf16.f32 v9;
	[tilespmem:$0x1FF80] =	vst v7  }
0x35: {  	v7 =	vunpack.i.l.bf16.f32 v13;
	[tilespmem:$0x1FF30] =	vst v0;
	vm0 =	veq.s32 v8, $0x0;
	v8 =	vunpack.i.l.bf16.f32 v17  }
0x36: {  	v13 =	vunpack.i.u.bf16.f32 v19;
	v0 =	vunpack.i.l.bf16.f32 v9;
	[tilespmem:$0x1FFD0] =	vst v8;
	v8 =	vsel vm0, $0x0, v20  }
0x37: {  	v9 =	vunpack.i.u.bf16.f32 v10;
	v26 =	vperm.xlane v8, v24;
	v24 =	vperm.xlane v8, v33  }
0x38: {  	v10 =	vunpack.i.l.bf16.f32 v12;
	v33 =	vperm.xlane v8, v31;
	v31 =	vperm.xlane v8, v36  }
0x39: {  	[tilespmem:$0x1FF90] =	vst v7;
	v7 =	vunpack.i.u.bf16.f32 v2;
	v37 =	vperm.xlane v8, v25;
	v44 =	vperm.xlane v8, v40  }
0x3a: {  	v2 =	vunpack.i.l.bf16.f32 v2;
	v49 =	vperm.xlane v8, v38;
	v47 =	vperm.xlane v8, v39  }
0x3b: {  	[tilespmem:$0x1FF40] =	vst v0;
	v0 =	vunpack.i.u.bf16.f32 v11;
	v57 =	vperm.xlane v8, v34;
	v54 =	vperm.xlane v8, v35  }
0x3c: {  	v11 =	vld [tilespmem:s1+$0xFFFFFFA0];
	[tilespmem:$0x1FFA0] =	vst v7;
	v7 =	vunpack.i.u.bf16.f32 v16;
	v62 =	vperm.xlane v8, v30;
	v14 =	vperm.xlane v8, v42  }
0x3d: {  	[tilespmem:$0x1FFB0] =	vst v2;
	v2 =	vunpack.i.u.bf16.f32 v17;
	v48 =	vmul.f32 v21, v24;
	v18 =	vmul.f32 v18, v24  }
0x3e: {  	v60 =	vld [tilespmem:s1+$0xFFFFFF70];
	[tilespmem:$0x1FF60] =	vst v0;
	v0 =	vunpack.i.u.bf16.f32 v12;
	v53 =	vmul.f32 v1, v26;
	v46 =	vmul.f32 v23, v26  }
0x3f: {  	[tilespmem:$0x1FFC0] =	vst v2;
	v2 =	vld [tilespmem:s1+$0xFFFFFFB0];
	v12 =	vunpack.i.u.bf16.f32 v22;
	v58 =	vmul.f32 v4, v31;
	v51 =	vmul.f32 v27, v31  }
0x40: {  	v17 =	vunpack.i.l.bf16.f32 v19;
	[tilespmem:$0x1FFE0] =	vst v12;
	v12 =	vld [tilespmem:s1+$0xFFFFFF80];
	v1 =	vmul.f32 v6, v33;
	v56 =	vmul.f32 v28, v33  }
0x41: {  	v25 =	vld [tilespmem:s1+$0xFFFFFF90];
	v16 =	vunpack.i.u.bf16.f32 v11;
	v20 =	vunpack.i.l.bf16.f32 v11;
	v11 =	vimm.s32 $0xB  }
0x42: {  	v30 =	vld [tilespmem:s1+$0xFFFFFF40];
	v28 =	vmul.f32 v55, v37;
	v36 =	vperm.xlane v8, v11;
	v11 =	vimm.s32 $0x9  }
0x43: {  	v4 =	vmul.f32 v9, v37;
	v9 =	vimm.f32 $0.0e+00;
	v41 =	vperm.xlane v8, v11;
	v11 =	vld [tilespmem:s1+$0xFFFFFF60]  }
0x44: {  	v55 =	vimm.f32 $0.0e+00;
	v50 =	vunpack.i.u.bf16.f32 v2;
	v63 =	vunpack.i.l.bf16.f32 v2  }
0x45: {  	v2 =	vperm.xlane v8, v45;
	[tilespmem:$0x1FFF0] =	vst v18;
	v18 =	vunpack.i.l.bf16.f32 v60;
	v19 =	vunpack.i.u.bf16.f32 v12  }
0x46: {  	v22 =	vunpack.i.l.bf16.f32 v12;
	v8 =	vperm.xlane v8, v43;
	v59 =	vunpack.i.u.bf16.f32 v25  }
0x47: {  	v12 =	vunpack.i.l.bf16.f32 v25;
	v27 =	vunpack.i.u.bf16.f32 v30;
	v6 =	vmul.f32 v32, v36  }
0x48: {  	v21 =	vld [tilespmem:s1+$0xFFFFFF50];
	v61 =	vmul.f32 v5, v36;
	v5 =	vimm.f32 $0.0e+00;
	v23 =	vunpack.i.u.bf16.f32 v11  }
0x49: {  	s30 =	simm.s32 $0x40;
	v32 =	vld [tilespmem:s1+$0xFFFFFF20];
	v25 =	vunpack.i.l.bf16.f32 v11;
	v11 =	vunpack.i.u.bf16.f32 v60;
	v60 =	vimm.f32 $0.0e+00  }
.LBB2_3:
0x4a: {  	v35 =	vld [tilespmem:s1+$0xFFFFFF00]  }
0x4b: {  	v39 =	vld [tilespmem:s1+$0xFFFFFF10];
	_ =	sdelay $0x1  }
0x4c: {  	v34 =	vld [tilespmem:s1+$0xFFFFFF30]  }
0x4d: {  	v30 =	vunpack.i.l.bf16.f32 v30  }
0x4e: {  	v27 =	vmul.f32 v27, v2;
	v40 =	vunpack.i.u.bf16.f32 v32;
	v32 =	vunpack.i.l.bf16.f32 v32  }
0x4f: {  	v43 =	vunpack.i.u.bf16.f32 v35;
	v35 =	vunpack.i.l.bf16.f32 v35;
	v45 =	vunpack.i.u.bf16.f32 v39  }
0x50: {  	v39 =	vunpack.i.l.bf16.f32 v39;
	v35 =	vmul.f32 v35, v14;
	v43 =	vmul.f32 v43, v14  }
0x51: {  	v42 =	vunpack.i.u.bf16.f32 v34;
	v39 =	vmul.f32 v39, v14;
	v14 =	vmul.f32 v45, v14  }
0x52: {  	v32 =	vmul.f32 v32, v8;
	v40 =	vmul.f32 v40, v8;
	v34 =	vunpack.i.l.bf16.f32 v34  }
0x53: {  	v34 =	vmul.f32 v34, v8;
	v8 =	vmul.f32 v42, v8;
	v14 =	vadd.f32 v14, v55  }
0x54: {  	v30 =	vmul.f32 v30, v2;
	v38 =	vunpack.i.u.bf16.f32 v21;
	v21 =	vunpack.i.l.bf16.f32 v21  }
0x55: {  	v21 =	vmul.f32 v21, v2;
	v2 =	vmul.f32 v38, v2;
	v8 =	vadd.f32 v8, v14;
	_ =	sdelay $0x1  }
0x56: {  	v2 =	vadd.f32 v2, v8;
	v8 =	vmul.f32 v11, v62;
	_ =	sdelay $0x1  }
0x57: {  	v2 =	vadd.f32 v8, v2;
	v8 =	vmul.f32 v59, v57;
	_ =	sdelay $0x1  }
0x58: {  	v2 =	vadd.f32 v8, v2;
	v8 =	vmul.f32 v50, v54  }
0x59: {  	v5 =	vadd.f32 v43, v5  }
0x5a: {  	v2 =	vadd.f32 v8, v2;
	v8 =	vld [tilespmem:$0x1FFE0]  }
0x5b: {  	v5 =	vadd.f32 v40, v5;
	_ =	sdelay $0x1  }
0x5c: {  	v23 =	vmul.f32 v23, v62;
	v5 =	vadd.f32 v27, v5  }
0x5d: {  	v39 =	vadd.f32 v39, v60  }
0x5e: {  	v19 =	vmul.f32 v19, v57;
	v5 =	vadd.f32 v23, v5;
	v8 =	vmul.f32 v8, v49  }
0x5f: {  	v9 =	vadd.f32 v35, v9;
	v60 =	vadd.f32 v34, v39  }
0x60: {  	v16 =	vmul.f32 v16, v54;
	v5 =	vadd.f32 v19, v5;
	v2 =	vadd.f32 v8, v2;
	v8 =	vld [tilespmem:$0x1FFC0]  }
0x61: {  	v3 =	vmul.f32 v3, v44;
	v13 =	vmul.f32 v13, v49;
	v9 =	vadd.f32 v32, v9  }
0x62: {  	v14 =	vmul.f32 v18, v62;
	v18 =	vadd.f32 v21, v60;
	v5 =	vadd.f32 v16, v5  }
0x63: {  	v7 =	vmul.f32 v7, v47;
	v25 =	vmul.f32 v25, v62;
	v9 =	vadd.f32 v30, v9  }
0x64: {  	v11 =	vmul.f32 v12, v57;
	v12 =	vadd.f32 v14, v18;
	v5 =	vadd.f32 v13, v5  }
0x65: {  	v22 =	vmul.f32 v22, v57;
	v9 =	vadd.f32 v25, v9;
	v13 =	vld [tilespmem:$0x1FFD0];
	v8 =	vmul.f32 v8, v47  }
0x66: {  	v14 =	vmul.f32 v63, v54;
	v11 =	vadd.f32 v11, v12;
	v5 =	vadd.f32 v7, v5;
	v7 =	vld [tilespmem:$0x1FFB0]  }
0x67: {  	v20 =	vmul.f32 v20, v54;
	v9 =	vadd.f32 v22, v9;
	v2 =	vadd.f32 v8, v2;
	v8 =	vld [tilespmem:$0x1FFA0]  }
0x68: {  	v0 =	vmul.f32 v0, v41;
	v12 =	vmul.f32 v52, v49;
	v11 =	vadd.f32 v14, v11  }
0x69: {  	v17 =	vmul.f32 v17, v49;
	v9 =	vadd.f32 v20, v9;
	v3 =	vadd.f32 v3, v5;
	v5 =	vld [tilespmem:$0x1FF90]  }
0x6a: {  	v11 =	vadd.f32 v12, v11;
	v13 =	vmul.f32 v13, v47  }
0x6b: {  	v29 =	vmul.f32 v29, v47;
	v9 =	vadd.f32 v17, v9;
	v0 =	vadd.f32 v0, v3;
	v3 =	vld [tilespmem:$0x1FF70]  }
0x6c: {  	v7 =	vmul.f32 v7, v44;
	v11 =	vadd.f32 v13, v11;
	v8 =	vmul.f32 v8, v44  }
0x6d: {  	v15 =	vmul.f32 v15, v44;
	v9 =	vadd.f32 v29, v9;
	v0 =	vadd.f32 v4, v0;
	v4 =	vld [tilespmem:$0x1FF40]  }
0x6e: {  	v5 =	vmul.f32 v5, v41;
	v7 =	vadd.f32 v7, v11;
	v2 =	vadd.f32 v8, v2;
	v8 =	vld [tilespmem:$0x1FF80]  }
0x6f: {  	v10 =	vmul.f32 v10, v41;
	v9 =	vadd.f32 v15, v9  }
0x70: {  	v3 =	vmul.f32 v3, v37;
	v5 =	vadd.f32 v5, v7;
	v7 =	vld [tilespmem:$0x1FF60]  }
0x71: {  	v9 =	vadd.f32 v10, v9  }
0x72: {  	v4 =	vmul.f32 v4, v36;
	v3 =	vadd.f32 v3, v5;
	v5 =	vld [tilespmem:$0x1FF30]  }
0x73: {  	v9 =	vadd.f32 v28, v9;
	v8 =	vmul.f32 v8, v41  }
0x74: {  	v3 =	vadd.f32 v4, v3;
	v4 =	vld [tilespmem:$0x1FF00]  }
0x75: {  	v6 =	vadd.f32 v6, v9;
	v9 =	vld [tilespmem:$0x1FF10];
	v7 =	vmul.f32 v7, v37;
	v2 =	vadd.f32 v8, v2;
	_ =	sdelay $0x1  }
0x76: {  	v5 =	vmul.f32 v5, v36;
	v2 =	vadd.f32 v7, v2;
	_ =	sdelay $0x1  }
0x77: {  	v4 =	vmul.f32 v4, v33;
	v2 =	vadd.f32 v5, v2  }
0x78: {  	v9 =	vmul.f32 v9, v33;
	v5 =	vld [tilespmem:$0x1FEF0]  }
0x79: {  	v2 =	vadd.f32 v4, v2;
	v4 =	vld [tilespmem:$0x1FEE0]  }
0x7a: {  	v3 =	vadd.f32 v9, v3;
	v9 =	vld [tilespmem:$0x1FED0]  }
0x7b: {  	v1 =	vadd.f32 v1, v6;
	_ =	sdelay $0x1  }
0x7c: {  	s1 =	sadd.s32 $0x200, s1;
	v1 =	vadd.f32 v58, v1;
	v5 =	vmul.f32 v5, v31  }
0x7d: {  	v10 =	vld [tilespmem:s1+$0xF0];
	v0 =	vadd.f32 v61, v0;
	v4 =	vmul.f32 v4, v31  }
0x7e: {  	v1 =	vadd.f32 v53, v1;
	v9 =	vmul.f32 v9, v26;
	v3 =	vadd.f32 v5, v3;
	v5 =	vld [tilespmem:$0x1FEB0]  }
0x7f: {  	v0 =	vadd.f32 v56, v0;
	v2 =	vadd.f32 v4, v2;
	v4 =	vld [tilespmem:$0x1FEC0]  }
0x80: {  	v3 =	vadd.f32 v9, v3;
	v9 =	vadd.f32 v48, v1;
	v1 =	vld [tilespmem:$0x1FFF0]  }
0x81: {  	v0 =	vadd.f32 v51, v0  }
0x82: {  	v12 =	vld [tilespmem:s1+$0xD0]  }
0x83: {  	v0 =	vadd.f32 v46, v0  }
0x84: {  	v13 =	vld [tilespmem:s1+$0xB0];
	v4 =	vmul.f32 v4, v26  }
0x85: {  	v6 =	vld [tilespmem:s1+$0x90];
	v18 =	vmul.f32 v5, v24;
	v5 =	vadd.f32 v1, v0;
	v0 =	vunpack.i.u.bf16.f32 v10  }
0x86: {  	v2 =	vadd.f32 v4, v2;
	v4 =	vld [tilespmem:$0x1FEA0];
	[tilespmem:$0x1FEA0] =	vst v0;
	v0 =	vunpack.i.l.bf16.f32 v10  }
0x87: {  	[tilespmem:$0x1FEB0] =	vst v0;
	v0 =	vunpack.i.u.bf16.f32 v12  }
0x88: {  	[tilespmem:$0x1FEC0] =	vst v0;
	v0 =	vunpack.i.l.bf16.f32 v12  }
0x89: {  	v19 =	vld [tilespmem:s1+$0x50];
	[tilespmem:$0x1FED0] =	vst v0;
	v0 =	vunpack.i.u.bf16.f32 v13  }
0x8a: {  	v22 =	vld [tilespmem:s1+$0xFFFFFFD0];
	[tilespmem:$0x1FEE0] =	vst v0;
	v0 =	vunpack.i.l.bf16.f32 v13  }
0x8b: {  	v14 =	vld [tilespmem:s1+$0x80];
	[tilespmem:$0x1FEF0] =	vst v0;
	v0 =	vunpack.i.u.bf16.f32 v6  }
0x8c: {  	v16 =	vld [tilespmem:s1+$0x70];
	[tilespmem:$0x1FF00] =	vst v0;
	v0 =	vunpack.i.l.bf16.f32 v6  }
0x8d: {  	[tilespmem:$0x1FF10] =	vst v0;
	v0 =	vld [tilespmem:$0x1FF20]  }
0x8e: {  	v15 =	vld [tilespmem:s1+$0x60]  }
0x8f: {  	v8 =	vld [tilespmem:s1+$0xC0]  }
0x90: {  	v7 =	vld [tilespmem:s1+$0xA0]  }
0x91: {  	v1 =	vld [tilespmem:s1+$0x30];
	v4 =	vmul.f32 v4, v24  }
0x92: {  	v60 =	vadd.f32 v18, v3;
	v18 =	vld [tilespmem:s1+$0x10]  }
0x93: {  	v55 =	vadd.f32 v4, v2;
	v2 =	vld [tilespmem:s1+$0x0]  }
0x94: {  	s0 =	sshra.s32 s30, $0x2;
	v25 =	vunpack.i.l.bf16.f32 v8;
	v4 =	vunpack.i.u.bf16.f32 v8;
	v8 =	vld [tilespmem:s1+$0xFFFFFFE0]  }
0x95: {  	v6 =	vld.idx.msk [tilespmem:v0+s0+$0x0 ss:$0x1], $0xffff;
	v0 =	vunpack.i.u.bf16.f32 v16  }
0x96: {  	v32 =	vunpack.i.u.bf16.f32 v14;
	v34 =	vunpack.i.l.bf16.f32 v14;
	v12 =	vld [tilespmem:s1+$0xFFFFFFF0];
	[tilespmem:$0x1FF30] =	vst v0;
	v0 =	vunpack.i.l.bf16.f32 v16  }
0x97: {  	v35 =	vunpack.i.u.bf16.f32 v15;
	v38 =	vunpack.i.l.bf16.f32 v15;
	v3 =	vunpack.i.l.bf16.f32 v19;
	[tilespmem:$0x1FF40] =	vst v0;
	v0 =	vld [tilespmem:$0x1FF50]  }
0x98: {  	v17 =	vld [tilespmem:s1+$0x40];
	v27 =	vunpack.i.u.bf16.f32 v7;
	v28 =	vunpack.i.l.bf16.f32 v7;
	[tilespmem:$0x1FF70] =	vst v3;
	v7 =	vunpack.i.u.bf16.f32 v1  }
0x99: {  	v14 =	vld [tilespmem:s1+$0xFFFFFFC0];
	[tilespmem:$0x1FF80] =	vst v7;
	v3 =	vunpack.i.u.bf16.f32 v2;
	v15 =	vunpack.i.l.bf16.f32 v2;
	v2 =	vunpack.i.u.bf16.f32 v18  }
0x9a: {  	v11 =	vld [tilespmem:s1+$0xE0];
	v7 =	vunpack.i.u.bf16.f32 v8;
	v29 =	vunpack.i.l.bf16.f32 v8;
	v8 =	vunpack.i.u.bf16.f32 v22;
	[tilespmem:$0x1FFA0] =	vst v2  }
0x9b: {  	v20 =	vld [tilespmem:s1+$0x20];
	v2 =	vunpack.i.l.bf16.f32 v18;
	[tilespmem:$0x1FFE0] =	vst v8  }
0x9c: {  	v8 =	vld [tilespmem:s1+$0xFFFFFF80];
	[tilespmem:$0x1FFB0] =	vst v2;
	v2 =	vunpack.i.u.bf16.f32 v12  }
0x9d: {  	v45 =	vimm.s32 $0x2;
	v42 =	vimm.s32 $0x0;
	v1 =	vunpack.i.l.bf16.f32 v1;
	[tilespmem:$0x1FFC0] =	vst v2;
	v2 =	vld [tilespmem:s1+$0xFFFFFFB0]  }
0x9e: {  	v43 =	vimm.s32 $0x1;
	v52 =	vunpack.i.l.bf16.f32 v22;
	v39 =	vunpack.i.u.bf16.f32 v17;
	[tilespmem:$0x1FF90] =	vst v1;
	v1 =	vld [tilespmem:s1+$0xFFFFFFA0]  }
0x9f: {  	v40 =	vunpack.i.l.bf16.f32 v17;
	v17 =	vunpack.i.l.bf16.f32 v14;
	v21 =	vunpack.i.u.bf16.f32 v11;
	v16 =	vld.idx.msk [tilespmem:v0+s0+$0x0 ss:$0x1], $0xffff  }
0xa0: {  	v10 =	vunpack.i.l.bf16.f32 v20;
	v13 =	vunpack.i.u.bf16.f32 v14;
	v14 =	vimm.s32 $0x3  }
0xa1: {  	v22 =	vunpack.i.l.bf16.f32 v8;
	vm0 =	veq.s32 v6, $0x0;
	v6 =	vunpack.i.l.bf16.f32 v12  }
0xa2: {  	v12 =	vimm.s32 $0xE;
	v50 =	vunpack.i.u.bf16.f32 v2;
	v63 =	vunpack.i.l.bf16.f32 v2  }
0xa3: {  	v2 =	vimm.s32 $0x6;
	[tilespmem:$0x1FFD0] =	vst v6;
	v0 =	vunpack.i.u.bf16.f32 v19;
	v19 =	vunpack.i.u.bf16.f32 v8  }
0xa4: {  	[tilespmem:$0x1FF60] =	vst v0;
	v0 =	vunpack.i.u.bf16.f32 v20;
	v20 =	vunpack.i.l.bf16.f32 v1;
	v6 =	vsel vm0, $0x0, v16  }
0xa5: {  	v16 =	vunpack.i.u.bf16.f32 v1;
	v1 =	vimm.s32 $0xA;
	v26 =	vperm.xlane v6, v12  }
0xa6: {  	v12 =	vimm.s32 $0xF;
	v37 =	vperm.xlane v6, v1;
	v49 =	vperm.xlane v6, v2  }
0xa7: {  	v1 =	vimm.s32 $0xB;
	v62 =	vperm.xlane v6, v14;
	v14 =	vperm.xlane v6, v42  }
0xa8: {  	v2 =	vimm.s32 $0x7;
	v8 =	vperm.xlane v6, v43;
	v24 =	vperm.xlane v6, v12  }
0xa9: {  	v12 =	vimm.s32 $0xC;
	v36 =	vperm.xlane v6, v1;
	v1 =	vimm.s32 $0x8  }
0xaa: {  	v47 =	vperm.xlane v6, v2;
	v2 =	vimm.s32 $0x4;
	v33 =	vperm.xlane v6, v12  }
0xab: {  	v18 =	vld [tilespmem:s1+$0xFFFFFF70];
	v12 =	vimm.s32 $0xD;
	v44 =	vperm.xlane v6, v1;
	v57 =	vperm.xlane v6, v2  }
0xac: {  	v1 =	vimm.s32 $0x9;
	v53 =	vmul.f32 v25, v26;
	v46 =	vmul.f32 v4, v26  }
0xad: {  	v30 =	vld [tilespmem:s1+$0xFFFFFF40];
	v2 =	vimm.s32 $0x5;
	v4 =	vmul.f32 v39, v37;
	v31 =	vperm.xlane v6, v12  }
0xae: {  	v11 =	vunpack.i.l.bf16.f32 v11;
	v12 =	vld [tilespmem:s1+$0xFFFFFF90];
	v41 =	vperm.xlane v6, v1;
	v54 =	vperm.xlane v6, v2  }
0xaf: {  	p0 =	sne.s32 s30, $0x300;
	v1 =	vld [tilespmem:s1+$0xFFFFFF60];
	v2 =	vperm.xlane v6, v45;
	v48 =	vmul.f32 v11, v24  }
.Ltmp0:
0xb0: {  	v6 =	vmul.f32 v21, v24;
	v11 =	vunpack.i.u.bf16.f32 v18;
	v61 =	vmul.f32 v35, v36;
	(pc) =	sbr.rel @p0 .LBB2_3-.Ltmp0, $4  }
0xb1: {  	v18 =	vunpack.i.l.bf16.f32 v18;
	v56 =	vmul.f32 v32, v33;
	v58 =	vmul.f32 v28, v31  }
0xb2: {  	[tilespmem:$0x1FFF0] =	vst v6;
	v51 =	vmul.f32 v27, v31;
	v6 =	vmul.f32 v38, v36;
	v27 =	vunpack.i.u.bf16.f32 v30  }
0xb3: {  	v21 =	vld [tilespmem:s1+$0xFFFFFF50];
	v28 =	vmul.f32 v40, v37;
	v59 =	vunpack.i.u.bf16.f32 v12;
	v12 =	vunpack.i.l.bf16.f32 v12  }
0xb4: {  	s30 =	sadd.s32 $0x40, s30;
	v32 =	vld [tilespmem:s1+$0xFFFFFF20];
	v23 =	vunpack.i.u.bf16.f32 v1;
	v25 =	vunpack.i.l.bf16.f32 v1;
	v1 =	vmul.f32 v34, v33  }
0xb5: {  	v34 =	vld [tilespmem:s1+$0xFFFFFF00];
	_ =	sdelay $0x4  }
0xb6: {  	v35 =	vunpack.i.l.bf16.f32 v34  }
0xb7: {  	v35 =	vmul.f32 v35, v14  }
0xb8: {  	v38 =	vunpack.i.l.bf16.f32 v32  }
0xb9: {  	v39 =	vmul.f32 v38, v8;
	v9 =	vadd.f32 v35, v9  }
0xba: {  	v30 =	vunpack.i.l.bf16.f32 v30  }
0xbb: {  	v30 =	vmul.f32 v30, v2;
	v9 =	vadd.f32 v39, v9;
	_ =	sdelay $0x1  }
0xbc: {  	v25 =	vmul.f32 v25, v62;
	v9 =	vadd.f32 v30, v9;
	_ =	sdelay $0x1  }
0xbd: {  	v22 =	vmul.f32 v22, v57;
	v9 =	vadd.f32 v25, v9;
	_ =	sdelay $0x1  }
0xbe: {  	v20 =	vmul.f32 v20, v54;
	v9 =	vadd.f32 v22, v9;
	_ =	sdelay $0x1  }
0xbf: {  	v17 =	vmul.f32 v17, v49;
	v9 =	vadd.f32 v20, v9;
	v20 =	vunpack.i.u.bf16.f32 v34  }
0xc0: {  	v20 =	vmul.f32 v20, v14  }
0xc1: {  	v22 =	vunpack.i.u.bf16.f32 v32;
	v9 =	vadd.f32 v17, v9;
	v17 =	vmul.f32 v29, v47  }
0xc2: {  	v5 =	vadd.f32 v20, v5;
	v20 =	vmul.f32 v22, v8  }
0xc3: {  	v15 =	vmul.f32 v15, v44;
	v9 =	vadd.f32 v17, v9  }
0xc4: {  	v17 =	vmul.f32 v27, v2;
	v5 =	vadd.f32 v20, v5  }
0xc5: {  	v10 =	vmul.f32 v10, v41;
	v9 =	vadd.f32 v15, v9  }
0xc6: {  	v15 =	vmul.f32 v23, v62;
	v5 =	vadd.f32 v17, v5  }
0xc7: {  	v9 =	vadd.f32 v10, v9;
	v10 =	vld [tilespmem:s1+$0xFFFFFF10]  }
0xc8: {  	v5 =	vadd.f32 v15, v5;
	v15 =	vmul.f32 v19, v57  }
0xc9: {  	v17 =	vld [tilespmem:s1+$0xFFFFFF30];
	v9 =	vadd.f32 v28, v9  }
0xca: {  	v5 =	vadd.f32 v15, v5;
	v15 =	vmul.f32 v16, v54  }
0xcb: {  	v6 =	vadd.f32 v6, v9  }
0xcc: {  	v9 =	vmul.f32 v13, v49;
	v5 =	vadd.f32 v15, v5;
	v13 =	vunpack.i.l.bf16.f32 v10  }
0xcd: {  	v13 =	vmul.f32 v13, v14;
	v1 =	vadd.f32 v1, v6  }
0xce: {  	v6 =	vmul.f32 v7, v47;
	v7 =	vunpack.i.l.bf16.f32 v17;
	v5 =	vadd.f32 v9, v5  }
0xcf: {  	v7 =	vmul.f32 v7, v8;
	v9 =	vadd.f32 v13, v60;
	v1 =	vadd.f32 v58, v1  }
0xd0: {  	v3 =	vmul.f32 v3, v44;
	v13 =	vunpack.i.l.bf16.f32 v21;
	v5 =	vadd.f32 v6, v5  }
0xd1: {  	v6 =	vmul.f32 v13, v2;
	v7 =	vadd.f32 v7, v9;
	v1 =	vadd.f32 v53, v1  }
0xd2: {  	v0 =	vmul.f32 v0, v41;
	v3 =	vadd.f32 v3, v5  }
0xd3: {  	v5 =	vmul.f32 v18, v62;
	v6 =	vadd.f32 v6, v7;
	v1 =	vadd.f32 v48, v1  }
0xd4: {  	v0 =	vadd.f32 v0, v3  }
0xd5: {  	v3 =	vmul.f32 v12, v57;
	v5 =	vadd.f32 v5, v6;
	v6 =	vmul.f32 $4.471499850e-02, v1  }
0xd6: {  	v0 =	vadd.f32 v4, v0  }
0xd7: {  	v4 =	vmul.f32 v63, v54;
	v3 =	vadd.f32 v3, v5;
	v5 =	vmul.f32 v6, v1  }
0xd8: {  	v7 =	vunpack.i.u.bf16.f32 v10  }
0xd9: {  	v7 =	vmul.f32 v7, v14;
	v3 =	vadd.f32 v4, v3;
	v4 =	vmul.f32 v5, v1  }
0xda: {  	v5 =	vunpack.i.u.bf16.f32 v17  }
0xdb: {  	v7 =	vadd.f32 v7, v55;
	v5 =	vmul.f32 v5, v8;
	v4 =	vadd.f32 v4, v1  }
0xdc: {  	v6 =	vunpack.i.u.bf16.f32 v21  }
0xdd: {  	v2 =	vmul.f32 v6, v2;
	v5 =	vadd.f32 v5, v7;
	v4 =	vmul.f32 $7.978845830e-01, v4;
	_ =	sdelay $0x1  }
0xde: {  	v2 =	vadd.f32 v2, v5;
	v5 =	vmul.f32 v11, v62;
	v4 =	vadd.f32 v4, v4;
	_ =	sdelay $0x1  }
0xdf: {  	v2 =	vadd.f32 v5, v2;
	v5 =	vmul.f32 v59, v57;
	v4 =	vmul.f32 $1.442695020e+00, v4;
	_ =	sdelay $0x1  }
0xe0: {  	v2 =	vadd.f32 v5, v2;
	(erf) = vpow2.f32 v4;
	v4 =	vmul.f32 v50, v54;
	_ =	sdelay $0x1  }
0xe1: {  	v2 =	vadd.f32 v4, v2;
	v4 =	vld [tilespmem:$0x1FFE0];
	_ =	sdelay $0x4  }
0xe2: {  	v4 =	vmul.f32 v4, v49;
	_ =	sdelay $0x1  }
0xe3: {  	v2 =	vadd.f32 v4, v2;
	v4 =	vld [tilespmem:$0x1FFC0];
	_ =	sdelay $0x4  }
0xe4: {  	v4 =	vmul.f32 v4, v47;
	_ =	sdelay $0x1  }
0xe5: {  	v2 =	vadd.f32 v4, v2;
	v4 =	vld [tilespmem:$0x1FFA0];
	_ =	sdelay $0x4  }
0xe6: {  	v4 =	vmul.f32 v4, v44;
	_ =	sdelay $0x1  }
0xe7: {  	v2 =	vadd.f32 v4, v2;
	v4 =	vld [tilespmem:$0x1FF80];
	_ =	sdelay $0x4  }
0xe8: {  	v4 =	vmul.f32 v4, v41  }
0xe9: {  	v10 =	vld [tilespmem:$0x1FFD0]  }
0xea: {  	v0 =	vadd.f32 v61, v0;
	v2 =	vadd.f32 v4, v2;
	v4 =	vld [tilespmem:$0x1FF60]  }
0xeb: {  	v8 =	vld [tilespmem:$0x1FFB0]  }
0xec: {  	v9 =	vmul.f32 v52, v49;
	v6 =	vld [tilespmem:$0x1FF90];
	v0 =	vadd.f32 v56, v0  }
0xed: {  	v7 =	vld [tilespmem:$0x1FFF0]  }
0xee: {  	v10 =	vmul.f32 v10, v47;
	v3 =	vadd.f32 v9, v3;
	v0 =	vadd.f32 v51, v0  }
0xef: {  	v4 =	vmul.f32 v4, v37  }
0xf0: {  	v3 =	vadd.f32 v10, v3;
	v0 =	vadd.f32 v46, v0;
	v8 =	vmul.f32 v8, v44  }
0xf1: {  	v2 =	vadd.f32 v4, v2;
	v4 =	vld [tilespmem:$0x1FF30]  }
0xf2: {  	v6 =	vmul.f32 v6, v41;
	v3 =	vadd.f32 v8, v3;
	v0 =	vadd.f32 v7, v0;
	v7 =	vld [tilespmem:$0x1FF70];
	_ =	sdelay $0x1  }
0xf3: {  	v8 =	vld [tilespmem:$0x1FF40];
	v3 =	vadd.f32 v6, v3;
	v6 =	vmul.f32 $4.471499850e-02, v0;
	_ =	sdelay $0x1  }
0xf4: {  	v5 =	vmul.f32 v6, v0;
	v6 =	vld [tilespmem:$0x1FF10];
	v4 =	vmul.f32 v4, v36  }
0xf5: {  	v7 =	vmul.f32 v7, v37  }
0xf6: {  	v2 =	vadd.f32 v4, v2;
	v4 =	vld [tilespmem:$0x1FF00]  }
0xf7: {  	v8 =	vmul.f32 v8, v36;
	v3 =	vadd.f32 v7, v3;
	v7 =	vld [tilespmem:$0x1FEF0];
	_ =	sdelay $0x1  }
0xf8: {  	v6 =	vmul.f32 v6, v33;
	v3 =	vadd.f32 v8, v3;
	_ =	sdelay $0x1  }
0xf9: {  	v3 =	vadd.f32 v6, v3;
	v6 =	vld [tilespmem:$0x1FED0];
	v4 =	vmul.f32 v4, v33  }
0xfa: {  	v7 =	vmul.f32 v7, v31  }
0xfb: {  	v2 =	vadd.f32 v4, v2;
	v4 =	vld [tilespmem:$0x1FEE0]  }
0xfc: {  	v5 =	vmul.f32 v5, v0;
	v3 =	vadd.f32 v7, v3;
	v7 =	vld [tilespmem:$0x1FEB0];
	_ =	sdelay $0x1  }
0xfd: {  	v5 =	vadd.f32 v5, v0;
	v6 =	vmul.f32 v6, v26;
	_ =	sdelay $0x1  }
0xfe: {  	v5 =	vmul.f32 $7.978845830e-01, v5;
	v4 =	vmul.f32 v4, v31  }
0xff: {  	v3 =	vadd.f32 v6, v3;
	v7 =	vmul.f32 v7, v24  }
0x100: {  	v5 =	vadd.f32 v5, v5;
	v6 =	vpop (erf);
	v2 =	vadd.f32 v4, v2;
	v4 =	vld [tilespmem:$0x1FEC0]  }
0x101: {  	v3 =	vadd.f32 v7, v3;
	v6 =	vadd.f32 $1.000000000e+00, v6  }
0x102: {  	v5 =	vmul.f32 $1.442695020e+00, v5  }
0x103: {  	(erf) = vrcp.f32 v6;
	v6 =	vmul.f32 $4.471499850e-02, v3  }
0x104: {  	(erf) = vpow2.f32 v5  }
0x105: {  	v5 =	vmul.f32 v6, v3;
	v4 =	vmul.f32 v4, v26;
	_ =	sdelay $0x1  }
0x106: {  	v5 =	vmul.f32 v5, v3;
	v2 =	vadd.f32 v4, v2;
	v4 =	vld [tilespmem:$0x1FEA0];
	_ =	sdelay $0x1  }
0x107: {  	v5 =	vadd.f32 v5, v3;
	_ =	sdelay $0x1  }
0x108: {  	v5 =	vmul.f32 $7.978845830e-01, v5  }
0x109: {  	v6 =	vpop (erf);
	v4 =	vmul.f32 v4, v24  }
0x10a: {  	v7 =	vpop (erf);
	v5 =	vadd.f32 v5, v5  }
0x10b: {  	v2 =	vadd.f32 v4, v2;
	v4 =	vadd.f32 $1.000000000e+00, v7  }
0x10c: {  	v5 =	vmul.f32 $1.442695020e+00, v5  }
0x10d: {  	(erf) = vrcp.f32 v4;
	v4 =	vmul.f32 $4.471499850e-02, v2  }
0x10e: {  	(erf) = vpow2.f32 v5  }
0x10f: {  	v4 =	vmul.f32 v4, v2;
	_ =	sdelay $0x1  }
0x110: {  	v4 =	vmul.f32 v4, v2;
	_ =	sdelay $0x1  }
0x111: {  	v4 =	vadd.f32 v4, v2;
	_ =	sdelay $0x1  }
0x112: {  	v4 =	vmul.f32 $7.978845830e-01, v4  }
0x113: {  	v5 =	vpop (erf)  }
0x114: {  	v7 =	vpop (erf);
	v4 =	vadd.f32 v4, v4  }
0x115: {  	v7 =	vadd.f32 $1.000000000e+00, v7  }
0x116: {  	v4 =	vmul.f32 $1.442695020e+00, v4  }
0x117: {  	(erf) = vrcp.f32 v7  }
0x118: {  	(erf) = vpow2.f32 v4;
	_ =	sdelay $0x7  }
0x119: {  	v4 =	vpop (erf)  }
0x11a: {  	v7 =	vpop (erf)  }
0x11b: {  	v7 =	vadd.f32 $1.000000000e+00, v7;
	_ =	sdelay $0x1  }
0x11c: {  	(erf) = vrcp.f32 v7;
	_ =	sdelay $0x6  }
0x11d: {  	v6 =	vadd.f32 v6, v6  }
0x11e: {  	v5 =	vadd.f32 v5, v5  }
0x11f: {  	v6 =	vsub.f32 $1.000000000e+00, v6;
	v4 =	vadd.f32 v4, v4;
	v7 =	vpop (erf)  }
0x120: {  	v5 =	vsub.f32 $1.000000000e+00, v5;
	v7 =	vadd.f32 v7, v7  }
0x121: {  	v1 =	vmul.f32 $5.000000000e-01, v1;
	v6 =	vadd.f32 $1.000000000e+00, v6;
	v4 =	vsub.f32 $1.000000000e+00, v4  }
0x122: {  	v0 =	vmul.f32 $5.000000000e-01, v0;
	v5 =	vadd.f32 $1.000000000e+00, v5;
	v7 =	vsub.f32 $1.000000000e+00, v7  }
0x123: {  	s30 =	sshll.u32 s29, $0x2;
	s0 =	sshll.u32 s29, $0x8;
	v3 =	vmul.f32 $5.000000000e-01, v3;
	v1 =	vmul.f32 v6, v1;
	v4 =	vadd.f32 $1.000000000e+00, v4  }
0x124: {  	s0 =	sand.u32 $0x3FFFFF00, s0;
	s18 =	smin.u32 s30, $0x7B;
	v2 =	vmul.f32 $5.000000000e-01, v2;
	v0 =	vmul.f32 v5, v0;
	v5 =	vadd.f32 $1.000000000e+00, v7  }
0x125: {  	s1 =	smul.u32 $0x340, s18;
	[tilespmem:s0+$0x13800] =	vst v1;
	v1 =	vmul.f32 v4, v3  }
0x126: {  	[tilespmem:s0+$0x13810] =	vst v0;
	v0 =	vmul.f32 v5, v2  }
0x127: {  	s1 =	sshrl.u32 s1, $0x2;
	[tilespmem:s0+$0x13820] =	vst v1  }
0x128: {  	s1 =	sadd.s32 $0x6B40, s1;
	[tilespmem:s0+$0x13830] =	vst v0  }
0x129: {  	[tilespmem:s9], [sflag:$0x1] =	stream.indirect.gather [hbm4b:s3+s14], $0x20, s1, s14, $0xb8;
	[tilespmem:$0x15800] =	vst v63  }
0x12a: {  	_ =	swait.ge [sflag:s15], $0x1A00  }
0x12b: {  	[sflag:s15] =	ssyncset.done $0x0  }
0x12c: {  	s1 =	simm.s32 $0xEB00;
	[sflag:s15] =	ssyncadd.s32 $0xFFFFE600  }
0x12d: {  	v0 =	vld [tilespmem:s1+$0xE0]  }
0x12e: {  	v1 =	vld [tilespmem:s1+$0xF0]  }
0x12f: {  	v2 =	vld [tilespmem:s1+$0xC0]  }
0x130: {  	v3 =	vld [tilespmem:s1+$0xD0]  }
0x131: {  	v4 =	vld [tilespmem:s1+$0xA0]  }
0x132: {  	v5 =	vld [tilespmem:s1+$0xB0]  }
0x133: {  	v6 =	vld [tilespmem:s1+$0x80]  }
0x134: {  	v7 =	vld [tilespmem:s1+$0x90]  }
0x135: {  	v20 =	vmov s21;
	v8 =	vld [tilespmem:s1+$0x60]  }
0x136: {  	v15 =	vmov s26;
	[tilespmem:$0x1FDC0] =	vst v20;
	v11 =	vld [tilespmem:s1+$0x50]  }
0x137: {  	[tilespmem:$0x1FDF0] =	vst v15;
	v9 =	vld [tilespmem:s1+$0x70];
	v18 =	vunpack.i.u.bf16.f32 v0;
	v21 =	vunpack.i.l.bf16.f32 v0;
	v0 =	vunpack.i.u.bf16.f32 v1  }
0x138: {  	v10 =	vld [tilespmem:s1+$0x40];
	[tilespmem:$0x1FD40] =	vst v0;
	v0 =	vunpack.i.l.bf16.f32 v1  }
0x139: {  	v12 =	vld [tilespmem:s1+$0x20];
	[tilespmem:$0x1FD50] =	vst v0;
	v0 =	vunpack.i.u.bf16.f32 v3  }
0x13a: {  	v13 =	vld [tilespmem:s1+$0x30];
	[tilespmem:$0x1FD60] =	vst v0;
	v0 =	vunpack.i.l.bf16.f32 v3  }
0x13b: {  	v14 =	vld [tilespmem:s1+$0x0];
	v3 =	vunpack.i.l.bf16.f32 v11;
	[tilespmem:$0x1FD70] =	vst v0  }
0x13c: {  	v16 =	vld [tilespmem:s1+$0xFFFFFFE0];
	v0 =	vunpack.i.u.bf16.f32 v5;
	[tilespmem:$0x1FE10] =	vst v3  }
0x13d: {  	v62 =	vimm.f32 $0.0e+00;
	v22 =	vld [tilespmem:s1+$0xFFFFFFD0];
	[tilespmem:$0x1FD80] =	vst v0;
	v0 =	vunpack.i.l.bf16.f32 v5  }
0x13e: {  	v25 =	vld [tilespmem:s1+$0xFFFFFF90];
	v23 =	vunpack.i.u.bf16.f32 v2;
	v27 =	vunpack.i.u.bf16.f32 v4;
	[tilespmem:$0x1FD90] =	vst v0;
	v0 =	vunpack.i.u.bf16.f32 v7  }
0x13f: {  	v4 =	vunpack.i.l.bf16.f32 v4;
	v1 =	vunpack.i.l.bf16.f32 v2;
	v2 =	vld [tilespmem:s1+$0x10];
	[tilespmem:$0x1FDA0] =	vst v0;
	v0 =	vunpack.i.l.bf16.f32 v7  }
0x140: {  	v19 =	vld [tilespmem:s1+$0xFFFFFFC0];
	v28 =	vunpack.i.u.bf16.f32 v6;
	v6 =	vunpack.i.l.bf16.f32 v6;
	v7 =	vunpack.i.u.bf16.f32 v13;
	[tilespmem:$0x1FDB0] =	vst v0  }
0x141: {  	s18 =	simm.s32 $0x0;
	v17 =	vld [tilespmem:s1+$0xFFFFFFF0];
	v32 =	vunpack.i.l.bf16.f32 v8;
	v55 =	vunpack.i.l.bf16.f32 v10;
	v0 =	vunpack.i.u.bf16.f32 v9;
	[tilespmem:$0x1FE20] =	vst v7  }
0x142: {  	v29 =	vunpack.i.l.bf16.f32 v16;
	v5 =	vunpack.i.u.bf16.f32 v8;
	v8 =	vld.idx.msk [tilespmem:v20+s18+$0x0 ss:$0x1], $0xffff;
	v7 =	vunpack.i.l.bf16.f32 v13;
	[tilespmem:$0x1FDD0] =	vst v0  }
0x143: {  	v52 =	vunpack.i.l.bf16.f32 v22;
	v59 =	vunpack.i.u.bf16.f32 v25;
	v20 =	vld.idx.msk [tilespmem:v15+s18+$0x0 ss:$0x1], $0xffff;
	v0 =	vunpack.i.l.bf16.f32 v9;
	[tilespmem:$0x1FE30] =	vst v7  }
0x144: {  	v3 =	vunpack.i.u.bf16.f32 v14;
	v15 =	vunpack.i.l.bf16.f32 v14;
	v7 =	vunpack.i.u.bf16.f32 v2;
	[tilespmem:$0x1FDE0] =	vst v0  }
0x145: {  	v14 =	vimm.s32 $0xF;
	v13 =	vunpack.i.u.bf16.f32 v19;
	v2 =	vunpack.i.l.bf16.f32 v2;
	[tilespmem:$0x1FE40] =	vst v7  }
0x146: {  	v9 =	vunpack.i.u.bf16.f32 v10;
	v10 =	vunpack.i.l.bf16.f32 v12;
	v0 =	vunpack.i.u.bf16.f32 v11;
	[tilespmem:$0x1FE50] =	vst v2  }
0x147: {  	v7 =	vunpack.i.u.bf16.f32 v16;
	vm0 =	veq.s32 v8, $0x0;
	v8 =	vunpack.i.l.bf16.f32 v17;
	[tilespmem:$0x1FE00] =	vst v0  }
0x148: {  	v11 =	vld [tilespmem:s1+$0xFFFFFFA0];
	v2 =	vunpack.i.u.bf16.f32 v17;
	v0 =	vunpack.i.u.bf16.f32 v12;
	[tilespmem:$0x1FE70] =	vst v8;
	v8 =	vsel vm0, $0x0, v20  }
0x149: {  	v12 =	vunpack.i.u.bf16.f32 v22;
	v24 =	vperm.xlane v8, v14;
	v14 =	vimm.s32 $0xC  }
0x14a: {  	[tilespmem:$0x1FE80] =	vst v12;
	v12 =	vimm.s32 $0xE;
	v33 =	vperm.xlane v8, v14;
	v14 =	vimm.s32 $0xD  }
0x14b: {  	v17 =	vunpack.i.l.bf16.f32 v19;
	[tilespmem:$0x1FE60] =	vst v2;
	v2 =	vld [tilespmem:s1+$0xFFFFFFB0];
	v26 =	vperm.xlane v8, v12;
	v31 =	vperm.xlane v8, v14  }
0x14c: {  	v40 =	vld [tilespmem:s1+$0xFFFFFF70];
	v14 =	vimm.s32 $0xA;
	v48 =	vmul.f32 v21, v24;
	v18 =	vmul.f32 v18, v24  }
0x14d: {  	v30 =	vld [tilespmem:s1+$0xFFFFFF40];
	v16 =	vunpack.i.u.bf16.f32 v11;
	v37 =	vperm.xlane v8, v14;
	v14 =	vperm.xlane v8, v42  }
0x14e: {  	v20 =	vunpack.i.l.bf16.f32 v11;
	v53 =	vmul.f32 v1, v26;
	v46 =	vmul.f32 v23, v26  }
0x14f: {  	v11 =	vimm.s32 $0xB;
	v1 =	vmul.f32 v6, v33;
	v56 =	vmul.f32 v28, v33  }
0x150: {  	v36 =	vperm.xlane v8, v11;
	v11 =	vimm.s32 $0x8;
	v50 =	vunpack.i.u.bf16.f32 v2  }
0x151: {  	v63 =	vunpack.i.l.bf16.f32 v2;
	v2 =	vimm.s32 $0x7;
	v58 =	vmul.f32 v4, v31  }
0x152: {  	v12 =	vld [tilespmem:s1+$0xFFFFFF80];
	[tilespmem:$0x1FE90] =	vst v18;
	v51 =	vmul.f32 v27, v31;
	v18 =	vunpack.i.l.bf16.f32 v40;
	v27 =	vunpack.i.u.bf16.f32 v30  }
0x153: {  	v44 =	vperm.xlane v8, v11;
	v11 =	vimm.s32 $0x9;
	v47 =	vperm.xlane v8, v2  }
0x154: {  	v2 =	vimm.s32 $0x4;
	v28 =	vmul.f32 v55, v37;
	v4 =	vmul.f32 v9, v37  }
0x155: {  	v9 =	vimm.f32 $0.0e+00;
	v41 =	vperm.xlane v8, v11;
	v11 =	vimm.s32 $0x6  }
0x156: {  	v55 =	vimm.f32 $0.0e+00;
	v57 =	vperm.xlane v8, v2;
	v49 =	vperm.xlane v8, v11;
	v11 =	vld [tilespmem:s1+$0xFFFFFF60]  }
0x157: {  	v19 =	vunpack.i.u.bf16.f32 v12;
	v2 =	vimm.s32 $0x5;
	v22 =	vunpack.i.l.bf16.f32 v12  }
0x158: {  	v12 =	vimm.s32 $0x3;
	v6 =	vmul.f32 v32, v36;
	v60 =	vmul.f32 v5, v36  }
0x159: {  	v5 =	vimm.f32 $0.0e+00;
	v54 =	vperm.xlane v8, v2;
	v2 =	vperm.xlane v8, v45  }
0x15a: {  	v21 =	vld [tilespmem:s1+$0xFFFFFF50];
	v61 =	vperm.xlane v8, v12;
	v8 =	vperm.xlane v8, v43;
	v12 =	vunpack.i.l.bf16.f32 v25  }
0x15b: {  	s31 =	sor.u32 $0x1, s30;
	s0 =	simm.s32 $0x40;
	v32 =	vld [tilespmem:s1+$0xFFFFFF20];
	v23 =	vunpack.i.u.bf16.f32 v11;
	v25 =	vunpack.i.l.bf16.f32 v11;
	v11 =	vunpack.i.u.bf16.f32 v40  }
.LBB2_5:
0x15c: {  	v35 =	vld [tilespmem:s1+$0xFFFFFF00]  }
0x15d: {  	v39 =	vld [tilespmem:s1+$0xFFFFFF10];
	_ =	sdelay $0x1  }
0x15e: {  	v34 =	vld [tilespmem:s1+$0xFFFFFF30]  }
0x15f: {  	v30 =	vunpack.i.l.bf16.f32 v30  }
0x160: {  	v27 =	vmul.f32 v27, v2;
	v40 =	vunpack.i.u.bf16.f32 v32;
	v32 =	vunpack.i.l.bf16.f32 v32  }
0x161: {  	v43 =	vunpack.i.u.bf16.f32 v35;
	v35 =	vunpack.i.l.bf16.f32 v35;
	v45 =	vunpack.i.u.bf16.f32 v39  }
0x162: {  	v39 =	vunpack.i.l.bf16.f32 v39;
	v35 =	vmul.f32 v35, v14;
	v43 =	vmul.f32 v43, v14  }
0x163: {  	v42 =	vunpack.i.u.bf16.f32 v34;
	v39 =	vmul.f32 v39, v14;
	v14 =	vmul.f32 v45, v14  }
0x164: {  	v32 =	vmul.f32 v32, v8;
	v40 =	vmul.f32 v40, v8;
	v34 =	vunpack.i.l.bf16.f32 v34  }
0x165: {  	v34 =	vmul.f32 v34, v8;
	v8 =	vmul.f32 v42, v8;
	v14 =	vadd.f32 v14, v55  }
0x166: {  	v30 =	vmul.f32 v30, v2;
	v38 =	vunpack.i.u.bf16.f32 v21;
	v21 =	vunpack.i.l.bf16.f32 v21  }
0x167: {  	v21 =	vmul.f32 v21, v2;
	v2 =	vmul.f32 v38, v2;
	v8 =	vadd.f32 v8, v14;
	_ =	sdelay $0x1  }
0x168: {  	v2 =	vadd.f32 v2, v8;
	v8 =	vmul.f32 v11, v61;
	_ =	sdelay $0x1  }
0x169: {  	v2 =	vadd.f32 v8, v2;
	v8 =	vmul.f32 v59, v57;
	_ =	sdelay $0x1  }
0x16a: {  	v2 =	vadd.f32 v8, v2;
	v8 =	vmul.f32 v50, v54  }
0x16b: {  	v5 =	vadd.f32 v43, v5  }
0x16c: {  	v2 =	vadd.f32 v8, v2;
	v8 =	vld [tilespmem:$0x1FE80]  }
0x16d: {  	v5 =	vadd.f32 v40, v5;
	_ =	sdelay $0x1  }
0x16e: {  	v23 =	vmul.f32 v23, v61;
	v5 =	vadd.f32 v27, v5  }
0x16f: {  	v39 =	vadd.f32 v39, v62  }
0x170: {  	v19 =	vmul.f32 v19, v57;
	v5 =	vadd.f32 v23, v5;
	v8 =	vmul.f32 v8, v49  }
0x171: {  	v9 =	vadd.f32 v35, v9;
	v62 =	vadd.f32 v34, v39  }
0x172: {  	v16 =	vmul.f32 v16, v54;
	v5 =	vadd.f32 v19, v5;
	v2 =	vadd.f32 v8, v2;
	v8 =	vld [tilespmem:$0x1FE60]  }
0x173: {  	v3 =	vmul.f32 v3, v44;
	v13 =	vmul.f32 v13, v49;
	v9 =	vadd.f32 v32, v9  }
0x174: {  	v14 =	vmul.f32 v18, v61;
	v18 =	vadd.f32 v21, v62;
	v5 =	vadd.f32 v16, v5  }
0x175: {  	v7 =	vmul.f32 v7, v47;
	v25 =	vmul.f32 v25, v61;
	v9 =	vadd.f32 v30, v9  }
0x176: {  	v11 =	vmul.f32 v12, v57;
	v12 =	vadd.f32 v14, v18;
	v5 =	vadd.f32 v13, v5  }
0x177: {  	v22 =	vmul.f32 v22, v57;
	v9 =	vadd.f32 v25, v9;
	v13 =	vld [tilespmem:$0x1FE70];
	v8 =	vmul.f32 v8, v47  }
0x178: {  	v14 =	vmul.f32 v63, v54;
	v11 =	vadd.f32 v11, v12;
	v5 =	vadd.f32 v7, v5;
	v7 =	vld [tilespmem:$0x1FE50]  }
0x179: {  	v20 =	vmul.f32 v20, v54;
	v9 =	vadd.f32 v22, v9;
	v2 =	vadd.f32 v8, v2;
	v8 =	vld [tilespmem:$0x1FE40]  }
0x17a: {  	v0 =	vmul.f32 v0, v41;
	v12 =	vmul.f32 v52, v49;
	v11 =	vadd.f32 v14, v11  }
0x17b: {  	v17 =	vmul.f32 v17, v49;
	v9 =	vadd.f32 v20, v9;
	v3 =	vadd.f32 v3, v5;
	v5 =	vld [tilespmem:$0x1FE30]  }
0x17c: {  	v11 =	vadd.f32 v12, v11;
	v13 =	vmul.f32 v13, v47  }
0x17d: {  	v29 =	vmul.f32 v29, v47;
	v9 =	vadd.f32 v17, v9;
	v0 =	vadd.f32 v0, v3;
	v3 =	vld [tilespmem:$0x1FE10]  }
0x17e: {  	v7 =	vmul.f32 v7, v44;
	v11 =	vadd.f32 v13, v11;
	v8 =	vmul.f32 v8, v44  }
0x17f: {  	v15 =	vmul.f32 v15, v44;
	v9 =	vadd.f32 v29, v9;
	v0 =	vadd.f32 v4, v0;
	v4 =	vld [tilespmem:$0x1FDE0]  }
0x180: {  	v5 =	vmul.f32 v5, v41;
	v7 =	vadd.f32 v7, v11;
	v2 =	vadd.f32 v8, v2;
	v8 =	vld [tilespmem:$0x1FE20]  }
0x181: {  	v10 =	vmul.f32 v10, v41;
	v9 =	vadd.f32 v15, v9  }
0x182: {  	v3 =	vmul.f32 v3, v37;
	v5 =	vadd.f32 v5, v7;
	v7 =	vld [tilespmem:$0x1FE00]  }
0x183: {  	v9 =	vadd.f32 v10, v9  }
0x184: {  	v4 =	vmul.f32 v4, v36;
	v3 =	vadd.f32 v3, v5;
	v5 =	vld [tilespmem:$0x1FDD0]  }
0x185: {  	v9 =	vadd.f32 v28, v9;
	v8 =	vmul.f32 v8, v41  }
0x186: {  	v3 =	vadd.f32 v4, v3;
	v4 =	vld [tilespmem:$0x1FDA0]  }
0x187: {  	v6 =	vadd.f32 v6, v9;
	v9 =	vld [tilespmem:$0x1FDB0];
	v7 =	vmul.f32 v7, v37;
	v2 =	vadd.f32 v8, v2;
	_ =	sdelay $0x1  }
0x188: {  	v5 =	vmul.f32 v5, v36;
	v2 =	vadd.f32 v7, v2;
	_ =	sdelay $0x1  }
0x189: {  	v4 =	vmul.f32 v4, v33;
	v2 =	vadd.f32 v5, v2  }
0x18a: {  	v9 =	vmul.f32 v9, v33;
	v5 =	vld [tilespmem:$0x1FD90]  }
0x18b: {  	v2 =	vadd.f32 v4, v2;
	v4 =	vld [tilespmem:$0x1FD80]  }
0x18c: {  	v3 =	vadd.f32 v9, v3;
	v9 =	vld [tilespmem:$0x1FD70]  }
0x18d: {  	v1 =	vadd.f32 v1, v6;
	_ =	sdelay $0x1  }
0x18e: {  	s1 =	sadd.s32 $0x200, s1;
	v1 =	vadd.f32 v58, v1;
	v5 =	vmul.f32 v5, v31  }
0x18f: {  	v10 =	vld [tilespmem:s1+$0xF0];
	v0 =	vadd.f32 v60, v0;
	v4 =	vmul.f32 v4, v31  }
0x190: {  	v1 =	vadd.f32 v53, v1;
	v9 =	vmul.f32 v9, v26;
	v3 =	vadd.f32 v5, v3;
	v5 =	vld [tilespmem:$0x1FD50]  }
0x191: {  	v0 =	vadd.f32 v56, v0;
	v2 =	vadd.f32 v4, v2;
	v4 =	vld [tilespmem:$0x1FD60]  }
0x192: {  	v3 =	vadd.f32 v9, v3;
	v9 =	vadd.f32 v48, v1;
	v1 =	vld [tilespmem:$0x1FE90]  }
0x193: {  	v0 =	vadd.f32 v51, v0  }
0x194: {  	v12 =	vld [tilespmem:s1+$0xD0]  }
0x195: {  	v0 =	vadd.f32 v46, v0  }
0x196: {  	v13 =	vld [tilespmem:s1+$0xB0];
	v4 =	vmul.f32 v4, v26  }
0x197: {  	v6 =	vld [tilespmem:s1+$0x90];
	v18 =	vmul.f32 v5, v24;
	v5 =	vadd.f32 v1, v0;
	v0 =	vunpack.i.u.bf16.f32 v10  }
0x198: {  	v2 =	vadd.f32 v4, v2;
	v4 =	vld [tilespmem:$0x1FD40];
	[tilespmem:$0x1FD40] =	vst v0;
	v0 =	vunpack.i.l.bf16.f32 v10  }
0x199: {  	[tilespmem:$0x1FD50] =	vst v0;
	v0 =	vunpack.i.u.bf16.f32 v12  }
0x19a: {  	[tilespmem:$0x1FD60] =	vst v0;
	v0 =	vunpack.i.l.bf16.f32 v12  }
0x19b: {  	v19 =	vld [tilespmem:s1+$0x50];
	[tilespmem:$0x1FD70] =	vst v0;
	v0 =	vunpack.i.u.bf16.f32 v13  }
0x19c: {  	v22 =	vld [tilespmem:s1+$0xFFFFFFD0];
	[tilespmem:$0x1FD80] =	vst v0;
	v0 =	vunpack.i.l.bf16.f32 v13  }
0x19d: {  	v14 =	vld [tilespmem:s1+$0x80];
	[tilespmem:$0x1FD90] =	vst v0;
	v0 =	vunpack.i.u.bf16.f32 v6  }
0x19e: {  	v16 =	vld [tilespmem:s1+$0x70];
	[tilespmem:$0x1FDA0] =	vst v0;
	v0 =	vunpack.i.l.bf16.f32 v6  }
0x19f: {  	[tilespmem:$0x1FDB0] =	vst v0;
	v0 =	vld [tilespmem:$0x1FDC0]  }
0x1a0: {  	v15 =	vld [tilespmem:s1+$0x60]  }
0x1a1: {  	v8 =	vld [tilespmem:s1+$0xC0]  }
0x1a2: {  	v7 =	vld [tilespmem:s1+$0xA0]  }
0x1a3: {  	v1 =	vld [tilespmem:s1+$0x30];
	v4 =	vmul.f32 v4, v24  }
0x1a4: {  	v62 =	vadd.f32 v18, v3;
	v18 =	vld [tilespmem:s1+$0x10]  }
0x1a5: {  	v55 =	vadd.f32 v4, v2;
	v2 =	vld [tilespmem:s1+$0x0]  }
0x1a6: {  	s18 =	sshra.s32 s0, $0x2;
	v25 =	vunpack.i.l.bf16.f32 v8;
	v4 =	vunpack.i.u.bf16.f32 v8;
	v8 =	vld [tilespmem:s1+$0xFFFFFFE0]  }
0x1a7: {  	v6 =	vld.idx.msk [tilespmem:v0+s18+$0x0 ss:$0x1], $0xffff;
	v0 =	vunpack.i.u.bf16.f32 v16  }
0x1a8: {  	v32 =	vunpack.i.u.bf16.f32 v14;
	v34 =	vunpack.i.l.bf16.f32 v14;
	v12 =	vld [tilespmem:s1+$0xFFFFFFF0];
	[tilespmem:$0x1FDD0] =	vst v0;
	v0 =	vunpack.i.l.bf16.f32 v16  }
0x1a9: {  	v35 =	vunpack.i.u.bf16.f32 v15;
	v38 =	vunpack.i.l.bf16.f32 v15;
	v3 =	vunpack.i.l.bf16.f32 v19;
	[tilespmem:$0x1FDE0] =	vst v0;
	v0 =	vld [tilespmem:$0x1FDF0]  }
0x1aa: {  	v17 =	vld [tilespmem:s1+$0x40];
	v27 =	vunpack.i.u.bf16.f32 v7;
	v28 =	vunpack.i.l.bf16.f32 v7;
	[tilespmem:$0x1FE10] =	vst v3;
	v7 =	vunpack.i.u.bf16.f32 v1  }
0x1ab: {  	v14 =	vld [tilespmem:s1+$0xFFFFFFC0];
	[tilespmem:$0x1FE20] =	vst v7;
	v3 =	vunpack.i.u.bf16.f32 v2;
	v15 =	vunpack.i.l.bf16.f32 v2;
	v2 =	vunpack.i.u.bf16.f32 v18  }
0x1ac: {  	v11 =	vld [tilespmem:s1+$0xE0];
	v7 =	vunpack.i.u.bf16.f32 v8;
	v29 =	vunpack.i.l.bf16.f32 v8;
	v8 =	vunpack.i.u.bf16.f32 v22;
	[tilespmem:$0x1FE40] =	vst v2  }
0x1ad: {  	v20 =	vld [tilespmem:s1+$0x20];
	v2 =	vunpack.i.l.bf16.f32 v18;
	[tilespmem:$0x1FE80] =	vst v8  }
0x1ae: {  	v8 =	vld [tilespmem:s1+$0xFFFFFF80];
	[tilespmem:$0x1FE50] =	vst v2;
	v2 =	vunpack.i.u.bf16.f32 v12  }
0x1af: {  	v45 =	vimm.s32 $0x2;
	v42 =	vimm.s32 $0x0;
	v1 =	vunpack.i.l.bf16.f32 v1;
	[tilespmem:$0x1FE60] =	vst v2;
	v2 =	vld [tilespmem:s1+$0xFFFFFFB0]  }
0x1b0: {  	v43 =	vimm.s32 $0x1;
	v52 =	vunpack.i.l.bf16.f32 v22;
	v39 =	vunpack.i.u.bf16.f32 v17;
	[tilespmem:$0x1FE30] =	vst v1;
	v1 =	vld [tilespmem:s1+$0xFFFFFFA0]  }
0x1b1: {  	v40 =	vunpack.i.l.bf16.f32 v17;
	v17 =	vunpack.i.l.bf16.f32 v14;
	v21 =	vunpack.i.u.bf16.f32 v11;
	v16 =	vld.idx.msk [tilespmem:v0+s18+$0x0 ss:$0x1], $0xffff  }
0x1b2: {  	v10 =	vunpack.i.l.bf16.f32 v20;
	v13 =	vunpack.i.u.bf16.f32 v14;
	v14 =	vimm.s32 $0x3  }
0x1b3: {  	v22 =	vunpack.i.l.bf16.f32 v8;
	vm0 =	veq.s32 v6, $0x0;
	v6 =	vunpack.i.l.bf16.f32 v12  }
0x1b4: {  	v12 =	vimm.s32 $0xE;
	v50 =	vunpack.i.u.bf16.f32 v2;
	v63 =	vunpack.i.l.bf16.f32 v2  }
0x1b5: {  	v2 =	vimm.s32 $0x6;
	[tilespmem:$0x1FE70] =	vst v6;
	v0 =	vunpack.i.u.bf16.f32 v19;
	v19 =	vunpack.i.u.bf16.f32 v8  }
0x1b6: {  	[tilespmem:$0x1FE00] =	vst v0;
	v0 =	vunpack.i.u.bf16.f32 v20;
	v20 =	vunpack.i.l.bf16.f32 v1;
	v6 =	vsel vm0, $0x0, v16  }
0x1b7: {  	v16 =	vunpack.i.u.bf16.f32 v1;
	v1 =	vimm.s32 $0xA;
	v26 =	vperm.xlane v6, v12  }
0x1b8: {  	v12 =	vimm.s32 $0xF;
	v37 =	vperm.xlane v6, v1;
	v49 =	vperm.xlane v6, v2  }
0x1b9: {  	v1 =	vimm.s32 $0xB;
	v61 =	vperm.xlane v6, v14;
	v14 =	vperm.xlane v6, v42  }
0x1ba: {  	v2 =	vimm.s32 $0x7;
	v8 =	vperm.xlane v6, v43;
	v24 =	vperm.xlane v6, v12  }
0x1bb: {  	v12 =	vimm.s32 $0xC;
	v36 =	vperm.xlane v6, v1;
	v1 =	vimm.s32 $0x8  }
0x1bc: {  	v47 =	vperm.xlane v6, v2;
	v2 =	vimm.s32 $0x4;
	v33 =	vperm.xlane v6, v12  }
0x1bd: {  	v18 =	vld [tilespmem:s1+$0xFFFFFF70];
	v12 =	vimm.s32 $0xD;
	v44 =	vperm.xlane v6, v1;
	v57 =	vperm.xlane v6, v2  }
0x1be: {  	v1 =	vimm.s32 $0x9;
	v53 =	vmul.f32 v25, v26;
	v46 =	vmul.f32 v4, v26  }
0x1bf: {  	v30 =	vld [tilespmem:s1+$0xFFFFFF40];
	v2 =	vimm.s32 $0x5;
	v4 =	vmul.f32 v39, v37;
	v31 =	vperm.xlane v6, v12  }
0x1c0: {  	v11 =	vunpack.i.l.bf16.f32 v11;
	v12 =	vld [tilespmem:s1+$0xFFFFFF90];
	v41 =	vperm.xlane v6, v1;
	v54 =	vperm.xlane v6, v2  }
0x1c1: {  	p0 =	sne.s32 s0, $0x300;
	v1 =	vld [tilespmem:s1+$0xFFFFFF60];
	v2 =	vperm.xlane v6, v45;
	v48 =	vmul.f32 v11, v24  }
.Ltmp1:
0x1c2: {  	v6 =	vmul.f32 v21, v24;
	v11 =	vunpack.i.u.bf16.f32 v18;
	v60 =	vmul.f32 v35, v36;
	(pc) =	sbr.rel @p0 .LBB2_5-.Ltmp1, $4  }
0x1c3: {  	v18 =	vunpack.i.l.bf16.f32 v18;
	v56 =	vmul.f32 v32, v33;
	v58 =	vmul.f32 v28, v31  }
0x1c4: {  	[tilespmem:$0x1FE90] =	vst v6;
	v51 =	vmul.f32 v27, v31;
	v6 =	vmul.f32 v38, v36;
	v27 =	vunpack.i.u.bf16.f32 v30  }
0x1c5: {  	v21 =	vld [tilespmem:s1+$0xFFFFFF50];
	v28 =	vmul.f32 v40, v37;
	v59 =	vunpack.i.u.bf16.f32 v12;
	v12 =	vunpack.i.l.bf16.f32 v12  }
0x1c6: {  	s0 =	sadd.s32 $0x40, s0;
	v32 =	vld [tilespmem:s1+$0xFFFFFF20];
	v23 =	vunpack.i.u.bf16.f32 v1;
	v25 =	vunpack.i.l.bf16.f32 v1;
	v1 =	vmul.f32 v34, v33  }
0x1c7: {  	v34 =	vld [tilespmem:s1+$0xFFFFFF00];
	_ =	sdelay $0x4  }
0x1c8: {  	v35 =	vunpack.i.l.bf16.f32 v34  }
0x1c9: {  	v35 =	vmul.f32 v35, v14  }
0x1ca: {  	v38 =	vunpack.i.l.bf16.f32 v32  }
0x1cb: {  	v39 =	vmul.f32 v38, v8;
	v9 =	vadd.f32 v35, v9  }
0x1cc: {  	v30 =	vunpack.i.l.bf16.f32 v30  }
0x1cd: {  	v30 =	vmul.f32 v30, v2;
	v9 =	vadd.f32 v39, v9;
	_ =	sdelay $0x1  }
0x1ce: {  	v25 =	vmul.f32 v25, v61;
	v9 =	vadd.f32 v30, v9;
	_ =	sdelay $0x1  }
0x1cf: {  	v22 =	vmul.f32 v22, v57;
	v9 =	vadd.f32 v25, v9;
	_ =	sdelay $0x1  }
0x1d0: {  	v20 =	vmul.f32 v20, v54;
	v9 =	vadd.f32 v22, v9;
	_ =	sdelay $0x1  }
0x1d1: {  	v17 =	vmul.f32 v17, v49;
	v9 =	vadd.f32 v20, v9;
	v20 =	vunpack.i.u.bf16.f32 v34  }
0x1d2: {  	v20 =	vmul.f32 v20, v14  }
0x1d3: {  	v22 =	vunpack.i.u.bf16.f32 v32;
	v9 =	vadd.f32 v17, v9;
	v17 =	vmul.f32 v29, v47  }
0x1d4: {  	v5 =	vadd.f32 v20, v5;
	v20 =	vmul.f32 v22, v8  }
0x1d5: {  	v15 =	vmul.f32 v15, v44;
	v9 =	vadd.f32 v17, v9  }
0x1d6: {  	v17 =	vmul.f32 v27, v2;
	v5 =	vadd.f32 v20, v5  }
0x1d7: {  	v10 =	vmul.f32 v10, v41;
	v9 =	vadd.f32 v15, v9  }
0x1d8: {  	v15 =	vmul.f32 v23, v61;
	v5 =	vadd.f32 v17, v5  }
0x1d9: {  	v9 =	vadd.f32 v10, v9;
	v10 =	vld [tilespmem:s1+$0xFFFFFF10]  }
0x1da: {  	v5 =	vadd.f32 v15, v5;
	v15 =	vmul.f32 v19, v57  }
0x1db: {  	v17 =	vld [tilespmem:s1+$0xFFFFFF30];
	v9 =	vadd.f32 v28, v9  }
0x1dc: {  	v5 =	vadd.f32 v15, v5;
	v15 =	vmul.f32 v16, v54  }
0x1dd: {  	v6 =	vadd.f32 v6, v9  }
0x1de: {  	v9 =	vmul.f32 v13, v49;
	v5 =	vadd.f32 v15, v5;
	v13 =	vunpack.i.l.bf16.f32 v10  }
0x1df: {  	v13 =	vmul.f32 v13, v14;
	v1 =	vadd.f32 v1, v6  }
0x1e0: {  	v6 =	vmul.f32 v7, v47;
	v7 =	vunpack.i.l.bf16.f32 v17;
	v5 =	vadd.f32 v9, v5  }
0x1e1: {  	v7 =	vmul.f32 v7, v8;
	v9 =	vadd.f32 v13, v62;
	v1 =	vadd.f32 v58, v1  }
0x1e2: {  	v3 =	vmul.f32 v3, v44;
	v13 =	vunpack.i.l.bf16.f32 v21;
	v5 =	vadd.f32 v6, v5  }
0x1e3: {  	v6 =	vmul.f32 v13, v2;
	v7 =	vadd.f32 v7, v9;
	v1 =	vadd.f32 v53, v1  }
0x1e4: {  	v0 =	vmul.f32 v0, v41;
	v3 =	vadd.f32 v3, v5  }
0x1e5: {  	v5 =	vmul.f32 v18, v61;
	v6 =	vadd.f32 v6, v7;
	v1 =	vadd.f32 v48, v1  }
0x1e6: {  	v0 =	vadd.f32 v0, v3  }
0x1e7: {  	v3 =	vmul.f32 v12, v57;
	v5 =	vadd.f32 v5, v6;
	v6 =	vmul.f32 $4.471499850e-02, v1  }
0x1e8: {  	v0 =	vadd.f32 v4, v0  }
0x1e9: {  	v4 =	vmul.f32 v63, v54;
	v3 =	vadd.f32 v3, v5;
	v5 =	vmul.f32 v6, v1  }
0x1ea: {  	v7 =	vunpack.i.u.bf16.f32 v10  }
0x1eb: {  	v7 =	vmul.f32 v7, v14;
	v3 =	vadd.f32 v4, v3;
	v4 =	vmul.f32 v5, v1  }
0x1ec: {  	v5 =	vunpack.i.u.bf16.f32 v17  }
0x1ed: {  	v7 =	vadd.f32 v7, v55;
	v5 =	vmul.f32 v5, v8;
	v4 =	vadd.f32 v4, v1  }
0x1ee: {  	v6 =	vunpack.i.u.bf16.f32 v21  }
0x1ef: {  	v2 =	vmul.f32 v6, v2;
	v5 =	vadd.f32 v5, v7;
	v4 =	vmul.f32 $7.978845830e-01, v4;
	_ =	sdelay $0x1  }
0x1f0: {  	v2 =	vadd.f32 v2, v5;
	v5 =	vmul.f32 v11, v61;
	v4 =	vadd.f32 v4, v4;
	_ =	sdelay $0x1  }
0x1f1: {  	v2 =	vadd.f32 v5, v2;
	v5 =	vmul.f32 v59, v57;
	v4 =	vmul.f32 $1.442695020e+00, v4;
	_ =	sdelay $0x1  }
0x1f2: {  	v2 =	vadd.f32 v5, v2;
	(erf) = vpow2.f32 v4;
	v4 =	vmul.f32 v50, v54;
	_ =	sdelay $0x1  }
0x1f3: {  	v2 =	vadd.f32 v4, v2;
	v4 =	vld [tilespmem:$0x1FE80];
	_ =	sdelay $0x4  }
0x1f4: {  	v4 =	vmul.f32 v4, v49;
	_ =	sdelay $0x1  }
0x1f5: {  	v2 =	vadd.f32 v4, v2;
	v4 =	vld [tilespmem:$0x1FE60];
	_ =	sdelay $0x4  }
0x1f6: {  	v4 =	vmul.f32 v4, v47;
	_ =	sdelay $0x1  }
0x1f7: {  	v2 =	vadd.f32 v4, v2;
	v4 =	vld [tilespmem:$0x1FE40];
	_ =	sdelay $0x4  }
0x1f8: {  	v4 =	vmul.f32 v4, v44;
	_ =	sdelay $0x1  }
0x1f9: {  	v2 =	vadd.f32 v4, v2;
	v4 =	vld [tilespmem:$0x1FE20];
	_ =	sdelay $0x4  }
0x1fa: {  	v4 =	vmul.f32 v4, v41  }
0x1fb: {  	v10 =	vld [tilespmem:$0x1FE70]  }
0x1fc: {  	v0 =	vadd.f32 v60, v0;
	v2 =	vadd.f32 v4, v2;
	v4 =	vld [tilespmem:$0x1FE00]  }
0x1fd: {  	v8 =	vld [tilespmem:$0x1FE50]  }
0x1fe: {  	v9 =	vmul.f32 v52, v49;
	v6 =	vld [tilespmem:$0x1FE30];
	v0 =	vadd.f32 v56, v0  }
0x1ff: {  	v7 =	vld [tilespmem:$0x1FE90]  }
0x200: {  	v10 =	vmul.f32 v10, v47;
	v3 =	vadd.f32 v9, v3;
	v0 =	vadd.f32 v51, v0  }
0x201: {  	v4 =	vmul.f32 v4, v37  }
0x202: {  	v3 =	vadd.f32 v10, v3;
	v0 =	vadd.f32 v46, v0;
	v8 =	vmul.f32 v8, v44  }
0x203: {  	v2 =	vadd.f32 v4, v2;
	v4 =	vld [tilespmem:$0x1FDD0]  }
0x204: {  	v6 =	vmul.f32 v6, v41;
	v3 =	vadd.f32 v8, v3;
	v0 =	vadd.f32 v7, v0;
	v7 =	vld [tilespmem:$0x1FE10];
	_ =	sdelay $0x1  }
0x205: {  	v8 =	vld [tilespmem:$0x1FDE0];
	v3 =	vadd.f32 v6, v3;
	v6 =	vmul.f32 $4.471499850e-02, v0;
	_ =	sdelay $0x1  }
0x206: {  	v5 =	vmul.f32 v6, v0;
	v6 =	vld [tilespmem:$0x1FDB0];
	v4 =	vmul.f32 v4, v36  }
0x207: {  	v7 =	vmul.f32 v7, v37  }
0x208: {  	v2 =	vadd.f32 v4, v2;
	v4 =	vld [tilespmem:$0x1FDA0]  }
0x209: {  	v8 =	vmul.f32 v8, v36;
	v3 =	vadd.f32 v7, v3;
	v7 =	vld [tilespmem:$0x1FD90];
	_ =	sdelay $0x1  }
0x20a: {  	v6 =	vmul.f32 v6, v33;
	v3 =	vadd.f32 v8, v3;
	_ =	sdelay $0x1  }
0x20b: {  	v3 =	vadd.f32 v6, v3;
	v6 =	vld [tilespmem:$0x1FD70];
	v4 =	vmul.f32 v4, v33  }
0x20c: {  	v7 =	vmul.f32 v7, v31  }
0x20d: {  	v2 =	vadd.f32 v4, v2;
	v4 =	vld [tilespmem:$0x1FD80]  }
0x20e: {  	v5 =	vmul.f32 v5, v0;
	v3 =	vadd.f32 v7, v3;
	v7 =	vld [tilespmem:$0x1FD50];
	_ =	sdelay $0x1  }
0x20f: {  	v5 =	vadd.f32 v5, v0;
	v6 =	vmul.f32 v6, v26;
	_ =	sdelay $0x1  }
0x210: {  	v5 =	vmul.f32 $7.978845830e-01, v5;
	v4 =	vmul.f32 v4, v31  }
0x211: {  	v3 =	vadd.f32 v6, v3;
	v7 =	vmul.f32 v7, v24  }
0x212: {  	v5 =	vadd.f32 v5, v5;
	v6 =	vpop (erf);
	v2 =	vadd.f32 v4, v2;
	v4 =	vld [tilespmem:$0x1FD60]  }
0x213: {  	v3 =	vadd.f32 v7, v3;
	v6 =	vadd.f32 $1.000000000e+00, v6  }
0x214: {  	v5 =	vmul.f32 $1.442695020e+00, v5  }
0x215: {  	(erf) = vrcp.f32 v6;
	v6 =	vmul.f32 $4.471499850e-02, v3  }
0x216: {  	(erf) = vpow2.f32 v5  }
0x217: {  	v5 =	vmul.f32 v6, v3;
	v4 =	vmul.f32 v4, v26;
	_ =	sdelay $0x1  }
0x218: {  	v5 =	vmul.f32 v5, v3;
	v2 =	vadd.f32 v4, v2;
	v4 =	vld [tilespmem:$0x1FD40];
	_ =	sdelay $0x1  }
0x219: {  	v5 =	vadd.f32 v5, v3;
	_ =	sdelay $0x1  }
0x21a: {  	v5 =	vmul.f32 $7.978845830e-01, v5  }
0x21b: {  	v6 =	vpop (erf);
	v4 =	vmul.f32 v4, v24  }
0x21c: {  	v7 =	vpop (erf);
	v5 =	vadd.f32 v5, v5  }
0x21d: {  	v2 =	vadd.f32 v4, v2;
	v4 =	vadd.f32 $1.000000000e+00, v7  }
0x21e: {  	v5 =	vmul.f32 $1.442695020e+00, v5  }
0x21f: {  	(erf) = vrcp.f32 v4;
	v4 =	vmul.f32 $4.471499850e-02, v2  }
0x220: {  	(erf) = vpow2.f32 v5  }
0x221: {  	v4 =	vmul.f32 v4, v2;
	_ =	sdelay $0x1  }
0x222: {  	v4 =	vmul.f32 v4, v2;
	_ =	sdelay $0x1  }
0x223: {  	v4 =	vadd.f32 v4, v2;
	_ =	sdelay $0x1  }
0x224: {  	v4 =	vmul.f32 $7.978845830e-01, v4  }
0x225: {  	v5 =	vpop (erf)  }
0x226: {  	v7 =	vpop (erf);
	v4 =	vadd.f32 v4, v4  }
0x227: {  	v7 =	vadd.f32 $1.000000000e+00, v7  }
0x228: {  	v4 =	vmul.f32 $1.442695020e+00, v4  }
0x229: {  	(erf) = vrcp.f32 v7  }
0x22a: {  	(erf) = vpow2.f32 v4;
	_ =	sdelay $0x7  }
0x22b: {  	v4 =	vpop (erf)  }
0x22c: {  	v7 =	vpop (erf)  }
0x22d: {  	v7 =	vadd.f32 $1.000000000e+00, v7;
	_ =	sdelay $0x1  }
0x22e: {  	(erf) = vrcp.f32 v7;
	_ =	sdelay $0x6  }
0x22f: {  	v6 =	vadd.f32 v6, v6  }
0x230: {  	v5 =	vadd.f32 v5, v5  }
0x231: {  	v6 =	vsub.f32 $1.000000000e+00, v6;
	v4 =	vadd.f32 v4, v4;
	v7 =	vpop (erf)  }
0x232: {  	v5 =	vsub.f32 $1.000000000e+00, v5;
	v7 =	vadd.f32 v7, v7  }
0x233: {  	v1 =	vmul.f32 $5.000000000e-01, v1;
	v6 =	vadd.f32 $1.000000000e+00, v6;
	v4 =	vsub.f32 $1.000000000e+00, v4  }
0x234: {  	v0 =	vmul.f32 $5.000000000e-01, v0;
	v5 =	vadd.f32 $1.000000000e+00, v5;
	v7 =	vsub.f32 $1.000000000e+00, v7  }
0x235: {  	s0 =	sshll.u32 s31, $0x6;
	v3 =	vmul.f32 $5.000000000e-01, v3;
	v1 =	vmul.f32 v6, v1;
	v4 =	vadd.f32 $1.000000000e+00, v4  }
0x236: {  	s18 =	smin.u32 s30, $0x7A;
	s0 =	sand.u32 $0x3FFFFFC0, s0;
	v2 =	vmul.f32 $5.000000000e-01, v2;
	v0 =	vmul.f32 v5, v0;
	v5 =	vadd.f32 $1.000000000e+00, v7  }
0x237: {  	s1 =	smul.u32 $0x340, s18;
	[tilespmem:s0+$0x13800] =	vst v1;
	v1 =	vmul.f32 v4, v3  }
0x238: {  	[tilespmem:s0+$0x13810] =	vst v0;
	v0 =	vmul.f32 v5, v2  }
0x239: {  	s1 =	sshrl.u32 s1, $0x2;
	[tilespmem:s0+$0x13820] =	vst v1  }
0x23a: {  	s1 =	sadd.s32 $0x6C10, s1;
	[tilespmem:s0+$0x13830] =	vst v0  }
0x23b: {  	[tilespmem:s10], [sflag:$0x2] =	stream.indirect.gather [hbm4b:s3+s14], $0x20, s1, s14, $0xb8;
	[tilespmem:$0x15800] =	vst v63  }
0x23c: {  	_ =	swait.ge [sflag:s16], $0x1A00  }
0x23d: {  	[sflag:s16] =	ssyncset.done $0x0  }
0x23e: {  	s1 =	simm.s32 $0x10500;
	[sflag:s16] =	ssyncadd.s32 $0xFFFFE600  }
0x23f: {  	v0 =	vld [tilespmem:s1+$0xE0]  }
0x240: {  	v1 =	vld [tilespmem:s1+$0xF0]  }
0x241: {  	v2 =	vld [tilespmem:s1+$0xC0]  }
0x242: {  	v3 =	vld [tilespmem:s1+$0xD0]  }
0x243: {  	v4 =	vld [tilespmem:s1+$0xA0]  }
0x244: {  	v5 =	vld [tilespmem:s1+$0xB0]  }
0x245: {  	v6 =	vld [tilespmem:s1+$0x80]  }
0x246: {  	v7 =	vld [tilespmem:s1+$0x90]  }
0x247: {  	v20 =	vmov s22;
	v8 =	vld [tilespmem:s1+$0x60]  }
0x248: {  	v15 =	vmov s24;
	[tilespmem:$0x1FC60] =	vst v20;
	v11 =	vld [tilespmem:s1+$0x50]  }
0x249: {  	[tilespmem:$0x1FC90] =	vst v15;
	v9 =	vld [tilespmem:s1+$0x70];
	v18 =	vunpack.i.u.bf16.f32 v0;
	v21 =	vunpack.i.l.bf16.f32 v0;
	v0 =	vunpack.i.u.bf16.f32 v1  }
0x24a: {  	v10 =	vld [tilespmem:s1+$0x40];
	[tilespmem:$0x1FBE0] =	vst v0;
	v0 =	vunpack.i.l.bf16.f32 v1  }
0x24b: {  	v12 =	vld [tilespmem:s1+$0x20];
	[tilespmem:$0x1FBF0] =	vst v0;
	v0 =	vunpack.i.u.bf16.f32 v3  }
0x24c: {  	v13 =	vld [tilespmem:s1+$0x30];
	[tilespmem:$0x1FC00] =	vst v0;
	v0 =	vunpack.i.l.bf16.f32 v3  }
0x24d: {  	v14 =	vld [tilespmem:s1+$0x0];
	v3 =	vunpack.i.l.bf16.f32 v11;
	[tilespmem:$0x1FC10] =	vst v0  }
0x24e: {  	v16 =	vld [tilespmem:s1+$0xFFFFFFE0];
	v0 =	vunpack.i.u.bf16.f32 v5;
	[tilespmem:$0x1FCB0] =	vst v3  }
0x24f: {  	v62 =	vimm.f32 $0.0e+00;
	v22 =	vld [tilespmem:s1+$0xFFFFFFD0];
	[tilespmem:$0x1FC20] =	vst v0;
	v0 =	vunpack.i.l.bf16.f32 v5  }
0x250: {  	v25 =	vld [tilespmem:s1+$0xFFFFFF90];
	v23 =	vunpack.i.u.bf16.f32 v2;
	v27 =	vunpack.i.u.bf16.f32 v4;
	[tilespmem:$0x1FC30] =	vst v0;
	v0 =	vunpack.i.u.bf16.f32 v7  }
0x251: {  	v4 =	vunpack.i.l.bf16.f32 v4;
	v1 =	vunpack.i.l.bf16.f32 v2;
	v2 =	vld [tilespmem:s1+$0x10];
	[tilespmem:$0x1FC40] =	vst v0;
	v0 =	vunpack.i.l.bf16.f32 v7  }
0x252: {  	v19 =	vld [tilespmem:s1+$0xFFFFFFC0];
	v28 =	vunpack.i.u.bf16.f32 v6;
	v6 =	vunpack.i.l.bf16.f32 v6;
	v7 =	vunpack.i.u.bf16.f32 v13;
	[tilespmem:$0x1FC50] =	vst v0  }
0x253: {  	s18 =	simm.s32 $0x0;
	v17 =	vld [tilespmem:s1+$0xFFFFFFF0];
	v32 =	vunpack.i.l.bf16.f32 v8;
	v55 =	vunpack.i.l.bf16.f32 v10;
	v0 =	vunpack.i.u.bf16.f32 v9;
	[tilespmem:$0x1FCC0] =	vst v7  }
0x254: {  	v29 =	vunpack.i.l.bf16.f32 v16;
	v5 =	vunpack.i.u.bf16.f32 v8;
	v8 =	vld.idx.msk [tilespmem:v20+s18+$0x0 ss:$0x1], $0xffff;
	v7 =	vunpack.i.l.bf16.f32 v13;
	[tilespmem:$0x1FC70] =	vst v0  }
0x255: {  	v52 =	vunpack.i.l.bf16.f32 v22;
	v59 =	vunpack.i.u.bf16.f32 v25;
	v20 =	vld.idx.msk [tilespmem:v15+s18+$0x0 ss:$0x1], $0xffff;
	v0 =	vunpack.i.l.bf16.f32 v9;
	[tilespmem:$0x1FCD0] =	vst v7  }
0x256: {  	v3 =	vunpack.i.u.bf16.f32 v14;
	v15 =	vunpack.i.l.bf16.f32 v14;
	v7 =	vunpack.i.u.bf16.f32 v2;
	[tilespmem:$0x1FC80] =	vst v0  }
0x257: {  	v14 =	vimm.s32 $0xF;
	v13 =	vunpack.i.u.bf16.f32 v19;
	v2 =	vunpack.i.l.bf16.f32 v2;
	[tilespmem:$0x1FCE0] =	vst v7  }
0x258: {  	v9 =	vunpack.i.u.bf16.f32 v10;
	v10 =	vunpack.i.l.bf16.f32 v12;
	v0 =	vunpack.i.u.bf16.f32 v11;
	[tilespmem:$0x1FCF0] =	vst v2  }
0x259: {  	v7 =	vunpack.i.u.bf16.f32 v16;
	vm0 =	veq.s32 v8, $0x0;
	v8 =	vunpack.i.l.bf16.f32 v17;
	[tilespmem:$0x1FCA0] =	vst v0  }
0x25a: {  	v11 =	vld [tilespmem:s1+$0xFFFFFFA0];
	v2 =	vunpack.i.u.bf16.f32 v17;
	v0 =	vunpack.i.u.bf16.f32 v12;
	[tilespmem:$0x1FD10] =	vst v8;
	v8 =	vsel vm0, $0x0, v20  }
0x25b: {  	v12 =	vunpack.i.u.bf16.f32 v22;
	v24 =	vperm.xlane v8, v14;
	v14 =	vimm.s32 $0xC  }
0x25c: {  	[tilespmem:$0x1FD20] =	vst v12;
	v12 =	vimm.s32 $0xE;
	v33 =	vperm.xlane v8, v14;
	v14 =	vimm.s32 $0xD  }
0x25d: {  	v17 =	vunpack.i.l.bf16.f32 v19;
	[tilespmem:$0x1FD00] =	vst v2;
	v2 =	vld [tilespmem:s1+$0xFFFFFFB0];
	v26 =	vperm.xlane v8, v12;
	v31 =	vperm.xlane v8, v14  }
0x25e: {  	v40 =	vld [tilespmem:s1+$0xFFFFFF70];
	v14 =	vimm.s32 $0xA;
	v48 =	vmul.f32 v21, v24;
	v18 =	vmul.f32 v18, v24  }
0x25f: {  	v30 =	vld [tilespmem:s1+$0xFFFFFF40];
	v16 =	vunpack.i.u.bf16.f32 v11;
	v37 =	vperm.xlane v8, v14;
	v14 =	vperm.xlane v8, v42  }
0x260: {  	v20 =	vunpack.i.l.bf16.f32 v11;
	v53 =	vmul.f32 v1, v26;
	v46 =	vmul.f32 v23, v26  }
0x261: {  	v11 =	vimm.s32 $0xB;
	v1 =	vmul.f32 v6, v33;
	v56 =	vmul.f32 v28, v33  }
0x262: {  	v36 =	vperm.xlane v8, v11;
	v11 =	vimm.s32 $0x8;
	v50 =	vunpack.i.u.bf16.f32 v2  }
0x263: {  	v63 =	vunpack.i.l.bf16.f32 v2;
	v2 =	vimm.s32 $0x7;
	v58 =	vmul.f32 v4, v31  }
0x264: {  	v12 =	vld [tilespmem:s1+$0xFFFFFF80];
	[tilespmem:$0x1FD30] =	vst v18;
	v51 =	vmul.f32 v27, v31;
	v18 =	vunpack.i.l.bf16.f32 v40;
	v27 =	vunpack.i.u.bf16.f32 v30  }
0x265: {  	v44 =	vperm.xlane v8, v11;
	v11 =	vimm.s32 $0x9;
	v47 =	vperm.xlane v8, v2  }
0x266: {  	v2 =	vimm.s32 $0x4;
	v28 =	vmul.f32 v55, v37;
	v4 =	vmul.f32 v9, v37  }
0x267: {  	v9 =	vimm.f32 $0.0e+00;
	v41 =	vperm.xlane v8, v11;
	v11 =	vimm.s32 $0x6  }
0x268: {  	v55 =	vimm.f32 $0.0e+00;
	v57 =	vperm.xlane v8, v2;
	v49 =	vperm.xlane v8, v11;
	v11 =	vld [tilespmem:s1+$0xFFFFFF60]  }
0x269: {  	v19 =	vunpack.i.u.bf16.f32 v12;
	v2 =	vimm.s32 $0x5;
	v22 =	vunpack.i.l.bf16.f32 v12  }
0x26a: {  	v12 =	vimm.s32 $0x3;
	v6 =	vmul.f32 v32, v36;
	v60 =	vmul.f32 v5, v36  }
0x26b: {  	v5 =	vimm.f32 $0.0e+00;
	v54 =	vperm.xlane v8, v2;
	v2 =	vperm.xlane v8, v45  }
0x26c: {  	v21 =	vld [tilespmem:s1+$0xFFFFFF50];
	v61 =	vperm.xlane v8, v12;
	v8 =	vperm.xlane v8, v43;
	v12 =	vunpack.i.l.bf16.f32 v25  }
0x26d: {  	s31 =	sor.u32 $0x2, s30;
	s0 =	simm.s32 $0x40;
	v32 =	vld [tilespmem:s1+$0xFFFFFF20];
	v23 =	vunpack.i.u.bf16.f32 v11;
	v25 =	vunpack.i.l.bf16.f32 v11;
	v11 =	vunpack.i.u.bf16.f32 v40  }
.LBB2_7:
0x26e: {  	v35 =	vld [tilespmem:s1+$0xFFFFFF00]  }
0x26f: {  	v39 =	vld [tilespmem:s1+$0xFFFFFF10];
	_ =	sdelay $0x1  }
0x270: {  	v34 =	vld [tilespmem:s1+$0xFFFFFF30]  }
0x271: {  	v30 =	vunpack.i.l.bf16.f32 v30  }
0x272: {  	v27 =	vmul.f32 v27, v2;
	v40 =	vunpack.i.u.bf16.f32 v32;
	v32 =	vunpack.i.l.bf16.f32 v32  }
0x273: {  	v43 =	vunpack.i.u.bf16.f32 v35;
	v35 =	vunpack.i.l.bf16.f32 v35;
	v45 =	vunpack.i.u.bf16.f32 v39  }
0x274: {  	v39 =	vunpack.i.l.bf16.f32 v39;
	v35 =	vmul.f32 v35, v14;
	v43 =	vmul.f32 v43, v14  }
0x275: {  	v42 =	vunpack.i.u.bf16.f32 v34;
	v39 =	vmul.f32 v39, v14;
	v14 =	vmul.f32 v45, v14  }
0x276: {  	v32 =	vmul.f32 v32, v8;
	v40 =	vmul.f32 v40, v8;
	v34 =	vunpack.i.l.bf16.f32 v34  }
0x277: {  	v34 =	vmul.f32 v34, v8;
	v8 =	vmul.f32 v42, v8;
	v14 =	vadd.f32 v14, v55  }
0x278: {  	v30 =	vmul.f32 v30, v2;
	v38 =	vunpack.i.u.bf16.f32 v21;
	v21 =	vunpack.i.l.bf16.f32 v21  }
0x279: {  	v21 =	vmul.f32 v21, v2;
	v2 =	vmul.f32 v38, v2;
	v8 =	vadd.f32 v8, v14;
	_ =	sdelay $0x1  }
0x27a: {  	v2 =	vadd.f32 v2, v8;
	v8 =	vmul.f32 v11, v61;
	_ =	sdelay $0x1  }
0x27b: {  	v2 =	vadd.f32 v8, v2;
	v8 =	vmul.f32 v59, v57;
	_ =	sdelay $0x1  }
0x27c: {  	v2 =	vadd.f32 v8, v2;
	v8 =	vmul.f32 v50, v54  }
0x27d: {  	v5 =	vadd.f32 v43, v5  }
0x27e: {  	v2 =	vadd.f32 v8, v2;
	v8 =	vld [tilespmem:$0x1FD20]  }
0x27f: {  	v5 =	vadd.f32 v40, v5;
	_ =	sdelay $0x1  }
0x280: {  	v23 =	vmul.f32 v23, v61;
	v5 =	vadd.f32 v27, v5  }
0x281: {  	v39 =	vadd.f32 v39, v62  }
0x282: {  	v19 =	vmul.f32 v19, v57;
	v5 =	vadd.f32 v23, v5;
	v8 =	vmul.f32 v8, v49  }
0x283: {  	v9 =	vadd.f32 v35, v9;
	v62 =	vadd.f32 v34, v39  }
0x284: {  	v16 =	vmul.f32 v16, v54;
	v5 =	vadd.f32 v19, v5;
	v2 =	vadd.f32 v8, v2;
	v8 =	vld [tilespmem:$0x1FD00]  }
0x285: {  	v3 =	vmul.f32 v3, v44;
	v13 =	vmul.f32 v13, v49;
	v9 =	vadd.f32 v32, v9  }
0x286: {  	v14 =	vmul.f32 v18, v61;
	v18 =	vadd.f32 v21, v62;
	v5 =	vadd.f32 v16, v5  }
0x287: {  	v7 =	vmul.f32 v7, v47;
	v25 =	vmul.f32 v25, v61;
	v9 =	vadd.f32 v30, v9  }
0x288: {  	v11 =	vmul.f32 v12, v57;
	v12 =	vadd.f32 v14, v18;
	v5 =	vadd.f32 v13, v5  }
0x289: {  	v22 =	vmul.f32 v22, v57;
	v9 =	vadd.f32 v25, v9;
	v13 =	vld [tilespmem:$0x1FD10];
	v8 =	vmul.f32 v8, v47  }
0x28a: {  	v14 =	vmul.f32 v63, v54;
	v11 =	vadd.f32 v11, v12;
	v5 =	vadd.f32 v7, v5;
	v7 =	vld [tilespmem:$0x1FCF0]  }
0x28b: {  	v20 =	vmul.f32 v20, v54;
	v9 =	vadd.f32 v22, v9;
	v2 =	vadd.f32 v8, v2;
	v8 =	vld [tilespmem:$0x1FCE0]  }
0x28c: {  	v0 =	vmul.f32 v0, v41;
	v12 =	vmul.f32 v52, v49;
	v11 =	vadd.f32 v14, v11  }
0x28d: {  	v17 =	vmul.f32 v17, v49;
	v9 =	vadd.f32 v20, v9;
	v3 =	vadd.f32 v3, v5;
	v5 =	vld [tilespmem:$0x1FCD0]  }
0x28e: {  	v11 =	vadd.f32 v12, v11;
	v13 =	vmul.f32 v13, v47  }
0x28f: {  	v29 =	vmul.f32 v29, v47;
	v9 =	vadd.f32 v17, v9;
	v0 =	vadd.f32 v0, v3;
	v3 =	vld [tilespmem:$0x1FCB0]  }
0x290: {  	v7 =	vmul.f32 v7, v44;
	v11 =	vadd.f32 v13, v11;
	v8 =	vmul.f32 v8, v44  }
0x291: {  	v15 =	vmul.f32 v15, v44;
	v9 =	vadd.f32 v29, v9;
	v0 =	vadd.f32 v4, v0;
	v4 =	vld [tilespmem:$0x1FC80]  }
0x292: {  	v5 =	vmul.f32 v5, v41;
	v7 =	vadd.f32 v7, v11;
	v2 =	vadd.f32 v8, v2;
	v8 =	vld [tilespmem:$0x1FCC0]  }
0x293: {  	v10 =	vmul.f32 v10, v41;
	v9 =	vadd.f32 v15, v9  }
0x294: {  	v3 =	vmul.f32 v3, v37;
	v5 =	vadd.f32 v5, v7;
	v7 =	vld [tilespmem:$0x1FCA0]  }
0x295: {  	v9 =	vadd.f32 v10, v9  }
0x296: {  	v4 =	vmul.f32 v4, v36;
	v3 =	vadd.f32 v3, v5;
	v5 =	vld [tilespmem:$0x1FC70]  }
0x297: {  	v9 =	vadd.f32 v28, v9;
	v8 =	vmul.f32 v8, v41  }
0x298: {  	v3 =	vadd.f32 v4, v3;
	v4 =	vld [tilespmem:$0x1FC40]  }
0x299: {  	v6 =	vadd.f32 v6, v9;
	v9 =	vld [tilespmem:$0x1FC50];
	v7 =	vmul.f32 v7, v37;
	v2 =	vadd.f32 v8, v2;
	_ =	sdelay $0x1  }
0x29a: {  	v5 =	vmul.f32 v5, v36;
	v2 =	vadd.f32 v7, v2;
	_ =	sdelay $0x1  }
0x29b: {  	v4 =	vmul.f32 v4, v33;
	v2 =	vadd.f32 v5, v2  }
0x29c: {  	v9 =	vmul.f32 v9, v33;
	v5 =	vld [tilespmem:$0x1FC30]  }
0x29d: {  	v2 =	vadd.f32 v4, v2;
	v4 =	vld [tilespmem:$0x1FC20]  }
0x29e: {  	v3 =	vadd.f32 v9, v3;
	v9 =	vld [tilespmem:$0x1FC10]  }
0x29f: {  	v1 =	vadd.f32 v1, v6;
	_ =	sdelay $0x1  }
0x2a0: {  	s1 =	sadd.s32 $0x200, s1;
	v1 =	vadd.f32 v58, v1;
	v5 =	vmul.f32 v5, v31  }
0x2a1: {  	v10 =	vld [tilespmem:s1+$0xF0];
	v0 =	vadd.f32 v60, v0;
	v4 =	vmul.f32 v4, v31  }
0x2a2: {  	v1 =	vadd.f32 v53, v1;
	v9 =	vmul.f32 v9, v26;
	v3 =	vadd.f32 v5, v3;
	v5 =	vld [tilespmem:$0x1FBF0]  }
0x2a3: {  	v0 =	vadd.f32 v56, v0;
	v2 =	vadd.f32 v4, v2;
	v4 =	vld [tilespmem:$0x1FC00]  }
0x2a4: {  	v3 =	vadd.f32 v9, v3;
	v9 =	vadd.f32 v48, v1;
	v1 =	vld [tilespmem:$0x1FD30]  }
0x2a5: {  	v0 =	vadd.f32 v51, v0  }
0x2a6: {  	v12 =	vld [tilespmem:s1+$0xD0]  }
0x2a7: {  	v0 =	vadd.f32 v46, v0  }
0x2a8: {  	v13 =	vld [tilespmem:s1+$0xB0];
	v4 =	vmul.f32 v4, v26  }
0x2a9: {  	v6 =	vld [tilespmem:s1+$0x90];
	v18 =	vmul.f32 v5, v24;
	v5 =	vadd.f32 v1, v0;
	v0 =	vunpack.i.u.bf16.f32 v10  }
0x2aa: {  	v2 =	vadd.f32 v4, v2;
	v4 =	vld [tilespmem:$0x1FBE0];
	[tilespmem:$0x1FBE0] =	vst v0;
	v0 =	vunpack.i.l.bf16.f32 v10  }
0x2ab: {  	[tilespmem:$0x1FBF0] =	vst v0;
	v0 =	vunpack.i.u.bf16.f32 v12  }
0x2ac: {  	[tilespmem:$0x1FC00] =	vst v0;
	v0 =	vunpack.i.l.bf16.f32 v12  }
0x2ad: {  	v19 =	vld [tilespmem:s1+$0x50];
	[tilespmem:$0x1FC10] =	vst v0;
	v0 =	vunpack.i.u.bf16.f32 v13  }
0x2ae: {  	v22 =	vld [tilespmem:s1+$0xFFFFFFD0];
	[tilespmem:$0x1FC20] =	vst v0;
	v0 =	vunpack.i.l.bf16.f32 v13  }
0x2af: {  	v14 =	vld [tilespmem:s1+$0x80];
	[tilespmem:$0x1FC30] =	vst v0;
	v0 =	vunpack.i.u.bf16.f32 v6  }
0x2b0: {  	v16 =	vld [tilespmem:s1+$0x70];
	[tilespmem:$0x1FC40] =	vst v0;
	v0 =	vunpack.i.l.bf16.f32 v6  }
0x2b1: {  	[tilespmem:$0x1FC50] =	vst v0;
	v0 =	vld [tilespmem:$0x1FC60]  }
0x2b2: {  	v15 =	vld [tilespmem:s1+$0x60]  }
0x2b3: {  	v8 =	vld [tilespmem:s1+$0xC0]  }
0x2b4: {  	v7 =	vld [tilespmem:s1+$0xA0]  }
0x2b5: {  	v1 =	vld [tilespmem:s1+$0x30];
	v4 =	vmul.f32 v4, v24  }
0x2b6: {  	v62 =	vadd.f32 v18, v3;
	v18 =	vld [tilespmem:s1+$0x10]  }
0x2b7: {  	v55 =	vadd.f32 v4, v2;
	v2 =	vld [tilespmem:s1+$0x0]  }
0x2b8: {  	s18 =	sshra.s32 s0, $0x2;
	v25 =	vunpack.i.l.bf16.f32 v8;
	v4 =	vunpack.i.u.bf16.f32 v8;
	v8 =	vld [tilespmem:s1+$0xFFFFFFE0]  }
0x2b9: {  	v6 =	vld.idx.msk [tilespmem:v0+s18+$0x0 ss:$0x1], $0xffff;
	v0 =	vunpack.i.u.bf16.f32 v16  }
0x2ba: {  	v32 =	vunpack.i.u.bf16.f32 v14;
	v34 =	vunpack.i.l.bf16.f32 v14;
	v12 =	vld [tilespmem:s1+$0xFFFFFFF0];
	[tilespmem:$0x1FC70] =	vst v0;
	v0 =	vunpack.i.l.bf16.f32 v16  }
0x2bb: {  	v35 =	vunpack.i.u.bf16.f32 v15;
	v38 =	vunpack.i.l.bf16.f32 v15;
	v3 =	vunpack.i.l.bf16.f32 v19;
	[tilespmem:$0x1FC80] =	vst v0;
	v0 =	vld [tilespmem:$0x1FC90]  }
0x2bc: {  	v17 =	vld [tilespmem:s1+$0x40];
	v27 =	vunpack.i.u.bf16.f32 v7;
	v28 =	vunpack.i.l.bf16.f32 v7;
	[tilespmem:$0x1FCB0] =	vst v3;
	v7 =	vunpack.i.u.bf16.f32 v1  }
0x2bd: {  	v14 =	vld [tilespmem:s1+$0xFFFFFFC0];
	[tilespmem:$0x1FCC0] =	vst v7;
	v3 =	vunpack.i.u.bf16.f32 v2;
	v15 =	vunpack.i.l.bf16.f32 v2;
	v2 =	vunpack.i.u.bf16.f32 v18  }
0x2be: {  	v11 =	vld [tilespmem:s1+$0xE0];
	v7 =	vunpack.i.u.bf16.f32 v8;
	v29 =	vunpack.i.l.bf16.f32 v8;
	v8 =	vunpack.i.u.bf16.f32 v22;
	[tilespmem:$0x1FCE0] =	vst v2  }
0x2bf: {  	v20 =	vld [tilespmem:s1+$0x20];
	v2 =	vunpack.i.l.bf16.f32 v18;
	[tilespmem:$0x1FD20] =	vst v8  }
0x2c0: {  	v8 =	vld [tilespmem:s1+$0xFFFFFF80];
	[tilespmem:$0x1FCF0] =	vst v2;
	v2 =	vunpack.i.u.bf16.f32 v12  }
0x2c1: {  	v45 =	vimm.s32 $0x2;
	v42 =	vimm.s32 $0x0;
	v1 =	vunpack.i.l.bf16.f32 v1;
	[tilespmem:$0x1FD00] =	vst v2;
	v2 =	vld [tilespmem:s1+$0xFFFFFFB0]  }
0x2c2: {  	v43 =	vimm.s32 $0x1;
	v52 =	vunpack.i.l.bf16.f32 v22;
	v39 =	vunpack.i.u.bf16.f32 v17;
	[tilespmem:$0x1FCD0] =	vst v1;
	v1 =	vld [tilespmem:s1+$0xFFFFFFA0]  }
0x2c3: {  	v40 =	vunpack.i.l.bf16.f32 v17;
	v17 =	vunpack.i.l.bf16.f32 v14;
	v21 =	vunpack.i.u.bf16.f32 v11;
	v16 =	vld.idx.msk [tilespmem:v0+s18+$0x0 ss:$0x1], $0xffff  }
0x2c4: {  	v10 =	vunpack.i.l.bf16.f32 v20;
	v13 =	vunpack.i.u.bf16.f32 v14;
	v14 =	vimm.s32 $0x3  }
0x2c5: {  	v22 =	vunpack.i.l.bf16.f32 v8;
	vm0 =	veq.s32 v6, $0x0;
	v6 =	vunpack.i.l.bf16.f32 v12  }
0x2c6: {  	v12 =	vimm.s32 $0xE;
	v50 =	vunpack.i.u.bf16.f32 v2;
	v63 =	vunpack.i.l.bf16.f32 v2  }
0x2c7: {  	v2 =	vimm.s32 $0x6;
	[tilespmem:$0x1FD10] =	vst v6;
	v0 =	vunpack.i.u.bf16.f32 v19;
	v19 =	vunpack.i.u.bf16.f32 v8  }
0x2c8: {  	[tilespmem:$0x1FCA0] =	vst v0;
	v0 =	vunpack.i.u.bf16.f32 v20;
	v20 =	vunpack.i.l.bf16.f32 v1;
	v6 =	vsel vm0, $0x0, v16  }
0x2c9: {  	v16 =	vunpack.i.u.bf16.f32 v1;
	v1 =	vimm.s32 $0xA;
	v26 =	vperm.xlane v6, v12  }
0x2ca: {  	v12 =	vimm.s32 $0xF;
	v37 =	vperm.xlane v6, v1;
	v49 =	vperm.xlane v6, v2  }
0x2cb: {  	v1 =	vimm.s32 $0xB;
	v61 =	vperm.xlane v6, v14;
	v14 =	vperm.xlane v6, v42  }
0x2cc: {  	v2 =	vimm.s32 $0x7;
	v8 =	vperm.xlane v6, v43;
	v24 =	vperm.xlane v6, v12  }
0x2cd: {  	v12 =	vimm.s32 $0xC;
	v36 =	vperm.xlane v6, v1;
	v1 =	vimm.s32 $0x8  }
0x2ce: {  	v47 =	vperm.xlane v6, v2;
	v2 =	vimm.s32 $0x4;
	v33 =	vperm.xlane v6, v12  }
0x2cf: {  	v18 =	vld [tilespmem:s1+$0xFFFFFF70];
	v12 =	vimm.s32 $0xD;
	v44 =	vperm.xlane v6, v1;
	v57 =	vperm.xlane v6, v2  }
0x2d0: {  	v1 =	vimm.s32 $0x9;
	v53 =	vmul.f32 v25, v26;
	v46 =	vmul.f32 v4, v26  }
0x2d1: {  	v30 =	vld [tilespmem:s1+$0xFFFFFF40];
	v2 =	vimm.s32 $0x5;
	v4 =	vmul.f32 v39, v37;
	v31 =	vperm.xlane v6, v12  }
0x2d2: {  	v11 =	vunpack.i.l.bf16.f32 v11;
	v12 =	vld [tilespmem:s1+$0xFFFFFF90];
	v41 =	vperm.xlane v6, v1;
	v54 =	vperm.xlane v6, v2  }
0x2d3: {  	p0 =	sne.s32 s0, $0x300;
	v1 =	vld [tilespmem:s1+$0xFFFFFF60];
	v2 =	vperm.xlane v6, v45;
	v48 =	vmul.f32 v11, v24  }
.Ltmp2:
0x2d4: {  	v6 =	vmul.f32 v21, v24;
	v11 =	vunpack.i.u.bf16.f32 v18;
	v60 =	vmul.f32 v35, v36;
	(pc) =	sbr.rel @p0 .LBB2_7-.Ltmp2, $4  }
0x2d5: {  	v18 =	vunpack.i.l.bf16.f32 v18;
	v56 =	vmul.f32 v32, v33;
	v58 =	vmul.f32 v28, v31  }
0x2d6: {  	[tilespmem:$0x1FD30] =	vst v6;
	v51 =	vmul.f32 v27, v31;
	v6 =	vmul.f32 v38, v36;
	v27 =	vunpack.i.u.bf16.f32 v30  }
0x2d7: {  	v21 =	vld [tilespmem:s1+$0xFFFFFF50];
	v28 =	vmul.f32 v40, v37;
	v59 =	vunpack.i.u.bf16.f32 v12;
	v12 =	vunpack.i.l.bf16.f32 v12  }
0x2d8: {  	s0 =	sadd.s32 $0x40, s0;
	v32 =	vld [tilespmem:s1+$0xFFFFFF20];
	v23 =	vunpack.i.u.bf16.f32 v1;
	v25 =	vunpack.i.l.bf16.f32 v1;
	v1 =	vmul.f32 v34, v33  }
0x2d9: {  	v34 =	vld [tilespmem:s1+$0xFFFFFF00];
	_ =	sdelay $0x4  }
0x2da: {  	v35 =	vunpack.i.l.bf16.f32 v34  }
0x2db: {  	v35 =	vmul.f32 v35, v14  }
0x2dc: {  	v38 =	vunpack.i.l.bf16.f32 v32  }
0x2dd: {  	v40 =	vmul.f32 v38, v8;
	v9 =	vadd.f32 v35, v9  }
0x2de: {  	v30 =	vunpack.i.l.bf16.f32 v30  }
0x2df: {  	v30 =	vmul.f32 v30, v2;
	v9 =	vadd.f32 v40, v9;
	_ =	sdelay $0x1  }
0x2e0: {  	v25 =	vmul.f32 v25, v61;
	v9 =	vadd.f32 v30, v9;
	_ =	sdelay $0x1  }
0x2e1: {  	v22 =	vmul.f32 v22, v57;
	v9 =	vadd.f32 v25, v9;
	_ =	sdelay $0x1  }
0x2e2: {  	v20 =	vmul.f32 v20, v54;
	v9 =	vadd.f32 v22, v9;
	_ =	sdelay $0x1  }
0x2e3: {  	v17 =	vmul.f32 v17, v49;
	v9 =	vadd.f32 v20, v9;
	v20 =	vunpack.i.u.bf16.f32 v34  }
0x2e4: {  	v20 =	vmul.f32 v20, v14  }
0x2e5: {  	v22 =	vunpack.i.u.bf16.f32 v32;
	v9 =	vadd.f32 v17, v9;
	v17 =	vmul.f32 v29, v47  }
0x2e6: {  	v5 =	vadd.f32 v20, v5;
	v20 =	vmul.f32 v22, v8  }
0x2e7: {  	v15 =	vmul.f32 v15, v44;
	v9 =	vadd.f32 v17, v9  }
0x2e8: {  	v17 =	vmul.f32 v27, v2;
	v5 =	vadd.f32 v20, v5  }
0x2e9: {  	v10 =	vmul.f32 v10, v41;
	v9 =	vadd.f32 v15, v9  }
0x2ea: {  	v15 =	vmul.f32 v23, v61;
	v5 =	vadd.f32 v17, v5  }
0x2eb: {  	v9 =	vadd.f32 v10, v9;
	v10 =	vld [tilespmem:s1+$0xFFFFFF10]  }
0x2ec: {  	v5 =	vadd.f32 v15, v5;
	v15 =	vmul.f32 v19, v57  }
0x2ed: {  	v17 =	vld [tilespmem:s1+$0xFFFFFF30];
	v9 =	vadd.f32 v28, v9  }
0x2ee: {  	v5 =	vadd.f32 v15, v5;
	v15 =	vmul.f32 v16, v54  }
0x2ef: {  	v6 =	vadd.f32 v6, v9  }
0x2f0: {  	v9 =	vmul.f32 v13, v49;
	v5 =	vadd.f32 v15, v5;
	v13 =	vunpack.i.l.bf16.f32 v10  }
0x2f1: {  	v13 =	vmul.f32 v13, v14;
	v1 =	vadd.f32 v1, v6  }
0x2f2: {  	v6 =	vmul.f32 v7, v47;
	v7 =	vunpack.i.l.bf16.f32 v17;
	v5 =	vadd.f32 v9, v5  }
0x2f3: {  	v7 =	vmul.f32 v7, v8;
	v9 =	vadd.f32 v13, v62;
	v1 =	vadd.f32 v58, v1  }
0x2f4: {  	v3 =	vmul.f32 v3, v44;
	v13 =	vunpack.i.l.bf16.f32 v21;
	v5 =	vadd.f32 v6, v5  }
0x2f5: {  	v6 =	vmul.f32 v13, v2;
	v7 =	vadd.f32 v7, v9;
	v1 =	vadd.f32 v53, v1  }
0x2f6: {  	v0 =	vmul.f32 v0, v41;
	v3 =	vadd.f32 v3, v5  }
0x2f7: {  	v5 =	vmul.f32 v18, v61;
	v6 =	vadd.f32 v6, v7;
	v1 =	vadd.f32 v48, v1  }
0x2f8: {  	v0 =	vadd.f32 v0, v3  }
0x2f9: {  	v3 =	vmul.f32 v12, v57;
	v5 =	vadd.f32 v5, v6;
	v6 =	vmul.f32 $4.471499850e-02, v1  }
0x2fa: {  	v0 =	vadd.f32 v4, v0  }
0x2fb: {  	v4 =	vmul.f32 v63, v54;
	v3 =	vadd.f32 v3, v5;
	v5 =	vmul.f32 v6, v1  }
0x2fc: {  	v7 =	vunpack.i.u.bf16.f32 v10  }
0x2fd: {  	v7 =	vmul.f32 v7, v14;
	v3 =	vadd.f32 v4, v3;
	v4 =	vmul.f32 v5, v1  }
0x2fe: {  	v5 =	vunpack.i.u.bf16.f32 v17  }
0x2ff: {  	v7 =	vadd.f32 v7, v55;
	v5 =	vmul.f32 v5, v8;
	v4 =	vadd.f32 v4, v1  }
0x300: {  	v6 =	vunpack.i.u.bf16.f32 v21  }
0x301: {  	v2 =	vmul.f32 v6, v2;
	v5 =	vadd.f32 v5, v7;
	v4 =	vmul.f32 $7.978845830e-01, v4;
	_ =	sdelay $0x1  }
0x302: {  	v2 =	vadd.f32 v2, v5;
	v5 =	vmul.f32 v11, v61;
	v4 =	vadd.f32 v4, v4;
	_ =	sdelay $0x1  }
0x303: {  	v2 =	vadd.f32 v5, v2;
	v5 =	vmul.f32 v59, v57;
	v4 =	vmul.f32 $1.442695020e+00, v4;
	_ =	sdelay $0x1  }
0x304: {  	v2 =	vadd.f32 v5, v2;
	(erf) = vpow2.f32 v4;
	v4 =	vmul.f32 v50, v54;
	_ =	sdelay $0x1  }
0x305: {  	v2 =	vadd.f32 v4, v2;
	v4 =	vld [tilespmem:$0x1FD20];
	_ =	sdelay $0x4  }
0x306: {  	v4 =	vmul.f32 v4, v49;
	_ =	sdelay $0x1  }
0x307: {  	v2 =	vadd.f32 v4, v2;
	v4 =	vld [tilespmem:$0x1FD00];
	_ =	sdelay $0x4  }
0x308: {  	v4 =	vmul.f32 v4, v47;
	_ =	sdelay $0x1  }
0x309: {  	v2 =	vadd.f32 v4, v2;
	v4 =	vld [tilespmem:$0x1FCE0];
	_ =	sdelay $0x4  }
0x30a: {  	v4 =	vmul.f32 v4, v44;
	_ =	sdelay $0x1  }
0x30b: {  	v2 =	vadd.f32 v4, v2;
	v4 =	vld [tilespmem:$0x1FCC0];
	_ =	sdelay $0x4  }
0x30c: {  	v4 =	vmul.f32 v4, v41  }
0x30d: {  	v10 =	vld [tilespmem:$0x1FD10]  }
0x30e: {  	v0 =	vadd.f32 v60, v0;
	v2 =	vadd.f32 v4, v2;
	v4 =	vld [tilespmem:$0x1FCA0]  }
0x30f: {  	v8 =	vld [tilespmem:$0x1FCF0]  }
0x310: {  	v9 =	vmul.f32 v52, v49;
	v6 =	vld [tilespmem:$0x1FCD0];
	v0 =	vadd.f32 v56, v0  }
0x311: {  	v7 =	vld [tilespmem:$0x1FD30]  }
0x312: {  	v10 =	vmul.f32 v10, v47;
	v3 =	vadd.f32 v9, v3;
	v0 =	vadd.f32 v51, v0  }
0x313: {  	v4 =	vmul.f32 v4, v37  }
0x314: {  	v3 =	vadd.f32 v10, v3;
	v0 =	vadd.f32 v46, v0;
	v8 =	vmul.f32 v8, v44  }
0x315: {  	v2 =	vadd.f32 v4, v2;
	v4 =	vld [tilespmem:$0x1FC70]  }
0x316: {  	v6 =	vmul.f32 v6, v41;
	v3 =	vadd.f32 v8, v3;
	v0 =	vadd.f32 v7, v0;
	v7 =	vld [tilespmem:$0x1FCB0];
	_ =	sdelay $0x1  }
0x317: {  	v8 =	vld [tilespmem:$0x1FC80];
	v3 =	vadd.f32 v6, v3;
	v6 =	vmul.f32 $4.471499850e-02, v0;
	_ =	sdelay $0x1  }
0x318: {  	v5 =	vmul.f32 v6, v0;
	v6 =	vld [tilespmem:$0x1FC50];
	v4 =	vmul.f32 v4, v36  }
0x319: {  	v7 =	vmul.f32 v7, v37  }
0x31a: {  	v2 =	vadd.f32 v4, v2;
	v4 =	vld [tilespmem:$0x1FC40]  }
0x31b: {  	v8 =	vmul.f32 v8, v36;
	v3 =	vadd.f32 v7, v3;
	v7 =	vld [tilespmem:$0x1FC30];
	_ =	sdelay $0x1  }
0x31c: {  	v6 =	vmul.f32 v6, v33;
	v3 =	vadd.f32 v8, v3;
	_ =	sdelay $0x1  }
0x31d: {  	v3 =	vadd.f32 v6, v3;
	v6 =	vld [tilespmem:$0x1FC10];
	v4 =	vmul.f32 v4, v33  }
0x31e: {  	v7 =	vmul.f32 v7, v31  }
0x31f: {  	v2 =	vadd.f32 v4, v2;
	v4 =	vld [tilespmem:$0x1FC20]  }
0x320: {  	v5 =	vmul.f32 v5, v0;
	v3 =	vadd.f32 v7, v3;
	v7 =	vld [tilespmem:$0x1FBF0];
	_ =	sdelay $0x1  }
0x321: {  	v5 =	vadd.f32 v5, v0;
	v6 =	vmul.f32 v6, v26;
	_ =	sdelay $0x1  }
0x322: {  	v5 =	vmul.f32 $7.978845830e-01, v5;
	v4 =	vmul.f32 v4, v31  }
0x323: {  	v3 =	vadd.f32 v6, v3;
	v7 =	vmul.f32 v7, v24  }
0x324: {  	v5 =	vadd.f32 v5, v5;
	v6 =	vpop (erf);
	v2 =	vadd.f32 v4, v2;
	v4 =	vld [tilespmem:$0x1FC00]  }
0x325: {  	v3 =	vadd.f32 v7, v3;
	v6 =	vadd.f32 $1.000000000e+00, v6  }
0x326: {  	v5 =	vmul.f32 $1.442695020e+00, v5  }
0x327: {  	(erf) = vrcp.f32 v6;
	v6 =	vmul.f32 $4.471499850e-02, v3  }
0x328: {  	(erf) = vpow2.f32 v5  }
0x329: {  	v5 =	vmul.f32 v6, v3;
	v4 =	vmul.f32 v4, v26;
	_ =	sdelay $0x1  }
0x32a: {  	v5 =	vmul.f32 v5, v3;
	v2 =	vadd.f32 v4, v2;
	v4 =	vld [tilespmem:$0x1FBE0];
	_ =	sdelay $0x1  }
0x32b: {  	v5 =	vadd.f32 v5, v3;
	_ =	sdelay $0x1  }
0x32c: {  	v5 =	vmul.f32 $7.978845830e-01, v5  }
0x32d: {  	v6 =	vpop (erf);
	v4 =	vmul.f32 v4, v24  }
0x32e: {  	v7 =	vpop (erf);
	v5 =	vadd.f32 v5, v5  }
0x32f: {  	v2 =	vadd.f32 v4, v2;
	v4 =	vadd.f32 $1.000000000e+00, v7  }
0x330: {  	v5 =	vmul.f32 $1.442695020e+00, v5  }
0x331: {  	(erf) = vrcp.f32 v4;
	v4 =	vmul.f32 $4.471499850e-02, v2  }
0x332: {  	(erf) = vpow2.f32 v5  }
0x333: {  	v4 =	vmul.f32 v4, v2;
	_ =	sdelay $0x1  }
0x334: {  	v4 =	vmul.f32 v4, v2;
	_ =	sdelay $0x1  }
0x335: {  	v4 =	vadd.f32 v4, v2;
	_ =	sdelay $0x1  }
0x336: {  	v4 =	vmul.f32 $7.978845830e-01, v4  }
0x337: {  	v5 =	vpop (erf)  }
0x338: {  	v7 =	vpop (erf);
	v4 =	vadd.f32 v4, v4  }
0x339: {  	v7 =	vadd.f32 $1.000000000e+00, v7  }
0x33a: {  	v4 =	vmul.f32 $1.442695020e+00, v4  }
0x33b: {  	(erf) = vrcp.f32 v7  }
0x33c: {  	(erf) = vpow2.f32 v4;
	_ =	sdelay $0x7  }
0x33d: {  	v4 =	vpop (erf)  }
0x33e: {  	v7 =	vpop (erf)  }
0x33f: {  	v7 =	vadd.f32 $1.000000000e+00, v7;
	_ =	sdelay $0x1  }
0x340: {  	(erf) = vrcp.f32 v7;
	_ =	sdelay $0x6  }
0x341: {  	v6 =	vadd.f32 v6, v6  }
0x342: {  	v5 =	vadd.f32 v5, v5  }
0x343: {  	v6 =	vsub.f32 $1.000000000e+00, v6;
	v4 =	vadd.f32 v4, v4;
	v7 =	vpop (erf)  }
0x344: {  	v5 =	vsub.f32 $1.000000000e+00, v5;
	v7 =	vadd.f32 v7, v7  }
0x345: {  	v1 =	vmul.f32 $5.000000000e-01, v1;
	v6 =	vadd.f32 $1.000000000e+00, v6;
	v4 =	vsub.f32 $1.000000000e+00, v4  }
0x346: {  	v0 =	vmul.f32 $5.000000000e-01, v0;
	v5 =	vadd.f32 $1.000000000e+00, v5;
	v7 =	vsub.f32 $1.000000000e+00, v7  }
0x347: {  	s0 =	sshll.u32 s31, $0x6;
	v3 =	vmul.f32 $5.000000000e-01, v3;
	v1 =	vmul.f32 v6, v1;
	v4 =	vadd.f32 $1.000000000e+00, v4  }
0x348: {  	s18 =	smin.u32 s30, $0x79;
	s0 =	sand.u32 $0x3FFFFFC0, s0;
	v2 =	vmul.f32 $5.000000000e-01, v2;
	v0 =	vmul.f32 v5, v0;
	v5 =	vadd.f32 $1.000000000e+00, v7  }
0x349: {  	s1 =	smul.u32 $0x340, s18;
	[tilespmem:s0+$0x13800] =	vst v1;
	v1 =	vmul.f32 v4, v3  }
0x34a: {  	[tilespmem:s0+$0x13810] =	vst v0;
	v0 =	vmul.f32 v5, v2  }
0x34b: {  	s1 =	sshrl.u32 s1, $0x2;
	[tilespmem:s0+$0x13820] =	vst v1  }
0x34c: {  	s1 =	sadd.s32 $0x6CE0, s1;
	[tilespmem:s0+$0x13830] =	vst v0  }
0x34d: {  	[tilespmem:s11], [sflag:$0x3] =	stream.indirect.gather [hbm4b:s3+s14], $0x20, s1, s14, $0xb8;
	[tilespmem:$0x15800] =	vst v63  }
0x34e: {  	_ =	swait.ge [sflag:s17], $0x1A00  }
0x34f: {  	[sflag:s17] =	ssyncset.done $0x0  }
0x350: {  	s1 =	simm.s32 $0x11F00;
	[sflag:s17] =	ssyncadd.s32 $0xFFFFE600  }
0x351: {  	v0 =	vld [tilespmem:s1+$0xE0]  }
0x352: {  	v1 =	vld [tilespmem:s1+$0xF0]  }
0x353: {  	v2 =	vld [tilespmem:s1+$0xC0]  }
0x354: {  	v3 =	vld [tilespmem:s1+$0xD0]  }
0x355: {  	v6 =	vld [tilespmem:s1+$0x80]  }
0x356: {  	v13 =	vld [tilespmem:s1+$0x30]  }
0x357: {  	v22 =	vmov s23;
	v4 =	vld [tilespmem:s1+$0xA0]  }
0x358: {  	v20 =	vmov s25;
	[tilespmem:$0x1FB00] =	vst v22;
	v5 =	vld [tilespmem:s1+$0xB0]  }
0x359: {  	[tilespmem:$0x1FB30] =	vst v20;
	v7 =	vld [tilespmem:s1+$0x90];
	v16 =	vunpack.i.u.bf16.f32 v1  }
0x35a: {  	v8 =	vld [tilespmem:s1+$0x60];
	v1 =	vunpack.i.l.bf16.f32 v1;
	[tilespmem:$0x1FA80] =	vst v16  }
0x35b: {  	v9 =	vld [tilespmem:s1+$0x70];
	v27 =	vunpack.i.u.bf16.f32 v6;
	v32 =	vunpack.i.l.bf16.f32 v6;
	v6 =	vunpack.i.u.bf16.f32 v13;
	[tilespmem:$0x1FA90] =	vst v1  }
0x35c: {  	v10 =	vld [tilespmem:s1+$0x40];
	v18 =	vunpack.i.u.bf16.f32 v2;
	v1 =	vunpack.i.l.bf16.f32 v2;
	v2 =	vunpack.i.u.bf16.f32 v3;
	[tilespmem:$0x1FB60] =	vst v6  }
0x35d: {  	v11 =	vld [tilespmem:s1+$0x50];
	v6 =	vunpack.i.l.bf16.f32 v13;
	[tilespmem:$0x1FAA0] =	vst v2  }
0x35e: {  	v16 =	vld [tilespmem:s1+$0x10];
	v2 =	vunpack.i.l.bf16.f32 v3;
	[tilespmem:$0x1FB70] =	vst v6  }
0x35f: {  	v12 =	vld [tilespmem:s1+$0x20];
	[tilespmem:$0x1FAB0] =	vst v2;
	v2 =	vunpack.i.u.bf16.f32 v5  }
0x360: {  	v17 =	vld [tilespmem:s1+$0xFFFFFFF0];
	[tilespmem:$0x1FAC0] =	vst v2;
	v2 =	vunpack.i.l.bf16.f32 v5  }
0x361: {  	v3 =	vld [tilespmem:s1+$0xFFFFFFE0];
	[tilespmem:$0x1FAD0] =	vst v2;
	v2 =	vunpack.i.u.bf16.f32 v7  }
0x362: {  	v15 =	vld [tilespmem:s1+$0x0];
	v14 =	vunpack.i.u.bf16.f32 v0;
	v0 =	vunpack.i.l.bf16.f32 v0;
	[tilespmem:$0x1FAE0] =	vst v2;
	v2 =	vunpack.i.l.bf16.f32 v7  }
0x363: {  	s18 =	simm.s32 $0x0;
	v19 =	vld [tilespmem:s1+$0xFFFFFFC0];
	v21 =	vunpack.i.u.bf16.f32 v4;
	v4 =	vunpack.i.l.bf16.f32 v4;
	v6 =	vunpack.i.u.bf16.f32 v16;
	[tilespmem:$0x1FAF0] =	vst v2  }
0x364: {  	v5 =	vunpack.i.u.bf16.f32 v8;
	v7 =	vunpack.i.l.bf16.f32 v8;
	v8 =	vld.idx.msk [tilespmem:v22+s18+$0x0 ss:$0x1], $0xffff;
	v2 =	vunpack.i.u.bf16.f32 v9;
	[tilespmem:$0x1FB80] =	vst v6  }
0x365: {  	v55 =	vunpack.i.l.bf16.f32 v10;
	v63 =	vunpack.i.u.bf16.f32 v12;
	v22 =	vld [tilespmem:s1+$0xFFFFFFD0];
	v6 =	vunpack.i.l.bf16.f32 v16;
	[tilespmem:$0x1FB10] =	vst v2  }
0x366: {  	v20 =	vld.idx.msk [tilespmem:v20+s18+$0x0 ss:$0x1], $0xffff;
	v46 =	vunpack.i.l.bf16.f32 v17;
	v29 =	vunpack.i.l.bf16.f32 v3;
	v2 =	vunpack.i.l.bf16.f32 v9;
	[tilespmem:$0x1FB90] =	vst v6  }
0x367: {  	v16 =	vimm.s32 $0xF;
	v6 =	vunpack.i.u.bf16.f32 v3;
	v3 =	vunpack.i.u.bf16.f32 v17;
	[tilespmem:$0x1FB20] =	vst v2  }
0x368: {  	v9 =	vunpack.i.u.bf16.f32 v10;
	v10 =	vunpack.i.l.bf16.f32 v12;
	v2 =	vunpack.i.u.bf16.f32 v11;
	[tilespmem:$0x1FBA0] =	vst v3  }
0x369: {  	v12 =	vunpack.i.u.bf16.f32 v19;
	v17 =	vunpack.i.l.bf16.f32 v19;
	[tilespmem:$0x1FB40] =	vst v2;
	v2 =	vunpack.i.l.bf16.f32 v11  }
0x36a: {  	v19 =	vimm.s32 $0xD;
	v3 =	vld [tilespmem:s1+$0xFFFFFFB0];
	[tilespmem:$0x1FB50] =	vst v2;
	vm0 =	veq.s32 v8, $0x0;
	v13 =	vunpack.i.u.bf16.f32 v22  }
0x36b: {  	v11 =	vld [tilespmem:s1+$0xFFFFFFA0];
	v2 =	vunpack.i.u.bf16.f32 v15;
	v8 =	vsel vm0, $0x0, v20;
	[tilespmem:$0x1FBB0] =	vst v13;
	v13 =	vimm.s32 $0xE  }
0x36c: {  	v15 =	vunpack.i.l.bf16.f32 v15;
	v52 =	vunpack.i.l.bf16.f32 v22;
	v26 =	vperm.xlane v8, v13  }
0x36d: {  	v24 =	vperm.xlane v8, v16;
	v16 =	vimm.s32 $0xC;
	v31 =	vperm.xlane v8, v19  }
0x36e: {  	v19 =	vimm.s32 $0xA;
	v28 =	vperm.xlane v8, v42;
	v33 =	vperm.xlane v8, v16  }
0x36f: {  	v50 =	vunpack.i.u.bf16.f32 v3;
	v62 =	vunpack.i.l.bf16.f32 v3;
	v3 =	vimm.s32 $0x7  }
0x370: {  	v22 =	vld [tilespmem:s1+$0xFFFFFF90];
	v37 =	vperm.xlane v8, v19;
	v16 =	vunpack.i.u.bf16.f32 v11;
	v47 =	vperm.xlane v8, v3  }
0x371: {  	v20 =	vunpack.i.l.bf16.f32 v11;
	v48 =	vmul.f32 v0, v24;
	v0 =	vmul.f32 v14, v24  }
0x372: {  	v11 =	vimm.s32 $0xB;
	v53 =	vmul.f32 v1, v26;
	v58 =	vmul.f32 v4, v31  }
0x373: {  	v3 =	vimm.s32 $0x4;
	v51 =	vmul.f32 v21, v31;
	v36 =	vperm.xlane v8, v11  }
0x374: {  	v30 =	vld [tilespmem:s1+$0xFFFFFF40];
	v11 =	vimm.s32 $0x8;
	v57 =	vperm.xlane v8, v3;
	v3 =	vimm.s32 $0x5  }
0x375: {  	v13 =	vld [tilespmem:s1+$0xFFFFFF80];
	v59 =	vunpack.i.u.bf16.f32 v22;
	v1 =	vmul.f32 v32, v33;
	v56 =	vmul.f32 v27, v33  }
0x376: {  	v14 =	vmul.f32 v55, v37;
	v4 =	vmul.f32 v9, v37;
	v9 =	vimm.f32 $0.0e+00  }
0x377: {  	v44 =	vperm.xlane v8, v11;
	v11 =	vimm.s32 $0x9;
	v54 =	vperm.xlane v8, v3  }
0x378: {  	v3 =	vperm.xlane v8, v45;
	v45 =	vld [tilespmem:s1+$0xFFFFFF70];
	v41 =	vperm.xlane v8, v11;
	v11 =	vimm.s32 $0x6  }
0x379: {  	v27 =	vunpack.i.u.bf16.f32 v30;
	v55 =	vimm.f32 $0.0e+00;
	v49 =	vperm.xlane v8, v11;
	v11 =	vld [tilespmem:s1+$0xFFFFFF60]  }
0x37a: {  	[tilespmem:$0x1FBC0] =	vst v0;
	v0 =	vmul.f32 v18, v26;
	v19 =	vunpack.i.u.bf16.f32 v13;
	v23 =	vunpack.i.l.bf16.f32 v13  }
0x37b: {  	v13 =	vimm.s32 $0x3;
	v7 =	vmul.f32 v7, v36;
	v61 =	vmul.f32 v5, v36  }
0x37c: {  	v5 =	vimm.f32 $0.0e+00;
	v60 =	vperm.xlane v8, v13;
	v8 =	vperm.xlane v8, v43  }
0x37d: {  	v21 =	vld [tilespmem:s1+$0xFFFFFF50];
	v13 =	vunpack.i.l.bf16.f32 v22;
	[tilespmem:$0x1FBD0] =	vst v0;
	v0 =	vimm.f32 $0.0e+00;
	v18 =	vunpack.i.l.bf16.f32 v45  }
0x37e: {  	s31 =	sor.u32 $0x3, s30;
	s0 =	simm.s32 $0x40;
	v32 =	vld [tilespmem:s1+$0xFFFFFF20];
	v22 =	vunpack.i.u.bf16.f32 v11;
	v25 =	vunpack.i.l.bf16.f32 v11;
	v11 =	vunpack.i.u.bf16.f32 v45  }
.LBB2_9:
0x37f: {  	v35 =	vld [tilespmem:s1+$0xFFFFFF00]  }
0x380: {  	v39 =	vld [tilespmem:s1+$0xFFFFFF10];
	_ =	sdelay $0x1  }
0x381: {  	v34 =	vld [tilespmem:s1+$0xFFFFFF30]  }
0x382: {  	v30 =	vunpack.i.l.bf16.f32 v30  }
0x383: {  	v27 =	vmul.f32 v27, v3;
	v40 =	vunpack.i.u.bf16.f32 v32;
	v32 =	vunpack.i.l.bf16.f32 v32  }
0x384: {  	v43 =	vunpack.i.u.bf16.f32 v35;
	v35 =	vunpack.i.l.bf16.f32 v35;
	v45 =	vunpack.i.u.bf16.f32 v39  }
0x385: {  	v39 =	vunpack.i.l.bf16.f32 v39;
	v35 =	vmul.f32 v35, v28;
	v43 =	vmul.f32 v43, v28  }
0x386: {  	v42 =	vunpack.i.u.bf16.f32 v34;
	v39 =	vmul.f32 v39, v28;
	v28 =	vmul.f32 v45, v28  }
0x387: {  	v32 =	vmul.f32 v32, v8;
	v40 =	vmul.f32 v40, v8;
	v34 =	vunpack.i.l.bf16.f32 v34  }
0x388: {  	v34 =	vmul.f32 v34, v8;
	v8 =	vmul.f32 v42, v8;
	v28 =	vadd.f32 v28, v55  }
0x389: {  	v30 =	vmul.f32 v30, v3;
	v38 =	vunpack.i.u.bf16.f32 v21;
	v21 =	vunpack.i.l.bf16.f32 v21  }
0x38a: {  	v21 =	vmul.f32 v21, v3;
	v3 =	vmul.f32 v38, v3;
	v8 =	vadd.f32 v8, v28;
	_ =	sdelay $0x1  }
0x38b: {  	v3 =	vadd.f32 v3, v8;
	v8 =	vmul.f32 v11, v60  }
0x38c: {  	v5 =	vadd.f32 v43, v5  }
0x38d: {  	v3 =	vadd.f32 v8, v3;
	v8 =	vmul.f32 v59, v57  }
0x38e: {  	v5 =	vadd.f32 v40, v5  }
0x38f: {  	v3 =	vadd.f32 v8, v3;
	v8 =	vmul.f32 v50, v54  }
0x390: {  	v22 =	vmul.f32 v22, v60;
	v9 =	vadd.f32 v35, v9;
	v5 =	vadd.f32 v27, v5  }
0x391: {  	v0 =	vadd.f32 v39, v0;
	v3 =	vadd.f32 v8, v3;
	v8 =	vld [tilespmem:$0x1FBB0]  }
0x392: {  	v19 =	vmul.f32 v19, v57;
	v5 =	vadd.f32 v22, v5  }
0x393: {  	v6 =	vmul.f32 v6, v47;
	v9 =	vadd.f32 v32, v9;
	v0 =	vadd.f32 v34, v0  }
0x394: {  	v16 =	vmul.f32 v16, v54;
	v25 =	vmul.f32 v25, v60;
	v5 =	vadd.f32 v19, v5  }
0x395: {  	v18 =	vmul.f32 v18, v60;
	v9 =	vadd.f32 v30, v9;
	v0 =	vadd.f32 v21, v0  }
0x396: {  	v12 =	vmul.f32 v12, v49;
	v5 =	vadd.f32 v16, v5;
	v8 =	vmul.f32 v8, v49  }
0x397: {  	v11 =	vmul.f32 v13, v57;
	v9 =	vadd.f32 v25, v9;
	v0 =	vadd.f32 v18, v0  }
0x398: {  	v23 =	vmul.f32 v23, v57;
	v5 =	vadd.f32 v12, v5;
	v3 =	vadd.f32 v8, v3;
	v8 =	vld [tilespmem:$0x1FBA0]  }
0x399: {  	v2 =	vmul.f32 v2, v44;
	v13 =	vmul.f32 v62, v54;
	v0 =	vadd.f32 v11, v0  }
0x39a: {  	v20 =	vmul.f32 v20, v54;
	v9 =	vadd.f32 v23, v9;
	v5 =	vadd.f32 v6, v5;
	v6 =	vld [tilespmem:$0x1FB90]  }
0x39b: {  	v11 =	vmul.f32 v52, v49;
	v0 =	vadd.f32 v13, v0  }
0x39c: {  	v17 =	vmul.f32 v17, v49;
	v9 =	vadd.f32 v20, v9;
	v2 =	vadd.f32 v2, v5;
	v5 =	vld [tilespmem:$0x1FB70]  }
0x39d: {  	v12 =	vmul.f32 v46, v47;
	v0 =	vadd.f32 v11, v0;
	v8 =	vmul.f32 v8, v47  }
0x39e: {  	v29 =	vmul.f32 v29, v47;
	v9 =	vadd.f32 v17, v9  }
0x39f: {  	v0 =	vadd.f32 v12, v0;
	v6 =	vmul.f32 v6, v44;
	v3 =	vadd.f32 v8, v3;
	v8 =	vld [tilespmem:$0x1FB80]  }
0x3a0: {  	v15 =	vmul.f32 v15, v44;
	v9 =	vadd.f32 v29, v9  }
0x3a1: {  	v5 =	vmul.f32 v5, v41;
	v0 =	vadd.f32 v6, v0;
	v6 =	vld [tilespmem:$0x1FB60]  }
0x3a2: {  	v10 =	vmul.f32 v10, v41;
	v63 =	vmul.f32 v63, v41;
	v9 =	vadd.f32 v15, v9  }
0x3a3: {  	v0 =	vadd.f32 v5, v0;
	v5 =	vld [tilespmem:$0x1FB40]  }
0x3a4: {  	v9 =	vadd.f32 v10, v9;
	v2 =	vadd.f32 v63, v2;
	v10 =	vld [tilespmem:$0x1FB50];
	v8 =	vmul.f32 v8, v44;
	_ =	sdelay $0x1  }
0x3a5: {  	v2 =	vadd.f32 v4, v2;
	v4 =	vld [tilespmem:$0x1FB20];
	v6 =	vmul.f32 v6, v41;
	v3 =	vadd.f32 v8, v3;
	_ =	sdelay $0x1  }
0x3a6: {  	v5 =	vmul.f32 v5, v37;
	v3 =	vadd.f32 v6, v3  }
0x3a7: {  	v10 =	vmul.f32 v10, v37  }
0x3a8: {  	v3 =	vadd.f32 v5, v3;
	v5 =	vld [tilespmem:$0x1FB10]  }
0x3a9: {  	v4 =	vmul.f32 v4, v36;
	v0 =	vadd.f32 v10, v0  }
0x3aa: {  	v9 =	vadd.f32 v14, v9  }
0x3ab: {  	v0 =	vadd.f32 v4, v0;
	v4 =	vld [tilespmem:$0x1FAE0]  }
0x3ac: {  	v7 =	vadd.f32 v7, v9;
	v9 =	vld [tilespmem:$0x1FAF0]  }
0x3ad: {  	v5 =	vmul.f32 v5, v36;
	_ =	sdelay $0x1  }
0x3ae: {  	v3 =	vadd.f32 v5, v3;
	v5 =	vld [tilespmem:$0x1FAD0]  }
0x3af: {  	v4 =	vmul.f32 v4, v33  }
0x3b0: {  	v9 =	vmul.f32 v9, v33  }
0x3b1: {  	v3 =	vadd.f32 v4, v3;
	v4 =	vld [tilespmem:$0x1FAC0]  }
0x3b2: {  	v0 =	vadd.f32 v9, v0;
	v9 =	vld [tilespmem:$0x1FAB0]  }
0x3b3: {  	v1 =	vadd.f32 v1, v7;
	v5 =	vmul.f32 v5, v31  }
0x3b4: {  	v2 =	vadd.f32 v61, v2  }
0x3b5: {  	v1 =	vadd.f32 v58, v1;
	v0 =	vadd.f32 v5, v0;
	v5 =	vld [tilespmem:$0x1FBD0]  }
0x3b6: {  	s1 =	sadd.s32 $0x200, s1;
	v2 =	vadd.f32 v56, v2;
	v4 =	vmul.f32 v4, v31  }
0x3b7: {  	v11 =	vld [tilespmem:s1+$0xF0];
	v1 =	vadd.f32 v53, v1;
	v9 =	vmul.f32 v9, v26  }
0x3b8: {  	v2 =	vadd.f32 v51, v2;
	v3 =	vadd.f32 v4, v3;
	v4 =	vld [tilespmem:$0x1FAA0]  }
0x3b9: {  	v0 =	vadd.f32 v9, v0;
	v9 =	vadd.f32 v48, v1;
	v1 =	vld [tilespmem:$0x1FBC0]  }
0x3ba: {  	v2 =	vadd.f32 v5, v2;
	v5 =	vld [tilespmem:$0x1FA90];
	_ =	sdelay $0x1  }
0x3bb: {  	v12 =	vld [tilespmem:s1+$0xD0];
	_ =	sdelay $0x1  }
0x3bc: {  	v13 =	vld [tilespmem:s1+$0xB0];
	v4 =	vmul.f32 v4, v26  }
0x3bd: {  	v7 =	vld [tilespmem:s1+$0x90];
	v18 =	vmul.f32 v5, v24;
	v5 =	vadd.f32 v1, v2;
	v2 =	vunpack.i.u.bf16.f32 v11  }
0x3be: {  	v3 =	vadd.f32 v4, v3;
	v4 =	vld [tilespmem:$0x1FA80];
	[tilespmem:$0x1FA80] =	vst v2;
	v2 =	vunpack.i.l.bf16.f32 v11  }
0x3bf: {  	[tilespmem:$0x1FA90] =	vst v2;
	v2 =	vunpack.i.u.bf16.f32 v12  }
0x3c0: {  	[tilespmem:$0x1FAA0] =	vst v2;
	v2 =	vunpack.i.l.bf16.f32 v12  }
0x3c1: {  	[tilespmem:$0x1FAB0] =	vst v2;
	v2 =	vunpack.i.u.bf16.f32 v13  }
0x3c2: {  	v19 =	vld [tilespmem:s1+$0x50];
	[tilespmem:$0x1FAC0] =	vst v2;
	v2 =	vunpack.i.l.bf16.f32 v13  }
0x3c3: {  	v23 =	vld [tilespmem:s1+$0xFFFFFFF0];
	[tilespmem:$0x1FAD0] =	vst v2;
	v2 =	vunpack.i.u.bf16.f32 v7  }
0x3c4: {  	v16 =	vld [tilespmem:s1+$0x70];
	[tilespmem:$0x1FAE0] =	vst v2;
	v2 =	vunpack.i.l.bf16.f32 v7  }
0x3c5: {  	[tilespmem:$0x1FAF0] =	vst v2;
	v2 =	vld [tilespmem:$0x1FB00]  }
0x3c6: {  	v20 =	vld [tilespmem:s1+$0x20]  }
0x3c7: {  	v17 =	vld [tilespmem:s1+$0x40]  }
0x3c8: {  	v15 =	vld [tilespmem:s1+$0x60]  }
0x3c9: {  	v14 =	vld [tilespmem:s1+$0x80]  }
0x3ca: {  	v10 =	vld [tilespmem:s1+$0xA0]  }
0x3cb: {  	v8 =	vld [tilespmem:s1+$0xE0]  }
0x3cc: {  	s18 =	sshra.s32 s0, $0x2;
	v6 =	vld [tilespmem:s1+$0xC0]  }
0x3cd: {  	v7 =	vld.idx.msk [tilespmem:v2+s18+$0x0 ss:$0x1], $0xffff;
	v2 =	vunpack.i.u.bf16.f32 v16  }
0x3ce: {  	v1 =	vld [tilespmem:s1+$0x30];
	[tilespmem:$0x1FB10] =	vst v2;
	v2 =	vunpack.i.l.bf16.f32 v16  }
0x3cf: {  	v45 =	vimm.s32 $0x2;
	v42 =	vimm.s32 $0x0;
	[tilespmem:$0x1FB20] =	vst v2;
	v2 =	vld [tilespmem:$0x1FB30]  }
0x3d0: {  	v43 =	vimm.s32 $0x1;
	v21 =	vunpack.i.u.bf16.f32 v8;
	v22 =	vunpack.i.l.bf16.f32 v8;
	v8 =	vld [tilespmem:s1+$0x10]  }
0x3d1: {  	v46 =	vunpack.i.l.bf16.f32 v23;
	v38 =	vunpack.i.u.bf16.f32 v17;
	v12 =	vld [tilespmem:s1+$0xFFFFFFE0];
	v4 =	vmul.f32 v4, v24  }
0x3d2: {  	v39 =	vunpack.i.l.bf16.f32 v17;
	v63 =	vunpack.i.u.bf16.f32 v20;
	v34 =	vunpack.i.u.bf16.f32 v15;
	v24 =	vld [tilespmem:s1+$0xFFFFFFD0]  }
0x3d3: {  	v35 =	vunpack.i.l.bf16.f32 v15;
	v11 =	vunpack.i.l.bf16.f32 v6;
	v13 =	vld [tilespmem:s1+$0xFFFFFFC0];
	v55 =	vadd.f32 v4, v3  }
0x3d4: {  	v3 =	vld [tilespmem:s1+$0x0];
	v4 =	vunpack.i.u.bf16.f32 v6;
	v6 =	vunpack.i.u.bf16.f32 v1;
	v1 =	vunpack.i.l.bf16.f32 v1  }
0x3d5: {  	v32 =	vunpack.i.u.bf16.f32 v14;
	v14 =	vunpack.i.l.bf16.f32 v14;
	v27 =	vunpack.i.l.bf16.f32 v10;
	[tilespmem:$0x1FB70] =	vst v1;
	v1 =	vld [tilespmem:s1+$0xFFFFFFA0]  }
0x3d6: {  	v0 =	vadd.f32 v18, v0;
	v18 =	vunpack.i.u.bf16.f32 v10;
	v10 =	vunpack.i.l.bf16.f32 v20  }
0x3d7: {  	[tilespmem:$0x1FB60] =	vst v6;
	v6 =	vunpack.i.u.bf16.f32 v12;
	v29 =	vunpack.i.l.bf16.f32 v12;
	v52 =	vunpack.i.l.bf16.f32 v24;
	v16 =	vld.idx.msk [tilespmem:v2+s18+$0x0 ss:$0x1], $0xffff  }
0x3d8: {  	v12 =	vunpack.i.u.bf16.f32 v13;
	v17 =	vunpack.i.l.bf16.f32 v13;
	v2 =	vunpack.i.u.bf16.f32 v19  }
0x3d9: {  	v13 =	vimm.s32 $0xE;
	v15 =	vunpack.i.l.bf16.f32 v3;
	[tilespmem:$0x1FB40] =	vst v2;
	v2 =	vunpack.i.l.bf16.f32 v19  }
0x3da: {  	v20 =	vunpack.i.l.bf16.f32 v1;
	[tilespmem:$0x1FB50] =	vst v2;
	v2 =	vunpack.i.u.bf16.f32 v3;
	v3 =	vunpack.i.u.bf16.f32 v8  }
0x3db: {  	vm0 =	veq.s32 v7, $0x0;
	[tilespmem:$0x1FB80] =	vst v3;
	v3 =	vunpack.i.l.bf16.f32 v8;
	v8 =	vunpack.i.u.bf16.f32 v24  }
0x3dc: {  	[tilespmem:$0x1FB90] =	vst v3;
	v3 =	vunpack.i.u.bf16.f32 v23;
	v23 =	vimm.s32 $0x3;
	v7 =	vsel vm0, $0x0, v16  }
0x3dd: {  	v16 =	vunpack.i.u.bf16.f32 v1;
	v1 =	vimm.s32 $0xA;
	v26 =	vperm.xlane v7, v13  }
0x3de: {  	v61 =	vld [tilespmem:s1+$0xFFFFFF70];
	v13 =	vimm.s32 $0xF;
	v37 =	vperm.xlane v7, v1;
	v60 =	vperm.xlane v7, v23  }
0x3df: {  	[tilespmem:$0x1FBB0] =	vst v8;
	v8 =	vld [tilespmem:s1+$0xFFFFFF80];
	v1 =	vimm.s32 $0xB;
	v28 =	vperm.xlane v7, v42;
	v24 =	vperm.xlane v7, v13  }
0x3e0: {  	[tilespmem:$0x1FBA0] =	vst v3;
	v3 =	vld [tilespmem:s1+$0xFFFFFFB0];
	v13 =	vimm.s32 $0xC;
	v36 =	vperm.xlane v7, v1;
	v1 =	vimm.s32 $0x8  }
0x3e1: {  	v33 =	vperm.xlane v7, v13;
	v13 =	vimm.s32 $0xD;
	v44 =	vperm.xlane v7, v1  }
0x3e2: {  	v1 =	vimm.s32 $0x9;
	v53 =	vmul.f32 v11, v26;
	v4 =	vmul.f32 v4, v26  }
0x3e3: {  	v11 =	vunpack.i.u.bf16.f32 v61;
	v31 =	vperm.xlane v7, v13;
	v41 =	vperm.xlane v7, v1  }
0x3e4: {  	v19 =	vunpack.i.u.bf16.f32 v8;
	v23 =	vunpack.i.l.bf16.f32 v8;
	v8 =	vperm.xlane v7, v43  }
0x3e5: {  	v30 =	vld [tilespmem:s1+$0xFFFFFF40];
	v48 =	vmul.f32 v22, v24;
	v50 =	vunpack.i.u.bf16.f32 v3;
	v62 =	vunpack.i.l.bf16.f32 v3  }
0x3e6: {  	v13 =	vld [tilespmem:s1+$0xFFFFFF90];
	v3 =	vimm.s32 $0x6;
	[tilespmem:$0x1FBD0] =	vst v4;
	v56 =	vmul.f32 v32, v33;
	v4 =	vmul.f32 v38, v37  }
0x3e7: {  	v1 =	vld [tilespmem:s1+$0xFFFFFF60];
	v49 =	vperm.xlane v7, v3;
	v3 =	vimm.s32 $0x7;
	v58 =	vmul.f32 v27, v31  }
0x3e8: {  	p0 =	sne.s32 s0, $0x300;
	v51 =	vmul.f32 v18, v31;
	v47 =	vperm.xlane v7, v3;
	v3 =	vimm.s32 $0x4  }
.Ltmp3:
0x3e9: {  	v18 =	vunpack.i.l.bf16.f32 v61;
	v57 =	vperm.xlane v7, v3;
	v3 =	vimm.s32 $0x5;
	(pc) =	sbr.rel @p0 .LBB2_9-.Ltmp3, $4  }
0x3ea: {  	v61 =	vmul.f32 v34, v36;
	v27 =	vunpack.i.u.bf16.f32 v30;
	v54 =	vperm.xlane v7, v3  }
0x3eb: {  	v3 =	vperm.xlane v7, v45;
	v59 =	vunpack.i.u.bf16.f32 v13;
	v7 =	vmul.f32 v21, v24  }
0x3ec: {  	v32 =	vld [tilespmem:s1+$0xFFFFFF20];
	v22 =	vunpack.i.u.bf16.f32 v1;
	v25 =	vunpack.i.l.bf16.f32 v1;
	v1 =	vmul.f32 v14, v33  }
0x3ed: {  	s0 =	sadd.s32 $0x40, s0;
	v13 =	vunpack.i.l.bf16.f32 v13;
	v21 =	vld [tilespmem:s1+$0xFFFFFF50];
	v14 =	vmul.f32 v39, v37;
	[tilespmem:$0x1FBC0] =	vst v7;
	v7 =	vmul.f32 v35, v36  }
0x3ee: {  	v34 =	vld [tilespmem:s1+$0xFFFFFF00];
	_ =	sdelay $0x4  }
0x3ef: {  	v35 =	vunpack.i.l.bf16.f32 v34  }
0x3f0: {  	v35 =	vmul.f32 v35, v28  }
0x3f1: {  	v38 =	vunpack.i.l.bf16.f32 v32  }
0x3f2: {  	v40 =	vmul.f32 v38, v8;
	v9 =	vadd.f32 v35, v9  }
0x3f3: {  	v30 =	vunpack.i.l.bf16.f32 v30  }
0x3f4: {  	v30 =	vmul.f32 v30, v3;
	v9 =	vadd.f32 v40, v9;
	_ =	sdelay $0x1  }
0x3f5: {  	v25 =	vmul.f32 v25, v60;
	v9 =	vadd.f32 v30, v9;
	_ =	sdelay $0x1  }
0x3f6: {  	v23 =	vmul.f32 v23, v57;
	v9 =	vadd.f32 v25, v9;
	_ =	sdelay $0x1  }
0x3f7: {  	v20 =	vmul.f32 v20, v54;
	v9 =	vadd.f32 v23, v9;
	_ =	sdelay $0x1  }
0x3f8: {  	v17 =	vmul.f32 v17, v49;
	v38 =	vunpack.i.u.bf16.f32 v34;
	v9 =	vadd.f32 v20, v9  }
0x3f9: {  	v20 =	vmul.f32 v38, v28  }
0x3fa: {  	v39 =	vmul.f32 v29, v47;
	v40 =	vunpack.i.u.bf16.f32 v32;
	v9 =	vadd.f32 v17, v9  }
0x3fb: {  	v32 =	vmul.f32 v40, v8;
	v5 =	vadd.f32 v20, v5  }
0x3fc: {  	v15 =	vmul.f32 v15, v44;
	v9 =	vadd.f32 v39, v9  }
0x3fd: {  	v34 =	vmul.f32 v27, v3;
	v5 =	vadd.f32 v32, v5  }
0x3fe: {  	v10 =	vmul.f32 v10, v41;
	v9 =	vadd.f32 v15, v9  }
0x3ff: {  	v35 =	vmul.f32 v22, v60;
	v5 =	vadd.f32 v34, v5  }
0x400: {  	v15 =	vld [tilespmem:s1+$0xFFFFFF10];
	v9 =	vadd.f32 v10, v9  }
0x401: {  	v38 =	vmul.f32 v19, v57;
	v5 =	vadd.f32 v35, v5  }
0x402: {  	v10 =	vld [tilespmem:s1+$0xFFFFFF30];
	v9 =	vadd.f32 v14, v9  }
0x403: {  	v39 =	vmul.f32 v16, v54;
	v5 =	vadd.f32 v38, v5  }
0x404: {  	v7 =	vadd.f32 v7, v9  }
0x405: {  	v12 =	vmul.f32 v12, v49;
	v40 =	vunpack.i.l.bf16.f32 v15;
	v5 =	vadd.f32 v39, v5  }
0x406: {  	v17 =	vmul.f32 v40, v28;
	v1 =	vadd.f32 v1, v7  }
0x407: {  	v6 =	vmul.f32 v6, v47;
	v19 =	vunpack.i.l.bf16.f32 v10;
	v5 =	vadd.f32 v12, v5  }
0x408: {  	v0 =	vadd.f32 v17, v0;
	v20 =	vmul.f32 v19, v8;
	v1 =	vadd.f32 v58, v1  }
0x409: {  	v2 =	vmul.f32 v2, v44;
	v22 =	vunpack.i.l.bf16.f32 v21;
	v5 =	vadd.f32 v6, v5  }
0x40a: {  	v23 =	vmul.f32 v22, v3;
	v0 =	vadd.f32 v20, v0;
	v1 =	vadd.f32 v53, v1  }
0x40b: {  	v34 =	vmul.f32 v63, v41;
	v2 =	vadd.f32 v2, v5  }
0x40c: {  	v32 =	vmul.f32 v18, v60;
	v0 =	vadd.f32 v23, v0;
	v1 =	vadd.f32 v48, v1  }
0x40d: {  	v2 =	vadd.f32 v34, v2  }
0x40e: {  	v35 =	vmul.f32 v13, v57;
	v0 =	vadd.f32 v32, v0;
	v39 =	vmul.f32 $4.471499850e-02, v1  }
0x40f: {  	v2 =	vadd.f32 v4, v2  }
0x410: {  	v38 =	vmul.f32 v62, v54;
	v0 =	vadd.f32 v35, v0;
	v40 =	vmul.f32 v39, v1  }
0x411: {  	v63 =	vld [tilespmem:$0x1FB90];
	v62 =	vunpack.i.u.bf16.f32 v21;
	v53 =	vmul.f32 v52, v49;
	v2 =	vadd.f32 v61, v2  }
0x412: {  	v13 =	vld [tilespmem:$0x1FBD0];
	v48 =	vunpack.i.u.bf16.f32 v15;
	v0 =	vadd.f32 v38, v0;
	v4 =	vmul.f32 v40, v1  }
0x413: {  	v14 =	vld [tilespmem:$0x1FB70];
	v58 =	vmul.f32 v46, v47;
	v5 =	vmul.f32 v48, v28;
	v2 =	vadd.f32 v56, v2  }
0x414: {  	v16 =	vld [tilespmem:$0x1FBC0];
	v61 =	vunpack.i.u.bf16.f32 v10;
	v0 =	vadd.f32 v53, v0;
	v4 =	vadd.f32 v4, v1  }
0x415: {  	v17 =	vld [tilespmem:$0x1FB50];
	v5 =	vadd.f32 v5, v55;
	v7 =	vmul.f32 v61, v8;
	v2 =	vadd.f32 v51, v2  }
0x416: {  	v8 =	vmul.f32 v63, v44;
	v0 =	vadd.f32 v58, v0;
	v4 =	vmul.f32 $7.978845830e-01, v4  }
0x417: {  	v12 =	vmul.f32 v62, v3;
	v19 =	vld [tilespmem:$0x1FB20];
	v5 =	vadd.f32 v7, v5;
	v2 =	vadd.f32 v13, v2  }
0x418: {  	v6 =	vmul.f32 v14, v41;
	v0 =	vadd.f32 v8, v0;
	v4 =	vadd.f32 v4, v4  }
0x419: {  	v22 =	vld [tilespmem:$0x1FAF0];
	v15 =	vmul.f32 v11, v60;
	v3 =	vadd.f32 v12, v5;
	v2 =	vadd.f32 v16, v2  }
0x41a: {  	v23 =	vld [tilespmem:$0x1FBB0];
	v0 =	vadd.f32 v6, v0;
	v6 =	vmul.f32 v17, v37;
	v4 =	vmul.f32 $1.442695020e+00, v4  }
0x41b: {  	v18 =	vmul.f32 v59, v57;
	v32 =	vld [tilespmem:$0x1FAD0];
	v3 =	vadd.f32 v15, v3;
	v7 =	vmul.f32 $4.471499850e-02, v2  }
0x41c: {  	v34 =	vld [tilespmem:$0x1FBA0];
	v0 =	vadd.f32 v6, v0;
	(erf) = vpow2.f32 v4;
	v4 =	vmul.f32 v19, v36  }
0x41d: {  	v20 =	vmul.f32 v50, v54;
	v35 =	vld [tilespmem:$0x1FAB0];
	v3 =	vadd.f32 v18, v3;
	v21 =	vmul.f32 v7, v2  }
0x41e: {  	v38 =	vld [tilespmem:$0x1FB80];
	v0 =	vadd.f32 v4, v0;
	v4 =	vmul.f32 v22, v33  }
0x41f: {  	v39 =	vld [tilespmem:$0x1FA90];
	v5 =	vmul.f32 v23, v49;
	v3 =	vadd.f32 v20, v3;
	v6 =	vmul.f32 v21, v2  }
0x420: {  	v40 =	vld [tilespmem:$0x1FB60];
	v0 =	vadd.f32 v4, v0;
	v4 =	vmul.f32 v32, v31  }
0x421: {  	v3 =	vadd.f32 v5, v3;
	v5 =	vmul.f32 v34, v47;
	v6 =	vadd.f32 v6, v2  }
0x422: {  	v46 =	vld [tilespmem:$0x1FB40];
	v0 =	vadd.f32 v4, v0;
	v4 =	vmul.f32 v35, v26  }
0x423: {  	v3 =	vadd.f32 v5, v3;
	v5 =	vmul.f32 v38, v44;
	v6 =	vmul.f32 $7.978845830e-01, v6  }
0x424: {  	v48 =	vld [tilespmem:$0x1FB10];
	v0 =	vadd.f32 v4, v0;
	v4 =	vmul.f32 v39, v24  }
0x425: {  	v3 =	vadd.f32 v5, v3;
	v5 =	vmul.f32 v40, v41;
	v6 =	vadd.f32 v6, v6;
	v41 =	vpop (erf)  }
0x426: {  	v49 =	vld [tilespmem:$0x1FAE0];
	v0 =	vadd.f32 v4, v0;
	v44 =	vadd.f32 $1.000000000e+00, v41  }
0x427: {  	v3 =	vadd.f32 v5, v3;
	v5 =	vmul.f32 v46, v37;
	v6 =	vmul.f32 $1.442695020e+00, v6  }
0x428: {  	v50 =	vld [tilespmem:$0x1FAC0];
	(erf) = vrcp.f32 v44;
	v47 =	vmul.f32 $4.471499850e-02, v0  }
0x429: {  	v3 =	vadd.f32 v5, v3;
	v5 =	vmul.f32 v48, v36;
	(erf) = vpow2.f32 v6  }
0x42a: {  	v51 =	vld [tilespmem:$0x1FAA0];
	v4 =	vmul.f32 v47, v0  }
0x42b: {  	v3 =	vadd.f32 v5, v3;
	v5 =	vmul.f32 v49, v33  }
0x42c: {  	v52 =	vld [tilespmem:$0x1FA80];
	v4 =	vmul.f32 v4, v0  }
0x42d: {  	v3 =	vadd.f32 v5, v3;
	v5 =	vmul.f32 v50, v31  }
0x42e: {  	v4 =	vadd.f32 v4, v0  }
0x42f: {  	v3 =	vadd.f32 v5, v3;
	v5 =	vmul.f32 v51, v26  }
0x430: {  	v4 =	vmul.f32 $7.978845830e-01, v4  }
0x431: {  	v3 =	vadd.f32 v5, v3;
	v5 =	vmul.f32 v52, v24;
	v53 =	vpop (erf)  }
0x432: {  	v54 =	vpop (erf);
	v4 =	vadd.f32 v4, v4  }
0x433: {  	v3 =	vadd.f32 v5, v3;
	v55 =	vadd.f32 $1.000000000e+00, v54  }
0x434: {  	v4 =	vmul.f32 $1.442695020e+00, v4  }
0x435: {  	v56 =	vmul.f32 $4.471499850e-02, v3;
	(erf) = vrcp.f32 v55  }
0x436: {  	(erf) = vpow2.f32 v4  }
0x437: {  	v57 =	vmul.f32 v56, v3;
	_ =	sdelay $0x1  }
0x438: {  	v4 =	vmul.f32 v57, v3;
	_ =	sdelay $0x1  }
0x439: {  	v4 =	vadd.f32 v4, v3;
	_ =	sdelay $0x1  }
0x43a: {  	v4 =	vmul.f32 $7.978845830e-01, v4  }
0x43b: {  	v58 =	vpop (erf)  }
0x43c: {  	v4 =	vadd.f32 v4, v4;
	v59 =	vpop (erf)  }
0x43d: {  	v7 =	vadd.f32 $1.000000000e+00, v59  }
0x43e: {  	v4 =	vmul.f32 $1.442695020e+00, v4  }
0x43f: {  	(erf) = vrcp.f32 v7  }
0x440: {  	(erf) = vpow2.f32 v4;
	_ =	sdelay $0x7  }
0x441: {  	v60 =	vpop (erf)  }
0x442: {  	v61 =	vpop (erf)  }
0x443: {  	v7 =	vadd.f32 $1.000000000e+00, v61;
	_ =	sdelay $0x1  }
0x444: {  	(erf) = vrcp.f32 v7;
	_ =	sdelay $0x6  }
0x445: {  	v6 =	vadd.f32 v53, v53  }
0x446: {  	v5 =	vadd.f32 v58, v58  }
0x447: {  	v6 =	vsub.f32 $1.000000000e+00, v6;
	v4 =	vadd.f32 v60, v60;
	v7 =	vpop (erf)  }
0x448: {  	v5 =	vsub.f32 $1.000000000e+00, v5;
	v7 =	vadd.f32 v7, v7  }
0x449: {  	v1 =	vmul.f32 $5.000000000e-01, v1;
	v6 =	vadd.f32 $1.000000000e+00, v6;
	v4 =	vsub.f32 $1.000000000e+00, v4  }
0x44a: {  	v2 =	vmul.f32 $5.000000000e-01, v2;
	v5 =	vadd.f32 $1.000000000e+00, v5;
	v7 =	vsub.f32 $1.000000000e+00, v7  }
0x44b: {  	s0 =	sshll.u32 s31, $0x6;
	s30 =	smin.u32 s30, $0x78;
	s29 =	sadd.s32 $0x1, s29;
	v0 =	vmul.f32 $5.000000000e-01, v0;
	v1 =	vmul.f32 v6, v1;
	v4 =	vadd.f32 $1.000000000e+00, v4  }
0x44c: {  	s0 =	sand.u32 $0x3FFFFFC0, s0;
	p0 =	sne.s32 s29, $0x20;
	s1 =	smul.u32 $0x340, s30;
	v3 =	vmul.f32 $5.000000000e-01, v3;
	v2 =	vmul.f32 v5, v2;
	v62 =	vadd.f32 $1.000000000e+00, v7  }
.Ltmp4:
0x44d: {  	s28 =	sadd.s32 $0x340, s28;
	[tilespmem:s0+$0x13800] =	vst v1;
	v0 =	vmul.f32 v4, v0;
	(pc) =	sbr.rel @p0 .LBB2_2-.Ltmp4, $4  }
0x44e: {  	s20 =	sadd.s32 $0x340, s20;
	s26 =	sadd.s32 $0x340, s26;
	s21 =	sadd.s32 $0x340, s21;
	v30 =	vimm.s32 $0x3;
	v25 =	vimm.s32 $0xA;
	[tilespmem:s0+$0x13810] =	vst v2;
	v63 =	vmul.f32 v62, v3  }
0x44f: {  	s24 =	sadd.s32 $0x340, s24;
	s22 =	sadd.s32 $0x340, s22;
	s1 =	sshrl.u32 s1, $0x2;
	v34 =	vimm.s32 $0x4;
	v38 =	vimm.s32 $0x6;
	v40 =	vimm.s32 $0x8;
	[tilespmem:s0+$0x13820] =	vst v0  }
0x450: {  	s25 =	sadd.s32 $0x340, s25;
	s23 =	sadd.s32 $0x340, s23;
	s31 =	sadd.s32 $0x6DB0, s1;
	v35 =	vimm.s32 $0x5;
	v39 =	vimm.s32 $0x7;
	v36 =	vimm.s32 $0xD;
	[tilespmem:s0+$0x13830] =	vst v63  }
0x451: {  	v33 =	vimm.s32 $0xF;
	v31 =	vimm.s32 $0xC;
	v24 =	vimm.s32 $0xE;
	[tilespmem:s12], [sflag:$0x4] =	stream.indirect.gather [hbm4b:s3+s14], $0x20, s31, s14, $0xb8;
	[tilespmem:$0x15800] =	vst v63  }
0x452: {  	_ =	swait.ge [sflag:s13], $0x1A00  }
0x453: {  	[sflag:s13] =	ssyncset.done $0x0  }
0x454: {  	[sflag:s13] =	ssyncadd.s32 $0xFFFFE600  }
0x455: {  	_ =	swait.ge [sflag:s15], $0x1A00  }
0x456: {  	[sflag:s15] =	ssyncset.done $0x0  }
0x457: {  	[sflag:s15] =	ssyncadd.s32 $0xFFFFE600  }
0x458: {  	_ =	swait.ge [sflag:s16], $0x1A00  }
0x459: {  	[sflag:s16] =	ssyncset.done $0x0  }
0x45a: {  	[sflag:s16] =	ssyncadd.s32 $0xFFFFE600  }
0x45b: {  	s19 =	sadd.s32 $0x1, s19;
	_ =	swait.ge [sflag:s17], $0x1A00  }
0x45c: {  	p0 =	sne.s32 s19, s7;
	[sflag:s17] =	ssyncset.done $0x0  }
.Ltmp5:
0x45d: {  	s0 =	simm.s32 $0x13800;
	[sflag:s17] =	ssyncadd.s32 $0xFFFFE600;
	(pc) =	sbr.rel @p0 .LBB2_1-.Ltmp5, $4  }
0x45e: {  	[hbm4b:s6+s2] =	stream.linear.scatter [tilespmem:s0], [sflag:$0x5], $0x2000, $0x38;
	[tilespmem:$0x15800] =	vst v63  }
0x45f: {  	_ =	swait.ge [sflag:s8], $0x2000  }
0x460: {  	[sflag:s8] =	ssyncset.done $0x0  }
0x461: {  	[sflag:s8] =	ssyncadd.s32 $0xFFFFE000  }
0x462: {  	_ =	sfence.sel $0x180000  }
0x463: {  	[bflag:$0x0] =	sbarrier.arrive $0xFFFF  }
0x464: {  	_ =	strace $0x9000004A  }
0x465: {  	s0 =	stileid.u32;
	[bflag:$0x2] =	sbarrier.arrive $0xFFFF  }
0x466: {  	p0 =	sne.s32 s0, $0x0;
	s0 =	rddreg [dreg:$0x2]  }
0x467: {  	s0 =	sadd.s32 @!p0 $0x100000, s0  }
0x468: {  	[sflag:s0] =	ssyncadd.tile.s32 @!p0 $0x1;
	_ =	shalt  }
.Lfunc_end2:
_tile_overlayer_lowered:
.L_overlay_start_2:
0x469: {  	(tag) =	ssettag $0x2  }
0x46a: {  	s0 =	rddreg [dreg:$0x0];
	s2 =	stileid.u32  }
0x46b: {  	s1 =	rddreg [dreg:$0x1];
	p0 =	sne.s32 s2, $0x0  }
0x46c: {  	s3 =	rddreg [dreg:$0x2];
	[bflag:$0x3] =	sbarrier.arrive $0xFFFF;
	s2 =	simm.s32 @!p0 $0x1C05  }
0x46d: {  	[timem:s3], [sflag:s2] =	dma.local @!p0 [hbm:s0], s1  }
0x46e: {  	s0 =	simm.s32 @!p0 $0x5  }
0x46f: {  	_ =	swait.ge @!p0 [sflag:s0], s1  }
0x470: {  	s1 =	ssub.s32 @!p0 $0x0, s1;
	[sflag:s0] =	ssyncset.done @!p0 $0x0  }
0x471: {  	[sflag:s0] =	ssyncadd.s32 @!p0 s1  }
0x472: {  	[bflag:$0x3] =	sbarrier.arrive $0xFFFF  }
0x473: {  	_ =	shalt  }

// kernel: sparse-core-data-format-call.cloned.1.call-start
scs
called_computation_lowered:
.L_overlay_start_0:
0x0: {  	s1 =	sld [smem:$0x3FD9]  }
0x1: {  	s2 =	sld [smem:$0x3FFE];
	_ =	sdelay $0x1  }
0x2: {  	s3 =	srdreg.scid  }
0x3: {  	s0 =	sand.u32 $0x1, s3  }
0x4: {  	s17 =	sshll.u32 s0, $0xA;
	s1 =	sadd.s32 s2, s1  }
0x5: {  	s1 =	sadd.s32 s1, s17  }
0x6: {  	[smem:$0x3FC5] =	sst s1  }
0x7: {  	_ = 	snop  }
0x8: {  	(tm) =	ssettm $0x1  }
0x9: {  	s18 =	sld [smem:$0x3FFB];
	_ =	sdelay $0x3  }
0xa: {  	_ =	strace s18  }
0xb: {  	s1 =	sld [smem:$0x3FFC];
	_ =	sdelay $0x3  }
0xc: {  	_ =	strace s1  }
0xd: {  	s1 =	sld [smem:$0x3FFD];
	_ =	sdelay $0x3  }
0xe: {  	_ =	strace s1  }
0xf: {  	_ =	strace $0x8FFFFFFF  }
0x10: {  	s19 =	sld [smem:$0x3FDB];
	_ =	sdelay $0x1  }
0x11: {  	s20 =	simm.s32 $_scs_section_size  }
0x12: {  	s4 =	simm.s32 $_size__tile_overlayer_lowered;
	s5 =	simm.s32 $_tile_overlayer_lowered  }
0x13: {  	s23 =	simm.s32 $0x1BFF;
	s22 =	sshll.u32 s5, $0x1;
	s1 =	sadd.s32 s20, s19  }
0x14: {  	s6 =	simm.s32 $0x0;
	s21 =	sshll.u32 s4, $0x1;
	s4 =	sadd.s32 s22, s1  }
0x15: {  	[timem:s6], [sflag:s23] =	dma.local [hbm:s4], s21  }
0x16: {  	_ =	swait.ge [sflag:s23], s21  }
0x17: {  	s2 =	ssub.s32 $0x0, s21;
	[sflag:s23] =	ssyncset.done $0x0  }
0x18: {  	[sflag:s23] =	ssyncadd.s32 s2;
	_ =	sdelay $0x1  }
0x19: {  	s24 =	simm.s32 $0x1B8B  }
0x1a: {  	_ =	swait.ge [sflag:s24], $0x1  }
0x1b: {  	[sflag:s24] =	ssyncset.done $0x0  }
0x1c: {  	s26 =	simm.s32 $0x1B8E;
	s25 =	sld [smem:$0x3FFE];
	[sflag:s24] =	ssyncadd.s32 $0xFFFFFFFF  }
0x1d: {  	s27 =	simm.s32 $execute0_lowered;
	[smem:$0x3FD2] =	sst s26  }
0x1e: {  	s4 =	sshll.u32 s27, $0x1;
	_ =	strace $0x80000046;
	[dreg:$0x1] =	wrdreg $0xFFFFFFFF  }
0x1f: {  	s28 =	simm.s32 $_size_execute0_lowered;
	s1 =	sadd.s32 s1, s4;
	[dreg:$0x0] =	wrdreg $0x0  }
0x20: {  	s4 =	sshll.u32 s28, $0x1;
	[dreg:$0x2] =	wrdreg s1  }
0x21: {  	[dreg:$0x3] =	wrdreg s4  }
0x22: {  	[dreg:$0x4] =	wrdreg $0xC0  }
0x23: {  	_ =	task [dreg:s6], $0x5FFFF  }
0x24: {  	[dreg:$0x1] =	wrdreg $0xFFFFFFFF  }
0x25: {  	[dreg:$0x0] =	wrdreg $0x60  }
0x26: {  	[dreg:$0x2] =	wrdreg s25  }
0x27: {  	[dreg:$0x3] =	wrdreg $0x9  }
0x28: {  	_ =	task.clear_ibuf [dreg:s6], $0x4FFFF;
	_ =	strace $0x90000046  }
0x29: {  	s29 =	simm.s32 $0x9;
	_ =	strace $0x80000048  }
0x2a: {  	_ =	swait.ge [sflag:s29], $0x1  }
0x2b: {  	[sflag:s29] =	ssyncadd.s32 $0xFFFFFFFF  }
0x2c: {  	_ =	strace $0x90000048  }
0x2d: {  	_ =	sfence  }
0x2e: {  	s30 =	sld [smem:$0x0];
	_ =	sdelay $0x2  }
0x2f: {  	s31 =	sshll.u32 s3, $0xD;
	s3 =	sshrl.u32 s3, $0x2  }
0x30: {  	s2 =	sand.u32 $0x4000, s31;
	s1 =	sadd.s32 s3, s30  }
0x31: {  	s0 =	sor.u32 s2, s0;
	s1 =	sshll.u32 s1, $0x11  }
0x32: {  	s0 =	sor.u32 s1, s0  }
0x33: {  	s0 =	sadd.s32 $0x8F2B, s0  }
0x34: {  	[sflag:s0] =	ssyncadd.remote.s32 $0x1  }
0x35: {  	_ =	sfence.sel $0xFFFF  }
0x36: {  	[dreg:$0x0] =	wrdreg $0xFFFFFFFF;
	(pc) =	sbr.abs _section_cstart, $3  }
0x37: {  	[dreg:$0x1] =	wrdreg $0xFFFFFFFF  }
0x38: {  	_ =	task.clear_ibuf [dreg:s6], $0x2FFFF;
	_ =	strace $0x9FFFFFFF  }
0x39: {  	(tm) =	ssettm $0x7FFFFFFF  }
tec
execute0_lowered:
.L_overlay_start_1:
0x0: {  	(tag) =	ssettag $0x1  }
0x1: {  	s0 =	srdreg.scid  }
0x2: {  	s5 =	rddreg [dreg:$0x0];
	s1 =	stileid.u32;
	s4 =	simm.s32 $0x1  }
0x3: {  	s6 =	simm.s32 $0x2;
	s15 =	simm.s32 $0x0;
	p0 =	por $0x0, $0x0  }
0x4: {  	s8 =	simm.s32 $0x80;
	s14 =	simm.s32 $0x0;
	s2 =	sshll.u32 s0, $0x4  }
0x5: {  	s9 =	simm.s32 $0x0;
	s10 =	simm.s32 $0x0;
	s2 =	sand.u32 $0x10, s2  }
.Ltmp0:
0x6: {  	s12 =	simm.s32 $0x0;
	s3 =	sor.u32 s1, s2;
	(pc) =	sbr.rel .LBB1_1-.Ltmp0, $4  }
0x7: {  	s0 =	rddreg [dreg:$0x1];
	_ =	strace $0x80000047;
	s3 =	sshll.u32 s3, $0x7  }
0x8: {  	s13 =	simm.s32 $0x0;
	[sflag:s4] =	ssyncpa.u1 $0x0;
	s7 =	ssub.s32 $0xF4200, s3  }
0x9: {  	s2 =	sadd.s32 $0x800, s5;
	[sflag:s6] =	ssyncpa.u1 $0x0;
	s6 =	sshrl.u32 s7, $0xC  }
0xa: {  	s5 =	sadd.s32 $0x3D1200, s5;
	s11 =	smov.u32 s3;
	s7 =	sadd.s32 $0x2, s6  }
.LBB1_5:
0xb: {  	p1 =	slt.u32 s13, $0x2  }
0xc: {  	s17 =	smov.u32 s15;
	p2 =	sgt.s32 @!p1 s15, $0xF41C8;
	s16 =	sshra.s32 @!p1 s15, $0x1F  }
0xd: {  	p3 =	sgt.s32 @!p1 s14, $0x60;
	s18 =	sshra.s32 @!p1 s14, $0x1F;
	p2 =	por !p2, p1  }
0xe: {  	s15 =	sand.u32 @!p1 s16, s15;
	p3 =	por !p3, p1;
	s16 =	smov.u32 s14  }
0xf: {  	s14 =	sand.u32 @!p1 s18, s14;
	s17 =	simm.s32 @p2 $0xF41C8;
	s16 =	simm.s32 @p3 $0x60  }
0x10: {  	s15 =	ssub.s32 @!p1 s17, s15;
	s14 =	ssub.s32 @!p1 s16, s14  }
0x11: {  	s18 =	smov.u32 s12;
	s16 =	sadd.s32 @!p1 $0xFFF0BE38, s15;
	s17 =	sadd.s32 @!p1 $0xFFFFFFA0, s14  }
0x12: {  	s15 =	ssub.s32 @!p1 $0xF4248, s15;
	p2 =	sgt.s32 @!p1 s16, $0x7F;
	p3 =	sgt.s32 @!p1 s17, $0x1F  }
0x13: {  	s14 =	ssub.s32 @!p1 $0x80, s14;
	p2 =	por !p2, p1;
	p3 =	por !p3, p1  }
0x14: {  	s16 =	sadd.s32 $0x1000, s11;
	s15 =	simm.s32 @!p2 $0x0;
	s14 =	simm.s32 @!p3 $0x0  }
0x15: {  	p2 =	sgt.s32 s16, $0xF4240;
	s14 =	smul.u32 @!p1 s14, s15;
	s15 =	sadd.s32 $0x20, s12  }
0x16: {  	s18 =	smov.u32 @p2 s15  }
0x17: {  	s16 =	smov.u32 @p2 s3;
	p2 =	sgt.s32 s18, $0x1F  }
0x18: {  	s18 =	simm.s32 @p2 $0x0;
	p2 =	sne.s32 s13, s7  }
.Ltmp1:
0x19: {  	p0 =	por !p0, !p0;
	s17 =	simm.s32 @!p1 $0x2;
	(pc) =	sbr.rel @!p2 .LBB1_6-.Ltmp1, $4  }
0x1a: {  	s15 =	smov.u32 s9;
	s9 =	smov.u32 s11;
	s14 =	sand.u32 @!p1 $0x3FFFFFFF, s14  }
0x1b: {  	s11 =	smov.u32 s16;
	_ =	swait.ge @!p1 [sflag:s17], s14;
	s19 =	ssub.s32 @!p1 $0x0, s14  }
0x1c: {  	s14 =	smov.u32 s10;
	s13 =	sadd.s32 $0x1, s13;
	[sflag:s17] =	ssyncset.done @!p1 $0x0  }
0x1d: {  	s10 =	smov.u32 s12;
	s12 =	smov.u32 s18;
	[sflag:s17] =	ssyncadd.s32 @!p1 s19  }
.LBB1_1:
0x1e: {  	p1 =	sgt.u32 s13, s6  }
0x1f: {  	s16 =	sshrl.u32 @!p1 s12, $0x3  }
0x20: {  	s17 =	sshll.u32 @!p1 s11, $0x3;
	s16 =	smul.u32 @!p1 $0x7A1400, s16  }
0x21: {  	s18 =	sshll.u32 @!p1 s12, $0x7;
	s17 =	sand.u32 @!p1 $0xFFFFFC00, s17  }
0x22: {  	s16 =	sadd.s32 @!p1 s16, s17;
	s17 =	sand.u32 @!p1 $0x380, s18  }
0x23: {  	s18 =	sand.u32 @!p1 $0x7F, s11;
	s16 =	sor.u32 @!p1 s17, s16  }
0x24: {  	s17 =	sor.u32 @!p1 s18, s16  }
0x25: {  	s18 =	smulhi.u32 @!p1 $0x218D6287, s17;
	_ =	sdelay $0x1  }
0x26: {  	s16 =	smulhi.u32 @!p1 $0x218D6287, s16;
	s18 =	sshrl.u32 @!p1 s18, $0x11  }
0x27: {  	s18 =	smul.u32 @!p1 $0xF4280, s18  }
0x28: {  	s19 =	sxor.u32 @!p1 $0xFFFFFFFF, s13;
	s16 =	sshrl.u32 @!p1 s16, $0x11  }
0x29: {  	s19 =	sshll.u32 @!p1 s19, $0xC;
	s16 =	sand.u32 @!p1 $0x1F, s16;
	s17 =	ssub.s32 @!p1 s17, s18  }
0x2a: {  	s16 =	smul.u32 @!p1 $0x1E850, s16;
	s18 =	sshrl.u32 @!p1 s17, $0x3;
	s17 =	sand.u32 @!p1 $0x7, s17  }
0x2b: {  	s19 =	sand.u32 @!p1 $0x1000, s19;
	s18 =	sadd.s32 @!p1 s2, s18;
	s17 =	sshll.u32 @!p1 s17, $0x12  }
0x2c: {  	s16 =	sadd.s32 @!p1 s16, s18;
	s17 =	sor.u32 @!p1 $0x400, s17;
	s18 =	simm.s32 @!p1 $0x7A1400  }
0x2d: {  	[tilespmem:s19], [sflag:$0x1] =	stream.strided.gather @!p1 [hbm4b:s16+s17], $0x1000, s18, s17, $0x38;
	[tilespmem:$0x4100] =	vst v63  }
0x2e: {  	p1 =	seq.s32 s13, $0x0  }
0x2f: {  	p2 =	sge.u32 @!p1 s13, s7  }
0x30: {  	p1 =	por p1, p2  }
.Ltmp2:
0x31: {  	_ = 	snop;
	(pc) =	sbr.rel @p1 .LBB1_5-.Ltmp2, $1  }
0x32: {  	_ =	sdelay $0x3  }
0x33: {  	s16 =	simm.s32 $0x1  }
0x34: {  	_ =	swait.ge [sflag:s4], $0x1000;
	s16 =	simm.s32 @!p0 $0x0  }
0x35: {  	[sflag:s4] =	ssyncset.done $0x0;
	s17 =	sshll.u32 s16, $0xC  }
0x36: {  	[sflag:s4] =	ssyncadd.s32 $0xFFFFF000;
	s17 =	sor.u32 $0x40, s17  }
0x37: {  	s16 =	smul.u32 $0x4200, s16;
	v0 =	vld [tilespmem:s17+$0x30]  }
0x38: {  	v1 =	vld [tilespmem:s17+$0xFFFFFFD0]  }
0x39: {  	s16 =	sshrl.u32 s16, $0x2;
	v5 =	vld [tilespmem:s17+$0xFFFFFFE0]  }
0x3a: {  	v6 =	vld [tilespmem:s17+$0xFFFFFFF0];
	s19 =	sor.u32 $0x2000, s16  }
0x3b: {  	s31 =	sand.u32 $0x1, s13;
	v4 =	vld [tilespmem:s17+$0x0];
	s18 =	sadd.s32 $0x0, s19  }
0x3c: {  	v3 =	vld [tilespmem:s17+$0x10];
	s16 =	smul.u32 $0x4200, s31;
	[tilespmem:s18+$0xE70 ss:$0x21] =	vst.msk $0xffff, v0  }
0x3d: {  	v2 =	vld [tilespmem:s17+$0x20];
	[tilespmem:s18+$0x210 ss:$0x21] =	vst.msk $0xffff, v1  }
0x3e: {  	s16 =	sshrl.u32 s16, $0x2;
	v1 =	vld [tilespmem:s17+$0xFFFFFFC0];
	[tilespmem:s18+$0x420 ss:$0x21] =	vst.msk $0xffff, v5;
	s17 =	sadd.s32 $0x80, s17  }
0x3f: {  	s20 =	simm.s32 $0x4;
	s21 =	simm.s32 $0x8;
	s16 =	sor.u32 $0x2000, s16;
	[tilespmem:s18+$0x630 ss:$0x21] =	vst.msk $0xffff, v6;
	v0 =	vld [tilespmem:s17+$0x30]  }
.LBB1_3:
0x40: {  	p1 =	sne.s32 s21, $0x7C;
	v5 =	vld [tilespmem:s17+$0xFFFFFFD0];
	[tilespmem:s18+$0x840 ss:$0x21] =	vst.msk $0xffff, v4  }
0x41: {  	v6 =	vld [tilespmem:s17+$0xFFFFFFE0];
	[tilespmem:s18+$0xA50 ss:$0x21] =	vst.msk $0xffff, v3  }
0x42: {  	s22 =	sshra.s32 s20, $0x2;
	s20 =	smov.u32 s21;
	v7 =	vld [tilespmem:s17+$0xFFFFFFF0];
	[tilespmem:s18+$0xC60 ss:$0x21] =	vst.msk $0xffff, v2  }
.Ltmp3:
0x43: {  	v4 =	vld [tilespmem:s17+$0x0];
	[tilespmem:s18+$0x0 ss:$0x21] =	vst.msk $0xffff, v1;
	s18 =	sadd.s32 s22, s19;
	(pc) =	sbr.rel @p1 .LBB1_3-.Ltmp3, $4  }
0x44: {  	v3 =	vld [tilespmem:s17+$0x10];
	[tilespmem:s18+$0xE70 ss:$0x21] =	vst.msk $0xffff, v0  }
0x45: {  	[tilespmem:s18+$0x210 ss:$0x21] =	vst.msk $0xffff, v5;
	v2 =	vld [tilespmem:s17+$0x20]  }
0x46: {  	v1 =	vld [tilespmem:s17+$0xFFFFFFC0];
	[tilespmem:s18+$0x420 ss:$0x21] =	vst.msk $0xffff, v6;
	s17 =	sadd.s32 $0x80, s17  }
0x47: {  	s21 =	sadd.s32 $0x4, s21;
	v0 =	vld [tilespmem:s17+$0x30];
	[tilespmem:s18+$0x630 ss:$0x21] =	vst.msk $0xffff, v7  }
0x48: {  	s21 =	sshll.u32 s9, $0x7;
	s22 =	sshll.u32 s10, $0x3;
	s20 =	sshra.s32 s20, $0x2  }
0x49: {  	p1 =	sgt.s32 s9, $0xF41C8;
	s30 =	sshra.s32 s9, $0x1F;
	s25 =	sshra.s32 s10, $0x1F  }
0x4a: {  	v5 =	vld [tilespmem:s17+$0xFFFFFFD0];
	s28 =	sshrl.u32 s10, $0x3;
	s23 =	sand.u32 $0xFFFFFC00, s21;
	s22 =	sand.u32 $0xFFFFFC00, s22  }
0x4b: {  	[tilespmem:s18+$0x840 ss:$0x21] =	vst.msk $0xffff, v4;
	v58 =	vld [tilespmem:s17+$0xFFFFFFE0];
	s21 =	sand.u32 $0x380, s21;
	s19 =	sadd.s32 s20, s19;
	s22 =	sadd.s32 s22, s23  }
0x4c: {  	v59 =	vld [tilespmem:s17+$0xFFFFFFF0];
	[tilespmem:s18+$0xA50 ss:$0x21] =	vst.msk $0xffff, v3;
	s29 =	sor.u32 s21, s22;
	s21 =	smov.u32 s9;
	s22 =	sand.u32 s30, s9  }
0x4d: {  	v60 =	vld [tilespmem:s17+$0x0];
	[tilespmem:s18+$0xC60 ss:$0x21] =	vst.msk $0xffff, v2;
	s30 =	sand.u32 $0x7, s10;
	s20 =	sshrl.u32 s29, $0x7;
	s21 =	simm.s32 @!p1 $0xF41C8  }
0x4e: {  	v61 =	vld [tilespmem:s17+$0x10];
	[tilespmem:s18+$0x0 ss:$0x21] =	vst.msk $0xffff, v1;
	p1 =	sgt.s32 s10, $0x60;
	s24 =	ssub.s32 s21, s22;
	s21 =	smov.u32 s10  }
0x4f: {  	v62 =	vld [tilespmem:s17+$0x20];
	[tilespmem:s19+$0xE70 ss:$0x21] =	vst.msk $0xffff, v0;
	s31 =	smulhi.u32 $0x218DDDB, s20;
	s22 =	sand.u32 s25, s10;
	s21 =	simm.s32 @!p1 $0x60  }
0x50: {  	v63 =	vld [tilespmem:s17+$0xFFFFFFC0];
	[tilespmem:s19+$0x210 ss:$0x21] =	vst.msk $0xffff, v5;
	s26 =	sadd.s32 $0xFFF0BE38, s24;
	s17 =	ssub.s32 $0xF4248, s24;
	s21 =	ssub.s32 s21, s22  }
0x51: {  	[tilespmem:s19+$0x420 ss:$0x21] =	vst.msk $0xffff, v58;
	s23 =	sshrl.u32 s31, $0xD;
	p1 =	sgt.s32 s26, $0x7F;
	s27 =	sadd.s32 $0xFFFFFFA0, s21  }
0x52: {  	[tilespmem:s19+$0x630 ss:$0x21] =	vst.msk $0xffff, v59;
	s23 =	smul.u32 $0xF4248, s23;
	s18 =	ssub.s32 $0x80, s21;
	p2 =	sgt.s32 s27, $0x1F  }
.Ltmp4:
0x53: {  	[tilespmem:s19+$0x840 ss:$0x21] =	vst.msk $0xffff, v60;
	s17 =	simm.s32 @p1 $0x0;
	s18 =	simm.s32 @p2 $0x0;
	(pc) =	sbr.rel .LBB1_5-.Ltmp4, $4  }
0x54: {  	s29 =	sand.u32 $0xF, s28;
	[tilespmem:s19+$0xA50 ss:$0x21] =	vst.msk $0xffff, v61;
	s20 =	ssub.s32 s20, s23;
	s17 =	smul.u32 s18, s17  }
0x55: {  	[tilespmem:s19+$0xC60 ss:$0x21] =	vst.msk $0xffff, v62;
	s21 =	sshll.u32 s30, $0x12;
	s20 =	sshll.u32 s20, $0x4;
	s18 =	sadd.s32 s5, s29  }
0x56: {  	[tilespmem:s19+$0x0 ss:$0x21] =	vst.msk $0xffff, v63;
	s31 =	sor.u32 $0x20, s21;
	s18 =	sadd.s32 s20, s18;
	s17 =	sand.u32 $0x3FFFFFFF, s17  }
0x57: {  	[hbm4b:s18+s31] =	stream.strided.scatter [tilespmem:s16], [sflag:$0x2], s17, s8, s31, $0x10;
	[tilespmem:$0x4100] =	vst v63  }
.LBB1_6:
0x58: {  	_ =	sfence.sel $0x180000  }
0x59: {  	s2 =	simm.s32 $0x1;
	[bflag:$0x0] =	sbarrier.arrive $0xFFFF  }
0x5a: {  	s31 =	simm.s32 $0x2;
	[sflag:s2] =	ssyncpa.u1 $0x1  }
0x5b: {  	[sflag:s31] =	ssyncpa.u1 $0x1  }
0x5c: {  	p0 =	sne.s32 s1, $0x0;
	_ =	strace $0x90000047  }
0x5d: {  	s0 =	sadd.s32 @!p0 $0x100000, s0;
	[bflag:$0x2] =	sbarrier.arrive $0xFFFF  }
0x5e: {  	[sflag:s0] =	ssyncadd.tile.s32 @!p0 $0x1;
	_ =	shalt  }
.Lfunc_end1:
_tile_overlayer_lowered:
.L_overlay_start_2:
0x5f: {  	(tag) =	ssettag $0x2  }
0x60: {  	s0 =	rddreg [dreg:$0x0];
	s2 =	stileid.u32  }
0x61: {  	s1 =	rddreg [dreg:$0x1];
	p0 =	sne.s32 s2, $0x0  }
0x62: {  	s3 =	rddreg [dreg:$0x2];
	[bflag:$0x3] =	sbarrier.arrive $0xFFFF;
	s2 =	simm.s32 @!p0 $0x1C01  }
0x63: {  	[timem:s3], [sflag:s2] =	dma.local @!p0 [hbm:s0], s1  }
0x64: {  	s0 =	simm.s32 @!p0 $0x1  }
0x65: {  	_ =	swait.ge @!p0 [sflag:s0], s1  }
0x66: {  	s1 =	ssub.s32 @!p0 $0x0, s1;
	[sflag:s0] =	ssyncset.done @!p0 $0x0  }
0x67: {  	[sflag:s0] =	ssyncadd.s32 @!p0 s1  }
0x68: {  	[bflag:$0x3] =	sbarrier.arrive $0xFFFF  }
0x69: {  	_ =	shalt  }

</sc_bundles>
